<compile_context>
chip_gen: v7x
topology: tpu7x:2x2x1
jax: 0.10.2.dev20260603
libtpu: 0.0.44.dev20260713+nightly
codegen_flags: <defaults>
</compile_context>

<pallas_src>
import functools

import jax
import jax.numpy as jnp
from jax import lax
from jax.experimental import pallas as pl
from jax.experimental.pallas import tpu as pltpu
from jax.experimental.pallas import tpu_sc as plsc

ROWS = 64
COLS = 32768
LANES = 16
NUM_CORES = 2
NUM_SUBCORES = 16
NUM_WORKERS = NUM_CORES * NUM_SUBCORES
ROWS_PER_WORKER = ROWS // NUM_WORKERS
NVREGS = COLS // LANES
GROUP_VREGS = 4
GROUP_COLS = GROUP_VREGS * LANES
NGROUPS = COLS // GROUP_COLS
BISECT_ITERS = 15
RESIDENT_VREGS = 16
RESIDENT_COLS = RESIDENT_VREGS * LANES

_MESH = plsc.VectorSubcoreMesh(core_axis_name="c", subcore_axis_name="s")

_GATHER_DNUMS = lax.GatherDimensionNumbers(
    offset_dims=(), collapsed_slice_dims=(0,), start_index_map=(0,)
)


def _shuffle(v, sh):
    idx = jnp.bitwise_xor(lax.iota(jnp.int32, LANES), sh)
    return lax.gather(
        v,
        idx[:, None],
        dimension_numbers=_GATHER_DNUMS,
        slice_sizes=(1,),
        mode=lax.GatherScatterMode.PROMISE_IN_BOUNDS,
    )


def _allmax(v):
    for sh in (8, 4, 2, 1):
        v = jnp.maximum(v, _shuffle(v, sh))
    return v


def _allsum(v):
    for sh in (8, 4, 2, 1):
        v = v + _shuffle(v, sh)
    return v


def _allmax_i(v):
    for sh in (8, 4, 2, 1):
        v = jnp.maximum(v, _shuffle(v, sh))
    return v


def _allmin_i(v):
    for sh in (8, 4, 2, 1):
        v = jnp.minimum(v, _shuffle(v, sh))
    return v


def _max_pass(row_v, lo_vreg, hi_vreg, acc_init):

    @plsc.parallel_loop(lo_vreg, hi_vreg, step=8, unroll=2, carry=acc_init)
    def acc(j, acc_c):
        vs = [row_v[pl.ds((j + k) * LANES, LANES)] for k in range(8)]
        m01 = jnp.maximum(vs[0], vs[1])
        m23 = jnp.maximum(vs[2], vs[3])
        m45 = jnp.maximum(vs[4], vs[5])
        m67 = jnp.maximum(vs[6], vs[7])
        m = jnp.maximum(jnp.maximum(m01, m23), jnp.maximum(m45, m67))
        return jnp.maximum(acc_c, m)

    return acc


def _row_tau(row_v, cand_v, acc):
    f32 = jnp.float32
    maxv = _allmax(acc)
    thr = maxv - 1.0

    lane_id = lax.iota(jnp.int32, LANES)
    sixteen = jnp.full((LANES,), LANES, jnp.int32)
    zero_i = jnp.zeros((LANES,), jnp.int32)

    with jax.named_scope("compact"):
        @plsc.parallel_loop(0, NVREGS, step=1, unroll=8, carry=lane_id)
        def cur16(j, cur_c):
            v = row_v[pl.ds(j * LANES, LANES)]
            m = v > thr
            plsc.store_scatter(cand_v, [cur_c], v, mask=m)
            return cur_c + jnp.where(m, sixteen, zero_i)

    cnt16 = cur16 - lane_id
    targ16 = jnp.maximum(_allmax_i(cnt16), jnp.full((LANES,), RESIDENT_COLS,
                                                    jnp.int32))
    minc16 = _allmin_i(cnt16)
    n_pad = ((targ16 - minc16) // LANES)[0]

    def pad_body(_, cur_c):
        m = cur_c - lane_id < targ16
        plsc.store_scatter(cand_v, [cur_c], thr, mask=m)
        return cur_c + jnp.where(m, sixteen, zero_i)

    lax.fori_loop(0, n_pad, pad_body, cur16)
    nv = (targ16 // LANES)[0]

    cvs = [cand_v[pl.ds(i * LANES, LANES)] for i in range(RESIDENT_VREGS)]

    def bis_body(_, carry):
        lo, hi = carry
        mid = 0.5 * (lo + hi)
        sacc = jnp.zeros((LANES,), f32)
        for cv in cvs:
            sacc = sacc + jnp.maximum(cv - mid, 0.0)

        def s_body(j, sa):
            v = cand_v[pl.ds(j * LANES, LANES)]
            return sa + jnp.maximum(v - mid, 0.0)

        sacc = lax.fori_loop(RESIDENT_VREGS, nv, s_body, sacc)
        pred = _allsum(sacc) >= 1.0
        return jnp.where(pred, mid, lo), jnp.where(pred, hi, mid)

    with jax.named_scope("bisect"):
        lo, _ = lax.fori_loop(0, BISECT_ITERS, bis_body, (thr, maxv))

    sacc = jnp.zeros((LANES,), f32)
    cacc = jnp.zeros((LANES,), f32)
    for cv in cvs:
        m = cv > lo
        sacc = sacc + jnp.where(m, cv, 0.0)
        cacc = cacc + m.astype(f32)

    def rf_body(j, carry):
        sa, ca = carry
        v = cand_v[pl.ds(j * LANES, LANES)]
        m = v > lo
        return sa + jnp.where(m, v, 0.0), ca + m.astype(f32)

    sacc, cacc = lax.fori_loop(RESIDENT_VREGS, nv, rf_body, (sacc, cacc))
    t_vec = (_allsum(sacc) - 1.0) / _allsum(cacc)
    return t_vec


def _out_pass(row_v, t_vec, lo_vreg, hi_vreg):

    @plsc.parallel_loop(lo_vreg, hi_vreg, step=8, unroll=2)
    def _(j):
        for k in range(8):
            v = row_v[pl.ds((j + k) * LANES, LANES)]
            row_v[pl.ds((j + k) * LANES, LANES)] = jnp.maximum(v - t_vec, 0.0)


NCHUNKS = 8
CHUNK_COLS = COLS // NCHUNKS
CHUNK_VREGS = NVREGS // NCHUNKS


@functools.partial(
    pl.kernel,
    out_type=jax.ShapeDtypeStruct((ROWS, COLS), jnp.float32),
    mesh=_MESH,
    scratch_types=[
        pltpu.VMEM((COLS,), jnp.float32),
        pltpu.VMEM((COLS,), jnp.float32),
        pltpu.VMEM((COLS + LANES,), jnp.float32),
        [pltpu.SemaphoreType.DMA] * NCHUNKS,
        pltpu.SemaphoreType.DMA,
        pltpu.SemaphoreType.DMA,
    ],
    compiler_params=pltpu.CompilerParams(needs_layout_passes=False),
)
def _sparsemax_sc(x_hbm, o_hbm, row0_v, row1_v, cand_v,
                  sems_c, sem_i1, sem_o0):
    wid = lax.axis_index("s") * NUM_CORES + lax.axis_index("c")
    r0 = wid * ROWS_PER_WORKER
    r1 = r0 + 1
    cps0 = [
        pltpu.async_copy(
            x_hbm.at[r0, pl.ds(k * CHUNK_COLS, CHUNK_COLS)],
            row0_v.at[pl.ds(k * CHUNK_COLS, CHUNK_COLS)],
            sems_c[k],
        )
        for k in range(NCHUNKS)
    ]
    acc = jnp.full((LANES,), -3.4e38, jnp.float32)
    with jax.named_scope("max0"):
        for k in range(NCHUNKS):
            cps0[k].wait()
            acc = _max_pass(row0_v, k * CHUNK_VREGS, (k + 1) * CHUNK_VREGS, acc)
    cp_i1 = pltpu.async_copy(x_hbm.at[r1], row1_v, sem_i1)
    with jax.named_scope("tau0"):
        t0 = _row_tau(row0_v, cand_v, acc)
    with jax.named_scope("out0"):
        _out_pass(row0_v, t0, 0, NVREGS)
    cp_o0 = pltpu.async_copy(row0_v, o_hbm.at[r0], sem_o0)
    with jax.named_scope("wait_i1"):
        cp_i1.wait()
    with jax.named_scope("max1"):
        acc1 = _max_pass(row1_v, 0, NVREGS,
                         jnp.full((LANES,), -3.4e38, jnp.float32))
    with jax.named_scope("tau1"):
        t1 = _row_tau(row1_v, cand_v, acc1)
    cps1 = []
    for k in range(NCHUNKS):
        _out_pass(row1_v, t1, k * CHUNK_VREGS, (k + 1) * CHUNK_VREGS)
        cps1.append(
            pltpu.async_copy(
                row1_v.at[pl.ds(k * CHUNK_COLS, CHUNK_COLS)],
                o_hbm.at[r1, pl.ds(k * CHUNK_COLS, CHUNK_COLS)],
                sems_c[k],
            )
        )
    cp_o0.wait()
    for cp in cps1:
        cp.wait()


def kernel(inputs):
    return _sparsemax_sc(inputs)

# --- scband reference (transcript-rebuilt; emitter-appended) ---
"""Pipeline reference for scband-sparsemax-21363167330753 (READ-ONLY COPY).

The authoritative reference and input builder live on the scoring server;
editing this copy changes nothing except your own understanding.
"""

import jax, jax.numpy as jnp
import numpy as np

AXIS = -1

def setup_inputs(seed: int = 0) -> dict:
    key = jax.random.key(seed)
    inputs = jax.random.normal(key, (64, 32768), dtype=jnp.float32)
    return {"inputs": inputs}

def reference(inputs):
    axis = AXIS
    inputs_safe = inputs - jnp.max(inputs, axis=axis, keepdims=True)
    # sort descending along axis
    z_sorted = -jnp.sort(-inputs_safe, axis=axis)
    n = z_sorted.shape[axis]
    range_z = jnp.arange(1, n + 1, dtype=inputs.dtype)
    # broadcast range along the axis (axis=-1 so plain broadcast works)
    bound = 1.0 + range_z * z_sorted
    cumsum = jnp.cumsum(z_sorted, axis=axis)
    is_gt = (bound > cumsum).astype(inputs.dtype)
    k = jnp.max(is_gt * range_z, axis=axis, keepdims=True)
    tau = (jnp.sum(z_sorted * is_gt, axis=axis, keepdims=True) - 1.0) / jnp.maximum(k, 1.0)
    output = jnp.maximum(jnp.zeros_like(inputs), inputs_safe - tau)
    return output

if __name__ == "__main__":
    import jax
    _d = setup_inputs()
    print(jax.jit(kernel)(*tuple(_d.values())))

</pallas_src>

<mosaic_0001>
#map = affine_map<(d0, d1) -> (0, 0)>
module attributes {stable_mosaic.version = 14 : i64} {
  func.func @_sparsemax_sc(%arg0: i32, %arg1: i32, %arg2: memref<64x32768xf32, #tpu.memory_space<hbm>>, %arg3: memref<64x32768xf32, #tpu.memory_space<hbm>>, %arg4: memref<32768xf32, #tpu.memory_space<vmem>>, %arg5: memref<32768xf32, #tpu.memory_space<vmem>>, %arg6: memref<32784xf32, #tpu.memory_space<vmem>>, %arg7: memref<!tpu.dma_semaphore, #tpu.memory_space<semaphore_mem>>, %arg8: memref<!tpu.dma_semaphore, #tpu.memory_space<semaphore_mem>>, %arg9: memref<!tpu.dma_semaphore, #tpu.memory_space<semaphore_mem>>, %arg10: memref<!tpu.dma_semaphore, #tpu.memory_space<semaphore_mem>>, %arg11: memref<!tpu.dma_semaphore, #tpu.memory_space<semaphore_mem>>, %arg12: memref<!tpu.dma_semaphore, #tpu.memory_space<semaphore_mem>>, %arg13: memref<!tpu.dma_semaphore, #tpu.memory_space<semaphore_mem>>, %arg14: memref<!tpu.dma_semaphore, #tpu.memory_space<semaphore_mem>>, %arg15: memref<!tpu.dma_semaphore, #tpu.memory_space<semaphore_mem>>, %arg16: memref<!tpu.dma_semaphore, #tpu.memory_space<semaphore_mem>>) attributes {dimension_semantics = [#tpu.dimension_semantics<core_parallel>, #tpu.dimension_semantics<subcore_parallel>], iteration_bounds = array<i64: 2, 16>, scalar_prefetch = 0 : i64, scratch_operands = 13 : i64, tpu.core_type = #tpu.core_type<sc_vector_subcore>, window_params = [{transform_indices = #map}, {transform_indices = #map}]} {
    %mul3A = arith.constant 2 : i32
    %mul3A_0 = arith.muli %arg1, %mul3A : i32
    %add3A = arith.addi %mul3A_0, %arg0 : i32
    %mul3A_1 = arith.constant 2 : i32
    %mul3A_2 = arith.muli %add3A, %mul3A_1 : i32
    %add3A_3 = arith.constant 1 : i32
    %add3A_4 = arith.addi %mul3A_2, %add3A_3 : i32
    %dma_start3A = arith.constant 0 : i32
    %dma_start3A_5 = tpu.memref_slice %arg4[%dma_start3A] : memref<32768xf32, #tpu.memory_space<vmem>> -> memref<4096xf32, #tpu.memory_space<vmem>>
    %dma_start3A_6 = arith.constant 0 : i32
    %dma_start3A_7 = tpu.memref_slice %arg2[%mul3A_2, %dma_start3A_6] : memref<64x32768xf32, #tpu.memory_space<hbm>> -> memref<1x4096xf32, #tpu.memory_space<hbm>>
    %dma_start3A_8 = tpu.memref_squeeze %dma_start3A_7 : memref<1x4096xf32, #tpu.memory_space<hbm>> -> memref<4096xf32, #tpu.memory_space<hbm>>
    %dma_start3A_9 = arith.constant 0 : i32
    %dma_start3A_10 = tpu.memref_slice %arg4[%dma_start3A_9] : memref<32768xf32, #tpu.memory_space<vmem>> -> memref<4096xf32, #tpu.memory_space<vmem>>
    %dma_start3A_11 = arith.constant 0 : i32
    %dma_start3A_12 = tpu.memref_slice %arg2[%mul3A_2, %dma_start3A_11] : memref<64x32768xf32, #tpu.memory_space<hbm>> -> memref<1x4096xf32, #tpu.memory_space<hbm>>
    %dma_start3A_13 = tpu.memref_squeeze %dma_start3A_12 : memref<1x4096xf32, #tpu.memory_space<hbm>> -> memref<4096xf32, #tpu.memory_space<hbm>>
    tpu.enqueue_dma source(%dma_start3A_13 : memref<4096xf32, #tpu.memory_space<hbm>>) target(%dma_start3A_10 : memref<4096xf32, #tpu.memory_space<vmem>>) target_semaphore(%arg7 : memref<!tpu.dma_semaphore, #tpu.memory_space<semaphore_mem>>)
    %dma_start3A_14 = arith.constant 4096 : i32
    %dma_start3A_15 = tpu.memref_slice %arg4[%dma_start3A_14] : memref<32768xf32, #tpu.memory_space<vmem>> -> memref<4096xf32, #tpu.memory_space<vmem>>
    %dma_start3A_16 = arith.constant 4096 : i32
    %dma_start3A_17 = tpu.memref_slice %arg2[%mul3A_2, %dma_start3A_16] : memref<64x32768xf32, #tpu.memory_space<hbm>> -> memref<1x4096xf32, #tpu.memory_space<hbm>>
    %dma_start3A_18 = tpu.memref_squeeze %dma_start3A_17 : memref<1x4096xf32, #tpu.memory_space<hbm>> -> memref<4096xf32, #tpu.memory_space<hbm>>
    %dma_start3A_19 = arith.constant 4096 : i32
    %dma_start3A_20 = tpu.memref_slice %arg4[%dma_start3A_19] : memref<32768xf32, #tpu.memory_space<vmem>> -> memref<4096xf32, #tpu.memory_space<vmem>>
    %dma_start3A_21 = arith.constant 4096 : i32
    %dma_start3A_22 = tpu.memref_slice %arg2[%mul3A_2, %dma_start3A_21] : memref<64x32768xf32, #tpu.memory_space<hbm>> -> memref<1x4096xf32, #tpu.memory_space<hbm>>
    %dma_start3A_23 = tpu.memref_squeeze %dma_start3A_22 : memref<1x4096xf32, #tpu.memory_space<hbm>> -> memref<4096xf32, #tpu.memory_space<hbm>>
    tpu.enqueue_dma source(%dma_start3A_23 : memref<4096xf32, #tpu.memory_space<hbm>>) target(%dma_start3A_20 : memref<4096xf32, #tpu.memory_space<vmem>>) target_semaphore(%arg8 : memref<!tpu.dma_semaphore, #tpu.memory_space<semaphore_mem>>)
    %dma_start3A_24 = arith.constant 8192 : i32
    %dma_start3A_25 = tpu.memref_slice %arg4[%dma_start3A_24] : memref<32768xf32, #tpu.memory_space<vmem>> -> memref<4096xf32, #tpu.memory_space<vmem>>
    %dma_start3A_26 = arith.constant 8192 : i32
    %dma_start3A_27 = tpu.memref_slice %arg2[%mul3A_2, %dma_start3A_26] : memref<64x32768xf32, #tpu.memory_space<hbm>> -> memref<1x4096xf32, #tpu.memory_space<hbm>>
    %dma_start3A_28 = tpu.memref_squeeze %dma_start3A_27 : memref<1x4096xf32, #tpu.memory_space<hbm>> -> memref<4096xf32, #tpu.memory_space<hbm>>
    %dma_start3A_29 = arith.constant 8192 : i32
    %dma_start3A_30 = tpu.memref_slice %arg4[%dma_start3A_29] : memref<32768xf32, #tpu.memory_space<vmem>> -> memref<4096xf32, #tpu.memory_space<vmem>>
    %dma_start3A_31 = arith.constant 8192 : i32
    %dma_start3A_32 = tpu.memref_slice %arg2[%mul3A_2, %dma_start3A_31] : memref<64x32768xf32, #tpu.memory_space<hbm>> -> memref<1x4096xf32, #tpu.memory_space<hbm>>
    %dma_start3A_33 = tpu.memref_squeeze %dma_start3A_32 : memref<1x4096xf32, #tpu.memory_space<hbm>> -> memref<4096xf32, #tpu.memory_space<hbm>>
    tpu.enqueue_dma source(%dma_start3A_33 : memref<4096xf32, #tpu.memory_space<hbm>>) target(%dma_start3A_30 : memref<4096xf32, #tpu.memory_space<vmem>>) target_semaphore(%arg9 : memref<!tpu.dma_semaphore, #tpu.memory_space<semaphore_mem>>)
    %dma_start3A_34 = arith.constant 12288 : i32
    %dma_start3A_35 = tpu.memref_slice %arg4[%dma_start3A_34] : memref<32768xf32, #tpu.memory_space<vmem>> -> memref<4096xf32, #tpu.memory_space<vmem>>
    %dma_start3A_36 = arith.constant 12288 : i32
    %dma_start3A_37 = tpu.memref_slice %arg2[%mul3A_2, %dma_start3A_36] : memref<64x32768xf32, #tpu.memory_space<hbm>> -> memref<1x4096xf32, #tpu.memory_space<hbm>>
    %dma_start3A_38 = tpu.memref_squeeze %dma_start3A_37 : memref<1x4096xf32, #tpu.memory_space<hbm>> -> memref<4096xf32, #tpu.memory_space<hbm>>
    %dma_start3A_39 = arith.constant 12288 : i32
    %dma_start3A_40 = tpu.memref_slice %arg4[%dma_start3A_39] : memref<32768xf32, #tpu.memory_space<vmem>> -> memref<4096xf32, #tpu.memory_space<vmem>>
    %dma_start3A_41 = arith.constant 12288 : i32
    %dma_start3A_42 = tpu.memref_slice %arg2[%mul3A_2, %dma_start3A_41] : memref<64x32768xf32, #tpu.memory_space<hbm>> -> memref<1x4096xf32, #tpu.memory_space<hbm>>
    %dma_start3A_43 = tpu.memref_squeeze %dma_start3A_42 : memref<1x4096xf32, #tpu.memory_space<hbm>> -> memref<4096xf32, #tpu.memory_space<hbm>>
    tpu.enqueue_dma source(%dma_start3A_43 : memref<4096xf32, #tpu.memory_space<hbm>>) target(%dma_start3A_40 : memref<4096xf32, #tpu.memory_space<vmem>>) target_semaphore(%arg10 : memref<!tpu.dma_semaphore, #tpu.memory_space<semaphore_mem>>)
    %dma_start3A_44 = arith.constant 16384 : i32
    %dma_start3A_45 = tpu.memref_slice %arg4[%dma_start3A_44] : memref<32768xf32, #tpu.memory_space<vmem>> -> memref<4096xf32, #tpu.memory_space<vmem>>
    %dma_start3A_46 = arith.constant 16384 : i32
    %dma_start3A_47 = tpu.memref_slice %arg2[%mul3A_2, %dma_start3A_46] : memref<64x32768xf32, #tpu.memory_space<hbm>> -> memref<1x4096xf32, #tpu.memory_space<hbm>>
    %dma_start3A_48 = tpu.memref_squeeze %dma_start3A_47 : memref<1x4096xf32, #tpu.memory_space<hbm>> -> memref<4096xf32, #tpu.memory_space<hbm>>
    %dma_start3A_49 = arith.constant 16384 : i32
    %dma_start3A_50 = tpu.memref_slice %arg4[%dma_start3A_49] : memref<32768xf32, #tpu.memory_space<vmem>> -> memref<4096xf32, #tpu.memory_space<vmem>>
    %dma_start3A_51 = arith.constant 16384 : i32
    %dma_start3A_52 = tpu.memref_slice %arg2[%mul3A_2, %dma_start3A_51] : memref<64x32768xf32, #tpu.memory_space<hbm>> -> memref<1x4096xf32, #tpu.memory_space<hbm>>
    %dma_start3A_53 = tpu.memref_squeeze %dma_start3A_52 : memref<1x4096xf32, #tpu.memory_space<hbm>> -> memref<4096xf32, #tpu.memory_space<hbm>>
    tpu.enqueue_dma source(%dma_start3A_53 : memref<4096xf32, #tpu.memory_space<hbm>>) target(%dma_start3A_50 : memref<4096xf32, #tpu.memory_space<vmem>>) target_semaphore(%arg11 : memref<!tpu.dma_semaphore, #tpu.memory_space<semaphore_mem>>)
    %dma_start3A_54 = arith.constant 20480 : i32
    %dma_start3A_55 = tpu.memref_slice %arg4[%dma_start3A_54] : memref<32768xf32, #tpu.memory_space<vmem>> -> memref<4096xf32, #tpu.memory_space<vmem>>
    %dma_start3A_56 = arith.constant 20480 : i32
    %dma_start3A_57 = tpu.memref_slice %arg2[%mul3A_2, %dma_start3A_56] : memref<64x32768xf32, #tpu.memory_space<hbm>> -> memref<1x4096xf32, #tpu.memory_space<hbm>>
    %dma_start3A_58 = tpu.memref_squeeze %dma_start3A_57 : memref<1x4096xf32, #tpu.memory_space<hbm>> -> memref<4096xf32, #tpu.memory_space<hbm>>
    %dma_start3A_59 = arith.constant 20480 : i32
    %dma_start3A_60 = tpu.memref_slice %arg4[%dma_start3A_59] : memref<32768xf32, #tpu.memory_space<vmem>> -> memref<4096xf32, #tpu.memory_space<vmem>>
    %dma_start3A_61 = arith.constant 20480 : i32
    %dma_start3A_62 = tpu.memref_slice %arg2[%mul3A_2, %dma_start3A_61] : memref<64x32768xf32, #tpu.memory_space<hbm>> -> memref<1x4096xf32, #tpu.memory_space<hbm>>
    %dma_start3A_63 = tpu.memref_squeeze %dma_start3A_62 : memref<1x4096xf32, #tpu.memory_space<hbm>> -> memref<4096xf32, #tpu.memory_space<hbm>>
    tpu.enqueue_dma source(%dma_start3A_63 : memref<4096xf32, #tpu.memory_space<hbm>>) target(%dma_start3A_60 : memref<4096xf32, #tpu.memory_space<vmem>>) target_semaphore(%arg12 : memref<!tpu.dma_semaphore, #tpu.memory_space<semaphore_mem>>)
    %dma_start3A_64 = arith.constant 24576 : i32
    %dma_start3A_65 = tpu.memref_slice %arg4[%dma_start3A_64] : memref<32768xf32, #tpu.memory_space<vmem>> -> memref<4096xf32, #tpu.memory_space<vmem>>
    %dma_start3A_66 = arith.constant 24576 : i32
    %dma_start3A_67 = tpu.memref_slice %arg2[%mul3A_2, %dma_start3A_66] : memref<64x32768xf32, #tpu.memory_space<hbm>> -> memref<1x4096xf32, #tpu.memory_space<hbm>>
    %dma_start3A_68 = tpu.memref_squeeze %dma_start3A_67 : memref<1x4096xf32, #tpu.memory_space<hbm>> -> memref<4096xf32, #tpu.memory_space<hbm>>
    %dma_start3A_69 = arith.constant 24576 : i32
    %dma_start3A_70 = tpu.memref_slice %arg4[%dma_start3A_69] : memref<32768xf32, #tpu.memory_space<vmem>> -> memref<4096xf32, #tpu.memory_space<vmem>>
    %dma_start3A_71 = arith.constant 24576 : i32
    %dma_start3A_72 = tpu.memref_slice %arg2[%mul3A_2, %dma_start3A_71] : memref<64x32768xf32, #tpu.memory_space<hbm>> -> memref<1x4096xf32, #tpu.memory_space<hbm>>
    %dma_start3A_73 = tpu.memref_squeeze %dma_start3A_72 : memref<1x4096xf32, #tpu.memory_space<hbm>> -> memref<4096xf32, #tpu.memory_space<hbm>>
    tpu.enqueue_dma source(%dma_start3A_73 : memref<4096xf32, #tpu.memory_space<hbm>>) target(%dma_start3A_70 : memref<4096xf32, #tpu.memory_space<vmem>>) target_semaphore(%arg13 : memref<!tpu.dma_semaphore, #tpu.memory_space<semaphore_mem>>)
    %dma_start3A_74 = arith.constant 28672 : i32
    %dma_start3A_75 = tpu.memref_slice %arg4[%dma_start3A_74] : memref<32768xf32, #tpu.memory_space<vmem>> -> memref<4096xf32, #tpu.memory_space<vmem>>
    %dma_start3A_76 = arith.constant 28672 : i32
    %dma_start3A_77 = tpu.memref_slice %arg2[%mul3A_2, %dma_start3A_76] : memref<64x32768xf32, #tpu.memory_space<hbm>> -> memref<1x4096xf32, #tpu.memory_space<hbm>>
    %dma_start3A_78 = tpu.memref_squeeze %dma_start3A_77 : memref<1x4096xf32, #tpu.memory_space<hbm>> -> memref<4096xf32, #tpu.memory_space<hbm>>
    %dma_start3A_79 = arith.constant 28672 : i32
    %dma_start3A_80 = tpu.memref_slice %arg4[%dma_start3A_79] : memref<32768xf32, #tpu.memory_space<vmem>> -> memref<4096xf32, #tpu.memory_space<vmem>>
    %dma_start3A_81 = arith.constant 28672 : i32
    %dma_start3A_82 = tpu.memref_slice %arg2[%mul3A_2, %dma_start3A_81] : memref<64x32768xf32, #tpu.memory_space<hbm>> -> memref<1x4096xf32, #tpu.memory_space<hbm>>
    %dma_start3A_83 = tpu.memref_squeeze %dma_start3A_82 : memref<1x4096xf32, #tpu.memory_space<hbm>> -> memref<4096xf32, #tpu.memory_space<hbm>>
    tpu.enqueue_dma source(%dma_start3A_83 : memref<4096xf32, #tpu.memory_space<hbm>>) target(%dma_start3A_80 : memref<4096xf32, #tpu.memory_space<vmem>>) target_semaphore(%arg14 : memref<!tpu.dma_semaphore, #tpu.memory_space<semaphore_mem>>)
    %broadcast_in_dim3A = arith.constant -3.400000e+38 : f32
    %broadcast_in_dim3A_84 = vector.broadcast %broadcast_in_dim3A : f32 to vector<16xf32>
    "tpu.trace_start"() <{level = 10 : i32, message = "max0"}> : () -> ()
    %dma_wait3A = arith.constant 0 : i32
    %dma_wait3A_85 = tpu.memref_slice %arg4[%dma_wait3A] : memref<32768xf32, #tpu.memory_space<vmem>> -> memref<4096xf32, #tpu.memory_space<vmem>>
    %dma_wait3A_86 = arith.constant 0 : i32
    %dma_wait3A_87 = tpu.memref_slice %arg2[%mul3A_2, %dma_wait3A_86] : memref<64x32768xf32, #tpu.memory_space<hbm>> -> memref<1x4096xf32, #tpu.memory_space<hbm>>
    %dma_wait3A_88 = tpu.memref_squeeze %dma_wait3A_87 : memref<1x4096xf32, #tpu.memory_space<hbm>> -> memref<4096xf32, #tpu.memory_space<hbm>>
    %dma_wait3A_89 = arith.constant 0 : i32
    %dma_wait3A_90 = tpu.memref_slice %arg4[%dma_wait3A_89] : memref<32768xf32, #tpu.memory_space<vmem>> -> memref<4096xf32, #tpu.memory_space<vmem>>
    %dma_wait3A_91 = arith.constant 0 : i32
    %dma_wait3A_92 = tpu.memref_slice %arg2[%mul3A_2, %dma_wait3A_91] : memref<64x32768xf32, #tpu.memory_space<hbm>> -> memref<1x4096xf32, #tpu.memory_space<hbm>>
    %dma_wait3A_93 = tpu.memref_squeeze %dma_wait3A_92 : memref<1x4096xf32, #tpu.memory_space<hbm>> -> memref<4096xf32, #tpu.memory_space<hbm>>
    tpu.wait_dma2 semaphore(%arg7 : memref<!tpu.dma_semaphore, #tpu.memory_space<semaphore_mem>>) src(%dma_wait3A_93 : memref<4096xf32, #tpu.memory_space<hbm>>) dst(%dma_wait3A_90 : memref<4096xf32, #tpu.memory_space<vmem>>)
    %parallel_loop3A = arith.constant 0 : i32
    %parallel_loop3A_94 = arith.constant 256 : i32
    %parallel_loop3A_95 = arith.constant 8 : i32
    %parallel_loop3A_96 = scf.for %parallel_loop3A_1270 = %parallel_loop3A to %parallel_loop3A_94 step %parallel_loop3A_95 iter_args(%parallel_loop3A_1271 = %broadcast_in_dim3A_84) -> (vector<16xf32>)  : i32 {
      %parallel_loop3A_1272 = arith.constant 0 : i32
      %parallel_loop3A_1273 = arith.addi %parallel_loop3A_1270, %parallel_loop3A_1272 : i32
      %parallel_loop3A_1274 = arith.constant 16 : i32
      %parallel_loop3A_1275 = arith.muli %parallel_loop3A_1273, %parallel_loop3A_1274 : i32
      %parallel_loop3A_1276 = arith.index_cast %parallel_loop3A_1275 : i32 to index
      %parallel_loop3A_1277 = tpu.vector_load %arg4[%parallel_loop3A_1276] {strides = array<i32>} : memref<32768xf32, #tpu.memory_space<vmem>>, vector<16xf32>,
      %parallel_loop3A_1278 = arith.constant 1 : i32
      %parallel_loop3A_1279 = arith.addi %parallel_loop3A_1270, %parallel_loop3A_1278 : i32
      %parallel_loop3A_1280 = arith.constant 16 : i32
      %parallel_loop3A_1281 = arith.muli %parallel_loop3A_1279, %parallel_loop3A_1280 : i32
      %parallel_loop3A_1282 = arith.index_cast %parallel_loop3A_1281 : i32 to index
      %parallel_loop3A_1283 = tpu.vector_load %arg4[%parallel_loop3A_1282] {strides = array<i32>} : memref<32768xf32, #tpu.memory_space<vmem>>, vector<16xf32>,
      %parallel_loop3A_1284 = arith.constant 2 : i32
      %parallel_loop3A_1285 = arith.addi %parallel_loop3A_1270, %parallel_loop3A_1284 : i32
      %parallel_loop3A_1286 = arith.constant 16 : i32
      %parallel_loop3A_1287 = arith.muli %parallel_loop3A_1285, %parallel_loop3A_1286 : i32
      %parallel_loop3A_1288 = arith.index_cast %parallel_loop3A_1287 : i32 to index
      %parallel_loop3A_1289 = tpu.vector_load %arg4[%parallel_loop3A_1288] {strides = array<i32>} : memref<32768xf32, #tpu.memory_space<vmem>>, vector<16xf32>,
      %parallel_loop3A_1290 = arith.constant 3 : i32
      %parallel_loop3A_1291 = arith.addi %parallel_loop3A_1270, %parallel_loop3A_1290 : i32
      %parallel_loop3A_1292 = arith.constant 16 : i32
      %parallel_loop3A_1293 = arith.muli %parallel_loop3A_1291, %parallel_loop3A_1292 : i32
      %parallel_loop3A_1294 = arith.index_cast %parallel_loop3A_1293 : i32 to index
      %parallel_loop3A_1295 = tpu.vector_load %arg4[%parallel_loop3A_1294] {strides = array<i32>} : memref<32768xf32, #tpu.memory_space<vmem>>, vector<16xf32>,
      %parallel_loop3A_1296 = arith.constant 4 : i32
      %parallel_loop3A_1297 = arith.addi %parallel_loop3A_1270, %parallel_loop3A_1296 : i32
      %parallel_loop3A_1298 = arith.constant 16 : i32
      %parallel_loop3A_1299 = arith.muli %parallel_loop3A_1297, %parallel_loop3A_1298 : i32
      %parallel_loop3A_1300 = arith.index_cast %parallel_loop3A_1299 : i32 to index
      %parallel_loop3A_1301 = tpu.vector_load %arg4[%parallel_loop3A_1300] {strides = array<i32>} : memref<32768xf32, #tpu.memory_space<vmem>>, vector<16xf32>,
      %parallel_loop3A_1302 = arith.constant 5 : i32
      %parallel_loop3A_1303 = arith.addi %parallel_loop3A_1270, %parallel_loop3A_1302 : i32
      %parallel_loop3A_1304 = arith.constant 16 : i32
      %parallel_loop3A_1305 = arith.muli %parallel_loop3A_1303, %parallel_loop3A_1304 : i32
      %parallel_loop3A_1306 = arith.index_cast %parallel_loop3A_1305 : i32 to index
      %parallel_loop3A_1307 = tpu.vector_load %arg4[%parallel_loop3A_1306] {strides = array<i32>} : memref<32768xf32, #tpu.memory_space<vmem>>, vector<16xf32>,
      %parallel_loop3A_1308 = arith.constant 6 : i32
      %parallel_loop3A_1309 = arith.addi %parallel_loop3A_1270, %parallel_loop3A_1308 : i32
      %parallel_loop3A_1310 = arith.constant 16 : i32
      %parallel_loop3A_1311 = arith.muli %parallel_loop3A_1309, %parallel_loop3A_1310 : i32
      %parallel_loop3A_1312 = arith.index_cast %parallel_loop3A_1311 : i32 to index
      %parallel_loop3A_1313 = tpu.vector_load %arg4[%parallel_loop3A_1312] {strides = array<i32>} : memref<32768xf32, #tpu.memory_space<vmem>>, vector<16xf32>,
      %parallel_loop3A_1314 = arith.constant 7 : i32
      %parallel_loop3A_1315 = arith.addi %parallel_loop3A_1270, %parallel_loop3A_1314 : i32
      %parallel_loop3A_1316 = arith.constant 16 : i32
      %parallel_loop3A_1317 = arith.muli %parallel_loop3A_1315, %parallel_loop3A_1316 : i32
      %parallel_loop3A_1318 = arith.index_cast %parallel_loop3A_1317 : i32 to index
      %parallel_loop3A_1319 = tpu.vector_load %arg4[%parallel_loop3A_1318] {strides = array<i32>} : memref<32768xf32, #tpu.memory_space<vmem>>, vector<16xf32>,
      %parallel_loop3A_1320 = arith.maximumf %parallel_loop3A_1277, %parallel_loop3A_1283 : vector<16xf32>
      %parallel_loop3A_1321 = arith.maximumf %parallel_loop3A_1289, %parallel_loop3A_1295 : vector<16xf32>
      %parallel_loop3A_1322 = arith.maximumf %parallel_loop3A_1301, %parallel_loop3A_1307 : vector<16xf32>
      %parallel_loop3A_1323 = arith.maximumf %parallel_loop3A_1313, %parallel_loop3A_1319 : vector<16xf32>
      %parallel_loop3A_1324 = arith.maximumf %parallel_loop3A_1320, %parallel_loop3A_1321 : vector<16xf32>
      %parallel_loop3A_1325 = arith.maximumf %parallel_loop3A_1322, %parallel_loop3A_1323 : vector<16xf32>
      %parallel_loop3A_1326 = arith.maximumf %parallel_loop3A_1324, %parallel_loop3A_1325 : vector<16xf32>
      %parallel_loop3A_1327 = arith.maximumf %parallel_loop3A_1271, %parallel_loop3A_1326 : vector<16xf32>
      scf.yield %parallel_loop3A_1327 : vector<16xf32>
    } {sc.loop_unroll_factor = 2 : i64, sc.parallel_access}
    %dma_wait3A_97 = arith.constant 4096 : i32
    %dma_wait3A_98 = tpu.memref_slice %arg4[%dma_wait3A_97] : memref<32768xf32, #tpu.memory_space<vmem>> -> memref<4096xf32, #tpu.memory_space<vmem>>
    %dma_wait3A_99 = arith.constant 4096 : i32
    %dma_wait3A_100 = tpu.memref_slice %arg2[%mul3A_2, %dma_wait3A_99] : memref<64x32768xf32, #tpu.memory_space<hbm>> -> memref<1x4096xf32, #tpu.memory_space<hbm>>
    %dma_wait3A_101 = tpu.memref_squeeze %dma_wait3A_100 : memref<1x4096xf32, #tpu.memory_space<hbm>> -> memref<4096xf32, #tpu.memory_space<hbm>>
    %dma_wait3A_102 = arith.constant 4096 : i32
    %dma_wait3A_103 = tpu.memref_slice %arg4[%dma_wait3A_102] : memref<32768xf32, #tpu.memory_space<vmem>> -> memref<4096xf32, #tpu.memory_space<vmem>>
    %dma_wait3A_104 = arith.constant 4096 : i32
    %dma_wait3A_105 = tpu.memref_slice %arg2[%mul3A_2, %dma_wait3A_104] : memref<64x32768xf32, #tpu.memory_space<hbm>> -> memref<1x4096xf32, #tpu.memory_space<hbm>>
    %dma_wait3A_106 = tpu.memref_squeeze %dma_wait3A_105 : memref<1x4096xf32, #tpu.memory_space<hbm>> -> memref<4096xf32, #tpu.memory_space<hbm>>
    tpu.wait_dma2 semaphore(%arg8 : memref<!tpu.dma_semaphore, #tpu.memory_space<semaphore_mem>>) src(%dma_wait3A_106 : memref<4096xf32, #tpu.memory_space<hbm>>) dst(%dma_wait3A_103 : memref<4096xf32, #tpu.memory_space<vmem>>)
    %parallel_loop3A_107 = arith.constant 256 : i32
    %parallel_loop3A_108 = arith.constant 512 : i32
    %parallel_loop3A_109 = arith.constant 8 : i32
    %parallel_loop3A_110 = scf.for %parallel_loop3A_1270 = %parallel_loop3A_107 to %parallel_loop3A_108 step %parallel_loop3A_109 iter_args(%parallel_loop3A_1271 = %parallel_loop3A_96) -> (vector<16xf32>)  : i32 {
      %parallel_loop3A_1272 = arith.constant 0 : i32
      %parallel_loop3A_1273 = arith.addi %parallel_loop3A_1270, %parallel_loop3A_1272 : i32
      %parallel_loop3A_1274 = arith.constant 16 : i32
      %parallel_loop3A_1275 = arith.muli %parallel_loop3A_1273, %parallel_loop3A_1274 : i32
      %parallel_loop3A_1276 = arith.index_cast %parallel_loop3A_1275 : i32 to index
      %parallel_loop3A_1277 = tpu.vector_load %arg4[%parallel_loop3A_1276] {strides = array<i32>} : memref<32768xf32, #tpu.memory_space<vmem>>, vector<16xf32>,
      %parallel_loop3A_1278 = arith.constant 1 : i32
      %parallel_loop3A_1279 = arith.addi %parallel_loop3A_1270, %parallel_loop3A_1278 : i32
      %parallel_loop3A_1280 = arith.constant 16 : i32
      %parallel_loop3A_1281 = arith.muli %parallel_loop3A_1279, %parallel_loop3A_1280 : i32
      %parallel_loop3A_1282 = arith.index_cast %parallel_loop3A_1281 : i32 to index
      %parallel_loop3A_1283 = tpu.vector_load %arg4[%parallel_loop3A_1282] {strides = array<i32>} : memref<32768xf32, #tpu.memory_space<vmem>>, vector<16xf32>,
      %parallel_loop3A_1284 = arith.constant 2 : i32
      %parallel_loop3A_1285 = arith.addi %parallel_loop3A_1270, %parallel_loop3A_1284 : i32
      %parallel_loop3A_1286 = arith.constant 16 : i32
      %parallel_loop3A_1287 = arith.muli %parallel_loop3A_1285, %parallel_loop3A_1286 : i32
      %parallel_loop3A_1288 = arith.index_cast %parallel_loop3A_1287 : i32 to index
      %parallel_loop3A_1289 = tpu.vector_load %arg4[%parallel_loop3A_1288] {strides = array<i32>} : memref<32768xf32, #tpu.memory_space<vmem>>, vector<16xf32>,
      %parallel_loop3A_1290 = arith.constant 3 : i32
      %parallel_loop3A_1291 = arith.addi %parallel_loop3A_1270, %parallel_loop3A_1290 : i32
      %parallel_loop3A_1292 = arith.constant 16 : i32
      %parallel_loop3A_1293 = arith.muli %parallel_loop3A_1291, %parallel_loop3A_1292 : i32
      %parallel_loop3A_1294 = arith.index_cast %parallel_loop3A_1293 : i32 to index
      %parallel_loop3A_1295 = tpu.vector_load %arg4[%parallel_loop3A_1294] {strides = array<i32>} : memref<32768xf32, #tpu.memory_space<vmem>>, vector<16xf32>,
      %parallel_loop3A_1296 = arith.constant 4 : i32
      %parallel_loop3A_1297 = arith.addi %parallel_loop3A_1270, %parallel_loop3A_1296 : i32
      %parallel_loop3A_1298 = arith.constant 16 : i32
      %parallel_loop3A_1299 = arith.muli %parallel_loop3A_1297, %parallel_loop3A_1298 : i32
      %parallel_loop3A_1300 = arith.index_cast %parallel_loop3A_1299 : i32 to index
      %parallel_loop3A_1301 = tpu.vector_load %arg4[%parallel_loop3A_1300] {strides = array<i32>} : memref<32768xf32, #tpu.memory_space<vmem>>, vector<16xf32>,
      %parallel_loop3A_1302 = arith.constant 5 : i32
      %parallel_loop3A_1303 = arith.addi %parallel_loop3A_1270, %parallel_loop3A_1302 : i32
      %parallel_loop3A_1304 = arith.constant 16 : i32
      %parallel_loop3A_1305 = arith.muli %parallel_loop3A_1303, %parallel_loop3A_1304 : i32
      %parallel_loop3A_1306 = arith.index_cast %parallel_loop3A_1305 : i32 to index
      %parallel_loop3A_1307 = tpu.vector_load %arg4[%parallel_loop3A_1306] {strides = array<i32>} : memref<32768xf32, #tpu.memory_space<vmem>>, vector<16xf32>,
      %parallel_loop3A_1308 = arith.constant 6 : i32
      %parallel_loop3A_1309 = arith.addi %parallel_loop3A_1270, %parallel_loop3A_1308 : i32
      %parallel_loop3A_1310 = arith.constant 16 : i32
      %parallel_loop3A_1311 = arith.muli %parallel_loop3A_1309, %parallel_loop3A_1310 : i32
      %parallel_loop3A_1312 = arith.index_cast %parallel_loop3A_1311 : i32 to index
      %parallel_loop3A_1313 = tpu.vector_load %arg4[%parallel_loop3A_1312] {strides = array<i32>} : memref<32768xf32, #tpu.memory_space<vmem>>, vector<16xf32>,
      %parallel_loop3A_1314 = arith.constant 7 : i32
      %parallel_loop3A_1315 = arith.addi %parallel_loop3A_1270, %parallel_loop3A_1314 : i32
      %parallel_loop3A_1316 = arith.constant 16 : i32
      %parallel_loop3A_1317 = arith.muli %parallel_loop3A_1315, %parallel_loop3A_1316 : i32
      %parallel_loop3A_1318 = arith.index_cast %parallel_loop3A_1317 : i32 to index
      %parallel_loop3A_1319 = tpu.vector_load %arg4[%parallel_loop3A_1318] {strides = array<i32>} : memref<32768xf32, #tpu.memory_space<vmem>>, vector<16xf32>,
      %parallel_loop3A_1320 = arith.maximumf %parallel_loop3A_1277, %parallel_loop3A_1283 : vector<16xf32>
      %parallel_loop3A_1321 = arith.maximumf %parallel_loop3A_1289, %parallel_loop3A_1295 : vector<16xf32>
      %parallel_loop3A_1322 = arith.maximumf %parallel_loop3A_1301, %parallel_loop3A_1307 : vector<16xf32>
      %parallel_loop3A_1323 = arith.maximumf %parallel_loop3A_1313, %parallel_loop3A_1319 : vector<16xf32>
      %parallel_loop3A_1324 = arith.maximumf %parallel_loop3A_1320, %parallel_loop3A_1321 : vector<16xf32>
      %parallel_loop3A_1325 = arith.maximumf %parallel_loop3A_1322, %parallel_loop3A_1323 : vector<16xf32>
      %parallel_loop3A_1326 = arith.maximumf %parallel_loop3A_1324, %parallel_loop3A_1325 : vector<16xf32>
      %parallel_loop3A_1327 = arith.maximumf %parallel_loop3A_1271, %parallel_loop3A_1326 : vector<16xf32>
      scf.yield %parallel_loop3A_1327 : vector<16xf32>
    } {sc.loop_unroll_factor = 2 : i64, sc.parallel_access}
    %dma_wait3A_111 = arith.constant 8192 : i32
    %dma_wait3A_112 = tpu.memref_slice %arg4[%dma_wait3A_111] : memref<32768xf32, #tpu.memory_space<vmem>> -> memref<4096xf32, #tpu.memory_space<vmem>>
    %dma_wait3A_113 = arith.constant 8192 : i32
    %dma_wait3A_114 = tpu.memref_slice %arg2[%mul3A_2, %dma_wait3A_113] : memref<64x32768xf32, #tpu.memory_space<hbm>> -> memref<1x4096xf32, #tpu.memory_space<hbm>>
    %dma_wait3A_115 = tpu.memref_squeeze %dma_wait3A_114 : memref<1x4096xf32, #tpu.memory_space<hbm>> -> memref<4096xf32, #tpu.memory_space<hbm>>
    %dma_wait3A_116 = arith.constant 8192 : i32
    %dma_wait3A_117 = tpu.memref_slice %arg4[%dma_wait3A_116] : memref<32768xf32, #tpu.memory_space<vmem>> -> memref<4096xf32, #tpu.memory_space<vmem>>
    %dma_wait3A_118 = arith.constant 8192 : i32
    %dma_wait3A_119 = tpu.memref_slice %arg2[%mul3A_2, %dma_wait3A_118] : memref<64x32768xf32, #tpu.memory_space<hbm>> -> memref<1x4096xf32, #tpu.memory_space<hbm>>
    %dma_wait3A_120 = tpu.memref_squeeze %dma_wait3A_119 : memref<1x4096xf32, #tpu.memory_space<hbm>> -> memref<4096xf32, #tpu.memory_space<hbm>>
    tpu.wait_dma2 semaphore(%arg9 : memref<!tpu.dma_semaphore, #tpu.memory_space<semaphore_mem>>) src(%dma_wait3A_120 : memref<4096xf32, #tpu.memory_space<hbm>>) dst(%dma_wait3A_117 : memref<4096xf32, #tpu.memory_space<vmem>>)
    %parallel_loop3A_121 = arith.constant 512 : i32
    %parallel_loop3A_122 = arith.constant 768 : i32
    %parallel_loop3A_123 = arith.constant 8 : i32
    %parallel_loop3A_124 = scf.for %parallel_loop3A_1270 = %parallel_loop3A_121 to %parallel_loop3A_122 step %parallel_loop3A_123 iter_args(%parallel_loop3A_1271 = %parallel_loop3A_110) -> (vector<16xf32>)  : i32 {
      %parallel_loop3A_1272 = arith.constant 0 : i32
      %parallel_loop3A_1273 = arith.addi %parallel_loop3A_1270, %parallel_loop3A_1272 : i32
      %parallel_loop3A_1274 = arith.constant 16 : i32
      %parallel_loop3A_1275 = arith.muli %parallel_loop3A_1273, %parallel_loop3A_1274 : i32
      %parallel_loop3A_1276 = arith.index_cast %parallel_loop3A_1275 : i32 to index
      %parallel_loop3A_1277 = tpu.vector_load %arg4[%parallel_loop3A_1276] {strides = array<i32>} : memref<32768xf32, #tpu.memory_space<vmem>>, vector<16xf32>,
      %parallel_loop3A_1278 = arith.constant 1 : i32
      %parallel_loop3A_1279 = arith.addi %parallel_loop3A_1270, %parallel_loop3A_1278 : i32
      %parallel_loop3A_1280 = arith.constant 16 : i32
      %parallel_loop3A_1281 = arith.muli %parallel_loop3A_1279, %parallel_loop3A_1280 : i32
      %parallel_loop3A_1282 = arith.index_cast %parallel_loop3A_1281 : i32 to index
      %parallel_loop3A_1283 = tpu.vector_load %arg4[%parallel_loop3A_1282] {strides = array<i32>} : memref<32768xf32, #tpu.memory_space<vmem>>, vector<16xf32>,
      %parallel_loop3A_1284 = arith.constant 2 : i32
      %parallel_loop3A_1285 = arith.addi %parallel_loop3A_1270, %parallel_loop3A_1284 : i32
      %parallel_loop3A_1286 = arith.constant 16 : i32
      %parallel_loop3A_1287 = arith.muli %parallel_loop3A_1285, %parallel_loop3A_1286 : i32
      %parallel_loop3A_1288 = arith.index_cast %parallel_loop3A_1287 : i32 to index
      %parallel_loop3A_1289 = tpu.vector_load %arg4[%parallel_loop3A_1288] {strides = array<i32>} : memref<32768xf32, #tpu.memory_space<vmem>>, vector<16xf32>,
      %parallel_loop3A_1290 = arith.constant 3 : i32
      %parallel_loop3A_1291 = arith.addi %parallel_loop3A_1270, %parallel_loop3A_1290 : i32
      %parallel_loop3A_1292 = arith.constant 16 : i32
      %parallel_loop3A_1293 = arith.muli %parallel_loop3A_1291, %parallel_loop3A_1292 : i32
      %parallel_loop3A_1294 = arith.index_cast %parallel_loop3A_1293 : i32 to index
      %parallel_loop3A_1295 = tpu.vector_load %arg4[%parallel_loop3A_1294] {strides = array<i32>} : memref<32768xf32, #tpu.memory_space<vmem>>, vector<16xf32>,
      %parallel_loop3A_1296 = arith.constant 4 : i32
      %parallel_loop3A_1297 = arith.addi %parallel_loop3A_1270, %parallel_loop3A_1296 : i32
      %parallel_loop3A_1298 = arith.constant 16 : i32
      %parallel_loop3A_1299 = arith.muli %parallel_loop3A_1297, %parallel_loop3A_1298 : i32
      %parallel_loop3A_1300 = arith.index_cast %parallel_loop3A_1299 : i32 to index
      %parallel_loop3A_1301 = tpu.vector_load %arg4[%parallel_loop3A_1300] {strides = array<i32>} : memref<32768xf32, #tpu.memory_space<vmem>>, vector<16xf32>,
      %parallel_loop3A_1302 = arith.constant 5 : i32
      %parallel_loop3A_1303 = arith.addi %parallel_loop3A_1270, %parallel_loop3A_1302 : i32
      %parallel_loop3A_1304 = arith.constant 16 : i32
      %parallel_loop3A_1305 = arith.muli %parallel_loop3A_1303, %parallel_loop3A_1304 : i32
      %parallel_loop3A_1306 = arith.index_cast %parallel_loop3A_1305 : i32 to index
      %parallel_loop3A_1307 = tpu.vector_load %arg4[%parallel_loop3A_1306] {strides = array<i32>} : memref<32768xf32, #tpu.memory_space<vmem>>, vector<16xf32>,
      %parallel_loop3A_1308 = arith.constant 6 : i32
      %parallel_loop3A_1309 = arith.addi %parallel_loop3A_1270, %parallel_loop3A_1308 : i32
      %parallel_loop3A_1310 = arith.constant 16 : i32
      %parallel_loop3A_1311 = arith.muli %parallel_loop3A_1309, %parallel_loop3A_1310 : i32
      %parallel_loop3A_1312 = arith.index_cast %parallel_loop3A_1311 : i32 to index
      %parallel_loop3A_1313 = tpu.vector_load %arg4[%parallel_loop3A_1312] {strides = array<i32>} : memref<32768xf32, #tpu.memory_space<vmem>>, vector<16xf32>,
      %parallel_loop3A_1314 = arith.constant 7 : i32
      %parallel_loop3A_1315 = arith.addi %parallel_loop3A_1270, %parallel_loop3A_1314 : i32
      %parallel_loop3A_1316 = arith.constant 16 : i32
      %parallel_loop3A_1317 = arith.muli %parallel_loop3A_1315, %parallel_loop3A_1316 : i32
      %parallel_loop3A_1318 = arith.index_cast %parallel_loop3A_1317 : i32 to index
      %parallel_loop3A_1319 = tpu.vector_load %arg4[%parallel_loop3A_1318] {strides = array<i32>} : memref<32768xf32, #tpu.memory_space<vmem>>, vector<16xf32>,
      %parallel_loop3A_1320 = arith.maximumf %parallel_loop3A_1277, %parallel_loop3A_1283 : vector<16xf32>
      %parallel_loop3A_1321 = arith.maximumf %parallel_loop3A_1289, %parallel_loop3A_1295 : vector<16xf32>
      %parallel_loop3A_1322 = arith.maximumf %parallel_loop3A_1301, %parallel_loop3A_1307 : vector<16xf32>
      %parallel_loop3A_1323 = arith.maximumf %parallel_loop3A_1313, %parallel_loop3A_1319 : vector<16xf32>
      %parallel_loop3A_1324 = arith.maximumf %parallel_loop3A_1320, %parallel_loop3A_1321 : vector<16xf32>
      %parallel_loop3A_1325 = arith.maximumf %parallel_loop3A_1322, %parallel_loop3A_1323 : vector<16xf32>
      %parallel_loop3A_1326 = arith.maximumf %parallel_loop3A_1324, %parallel_loop3A_1325 : vector<16xf32>
      %parallel_loop3A_1327 = arith.maximumf %parallel_loop3A_1271, %parallel_loop3A_1326 : vector<16xf32>
      scf.yield %parallel_loop3A_1327 : vector<16xf32>
    } {sc.loop_unroll_factor = 2 : i64, sc.parallel_access}
    %dma_wait3A_125 = arith.constant 12288 : i32
    %dma_wait3A_126 = tpu.memref_slice %arg4[%dma_wait3A_125] : memref<32768xf32, #tpu.memory_space<vmem>> -> memref<4096xf32, #tpu.memory_space<vmem>>
    %dma_wait3A_127 = arith.constant 12288 : i32
    %dma_wait3A_128 = tpu.memref_slice %arg2[%mul3A_2, %dma_wait3A_127] : memref<64x32768xf32, #tpu.memory_space<hbm>> -> memref<1x4096xf32, #tpu.memory_space<hbm>>
    %dma_wait3A_129 = tpu.memref_squeeze %dma_wait3A_128 : memref<1x4096xf32, #tpu.memory_space<hbm>> -> memref<4096xf32, #tpu.memory_space<hbm>>
    %dma_wait3A_130 = arith.constant 12288 : i32
    %dma_wait3A_131 = tpu.memref_slice %arg4[%dma_wait3A_130] : memref<32768xf32, #tpu.memory_space<vmem>> -> memref<4096xf32, #tpu.memory_space<vmem>>
    %dma_wait3A_132 = arith.constant 12288 : i32
    %dma_wait3A_133 = tpu.memref_slice %arg2[%mul3A_2, %dma_wait3A_132] : memref<64x32768xf32, #tpu.memory_space<hbm>> -> memref<1x4096xf32, #tpu.memory_space<hbm>>
    %dma_wait3A_134 = tpu.memref_squeeze %dma_wait3A_133 : memref<1x4096xf32, #tpu.memory_space<hbm>> -> memref<4096xf32, #tpu.memory_space<hbm>>
    tpu.wait_dma2 semaphore(%arg10 : memref<!tpu.dma_semaphore, #tpu.memory_space<semaphore_mem>>) src(%dma_wait3A_134 : memref<4096xf32, #tpu.memory_space<hbm>>) dst(%dma_wait3A_131 : memref<4096xf32, #tpu.memory_space<vmem>>)
    %parallel_loop3A_135 = arith.constant 768 : i32
    %parallel_loop3A_136 = arith.constant 1024 : i32
    %parallel_loop3A_137 = arith.constant 8 : i32
    %parallel_loop3A_138 = scf.for %parallel_loop3A_1270 = %parallel_loop3A_135 to %parallel_loop3A_136 step %parallel_loop3A_137 iter_args(%parallel_loop3A_1271 = %parallel_loop3A_124) -> (vector<16xf32>)  : i32 {
      %parallel_loop3A_1272 = arith.constant 0 : i32
      %parallel_loop3A_1273 = arith.addi %parallel_loop3A_1270, %parallel_loop3A_1272 : i32
      %parallel_loop3A_1274 = arith.constant 16 : i32
      %parallel_loop3A_1275 = arith.muli %parallel_loop3A_1273, %parallel_loop3A_1274 : i32
      %parallel_loop3A_1276 = arith.index_cast %parallel_loop3A_1275 : i32 to index
      %parallel_loop3A_1277 = tpu.vector_load %arg4[%parallel_loop3A_1276] {strides = array<i32>} : memref<32768xf32, #tpu.memory_space<vmem>>, vector<16xf32>,
      %parallel_loop3A_1278 = arith.constant 1 : i32
      %parallel_loop3A_1279 = arith.addi %parallel_loop3A_1270, %parallel_loop3A_1278 : i32
      %parallel_loop3A_1280 = arith.constant 16 : i32
      %parallel_loop3A_1281 = arith.muli %parallel_loop3A_1279, %parallel_loop3A_1280 : i32
      %parallel_loop3A_1282 = arith.index_cast %parallel_loop3A_1281 : i32 to index
      %parallel_loop3A_1283 = tpu.vector_load %arg4[%parallel_loop3A_1282] {strides = array<i32>} : memref<32768xf32, #tpu.memory_space<vmem>>, vector<16xf32>,
      %parallel_loop3A_1284 = arith.constant 2 : i32
      %parallel_loop3A_1285 = arith.addi %parallel_loop3A_1270, %parallel_loop3A_1284 : i32
      %parallel_loop3A_1286 = arith.constant 16 : i32
      %parallel_loop3A_1287 = arith.muli %parallel_loop3A_1285, %parallel_loop3A_1286 : i32
      %parallel_loop3A_1288 = arith.index_cast %parallel_loop3A_1287 : i32 to index
      %parallel_loop3A_1289 = tpu.vector_load %arg4[%parallel_loop3A_1288] {strides = array<i32>} : memref<32768xf32, #tpu.memory_space<vmem>>, vector<16xf32>,
      %parallel_loop3A_1290 = arith.constant 3 : i32
      %parallel_loop3A_1291 = arith.addi %parallel_loop3A_1270, %parallel_loop3A_1290 : i32
      %parallel_loop3A_1292 = arith.constant 16 : i32
      %parallel_loop3A_1293 = arith.muli %parallel_loop3A_1291, %parallel_loop3A_1292 : i32
      %parallel_loop3A_1294 = arith.index_cast %parallel_loop3A_1293 : i32 to index
      %parallel_loop3A_1295 = tpu.vector_load %arg4[%parallel_loop3A_1294] {strides = array<i32>} : memref<32768xf32, #tpu.memory_space<vmem>>, vector<16xf32>,
      %parallel_loop3A_1296 = arith.constant 4 : i32
      %parallel_loop3A_1297 = arith.addi %parallel_loop3A_1270, %parallel_loop3A_1296 : i32
      %parallel_loop3A_1298 = arith.constant 16 : i32
      %parallel_loop3A_1299 = arith.muli %parallel_loop3A_1297, %parallel_loop3A_1298 : i32
      %parallel_loop3A_1300 = arith.index_cast %parallel_loop3A_1299 : i32 to index
      %parallel_loop3A_1301 = tpu.vector_load %arg4[%parallel_loop3A_1300] {strides = array<i32>} : memref<32768xf32, #tpu.memory_space<vmem>>, vector<16xf32>,
      %parallel_loop3A_1302 = arith.constant 5 : i32
      %parallel_loop3A_1303 = arith.addi %parallel_loop3A_1270, %parallel_loop3A_1302 : i32
      %parallel_loop3A_1304 = arith.constant 16 : i32
      %parallel_loop3A_1305 = arith.muli %parallel_loop3A_1303, %parallel_loop3A_1304 : i32
      %parallel_loop3A_1306 = arith.index_cast %parallel_loop3A_1305 : i32 to index
      %parallel_loop3A_1307 = tpu.vector_load %arg4[%parallel_loop3A_1306] {strides = array<i32>} : memref<32768xf32, #tpu.memory_space<vmem>>, vector<16xf32>,
      %parallel_loop3A_1308 = arith.constant 6 : i32
      %parallel_loop3A_1309 = arith.addi %parallel_loop3A_1270, %parallel_loop3A_1308 : i32
      %parallel_loop3A_1310 = arith.constant 16 : i32
      %parallel_loop3A_1311 = arith.muli %parallel_loop3A_1309, %parallel_loop3A_1310 : i32
      %parallel_loop3A_1312 = arith.index_cast %parallel_loop3A_1311 : i32 to index
      %parallel_loop3A_1313 = tpu.vector_load %arg4[%parallel_loop3A_1312] {strides = array<i32>} : memref<32768xf32, #tpu.memory_space<vmem>>, vector<16xf32>,
      %parallel_loop3A_1314 = arith.constant 7 : i32
      %parallel_loop3A_1315 = arith.addi %parallel_loop3A_1270, %parallel_loop3A_1314 : i32
      %parallel_loop3A_1316 = arith.constant 16 : i32
      %parallel_loop3A_1317 = arith.muli %parallel_loop3A_1315, %parallel_loop3A_1316 : i32
      %parallel_loop3A_1318 = arith.index_cast %parallel_loop3A_1317 : i32 to index
      %parallel_loop3A_1319 = tpu.vector_load %arg4[%parallel_loop3A_1318] {strides = array<i32>} : memref<32768xf32, #tpu.memory_space<vmem>>, vector<16xf32>,
      %parallel_loop3A_1320 = arith.maximumf %parallel_loop3A_1277, %parallel_loop3A_1283 : vector<16xf32>
      %parallel_loop3A_1321 = arith.maximumf %parallel_loop3A_1289, %parallel_loop3A_1295 : vector<16xf32>
      %parallel_loop3A_1322 = arith.maximumf %parallel_loop3A_1301, %parallel_loop3A_1307 : vector<16xf32>
      %parallel_loop3A_1323 = arith.maximumf %parallel_loop3A_1313, %parallel_loop3A_1319 : vector<16xf32>
      %parallel_loop3A_1324 = arith.maximumf %parallel_loop3A_1320, %parallel_loop3A_1321 : vector<16xf32>
      %parallel_loop3A_1325 = arith.maximumf %parallel_loop3A_1322, %parallel_loop3A_1323 : vector<16xf32>
      %parallel_loop3A_1326 = arith.maximumf %parallel_loop3A_1324, %parallel_loop3A_1325 : vector<16xf32>
      %parallel_loop3A_1327 = arith.maximumf %parallel_loop3A_1271, %parallel_loop3A_1326 : vector<16xf32>
      scf.yield %parallel_loop3A_1327 : vector<16xf32>
    } {sc.loop_unroll_factor = 2 : i64, sc.parallel_access}
    %dma_wait3A_139 = arith.constant 16384 : i32
    %dma_wait3A_140 = tpu.memref_slice %arg4[%dma_wait3A_139] : memref<32768xf32, #tpu.memory_space<vmem>> -> memref<4096xf32, #tpu.memory_space<vmem>>
    %dma_wait3A_141 = arith.constant 16384 : i32
    %dma_wait3A_142 = tpu.memref_slice %arg2[%mul3A_2, %dma_wait3A_141] : memref<64x32768xf32, #tpu.memory_space<hbm>> -> memref<1x4096xf32, #tpu.memory_space<hbm>>
    %dma_wait3A_143 = tpu.memref_squeeze %dma_wait3A_142 : memref<1x4096xf32, #tpu.memory_space<hbm>> -> memref<4096xf32, #tpu.memory_space<hbm>>
    %dma_wait3A_144 = arith.constant 16384 : i32
    %dma_wait3A_145 = tpu.memref_slice %arg4[%dma_wait3A_144] : memref<32768xf32, #tpu.memory_space<vmem>> -> memref<4096xf32, #tpu.memory_space<vmem>>
    %dma_wait3A_146 = arith.constant 16384 : i32
    %dma_wait3A_147 = tpu.memref_slice %arg2[%mul3A_2, %dma_wait3A_146] : memref<64x32768xf32, #tpu.memory_space<hbm>> -> memref<1x4096xf32, #tpu.memory_space<hbm>>
    %dma_wait3A_148 = tpu.memref_squeeze %dma_wait3A_147 : memref<1x4096xf32, #tpu.memory_space<hbm>> -> memref<4096xf32, #tpu.memory_space<hbm>>
    tpu.wait_dma2 semaphore(%arg11 : memref<!tpu.dma_semaphore, #tpu.memory_space<semaphore_mem>>) src(%dma_wait3A_148 : memref<4096xf32, #tpu.memory_space<hbm>>) dst(%dma_wait3A_145 : memref<4096xf32, #tpu.memory_space<vmem>>)
    %parallel_loop3A_149 = arith.constant 1024 : i32
    %parallel_loop3A_150 = arith.constant 1280 : i32
    %parallel_loop3A_151 = arith.constant 8 : i32
    %parallel_loop3A_152 = scf.for %parallel_loop3A_1270 = %parallel_loop3A_149 to %parallel_loop3A_150 step %parallel_loop3A_151 iter_args(%parallel_loop3A_1271 = %parallel_loop3A_138) -> (vector<16xf32>)  : i32 {
      %parallel_loop3A_1272 = arith.constant 0 : i32
      %parallel_loop3A_1273 = arith.addi %parallel_loop3A_1270, %parallel_loop3A_1272 : i32
      %parallel_loop3A_1274 = arith.constant 16 : i32
      %parallel_loop3A_1275 = arith.muli %parallel_loop3A_1273, %parallel_loop3A_1274 : i32
      %parallel_loop3A_1276 = arith.index_cast %parallel_loop3A_1275 : i32 to index
      %parallel_loop3A_1277 = tpu.vector_load %arg4[%parallel_loop3A_1276] {strides = array<i32>} : memref<32768xf32, #tpu.memory_space<vmem>>, vector<16xf32>,
      %parallel_loop3A_1278 = arith.constant 1 : i32
      %parallel_loop3A_1279 = arith.addi %parallel_loop3A_1270, %parallel_loop3A_1278 : i32
      %parallel_loop3A_1280 = arith.constant 16 : i32
      %parallel_loop3A_1281 = arith.muli %parallel_loop3A_1279, %parallel_loop3A_1280 : i32
      %parallel_loop3A_1282 = arith.index_cast %parallel_loop3A_1281 : i32 to index
      %parallel_loop3A_1283 = tpu.vector_load %arg4[%parallel_loop3A_1282] {strides = array<i32>} : memref<32768xf32, #tpu.memory_space<vmem>>, vector<16xf32>,
      %parallel_loop3A_1284 = arith.constant 2 : i32
      %parallel_loop3A_1285 = arith.addi %parallel_loop3A_1270, %parallel_loop3A_1284 : i32
      %parallel_loop3A_1286 = arith.constant 16 : i32
      %parallel_loop3A_1287 = arith.muli %parallel_loop3A_1285, %parallel_loop3A_1286 : i32
      %parallel_loop3A_1288 = arith.index_cast %parallel_loop3A_1287 : i32 to index
      %parallel_loop3A_1289 = tpu.vector_load %arg4[%parallel_loop3A_1288] {strides = array<i32>} : memref<32768xf32, #tpu.memory_space<vmem>>, vector<16xf32>,
      %parallel_loop3A_1290 = arith.constant 3 : i32
      %parallel_loop3A_1291 = arith.addi %parallel_loop3A_1270, %parallel_loop3A_1290 : i32
      %parallel_loop3A_1292 = arith.constant 16 : i32
      %parallel_loop3A_1293 = arith.muli %parallel_loop3A_1291, %parallel_loop3A_1292 : i32
      %parallel_loop3A_1294 = arith.index_cast %parallel_loop3A_1293 : i32 to index
      %parallel_loop3A_1295 = tpu.vector_load %arg4[%parallel_loop3A_1294] {strides = array<i32>} : memref<32768xf32, #tpu.memory_space<vmem>>, vector<16xf32>,
      %parallel_loop3A_1296 = arith.constant 4 : i32
      %parallel_loop3A_1297 = arith.addi %parallel_loop3A_1270, %parallel_loop3A_1296 : i32
      %parallel_loop3A_1298 = arith.constant 16 : i32
      %parallel_loop3A_1299 = arith.muli %parallel_loop3A_1297, %parallel_loop3A_1298 : i32
      %parallel_loop3A_1300 = arith.index_cast %parallel_loop3A_1299 : i32 to index
      %parallel_loop3A_1301 = tpu.vector_load %arg4[%parallel_loop3A_1300] {strides = array<i32>} : memref<32768xf32, #tpu.memory_space<vmem>>, vector<16xf32>,
      %parallel_loop3A_1302 = arith.constant 5 : i32
      %parallel_loop3A_1303 = arith.addi %parallel_loop3A_1270, %parallel_loop3A_1302 : i32
      %parallel_loop3A_1304 = arith.constant 16 : i32
      %parallel_loop3A_1305 = arith.muli %parallel_loop3A_1303, %parallel_loop3A_1304 : i32
      %parallel_loop3A_1306 = arith.index_cast %parallel_loop3A_1305 : i32 to index
      %parallel_loop3A_1307 = tpu.vector_load %arg4[%parallel_loop3A_1306] {strides = array<i32>} : memref<32768xf32, #tpu.memory_space<vmem>>, vector<16xf32>,
      %parallel_loop3A_1308 = arith.constant 6 : i32
      %parallel_loop3A_1309 = arith.addi %parallel_loop3A_1270, %parallel_loop3A_1308 : i32
      %parallel_loop3A_1310 = arith.constant 16 : i32
      %parallel_loop3A_1311 = arith.muli %parallel_loop3A_1309, %parallel_loop3A_1310 : i32
      %parallel_loop3A_1312 = arith.index_cast %parallel_loop3A_1311 : i32 to index
      %parallel_loop3A_1313 = tpu.vector_load %arg4[%parallel_loop3A_1312] {strides = array<i32>} : memref<32768xf32, #tpu.memory_space<vmem>>, vector<16xf32>,
      %parallel_loop3A_1314 = arith.constant 7 : i32
      %parallel_loop3A_1315 = arith.addi %parallel_loop3A_1270, %parallel_loop3A_1314 : i32
      %parallel_loop3A_1316 = arith.constant 16 : i32
      %parallel_loop3A_1317 = arith.muli %parallel_loop3A_1315, %parallel_loop3A_1316 : i32
      %parallel_loop3A_1318 = arith.index_cast %parallel_loop3A_1317 : i32 to index
      %parallel_loop3A_1319 = tpu.vector_load %arg4[%parallel_loop3A_1318] {strides = array<i32>} : memref<32768xf32, #tpu.memory_space<vmem>>, vector<16xf32>,
      %parallel_loop3A_1320 = arith.maximumf %parallel_loop3A_1277, %parallel_loop3A_1283 : vector<16xf32>
      %parallel_loop3A_1321 = arith.maximumf %parallel_loop3A_1289, %parallel_loop3A_1295 : vector<16xf32>
      %parallel_loop3A_1322 = arith.maximumf %parallel_loop3A_1301, %parallel_loop3A_1307 : vector<16xf32>
      %parallel_loop3A_1323 = arith.maximumf %parallel_loop3A_1313, %parallel_loop3A_1319 : vector<16xf32>
      %parallel_loop3A_1324 = arith.maximumf %parallel_loop3A_1320, %parallel_loop3A_1321 : vector<16xf32>
      %parallel_loop3A_1325 = arith.maximumf %parallel_loop3A_1322, %parallel_loop3A_1323 : vector<16xf32>
      %parallel_loop3A_1326 = arith.maximumf %parallel_loop3A_1324, %parallel_loop3A_1325 : vector<16xf32>
      %parallel_loop3A_1327 = arith.maximumf %parallel_loop3A_1271, %parallel_loop3A_1326 : vector<16xf32>
      scf.yield %parallel_loop3A_1327 : vector<16xf32>
    } {sc.loop_unroll_factor = 2 : i64, sc.parallel_access}
    %dma_wait3A_153 = arith.constant 20480 : i32
    %dma_wait3A_154 = tpu.memref_slice %arg4[%dma_wait3A_153] : memref<32768xf32, #tpu.memory_space<vmem>> -> memref<4096xf32, #tpu.memory_space<vmem>>
    %dma_wait3A_155 = arith.constant 20480 : i32
    %dma_wait3A_156 = tpu.memref_slice %arg2[%mul3A_2, %dma_wait3A_155] : memref<64x32768xf32, #tpu.memory_space<hbm>> -> memref<1x4096xf32, #tpu.memory_space<hbm>>
    %dma_wait3A_157 = tpu.memref_squeeze %dma_wait3A_156 : memref<1x4096xf32, #tpu.memory_space<hbm>> -> memref<4096xf32, #tpu.memory_space<hbm>>
    %dma_wait3A_158 = arith.constant 20480 : i32
    %dma_wait3A_159 = tpu.memref_slice %arg4[%dma_wait3A_158] : memref<32768xf32, #tpu.memory_space<vmem>> -> memref<4096xf32, #tpu.memory_space<vmem>>
    %dma_wait3A_160 = arith.constant 20480 : i32
    %dma_wait3A_161 = tpu.memref_slice %arg2[%mul3A_2, %dma_wait3A_160] : memref<64x32768xf32, #tpu.memory_space<hbm>> -> memref<1x4096xf32, #tpu.memory_space<hbm>>
    %dma_wait3A_162 = tpu.memref_squeeze %dma_wait3A_161 : memref<1x4096xf32, #tpu.memory_space<hbm>> -> memref<4096xf32, #tpu.memory_space<hbm>>
    tpu.wait_dma2 semaphore(%arg12 : memref<!tpu.dma_semaphore, #tpu.memory_space<semaphore_mem>>) src(%dma_wait3A_162 : memref<4096xf32, #tpu.memory_space<hbm>>) dst(%dma_wait3A_159 : memref<4096xf32, #tpu.memory_space<vmem>>)
    %parallel_loop3A_163 = arith.constant 1280 : i32
    %parallel_loop3A_164 = arith.constant 1536 : i32
    %parallel_loop3A_165 = arith.constant 8 : i32
    %parallel_loop3A_166 = scf.for %parallel_loop3A_1270 = %parallel_loop3A_163 to %parallel_loop3A_164 step %parallel_loop3A_165 iter_args(%parallel_loop3A_1271 = %parallel_loop3A_152) -> (vector<16xf32>)  : i32 {
      %parallel_loop3A_1272 = arith.constant 0 : i32
      %parallel_loop3A_1273 = arith.addi %parallel_loop3A_1270, %parallel_loop3A_1272 : i32
      %parallel_loop3A_1274 = arith.constant 16 : i32
      %parallel_loop3A_1275 = arith.muli %parallel_loop3A_1273, %parallel_loop3A_1274 : i32
      %parallel_loop3A_1276 = arith.index_cast %parallel_loop3A_1275 : i32 to index
      %parallel_loop3A_1277 = tpu.vector_load %arg4[%parallel_loop3A_1276] {strides = array<i32>} : memref<32768xf32, #tpu.memory_space<vmem>>, vector<16xf32>,
      %parallel_loop3A_1278 = arith.constant 1 : i32
      %parallel_loop3A_1279 = arith.addi %parallel_loop3A_1270, %parallel_loop3A_1278 : i32
      %parallel_loop3A_1280 = arith.constant 16 : i32
      %parallel_loop3A_1281 = arith.muli %parallel_loop3A_1279, %parallel_loop3A_1280 : i32
      %parallel_loop3A_1282 = arith.index_cast %parallel_loop3A_1281 : i32 to index
      %parallel_loop3A_1283 = tpu.vector_load %arg4[%parallel_loop3A_1282] {strides = array<i32>} : memref<32768xf32, #tpu.memory_space<vmem>>, vector<16xf32>,
      %parallel_loop3A_1284 = arith.constant 2 : i32
      %parallel_loop3A_1285 = arith.addi %parallel_loop3A_1270, %parallel_loop3A_1284 : i32
      %parallel_loop3A_1286 = arith.constant 16 : i32
      %parallel_loop3A_1287 = arith.muli %parallel_loop3A_1285, %parallel_loop3A_1286 : i32
      %parallel_loop3A_1288 = arith.index_cast %parallel_loop3A_1287 : i32 to index
      %parallel_loop3A_1289 = tpu.vector_load %arg4[%parallel_loop3A_1288] {strides = array<i32>} : memref<32768xf32, #tpu.memory_space<vmem>>, vector<16xf32>,
      %parallel_loop3A_1290 = arith.constant 3 : i32
      %parallel_loop3A_1291 = arith.addi %parallel_loop3A_1270, %parallel_loop3A_1290 : i32
      %parallel_loop3A_1292 = arith.constant 16 : i32
      %parallel_loop3A_1293 = arith.muli %parallel_loop3A_1291, %parallel_loop3A_1292 : i32
      %parallel_loop3A_1294 = arith.index_cast %parallel_loop3A_1293 : i32 to index
      %parallel_loop3A_1295 = tpu.vector_load %arg4[%parallel_loop3A_1294] {strides = array<i32>} : memref<32768xf32, #tpu.memory_space<vmem>>, vector<16xf32>,
      %parallel_loop3A_1296 = arith.constant 4 : i32
      %parallel_loop3A_1297 = arith.addi %parallel_loop3A_1270, %parallel_loop3A_1296 : i32
      %parallel_loop3A_1298 = arith.constant 16 : i32
      %parallel_loop3A_1299 = arith.muli %parallel_loop3A_1297, %parallel_loop3A_1298 : i32
      %parallel_loop3A_1300 = arith.index_cast %parallel_loop3A_1299 : i32 to index
      %parallel_loop3A_1301 = tpu.vector_load %arg4[%parallel_loop3A_1300] {strides = array<i32>} : memref<32768xf32, #tpu.memory_space<vmem>>, vector<16xf32>,
      %parallel_loop3A_1302 = arith.constant 5 : i32
      %parallel_loop3A_1303 = arith.addi %parallel_loop3A_1270, %parallel_loop3A_1302 : i32
      %parallel_loop3A_1304 = arith.constant 16 : i32
      %parallel_loop3A_1305 = arith.muli %parallel_loop3A_1303, %parallel_loop3A_1304 : i32
      %parallel_loop3A_1306 = arith.index_cast %parallel_loop3A_1305 : i32 to index
      %parallel_loop3A_1307 = tpu.vector_load %arg4[%parallel_loop3A_1306] {strides = array<i32>} : memref<32768xf32, #tpu.memory_space<vmem>>, vector<16xf32>,
      %parallel_loop3A_1308 = arith.constant 6 : i32
      %parallel_loop3A_1309 = arith.addi %parallel_loop3A_1270, %parallel_loop3A_1308 : i32
      %parallel_loop3A_1310 = arith.constant 16 : i32
      %parallel_loop3A_1311 = arith.muli %parallel_loop3A_1309, %parallel_loop3A_1310 : i32
      %parallel_loop3A_1312 = arith.index_cast %parallel_loop3A_1311 : i32 to index
      %parallel_loop3A_1313 = tpu.vector_load %arg4[%parallel_loop3A_1312] {strides = array<i32>} : memref<32768xf32, #tpu.memory_space<vmem>>, vector<16xf32>,
      %parallel_loop3A_1314 = arith.constant 7 : i32
      %parallel_loop3A_1315 = arith.addi %parallel_loop3A_1270, %parallel_loop3A_1314 : i32
      %parallel_loop3A_1316 = arith.constant 16 : i32
      %parallel_loop3A_1317 = arith.muli %parallel_loop3A_1315, %parallel_loop3A_1316 : i32
      %parallel_loop3A_1318 = arith.index_cast %parallel_loop3A_1317 : i32 to index
      %parallel_loop3A_1319 = tpu.vector_load %arg4[%parallel_loop3A_1318] {strides = array<i32>} : memref<32768xf32, #tpu.memory_space<vmem>>, vector<16xf32>,
      %parallel_loop3A_1320 = arith.maximumf %parallel_loop3A_1277, %parallel_loop3A_1283 : vector<16xf32>
      %parallel_loop3A_1321 = arith.maximumf %parallel_loop3A_1289, %parallel_loop3A_1295 : vector<16xf32>
      %parallel_loop3A_1322 = arith.maximumf %parallel_loop3A_1301, %parallel_loop3A_1307 : vector<16xf32>
      %parallel_loop3A_1323 = arith.maximumf %parallel_loop3A_1313, %parallel_loop3A_1319 : vector<16xf32>
      %parallel_loop3A_1324 = arith.maximumf %parallel_loop3A_1320, %parallel_loop3A_1321 : vector<16xf32>
      %parallel_loop3A_1325 = arith.maximumf %parallel_loop3A_1322, %parallel_loop3A_1323 : vector<16xf32>
      %parallel_loop3A_1326 = arith.maximumf %parallel_loop3A_1324, %parallel_loop3A_1325 : vector<16xf32>
      %parallel_loop3A_1327 = arith.maximumf %parallel_loop3A_1271, %parallel_loop3A_1326 : vector<16xf32>
      scf.yield %parallel_loop3A_1327 : vector<16xf32>
    } {sc.loop_unroll_factor = 2 : i64, sc.parallel_access}
    %dma_wait3A_167 = arith.constant 24576 : i32
    %dma_wait3A_168 = tpu.memref_slice %arg4[%dma_wait3A_167] : memref<32768xf32, #tpu.memory_space<vmem>> -> memref<4096xf32, #tpu.memory_space<vmem>>
    %dma_wait3A_169 = arith.constant 24576 : i32
    %dma_wait3A_170 = tpu.memref_slice %arg2[%mul3A_2, %dma_wait3A_169] : memref<64x32768xf32, #tpu.memory_space<hbm>> -> memref<1x4096xf32, #tpu.memory_space<hbm>>
    %dma_wait3A_171 = tpu.memref_squeeze %dma_wait3A_170 : memref<1x4096xf32, #tpu.memory_space<hbm>> -> memref<4096xf32, #tpu.memory_space<hbm>>
    %dma_wait3A_172 = arith.constant 24576 : i32
    %dma_wait3A_173 = tpu.memref_slice %arg4[%dma_wait3A_172] : memref<32768xf32, #tpu.memory_space<vmem>> -> memref<4096xf32, #tpu.memory_space<vmem>>
    %dma_wait3A_174 = arith.constant 24576 : i32
    %dma_wait3A_175 = tpu.memref_slice %arg2[%mul3A_2, %dma_wait3A_174] : memref<64x32768xf32, #tpu.memory_space<hbm>> -> memref<1x4096xf32, #tpu.memory_space<hbm>>
    %dma_wait3A_176 = tpu.memref_squeeze %dma_wait3A_175 : memref<1x4096xf32, #tpu.memory_space<hbm>> -> memref<4096xf32, #tpu.memory_space<hbm>>
    tpu.wait_dma2 semaphore(%arg13 : memref<!tpu.dma_semaphore, #tpu.memory_space<semaphore_mem>>) src(%dma_wait3A_176 : memref<4096xf32, #tpu.memory_space<hbm>>) dst(%dma_wait3A_173 : memref<4096xf32, #tpu.memory_space<vmem>>)
    %parallel_loop3A_177 = arith.constant 1536 : i32
    %parallel_loop3A_178 = arith.constant 1792 : i32
    %parallel_loop3A_179 = arith.constant 8 : i32
    %parallel_loop3A_180 = scf.for %parallel_loop3A_1270 = %parallel_loop3A_177 to %parallel_loop3A_178 step %parallel_loop3A_179 iter_args(%parallel_loop3A_1271 = %parallel_loop3A_166) -> (vector<16xf32>)  : i32 {
      %parallel_loop3A_1272 = arith.constant 0 : i32
      %parallel_loop3A_1273 = arith.addi %parallel_loop3A_1270, %parallel_loop3A_1272 : i32
      %parallel_loop3A_1274 = arith.constant 16 : i32
      %parallel_loop3A_1275 = arith.muli %parallel_loop3A_1273, %parallel_loop3A_1274 : i32
      %parallel_loop3A_1276 = arith.index_cast %parallel_loop3A_1275 : i32 to index
      %parallel_loop3A_1277 = tpu.vector_load %arg4[%parallel_loop3A_1276] {strides = array<i32>} : memref<32768xf32, #tpu.memory_space<vmem>>, vector<16xf32>,
      %parallel_loop3A_1278 = arith.constant 1 : i32
      %parallel_loop3A_1279 = arith.addi %parallel_loop3A_1270, %parallel_loop3A_1278 : i32
      %parallel_loop3A_1280 = arith.constant 16 : i32
      %parallel_loop3A_1281 = arith.muli %parallel_loop3A_1279, %parallel_loop3A_1280 : i32
      %parallel_loop3A_1282 = arith.index_cast %parallel_loop3A_1281 : i32 to index
      %parallel_loop3A_1283 = tpu.vector_load %arg4[%parallel_loop3A_1282] {strides = array<i32>} : memref<32768xf32, #tpu.memory_space<vmem>>, vector<16xf32>,
      %parallel_loop3A_1284 = arith.constant 2 : i32
      %parallel_loop3A_1285 = arith.addi %parallel_loop3A_1270, %parallel_loop3A_1284 : i32
      %parallel_loop3A_1286 = arith.constant 16 : i32
      %parallel_loop3A_1287 = arith.muli %parallel_loop3A_1285, %parallel_loop3A_1286 : i32
      %parallel_loop3A_1288 = arith.index_cast %parallel_loop3A_1287 : i32 to index
      %parallel_loop3A_1289 = tpu.vector_load %arg4[%parallel_loop3A_1288] {strides = array<i32>} : memref<32768xf32, #tpu.memory_space<vmem>>, vector<16xf32>,
      %parallel_loop3A_1290 = arith.constant 3 : i32
      %parallel_loop3A_1291 = arith.addi %parallel_loop3A_1270, %parallel_loop3A_1290 : i32
      %parallel_loop3A_1292 = arith.constant 16 : i32
      %parallel_loop3A_1293 = arith.muli %parallel_loop3A_1291, %parallel_loop3A_1292 : i32
      %parallel_loop3A_1294 = arith.index_cast %parallel_loop3A_1293 : i32 to index
      %parallel_loop3A_1295 = tpu.vector_load %arg4[%parallel_loop3A_1294] {strides = array<i32>} : memref<32768xf32, #tpu.memory_space<vmem>>, vector<16xf32>,
      %parallel_loop3A_1296 = arith.constant 4 : i32
      %parallel_loop3A_1297 = arith.addi %parallel_loop3A_1270, %parallel_loop3A_1296 : i32
      %parallel_loop3A_1298 = arith.constant 16 : i32
      %parallel_loop3A_1299 = arith.muli %parallel_loop3A_1297, %parallel_loop3A_1298 : i32
      %parallel_loop3A_1300 = arith.index_cast %parallel_loop3A_1299 : i32 to index
      %parallel_loop3A_1301 = tpu.vector_load %arg4[%parallel_loop3A_1300] {strides = array<i32>} : memref<32768xf32, #tpu.memory_space<vmem>>, vector<16xf32>,
      %parallel_loop3A_1302 = arith.constant 5 : i32
      %parallel_loop3A_1303 = arith.addi %parallel_loop3A_1270, %parallel_loop3A_1302 : i32
      %parallel_loop3A_1304 = arith.constant 16 : i32
      %parallel_loop3A_1305 = arith.muli %parallel_loop3A_1303, %parallel_loop3A_1304 : i32
      %parallel_loop3A_1306 = arith.index_cast %parallel_loop3A_1305 : i32 to index
      %parallel_loop3A_1307 = tpu.vector_load %arg4[%parallel_loop3A_1306] {strides = array<i32>} : memref<32768xf32, #tpu.memory_space<vmem>>, vector<16xf32>,
      %parallel_loop3A_1308 = arith.constant 6 : i32
      %parallel_loop3A_1309 = arith.addi %parallel_loop3A_1270, %parallel_loop3A_1308 : i32
      %parallel_loop3A_1310 = arith.constant 16 : i32
      %parallel_loop3A_1311 = arith.muli %parallel_loop3A_1309, %parallel_loop3A_1310 : i32
      %parallel_loop3A_1312 = arith.index_cast %parallel_loop3A_1311 : i32 to index
      %parallel_loop3A_1313 = tpu.vector_load %arg4[%parallel_loop3A_1312] {strides = array<i32>} : memref<32768xf32, #tpu.memory_space<vmem>>, vector<16xf32>,
      %parallel_loop3A_1314 = arith.constant 7 : i32
      %parallel_loop3A_1315 = arith.addi %parallel_loop3A_1270, %parallel_loop3A_1314 : i32
      %parallel_loop3A_1316 = arith.constant 16 : i32
      %parallel_loop3A_1317 = arith.muli %parallel_loop3A_1315, %parallel_loop3A_1316 : i32
      %parallel_loop3A_1318 = arith.index_cast %parallel_loop3A_1317 : i32 to index
      %parallel_loop3A_1319 = tpu.vector_load %arg4[%parallel_loop3A_1318] {strides = array<i32>} : memref<32768xf32, #tpu.memory_space<vmem>>, vector<16xf32>,
      %parallel_loop3A_1320 = arith.maximumf %parallel_loop3A_1277, %parallel_loop3A_1283 : vector<16xf32>
      %parallel_loop3A_1321 = arith.maximumf %parallel_loop3A_1289, %parallel_loop3A_1295 : vector<16xf32>
      %parallel_loop3A_1322 = arith.maximumf %parallel_loop3A_1301, %parallel_loop3A_1307 : vector<16xf32>
      %parallel_loop3A_1323 = arith.maximumf %parallel_loop3A_1313, %parallel_loop3A_1319 : vector<16xf32>
      %parallel_loop3A_1324 = arith.maximumf %parallel_loop3A_1320, %parallel_loop3A_1321 : vector<16xf32>
      %parallel_loop3A_1325 = arith.maximumf %parallel_loop3A_1322, %parallel_loop3A_1323 : vector<16xf32>
      %parallel_loop3A_1326 = arith.maximumf %parallel_loop3A_1324, %parallel_loop3A_1325 : vector<16xf32>
      %parallel_loop3A_1327 = arith.maximumf %parallel_loop3A_1271, %parallel_loop3A_1326 : vector<16xf32>
      scf.yield %parallel_loop3A_1327 : vector<16xf32>
    } {sc.loop_unroll_factor = 2 : i64, sc.parallel_access}
    %dma_wait3A_181 = arith.constant 28672 : i32
    %dma_wait3A_182 = tpu.memref_slice %arg4[%dma_wait3A_181] : memref<32768xf32, #tpu.memory_space<vmem>> -> memref<4096xf32, #tpu.memory_space<vmem>>
    %dma_wait3A_183 = arith.constant 28672 : i32
    %dma_wait3A_184 = tpu.memref_slice %arg2[%mul3A_2, %dma_wait3A_183] : memref<64x32768xf32, #tpu.memory_space<hbm>> -> memref<1x4096xf32, #tpu.memory_space<hbm>>
    %dma_wait3A_185 = tpu.memref_squeeze %dma_wait3A_184 : memref<1x4096xf32, #tpu.memory_space<hbm>> -> memref<4096xf32, #tpu.memory_space<hbm>>
    %dma_wait3A_186 = arith.constant 28672 : i32
    %dma_wait3A_187 = tpu.memref_slice %arg4[%dma_wait3A_186] : memref<32768xf32, #tpu.memory_space<vmem>> -> memref<4096xf32, #tpu.memory_space<vmem>>
    %dma_wait3A_188 = arith.constant 28672 : i32
    %dma_wait3A_189 = tpu.memref_slice %arg2[%mul3A_2, %dma_wait3A_188] : memref<64x32768xf32, #tpu.memory_space<hbm>> -> memref<1x4096xf32, #tpu.memory_space<hbm>>
    %dma_wait3A_190 = tpu.memref_squeeze %dma_wait3A_189 : memref<1x4096xf32, #tpu.memory_space<hbm>> -> memref<4096xf32, #tpu.memory_space<hbm>>
    tpu.wait_dma2 semaphore(%arg14 : memref<!tpu.dma_semaphore, #tpu.memory_space<semaphore_mem>>) src(%dma_wait3A_190 : memref<4096xf32, #tpu.memory_space<hbm>>) dst(%dma_wait3A_187 : memref<4096xf32, #tpu.memory_space<vmem>>)
    %parallel_loop3A_191 = arith.constant 1792 : i32
    %parallel_loop3A_192 = arith.constant 2048 : i32
    %parallel_loop3A_193 = arith.constant 8 : i32
    %parallel_loop3A_194 = scf.for %parallel_loop3A_1270 = %parallel_loop3A_191 to %parallel_loop3A_192 step %parallel_loop3A_193 iter_args(%parallel_loop3A_1271 = %parallel_loop3A_180) -> (vector<16xf32>)  : i32 {
      %parallel_loop3A_1272 = arith.constant 0 : i32
      %parallel_loop3A_1273 = arith.addi %parallel_loop3A_1270, %parallel_loop3A_1272 : i32
      %parallel_loop3A_1274 = arith.constant 16 : i32
      %parallel_loop3A_1275 = arith.muli %parallel_loop3A_1273, %parallel_loop3A_1274 : i32
      %parallel_loop3A_1276 = arith.index_cast %parallel_loop3A_1275 : i32 to index
      %parallel_loop3A_1277 = tpu.vector_load %arg4[%parallel_loop3A_1276] {strides = array<i32>} : memref<32768xf32, #tpu.memory_space<vmem>>, vector<16xf32>,
      %parallel_loop3A_1278 = arith.constant 1 : i32
      %parallel_loop3A_1279 = arith.addi %parallel_loop3A_1270, %parallel_loop3A_1278 : i32
      %parallel_loop3A_1280 = arith.constant 16 : i32
      %parallel_loop3A_1281 = arith.muli %parallel_loop3A_1279, %parallel_loop3A_1280 : i32
      %parallel_loop3A_1282 = arith.index_cast %parallel_loop3A_1281 : i32 to index
      %parallel_loop3A_1283 = tpu.vector_load %arg4[%parallel_loop3A_1282] {strides = array<i32>} : memref<32768xf32, #tpu.memory_space<vmem>>, vector<16xf32>,
      %parallel_loop3A_1284 = arith.constant 2 : i32
      %parallel_loop3A_1285 = arith.addi %parallel_loop3A_1270, %parallel_loop3A_1284 : i32
      %parallel_loop3A_1286 = arith.constant 16 : i32
      %parallel_loop3A_1287 = arith.muli %parallel_loop3A_1285, %parallel_loop3A_1286 : i32
      %parallel_loop3A_1288 = arith.index_cast %parallel_loop3A_1287 : i32 to index
      %parallel_loop3A_1289 = tpu.vector_load %arg4[%parallel_loop3A_1288] {strides = array<i32>} : memref<32768xf32, #tpu.memory_space<vmem>>, vector<16xf32>,
      %parallel_loop3A_1290 = arith.constant 3 : i32
      %parallel_loop3A_1291 = arith.addi %parallel_loop3A_1270, %parallel_loop3A_1290 : i32
      %parallel_loop3A_1292 = arith.constant 16 : i32
      %parallel_loop3A_1293 = arith.muli %parallel_loop3A_1291, %parallel_loop3A_1292 : i32
      %parallel_loop3A_1294 = arith.index_cast %parallel_loop3A_1293 : i32 to index
      %parallel_loop3A_1295 = tpu.vector_load %arg4[%parallel_loop3A_1294] {strides = array<i32>} : memref<32768xf32, #tpu.memory_space<vmem>>, vector<16xf32>,
      %parallel_loop3A_1296 = arith.constant 4 : i32
      %parallel_loop3A_1297 = arith.addi %parallel_loop3A_1270, %parallel_loop3A_1296 : i32
      %parallel_loop3A_1298 = arith.constant 16 : i32
      %parallel_loop3A_1299 = arith.muli %parallel_loop3A_1297, %parallel_loop3A_1298 : i32
      %parallel_loop3A_1300 = arith.index_cast %parallel_loop3A_1299 : i32 to index
      %parallel_loop3A_1301 = tpu.vector_load %arg4[%parallel_loop3A_1300] {strides = array<i32>} : memref<32768xf32, #tpu.memory_space<vmem>>, vector<16xf32>,
      %parallel_loop3A_1302 = arith.constant 5 : i32
      %parallel_loop3A_1303 = arith.addi %parallel_loop3A_1270, %parallel_loop3A_1302 : i32
      %parallel_loop3A_1304 = arith.constant 16 : i32
      %parallel_loop3A_1305 = arith.muli %parallel_loop3A_1303, %parallel_loop3A_1304 : i32
      %parallel_loop3A_1306 = arith.index_cast %parallel_loop3A_1305 : i32 to index
      %parallel_loop3A_1307 = tpu.vector_load %arg4[%parallel_loop3A_1306] {strides = array<i32>} : memref<32768xf32, #tpu.memory_space<vmem>>, vector<16xf32>,
      %parallel_loop3A_1308 = arith.constant 6 : i32
      %parallel_loop3A_1309 = arith.addi %parallel_loop3A_1270, %parallel_loop3A_1308 : i32
      %parallel_loop3A_1310 = arith.constant 16 : i32
      %parallel_loop3A_1311 = arith.muli %parallel_loop3A_1309, %parallel_loop3A_1310 : i32
      %parallel_loop3A_1312 = arith.index_cast %parallel_loop3A_1311 : i32 to index
      %parallel_loop3A_1313 = tpu.vector_load %arg4[%parallel_loop3A_1312] {strides = array<i32>} : memref<32768xf32, #tpu.memory_space<vmem>>, vector<16xf32>,
      %parallel_loop3A_1314 = arith.constant 7 : i32
      %parallel_loop3A_1315 = arith.addi %parallel_loop3A_1270, %parallel_loop3A_1314 : i32
      %parallel_loop3A_1316 = arith.constant 16 : i32
      %parallel_loop3A_1317 = arith.muli %parallel_loop3A_1315, %parallel_loop3A_1316 : i32
      %parallel_loop3A_1318 = arith.index_cast %parallel_loop3A_1317 : i32 to index
      %parallel_loop3A_1319 = tpu.vector_load %arg4[%parallel_loop3A_1318] {strides = array<i32>} : memref<32768xf32, #tpu.memory_space<vmem>>, vector<16xf32>,
      %parallel_loop3A_1320 = arith.maximumf %parallel_loop3A_1277, %parallel_loop3A_1283 : vector<16xf32>
      %parallel_loop3A_1321 = arith.maximumf %parallel_loop3A_1289, %parallel_loop3A_1295 : vector<16xf32>
      %parallel_loop3A_1322 = arith.maximumf %parallel_loop3A_1301, %parallel_loop3A_1307 : vector<16xf32>
      %parallel_loop3A_1323 = arith.maximumf %parallel_loop3A_1313, %parallel_loop3A_1319 : vector<16xf32>
      %parallel_loop3A_1324 = arith.maximumf %parallel_loop3A_1320, %parallel_loop3A_1321 : vector<16xf32>
      %parallel_loop3A_1325 = arith.maximumf %parallel_loop3A_1322, %parallel_loop3A_1323 : vector<16xf32>
      %parallel_loop3A_1326 = arith.maximumf %parallel_loop3A_1324, %parallel_loop3A_1325 : vector<16xf32>
      %parallel_loop3A_1327 = arith.maximumf %parallel_loop3A_1271, %parallel_loop3A_1326 : vector<16xf32>
      scf.yield %parallel_loop3A_1327 : vector<16xf32>
    } {sc.loop_unroll_factor = 2 : i64, sc.parallel_access}
    "tpu.trace_stop"() : () -> ()
    %dma_start3A_195 = arith.constant 0 : i32
    %dma_start3A_196 = tpu.memref_slice %arg2[%add3A_4, %dma_start3A_195] : memref<64x32768xf32, #tpu.memory_space<hbm>> -> memref<1x32768xf32, #tpu.memory_space<hbm>>
    %dma_start3A_197 = tpu.memref_squeeze %dma_start3A_196 : memref<1x32768xf32, #tpu.memory_space<hbm>> -> memref<32768xf32, #tpu.memory_space<hbm>>
    %dma_start3A_198 = arith.constant 0 : i32
    %dma_start3A_199 = tpu.memref_slice %arg2[%add3A_4, %dma_start3A_198] : memref<64x32768xf32, #tpu.memory_space<hbm>> -> memref<1x32768xf32, #tpu.memory_space<hbm>>
    %dma_start3A_200 = tpu.memref_squeeze %dma_start3A_199 : memref<1x32768xf32, #tpu.memory_space<hbm>> -> memref<32768xf32, #tpu.memory_space<hbm>>
    tpu.enqueue_dma source(%dma_start3A_200 : memref<32768xf32, #tpu.memory_space<hbm>>) target(%arg5 : memref<32768xf32, #tpu.memory_space<vmem>>) target_semaphore(%arg15 : memref<!tpu.dma_semaphore, #tpu.memory_space<semaphore_mem>>)
    "tpu.trace_start"() <{level = 10 : i32, message = "tau0"}> : () -> ()
    %iota3A = tpu.iota {dimensions = array<i32: 0>} : vector<16xi32>
    %xor3A = arith.constant 8 : i32
    %xor3A_201 = vector.broadcast %xor3A : i32 to vector<16xi32>
    %xor3A_202 = arith.xori %iota3A, %xor3A_201 : vector<16xi32>
    %broadcast_in_dim3A_203 = vector.shape_cast %xor3A_202 : vector<16xi32> to vector<16x1xi32>
    %gather3A = vector.shape_cast %broadcast_in_dim3A_203 : vector<16x1xi32> to vector<16xi32>
    %gather3A_204 = tpu.dynamic_gather %parallel_loop3A_194[%gather3A] in [0] : vector<16xf32>, vector<16xi32> -> vector<16xf32>
    %max3A = arith.maximumf %parallel_loop3A_194, %gather3A_204 : vector<16xf32>
    %iota3A_205 = tpu.iota {dimensions = array<i32: 0>} : vector<16xi32>
    %xor3A_206 = arith.constant 4 : i32
    %xor3A_207 = vector.broadcast %xor3A_206 : i32 to vector<16xi32>
    %xor3A_208 = arith.xori %iota3A_205, %xor3A_207 : vector<16xi32>
    %broadcast_in_dim3A_209 = vector.shape_cast %xor3A_208 : vector<16xi32> to vector<16x1xi32>
    %gather3A_210 = vector.shape_cast %broadcast_in_dim3A_209 : vector<16x1xi32> to vector<16xi32>
    %gather3A_211 = tpu.dynamic_gather %max3A[%gather3A_210] in [0] : vector<16xf32>, vector<16xi32> -> vector<16xf32>
    %max3A_212 = arith.maximumf %max3A, %gather3A_211 : vector<16xf32>
    %iota3A_213 = tpu.iota {dimensions = array<i32: 0>} : vector<16xi32>
    %xor3A_214 = arith.constant 2 : i32
    %xor3A_215 = vector.broadcast %xor3A_214 : i32 to vector<16xi32>
    %xor3A_216 = arith.xori %iota3A_213, %xor3A_215 : vector<16xi32>
    %broadcast_in_dim3A_217 = vector.shape_cast %xor3A_216 : vector<16xi32> to vector<16x1xi32>
    %gather3A_218 = vector.shape_cast %broadcast_in_dim3A_217 : vector<16x1xi32> to vector<16xi32>
    %gather3A_219 = tpu.dynamic_gather %max3A_212[%gather3A_218] in [0] : vector<16xf32>, vector<16xi32> -> vector<16xf32>
    %max3A_220 = arith.maximumf %max3A_212, %gather3A_219 : vector<16xf32>
    %iota3A_221 = tpu.iota {dimensions = array<i32: 0>} : vector<16xi32>
    %xor3A_222 = arith.constant 1 : i32
    %xor3A_223 = vector.broadcast %xor3A_222 : i32 to vector<16xi32>
    %xor3A_224 = arith.xori %iota3A_221, %xor3A_223 : vector<16xi32>
    %broadcast_in_dim3A_225 = vector.shape_cast %xor3A_224 : vector<16xi32> to vector<16x1xi32>
    %gather3A_226 = vector.shape_cast %broadcast_in_dim3A_225 : vector<16x1xi32> to vector<16xi32>
    %gather3A_227 = tpu.dynamic_gather %max3A_220[%gather3A_226] in [0] : vector<16xf32>, vector<16xi32> -> vector<16xf32>
    %max3A_228 = arith.maximumf %max3A_220, %gather3A_227 : vector<16xf32>
    %sub3A = arith.constant 1.000000e+00 : f32
    %sub3A_229 = vector.broadcast %sub3A : f32 to vector<16xf32>
    %sub3A_230 = arith.subf %max3A_228, %sub3A_229 : vector<16xf32>
    %iota3A_231 = tpu.iota {dimensions = array<i32: 0>} : vector<16xi32>
    %broadcast_in_dim3A_232 = arith.constant 16 : i32
    %broadcast_in_dim3A_233 = vector.broadcast %broadcast_in_dim3A_232 : i32 to vector<16xi32>
    %broadcast_in_dim3A_234 = arith.constant 0 : i32
    %broadcast_in_dim3A_235 = vector.broadcast %broadcast_in_dim3A_234 : i32 to vector<16xi32>
    %parallel_loop3A_236 = arith.constant 0 : i32
    %parallel_loop3A_237 = arith.constant 2048 : i32
    %parallel_loop3A_238 = arith.constant 1 : i32
    "tpu.trace_start"() <{level = 10 : i32, message = "compact"}> : () -> ()
    %parallel_loop3A_239 = scf.for %parallel_loop3A_1270 = %parallel_loop3A_236 to %parallel_loop3A_237 step %parallel_loop3A_238 iter_args(%parallel_loop3A_1271 = %iota3A_231) -> (vector<16xi32>)  : i32 {
      %parallel_loop3A_1272 = arith.constant 16 : i32
      %parallel_loop3A_1273 = arith.muli %parallel_loop3A_1270, %parallel_loop3A_1272 : i32
      %parallel_loop3A_1274 = arith.index_cast %parallel_loop3A_1273 : i32 to index
      %parallel_loop3A_1275 = tpu.vector_load %arg4[%parallel_loop3A_1274] {strides = array<i32>} : memref<32768xf32, #tpu.memory_space<vmem>>, vector<16xf32>,
      %parallel_loop3A_1276 = arith.cmpf ogt, %parallel_loop3A_1275, %sub3A_230 : vector<16xf32>
      tpu.vector_store_idx %arg6[%parallel_loop3A_1271], %parallel_loop3A_1275 masked %parallel_loop3A_1276 : memref<32784xf32, #tpu.memory_space<vmem>>[vector<16xi32>], vector<16xf32>, vector<16xi1>
      %parallel_loop3A_1277 = arith.select %parallel_loop3A_1276, %broadcast_in_dim3A_233, %broadcast_in_dim3A_235 : vector<16xi1>, vector<16xi32>
      %parallel_loop3A_1278 = arith.addi %parallel_loop3A_1271, %parallel_loop3A_1277 : vector<16xi32>
      scf.yield %parallel_loop3A_1278 : vector<16xi32>
    } {sc.loop_unroll_factor = 8 : i64, sc.parallel_access}
    "tpu.trace_stop"() : () -> ()
    %sub3A_240 = arith.subi %parallel_loop3A_239, %iota3A_231 : vector<16xi32>
    %iota3A_241 = tpu.iota {dimensions = array<i32: 0>} : vector<16xi32>
    %xor3A_242 = arith.constant 8 : i32
    %xor3A_243 = vector.broadcast %xor3A_242 : i32 to vector<16xi32>
    %xor3A_244 = arith.xori %iota3A_241, %xor3A_243 : vector<16xi32>
    %broadcast_in_dim3A_245 = vector.shape_cast %xor3A_244 : vector<16xi32> to vector<16x1xi32>
    %gather3A_246 = vector.shape_cast %broadcast_in_dim3A_245 : vector<16x1xi32> to vector<16xi32>
    %gather3A_247 = tpu.dynamic_gather %sub3A_240[%gather3A_246] in [0] : vector<16xi32>, vector<16xi32> -> vector<16xi32>
    %max3A_248 = arith.maxsi %sub3A_240, %gather3A_247 : vector<16xi32>
    %iota3A_249 = tpu.iota {dimensions = array<i32: 0>} : vector<16xi32>
    %xor3A_250 = arith.constant 4 : i32
    %xor3A_251 = vector.broadcast %xor3A_250 : i32 to vector<16xi32>
    %xor3A_252 = arith.xori %iota3A_249, %xor3A_251 : vector<16xi32>
    %broadcast_in_dim3A_253 = vector.shape_cast %xor3A_252 : vector<16xi32> to vector<16x1xi32>
    %gather3A_254 = vector.shape_cast %broadcast_in_dim3A_253 : vector<16x1xi32> to vector<16xi32>
    %gather3A_255 = tpu.dynamic_gather %max3A_248[%gather3A_254] in [0] : vector<16xi32>, vector<16xi32> -> vector<16xi32>
    %max3A_256 = arith.maxsi %max3A_248, %gather3A_255 : vector<16xi32>
    %iota3A_257 = tpu.iota {dimensions = array<i32: 0>} : vector<16xi32>
    %xor3A_258 = arith.constant 2 : i32
    %xor3A_259 = vector.broadcast %xor3A_258 : i32 to vector<16xi32>
    %xor3A_260 = arith.xori %iota3A_257, %xor3A_259 : vector<16xi32>
    %broadcast_in_dim3A_261 = vector.shape_cast %xor3A_260 : vector<16xi32> to vector<16x1xi32>
    %gather3A_262 = vector.shape_cast %broadcast_in_dim3A_261 : vector<16x1xi32> to vector<16xi32>
    %gather3A_263 = tpu.dynamic_gather %max3A_256[%gather3A_262] in [0] : vector<16xi32>, vector<16xi32> -> vector<16xi32>
    %max3A_264 = arith.maxsi %max3A_256, %gather3A_263 : vector<16xi32>
    %iota3A_265 = tpu.iota {dimensions = array<i32: 0>} : vector<16xi32>
    %xor3A_266 = arith.constant 1 : i32
    %xor3A_267 = vector.broadcast %xor3A_266 : i32 to vector<16xi32>
    %xor3A_268 = arith.xori %iota3A_265, %xor3A_267 : vector<16xi32>
    %broadcast_in_dim3A_269 = vector.shape_cast %xor3A_268 : vector<16xi32> to vector<16x1xi32>
    %gather3A_270 = vector.shape_cast %broadcast_in_dim3A_269 : vector<16x1xi32> to vector<16xi32>
    %gather3A_271 = tpu.dynamic_gather %max3A_264[%gather3A_270] in [0] : vector<16xi32>, vector<16xi32> -> vector<16xi32>
    %max3A_272 = arith.maxsi %max3A_264, %gather3A_271 : vector<16xi32>
    %broadcast_in_dim3A_273 = arith.constant 256 : i32
    %broadcast_in_dim3A_274 = vector.broadcast %broadcast_in_dim3A_273 : i32 to vector<16xi32>
    %max3A_275 = arith.maxsi %max3A_272, %broadcast_in_dim3A_274 : vector<16xi32>
    %iota3A_276 = tpu.iota {dimensions = array<i32: 0>} : vector<16xi32>
    %xor3A_277 = arith.constant 8 : i32
    %xor3A_278 = vector.broadcast %xor3A_277 : i32 to vector<16xi32>
    %xor3A_279 = arith.xori %iota3A_276, %xor3A_278 : vector<16xi32>
    %broadcast_in_dim3A_280 = vector.shape_cast %xor3A_279 : vector<16xi32> to vector<16x1xi32>
    %gather3A_281 = vector.shape_cast %broadcast_in_dim3A_280 : vector<16x1xi32> to vector<16xi32>
    %gather3A_282 = tpu.dynamic_gather %sub3A_240[%gather3A_281] in [0] : vector<16xi32>, vector<16xi32> -> vector<16xi32>
    %min3A = arith.minsi %sub3A_240, %gather3A_282 : vector<16xi32>
    %iota3A_283 = tpu.iota {dimensions = array<i32: 0>} : vector<16xi32>
    %xor3A_284 = arith.constant 4 : i32
    %xor3A_285 = vector.broadcast %xor3A_284 : i32 to vector<16xi32>
    %xor3A_286 = arith.xori %iota3A_283, %xor3A_285 : vector<16xi32>
    %broadcast_in_dim3A_287 = vector.shape_cast %xor3A_286 : vector<16xi32> to vector<16x1xi32>
    %gather3A_288 = vector.shape_cast %broadcast_in_dim3A_287 : vector<16x1xi32> to vector<16xi32>
    %gather3A_289 = tpu.dynamic_gather %min3A[%gather3A_288] in [0] : vector<16xi32>, vector<16xi32> -> vector<16xi32>
    %min3A_290 = arith.minsi %min3A, %gather3A_289 : vector<16xi32>
    %iota3A_291 = tpu.iota {dimensions = array<i32: 0>} : vector<16xi32>
    %xor3A_292 = arith.constant 2 : i32
    %xor3A_293 = vector.broadcast %xor3A_292 : i32 to vector<16xi32>
    %xor3A_294 = arith.xori %iota3A_291, %xor3A_293 : vector<16xi32>
    %broadcast_in_dim3A_295 = vector.shape_cast %xor3A_294 : vector<16xi32> to vector<16x1xi32>
    %gather3A_296 = vector.shape_cast %broadcast_in_dim3A_295 : vector<16x1xi32> to vector<16xi32>
    %gather3A_297 = tpu.dynamic_gather %min3A_290[%gather3A_296] in [0] : vector<16xi32>, vector<16xi32> -> vector<16xi32>
    %min3A_298 = arith.minsi %min3A_290, %gather3A_297 : vector<16xi32>
    %iota3A_299 = tpu.iota {dimensions = array<i32: 0>} : vector<16xi32>
    %xor3A_300 = arith.constant 1 : i32
    %xor3A_301 = vector.broadcast %xor3A_300 : i32 to vector<16xi32>
    %xor3A_302 = arith.xori %iota3A_299, %xor3A_301 : vector<16xi32>
    %broadcast_in_dim3A_303 = vector.shape_cast %xor3A_302 : vector<16xi32> to vector<16x1xi32>
    %gather3A_304 = vector.shape_cast %broadcast_in_dim3A_303 : vector<16x1xi32> to vector<16xi32>
    %gather3A_305 = tpu.dynamic_gather %min3A_298[%gather3A_304] in [0] : vector<16xi32>, vector<16xi32> -> vector<16xi32>
    %min3A_306 = arith.minsi %min3A_298, %gather3A_305 : vector<16xi32>
    %sub3A_307 = arith.subi %max3A_275, %min3A_306 : vector<16xi32>
    %jit3A = arith.constant 16 : i32
    %div3A = vector.broadcast %jit3A : i32 to vector<16xi32>
    %div3A_308 = arith.divsi %sub3A_307, %div3A : vector<16xi32>
    %sign3A = arith.constant 0 : i32
    %sign3A_309 = vector.broadcast %sign3A : i32 to vector<16xi32>
    %sign3A_310 = arith.cmpi sgt, %sub3A_307, %sign3A_309 : vector<16xi32>
    %sign3A_311 = arith.extui %sign3A_310 : vector<16xi1> to vector<16xi32>
    %sign3A_312 = arith.constant 0 : i32
    %sign3A_313 = vector.broadcast %sign3A_312 : i32 to vector<16xi32>
    %sign3A_314 = arith.cmpi slt, %sub3A_307, %sign3A_313 : vector<16xi32>
    %sign3A_315 = arith.extui %sign3A_314 : vector<16xi1> to vector<16xi32>
    %sign3A_316 = arith.subi %sign3A_311, %sign3A_315 : vector<16xi32>
    %sign3A_317 = arith.constant 0 : i32
    %sign3A_318 = arith.cmpi sgt, %jit3A, %sign3A_317 : i32
    %sign3A_319 = arith.extui %sign3A_318 : i1 to i32
    %sign3A_320 = arith.constant 0 : i32
    %sign3A_321 = arith.cmpi slt, %jit3A, %sign3A_320 : i32
    %sign3A_322 = arith.extui %sign3A_321 : i1 to i32
    %sign3A_323 = arith.subi %sign3A_319, %sign3A_322 : i32
    %ne3A = vector.broadcast %sign3A_323 : i32 to vector<16xi32>
    %ne3A_324 = arith.cmpi ne, %sign3A_316, %ne3A : vector<16xi32>
    %rem3A = vector.broadcast %jit3A : i32 to vector<16xi32>
    %rem3A_325 = arith.remsi %sub3A_307, %rem3A : vector<16xi32>
    %ne3A_326 = arith.constant 0 : i32
    %ne3A_327 = vector.broadcast %ne3A_326 : i32 to vector<16xi32>
    %ne3A_328 = arith.cmpi ne, %rem3A_325, %ne3A_327 : vector<16xi32>
    %and3A = arith.andi %ne3A_324, %ne3A_328 : vector<16xi1>
    %sub3A_329 = arith.constant 1 : i32
    %sub3A_330 = vector.broadcast %sub3A_329 : i32 to vector<16xi32>
    %sub3A_331 = arith.subi %div3A_308, %sub3A_330 : vector<16xi32>
    %select_n3A = arith.select %and3A, %sub3A_331, %div3A_308 : vector<16xi1>, vector<16xi32>
    %slice3A = vector.extract_strided_slice %select_n3A {offsets = [0], sizes = [1], strides = [1]} : vector<16xi32> to vector<1xi32>
    %squeeze3A = vector.extract %slice3A[0] : i32 from vector<1xi32>
    %while3A = arith.constant 0 : i32
    %while3A_332 = arith.subi %squeeze3A, %while3A : i32
    %while3A_333 = arith.addi %while3A, %while3A_332 : i32
    %while3A_334 = arith.constant 1 : i32
    %while3A_335 = arith.divsi %while3A_332, %while3A_334 : i32
    %while3A_336 = arith.muli %while3A_335, %while3A_334 : i32
    %while3A_337 = arith.addi %while3A, %while3A_336 : i32
    %while3A_338 = arith.constant 1 : i32
    %while3A_339 = scf.for %while3A_1270 = %while3A to %while3A_337 step %while3A_338 iter_args(%while3A_1271 = %parallel_loop3A_239) -> (vector<16xi32>)  : i32 {
      %sub3A_1272 = arith.subi %while3A_1271, %iota3A_231 : vector<16xi32>
      %lt3A = arith.cmpi slt, %sub3A_1272, %max3A_275 : vector<16xi32>
      tpu.vector_store_idx %arg6[%while3A_1271], %sub3A_230 masked %lt3A : memref<32784xf32, #tpu.memory_space<vmem>>[vector<16xi32>], vector<16xf32>, vector<16xi1>
      %select_n3A_1273 = arith.select %lt3A, %broadcast_in_dim3A_233, %broadcast_in_dim3A_235 : vector<16xi1>, vector<16xi32>
      %add3A_1274 = arith.addi %while3A_1271, %select_n3A_1273 : vector<16xi32>
      scf.yield %add3A_1274 : vector<16xi32>
    }
    %while3A_340 = arith.constant 1 : i32
    %while3A_341 = scf.for %while3A_1270 = %while3A_337 to %while3A_333 step %while3A_340 iter_args(%while3A_1271 = %while3A_339) -> (vector<16xi32>)  : i32 {
      %sub3A_1272 = arith.subi %while3A_1271, %iota3A_231 : vector<16xi32>
      %lt3A = arith.cmpi slt, %sub3A_1272, %max3A_275 : vector<16xi32>
      tpu.vector_store_idx %arg6[%while3A_1271], %sub3A_230 masked %lt3A : memref<32784xf32, #tpu.memory_space<vmem>>[vector<16xi32>], vector<16xf32>, vector<16xi1>
      %select_n3A_1273 = arith.select %lt3A, %broadcast_in_dim3A_233, %broadcast_in_dim3A_235 : vector<16xi1>, vector<16xi32>
      %add3A_1274 = arith.addi %while3A_1271, %select_n3A_1273 : vector<16xi32>
      scf.yield %add3A_1274 : vector<16xi32>
    }
    %jit3A_342 = arith.constant 16 : i32
    %div3A_343 = vector.broadcast %jit3A_342 : i32 to vector<16xi32>
    %div3A_344 = arith.divsi %max3A_275, %div3A_343 : vector<16xi32>
    %sign3A_345 = arith.constant 0 : i32
    %sign3A_346 = vector.broadcast %sign3A_345 : i32 to vector<16xi32>
    %sign3A_347 = arith.cmpi sgt, %max3A_275, %sign3A_346 : vector<16xi32>
    %sign3A_348 = arith.extui %sign3A_347 : vector<16xi1> to vector<16xi32>
    %sign3A_349 = arith.constant 0 : i32
    %sign3A_350 = vector.broadcast %sign3A_349 : i32 to vector<16xi32>
    %sign3A_351 = arith.cmpi slt, %max3A_275, %sign3A_350 : vector<16xi32>
    %sign3A_352 = arith.extui %sign3A_351 : vector<16xi1> to vector<16xi32>
    %sign3A_353 = arith.subi %sign3A_348, %sign3A_352 : vector<16xi32>
    %sign3A_354 = arith.constant 0 : i32
    %sign3A_355 = arith.cmpi sgt, %jit3A_342, %sign3A_354 : i32
    %sign3A_356 = arith.extui %sign3A_355 : i1 to i32
    %sign3A_357 = arith.constant 0 : i32
    %sign3A_358 = arith.cmpi slt, %jit3A_342, %sign3A_357 : i32
    %sign3A_359 = arith.extui %sign3A_358 : i1 to i32
    %sign3A_360 = arith.subi %sign3A_356, %sign3A_359 : i32
    %ne3A_361 = vector.broadcast %sign3A_360 : i32 to vector<16xi32>
    %ne3A_362 = arith.cmpi ne, %sign3A_353, %ne3A_361 : vector<16xi32>
    %rem3A_363 = vector.broadcast %jit3A_342 : i32 to vector<16xi32>
    %rem3A_364 = arith.remsi %max3A_275, %rem3A_363 : vector<16xi32>
    %ne3A_365 = arith.constant 0 : i32
    %ne3A_366 = vector.broadcast %ne3A_365 : i32 to vector<16xi32>
    %ne3A_367 = arith.cmpi ne, %rem3A_364, %ne3A_366 : vector<16xi32>
    %and3A_368 = arith.andi %ne3A_362, %ne3A_367 : vector<16xi1>
    %sub3A_369 = arith.constant 1 : i32
    %sub3A_370 = vector.broadcast %sub3A_369 : i32 to vector<16xi32>
    %sub3A_371 = arith.subi %div3A_344, %sub3A_370 : vector<16xi32>
    %select_n3A_372 = arith.select %and3A_368, %sub3A_371, %div3A_344 : vector<16xi1>, vector<16xi32>
    %slice3A_373 = vector.extract_strided_slice %select_n3A_372 {offsets = [0], sizes = [1], strides = [1]} : vector<16xi32> to vector<1xi32>
    %squeeze3A_374 = vector.extract %slice3A_373[0] : i32 from vector<1xi32>
    %get3A = arith.constant 0 : index
    %get3A_375 = tpu.vector_load %arg6[%get3A] {strides = array<i32>} : memref<32784xf32, #tpu.memory_space<vmem>>, vector<16xf32>,
    %get3A_376 = arith.constant 16 : index
    %get3A_377 = tpu.vector_load %arg6[%get3A_376] {strides = array<i32>} : memref<32784xf32, #tpu.memory_space<vmem>>, vector<16xf32>,
    %get3A_378 = arith.constant 32 : index
    %get3A_379 = tpu.vector_load %arg6[%get3A_378] {strides = array<i32>} : memref<32784xf32, #tpu.memory_space<vmem>>, vector<16xf32>,
    %get3A_380 = arith.constant 48 : index
    %get3A_381 = tpu.vector_load %arg6[%get3A_380] {strides = array<i32>} : memref<32784xf32, #tpu.memory_space<vmem>>, vector<16xf32>,
    %get3A_382 = arith.constant 64 : index
    %get3A_383 = tpu.vector_load %arg6[%get3A_382] {strides = array<i32>} : memref<32784xf32, #tpu.memory_space<vmem>>, vector<16xf32>,
    %get3A_384 = arith.constant 80 : index
    %get3A_385 = tpu.vector_load %arg6[%get3A_384] {strides = array<i32>} : memref<32784xf32, #tpu.memory_space<vmem>>, vector<16xf32>,
    %get3A_386 = arith.constant 96 : index
    %get3A_387 = tpu.vector_load %arg6[%get3A_386] {strides = array<i32>} : memref<32784xf32, #tpu.memory_space<vmem>>, vector<16xf32>,
    %get3A_388 = arith.constant 112 : index
    %get3A_389 = tpu.vector_load %arg6[%get3A_388] {strides = array<i32>} : memref<32784xf32, #tpu.memory_space<vmem>>, vector<16xf32>,
    %get3A_390 = arith.constant 128 : index
    %get3A_391 = tpu.vector_load %arg6[%get3A_390] {strides = array<i32>} : memref<32784xf32, #tpu.memory_space<vmem>>, vector<16xf32>,
    %get3A_392 = arith.constant 144 : index
    %get3A_393 = tpu.vector_load %arg6[%get3A_392] {strides = array<i32>} : memref<32784xf32, #tpu.memory_space<vmem>>, vector<16xf32>,
    %get3A_394 = arith.constant 160 : index
    %get3A_395 = tpu.vector_load %arg6[%get3A_394] {strides = array<i32>} : memref<32784xf32, #tpu.memory_space<vmem>>, vector<16xf32>,
    %get3A_396 = arith.constant 176 : index
    %get3A_397 = tpu.vector_load %arg6[%get3A_396] {strides = array<i32>} : memref<32784xf32, #tpu.memory_space<vmem>>, vector<16xf32>,
    %get3A_398 = arith.constant 192 : index
    %get3A_399 = tpu.vector_load %arg6[%get3A_398] {strides = array<i32>} : memref<32784xf32, #tpu.memory_space<vmem>>, vector<16xf32>,
    %get3A_400 = arith.constant 208 : index
    %get3A_401 = tpu.vector_load %arg6[%get3A_400] {strides = array<i32>} : memref<32784xf32, #tpu.memory_space<vmem>>, vector<16xf32>,
    %get3A_402 = arith.constant 224 : index
    %get3A_403 = tpu.vector_load %arg6[%get3A_402] {strides = array<i32>} : memref<32784xf32, #tpu.memory_space<vmem>>, vector<16xf32>,
    %get3A_404 = arith.constant 240 : index
    %get3A_405 = tpu.vector_load %arg6[%get3A_404] {strides = array<i32>} : memref<32784xf32, #tpu.memory_space<vmem>>, vector<16xf32>,
    "tpu.trace_start"() <{level = 10 : i32, message = "bisect"}> : () -> ()
    %scan3A = arith.constant 0 : i32
    %scan3A_406 = arith.constant 15 : i32
    %scan3A_407 = arith.addi %scan3A, %scan3A_406 : i32
    %scan3A_408 = arith.constant 1 : i32
    %scan3A_409:2 = scf.for %scan3A_1270 = %scan3A to %scan3A_407 step %scan3A_408 iter_args(%scan3A_1271 = %sub3A_230, %scan3A_1272 = %max3A_228) -> (vector<16xf32>, vector<16xf32>)  : i32 {
      %add3A_1273 = arith.addf %scan3A_1271, %scan3A_1272 : vector<16xf32>
      %mul3A_1274 = arith.constant 5.000000e-01 : f32
      %mul3A_1275 = vector.broadcast %mul3A_1274 : f32 to vector<16xf32>
      %mul3A_1276 = arith.mulf %mul3A_1275, %add3A_1273 : vector<16xf32>
      %broadcast_in_dim3A_1277 = arith.constant 0.000000e+00 : f32
      %broadcast_in_dim3A_1278 = vector.broadcast %broadcast_in_dim3A_1277 : f32 to vector<16xf32>
      %sub3A_1279 = arith.subf %get3A_375, %mul3A_1276 : vector<16xf32>
      %max3A_1280 = arith.constant 0.000000e+00 : f32
      %max3A_1281 = vector.broadcast %max3A_1280 : f32 to vector<16xf32>
      %max3A_1282 = arith.maximumf %sub3A_1279, %max3A_1281 : vector<16xf32>
      %add3A_1283 = arith.addf %broadcast_in_dim3A_1278, %max3A_1282 : vector<16xf32>
      %sub3A_1284 = arith.subf %get3A_377, %mul3A_1276 : vector<16xf32>
      %max3A_1285 = arith.constant 0.000000e+00 : f32
      %max3A_1286 = vector.broadcast %max3A_1285 : f32 to vector<16xf32>
      %max3A_1287 = arith.maximumf %sub3A_1284, %max3A_1286 : vector<16xf32>
      %add3A_1288 = arith.addf %add3A_1283, %max3A_1287 : vector<16xf32>
      %sub3A_1289 = arith.subf %get3A_379, %mul3A_1276 : vector<16xf32>
      %max3A_1290 = arith.constant 0.000000e+00 : f32
      %max3A_1291 = vector.broadcast %max3A_1290 : f32 to vector<16xf32>
      %max3A_1292 = arith.maximumf %sub3A_1289, %max3A_1291 : vector<16xf32>
      %add3A_1293 = arith.addf %add3A_1288, %max3A_1292 : vector<16xf32>
      %sub3A_1294 = arith.subf %get3A_381, %mul3A_1276 : vector<16xf32>
      %max3A_1295 = arith.constant 0.000000e+00 : f32
      %max3A_1296 = vector.broadcast %max3A_1295 : f32 to vector<16xf32>
      %max3A_1297 = arith.maximumf %sub3A_1294, %max3A_1296 : vector<16xf32>
      %add3A_1298 = arith.addf %add3A_1293, %max3A_1297 : vector<16xf32>
      %sub3A_1299 = arith.subf %get3A_383, %mul3A_1276 : vector<16xf32>
      %max3A_1300 = arith.constant 0.000000e+00 : f32
      %max3A_1301 = vector.broadcast %max3A_1300 : f32 to vector<16xf32>
      %max3A_1302 = arith.maximumf %sub3A_1299, %max3A_1301 : vector<16xf32>
      %add3A_1303 = arith.addf %add3A_1298, %max3A_1302 : vector<16xf32>
      %sub3A_1304 = arith.subf %get3A_385, %mul3A_1276 : vector<16xf32>
      %max3A_1305 = arith.constant 0.000000e+00 : f32
      %max3A_1306 = vector.broadcast %max3A_1305 : f32 to vector<16xf32>
      %max3A_1307 = arith.maximumf %sub3A_1304, %max3A_1306 : vector<16xf32>
      %add3A_1308 = arith.addf %add3A_1303, %max3A_1307 : vector<16xf32>
      %sub3A_1309 = arith.subf %get3A_387, %mul3A_1276 : vector<16xf32>
      %max3A_1310 = arith.constant 0.000000e+00 : f32
      %max3A_1311 = vector.broadcast %max3A_1310 : f32 to vector<16xf32>
      %max3A_1312 = arith.maximumf %sub3A_1309, %max3A_1311 : vector<16xf32>
      %add3A_1313 = arith.addf %add3A_1308, %max3A_1312 : vector<16xf32>
      %sub3A_1314 = arith.subf %get3A_389, %mul3A_1276 : vector<16xf32>
      %max3A_1315 = arith.constant 0.000000e+00 : f32
      %max3A_1316 = vector.broadcast %max3A_1315 : f32 to vector<16xf32>
      %max3A_1317 = arith.maximumf %sub3A_1314, %max3A_1316 : vector<16xf32>
      %add3A_1318 = arith.addf %add3A_1313, %max3A_1317 : vector<16xf32>
      %sub3A_1319 = arith.subf %get3A_391, %mul3A_1276 : vector<16xf32>
      %max3A_1320 = arith.constant 0.000000e+00 : f32
      %max3A_1321 = vector.broadcast %max3A_1320 : f32 to vector<16xf32>
      %max3A_1322 = arith.maximumf %sub3A_1319, %max3A_1321 : vector<16xf32>
      %add3A_1323 = arith.addf %add3A_1318, %max3A_1322 : vector<16xf32>
      %sub3A_1324 = arith.subf %get3A_393, %mul3A_1276 : vector<16xf32>
      %max3A_1325 = arith.constant 0.000000e+00 : f32
      %max3A_1326 = vector.broadcast %max3A_1325 : f32 to vector<16xf32>
      %max3A_1327 = arith.maximumf %sub3A_1324, %max3A_1326 : vector<16xf32>
      %add3A_1328 = arith.addf %add3A_1323, %max3A_1327 : vector<16xf32>
      %sub3A_1329 = arith.subf %get3A_395, %mul3A_1276 : vector<16xf32>
      %max3A_1330 = arith.constant 0.000000e+00 : f32
      %max3A_1331 = vector.broadcast %max3A_1330 : f32 to vector<16xf32>
      %max3A_1332 = arith.maximumf %sub3A_1329, %max3A_1331 : vector<16xf32>
      %add3A_1333 = arith.addf %add3A_1328, %max3A_1332 : vector<16xf32>
      %sub3A_1334 = arith.subf %get3A_397, %mul3A_1276 : vector<16xf32>
      %max3A_1335 = arith.constant 0.000000e+00 : f32
      %max3A_1336 = vector.broadcast %max3A_1335 : f32 to vector<16xf32>
      %max3A_1337 = arith.maximumf %sub3A_1334, %max3A_1336 : vector<16xf32>
      %add3A_1338 = arith.addf %add3A_1333, %max3A_1337 : vector<16xf32>
      %sub3A_1339 = arith.subf %get3A_399, %mul3A_1276 : vector<16xf32>
      %max3A_1340 = arith.constant 0.000000e+00 : f32
      %max3A_1341 = vector.broadcast %max3A_1340 : f32 to vector<16xf32>
      %max3A_1342 = arith.maximumf %sub3A_1339, %max3A_1341 : vector<16xf32>
      %add3A_1343 = arith.addf %add3A_1338, %max3A_1342 : vector<16xf32>
      %sub3A_1344 = arith.subf %get3A_401, %mul3A_1276 : vector<16xf32>
      %max3A_1345 = arith.constant 0.000000e+00 : f32
      %max3A_1346 = vector.broadcast %max3A_1345 : f32 to vector<16xf32>
      %max3A_1347 = arith.maximumf %sub3A_1344, %max3A_1346 : vector<16xf32>
      %add3A_1348 = arith.addf %add3A_1343, %max3A_1347 : vector<16xf32>
      %sub3A_1349 = arith.subf %get3A_403, %mul3A_1276 : vector<16xf32>
      %max3A_1350 = arith.constant 0.000000e+00 : f32
      %max3A_1351 = vector.broadcast %max3A_1350 : f32 to vector<16xf32>
      %max3A_1352 = arith.maximumf %sub3A_1349, %max3A_1351 : vector<16xf32>
      %add3A_1353 = arith.addf %add3A_1348, %max3A_1352 : vector<16xf32>
      %sub3A_1354 = arith.subf %get3A_405, %mul3A_1276 : vector<16xf32>
      %max3A_1355 = arith.constant 0.000000e+00 : f32
      %max3A_1356 = vector.broadcast %max3A_1355 : f32 to vector<16xf32>
      %max3A_1357 = arith.maximumf %sub3A_1354, %max3A_1356 : vector<16xf32>
      %add3A_1358 = arith.addf %add3A_1353, %max3A_1357 : vector<16xf32>
      %while3A_1359 = arith.constant 16 : i32
      %while3A_1360 = arith.subi %squeeze3A_374, %while3A_1359 : i32
      %while3A_1361 = arith.addi %while3A_1359, %while3A_1360 : i32
      %while3A_1362 = arith.constant 1 : i32
      %while3A_1363 = arith.divsi %while3A_1360, %while3A_1362 : i32
      %while3A_1364 = arith.muli %while3A_1363, %while3A_1362 : i32
      %while3A_1365 = arith.addi %while3A_1359, %while3A_1364 : i32
      %while3A_1366 = arith.constant 1 : i32
      %while3A_1367 = scf.for %while3A_1406 = %while3A_1359 to %while3A_1365 step %while3A_1366 iter_args(%while3A_1407 = %add3A_1358) -> (vector<16xf32>)  : i32 {
        %mul3A_1408 = arith.constant 16 : i32
        %mul3A_1409 = arith.muli %while3A_1406, %mul3A_1408 : i32
        %get3A_1410 = arith.index_cast %mul3A_1409 : i32 to index
        %get3A_1411 = tpu.vector_load %arg6[%get3A_1410] {strides = array<i32>} : memref<32784xf32, #tpu.memory_space<vmem>>, vector<16xf32>,
        %sub3A_1412 = arith.subf %get3A_1411, %mul3A_1276 : vector<16xf32>
        %max3A_1413 = arith.constant 0.000000e+00 : f32
        %max3A_1414 = vector.broadcast %max3A_1413 : f32 to vector<16xf32>
        %max3A_1415 = arith.maximumf %sub3A_1412, %max3A_1414 : vector<16xf32>
        %add3A_1416 = arith.addf %while3A_1407, %max3A_1415 : vector<16xf32>
        scf.yield %add3A_1416 : vector<16xf32>
      }
      %while3A_1368 = arith.constant 1 : i32
      %while3A_1369 = scf.for %while3A_1406 = %while3A_1365 to %while3A_1361 step %while3A_1368 iter_args(%while3A_1407 = %while3A_1367) -> (vector<16xf32>)  : i32 {
        %mul3A_1408 = arith.constant 16 : i32
        %mul3A_1409 = arith.muli %while3A_1406, %mul3A_1408 : i32
        %get3A_1410 = arith.index_cast %mul3A_1409 : i32 to index
        %get3A_1411 = tpu.vector_load %arg6[%get3A_1410] {strides = array<i32>} : memref<32784xf32, #tpu.memory_space<vmem>>, vector<16xf32>,
        %sub3A_1412 = arith.subf %get3A_1411, %mul3A_1276 : vector<16xf32>
        %max3A_1413 = arith.constant 0.000000e+00 : f32
        %max3A_1414 = vector.broadcast %max3A_1413 : f32 to vector<16xf32>
        %max3A_1415 = arith.maximumf %sub3A_1412, %max3A_1414 : vector<16xf32>
        %add3A_1416 = arith.addf %while3A_1407, %max3A_1415 : vector<16xf32>
        scf.yield %add3A_1416 : vector<16xf32>
      }
      %iota3A_1370 = tpu.iota {dimensions = array<i32: 0>} : vector<16xi32>
      %xor3A_1371 = arith.constant 8 : i32
      %xor3A_1372 = vector.broadcast %xor3A_1371 : i32 to vector<16xi32>
      %xor3A_1373 = arith.xori %iota3A_1370, %xor3A_1372 : vector<16xi32>
      %broadcast_in_dim3A_1374 = vector.shape_cast %xor3A_1373 : vector<16xi32> to vector<16x1xi32>
      %gather3A_1375 = vector.shape_cast %broadcast_in_dim3A_1374 : vector<16x1xi32> to vector<16xi32>
      %gather3A_1376 = tpu.dynamic_gather %while3A_1369[%gather3A_1375] in [0] : vector<16xf32>, vector<16xi32> -> vector<16xf32>
      %add3A_1377 = arith.addf %while3A_1369, %gather3A_1376 : vector<16xf32>
      %iota3A_1378 = tpu.iota {dimensions = array<i32: 0>} : vector<16xi32>
      %xor3A_1379 = arith.constant 4 : i32
      %xor3A_1380 = vector.broadcast %xor3A_1379 : i32 to vector<16xi32>
      %xor3A_1381 = arith.xori %iota3A_1378, %xor3A_1380 : vector<16xi32>
      %broadcast_in_dim3A_1382 = vector.shape_cast %xor3A_1381 : vector<16xi32> to vector<16x1xi32>
      %gather3A_1383 = vector.shape_cast %broadcast_in_dim3A_1382 : vector<16x1xi32> to vector<16xi32>
      %gather3A_1384 = tpu.dynamic_gather %add3A_1377[%gather3A_1383] in [0] : vector<16xf32>, vector<16xi32> -> vector<16xf32>
      %add3A_1385 = arith.addf %add3A_1377, %gather3A_1384 : vector<16xf32>
      %iota3A_1386 = tpu.iota {dimensions = array<i32: 0>} : vector<16xi32>
      %xor3A_1387 = arith.constant 2 : i32
      %xor3A_1388 = vector.broadcast %xor3A_1387 : i32 to vector<16xi32>
      %xor3A_1389 = arith.xori %iota3A_1386, %xor3A_1388 : vector<16xi32>
      %broadcast_in_dim3A_1390 = vector.shape_cast %xor3A_1389 : vector<16xi32> to vector<16x1xi32>
      %gather3A_1391 = vector.shape_cast %broadcast_in_dim3A_1390 : vector<16x1xi32> to vector<16xi32>
      %gather3A_1392 = tpu.dynamic_gather %add3A_1385[%gather3A_1391] in [0] : vector<16xf32>, vector<16xi32> -> vector<16xf32>
      %add3A_1393 = arith.addf %add3A_1385, %gather3A_1392 : vector<16xf32>
      %iota3A_1394 = tpu.iota {dimensions = array<i32: 0>} : vector<16xi32>
      %xor3A_1395 = arith.constant 1 : i32
      %xor3A_1396 = vector.broadcast %xor3A_1395 : i32 to vector<16xi32>
      %xor3A_1397 = arith.xori %iota3A_1394, %xor3A_1396 : vector<16xi32>
      %broadcast_in_dim3A_1398 = vector.shape_cast %xor3A_1397 : vector<16xi32> to vector<16x1xi32>
      %gather3A_1399 = vector.shape_cast %broadcast_in_dim3A_1398 : vector<16x1xi32> to vector<16xi32>
      %gather3A_1400 = tpu.dynamic_gather %add3A_1393[%gather3A_1399] in [0] : vector<16xf32>, vector<16xi32> -> vector<16xf32>
      %add3A_1401 = arith.addf %add3A_1393, %gather3A_1400 : vector<16xf32>
      %ge3A = arith.constant 1.000000e+00 : f32
      %ge3A_1402 = vector.broadcast %ge3A : f32 to vector<16xf32>
      %ge3A_1403 = arith.cmpf oge, %add3A_1401, %ge3A_1402 : vector<16xf32>
      %select_n3A_1404 = arith.select %ge3A_1403, %mul3A_1276, %scan3A_1271 : vector<16xi1>, vector<16xf32>
      %select_n3A_1405 = arith.select %ge3A_1403, %scan3A_1272, %mul3A_1276 : vector<16xi1>, vector<16xf32>
      scf.yield %select_n3A_1404, %select_n3A_1405 : vector<16xf32>, vector<16xf32>
    }
    %scan3A_410 = arith.constant 15 : i32
    %broadcast_in_dim3A_411 = arith.constant 0.000000e+00 : f32
    "tpu.trace_stop"() : () -> ()
    %broadcast_in_dim3A_412 = vector.broadcast %broadcast_in_dim3A_411 : f32 to vector<16xf32>
    %broadcast_in_dim3A_413 = arith.constant 0.000000e+00 : f32
    %broadcast_in_dim3A_414 = vector.broadcast %broadcast_in_dim3A_413 : f32 to vector<16xf32>
    %gt3A = arith.cmpf ogt, %get3A_375, %scan3A_409#0 : vector<16xf32>
    %jit3A_415 = arith.constant 0.000000e+00 : f32
    %broadcast_in_dim3A_416 = vector.broadcast %jit3A_415 : f32 to vector<16xf32>
    %select_n3A_417 = arith.select %gt3A, %get3A_375, %broadcast_in_dim3A_416 : vector<16xi1>, vector<16xf32>
    %add3A_418 = arith.addf %broadcast_in_dim3A_412, %select_n3A_417 : vector<16xf32>
    %convert_element_type3A = arith.extui %gt3A : vector<16xi1> to vector<16xi32>
    %convert_element_type3A_419 = arith.sitofp %convert_element_type3A : vector<16xi32> to vector<16xf32>
    %add3A_420 = arith.addf %broadcast_in_dim3A_414, %convert_element_type3A_419 : vector<16xf32>
    %gt3A_421 = arith.cmpf ogt, %get3A_377, %scan3A_409#0 : vector<16xf32>
    %jit3A_422 = arith.constant 0.000000e+00 : f32
    %broadcast_in_dim3A_423 = vector.broadcast %jit3A_422 : f32 to vector<16xf32>
    %select_n3A_424 = arith.select %gt3A_421, %get3A_377, %broadcast_in_dim3A_423 : vector<16xi1>, vector<16xf32>
    %add3A_425 = arith.addf %add3A_418, %select_n3A_424 : vector<16xf32>
    %convert_element_type3A_426 = arith.extui %gt3A_421 : vector<16xi1> to vector<16xi32>
    %convert_element_type3A_427 = arith.sitofp %convert_element_type3A_426 : vector<16xi32> to vector<16xf32>
    %add3A_428 = arith.addf %add3A_420, %convert_element_type3A_427 : vector<16xf32>
    %gt3A_429 = arith.cmpf ogt, %get3A_379, %scan3A_409#0 : vector<16xf32>
    %jit3A_430 = arith.constant 0.000000e+00 : f32
    %broadcast_in_dim3A_431 = vector.broadcast %jit3A_430 : f32 to vector<16xf32>
    %select_n3A_432 = arith.select %gt3A_429, %get3A_379, %broadcast_in_dim3A_431 : vector<16xi1>, vector<16xf32>
    %add3A_433 = arith.addf %add3A_425, %select_n3A_432 : vector<16xf32>
    %convert_element_type3A_434 = arith.extui %gt3A_429 : vector<16xi1> to vector<16xi32>
    %convert_element_type3A_435 = arith.sitofp %convert_element_type3A_434 : vector<16xi32> to vector<16xf32>
    %add3A_436 = arith.addf %add3A_428, %convert_element_type3A_435 : vector<16xf32>
    %gt3A_437 = arith.cmpf ogt, %get3A_381, %scan3A_409#0 : vector<16xf32>
    %jit3A_438 = arith.constant 0.000000e+00 : f32
    %broadcast_in_dim3A_439 = vector.broadcast %jit3A_438 : f32 to vector<16xf32>
    %select_n3A_440 = arith.select %gt3A_437, %get3A_381, %broadcast_in_dim3A_439 : vector<16xi1>, vector<16xf32>
    %add3A_441 = arith.addf %add3A_433, %select_n3A_440 : vector<16xf32>
    %convert_element_type3A_442 = arith.extui %gt3A_437 : vector<16xi1> to vector<16xi32>
    %convert_element_type3A_443 = arith.sitofp %convert_element_type3A_442 : vector<16xi32> to vector<16xf32>
    %add3A_444 = arith.addf %add3A_436, %convert_element_type3A_443 : vector<16xf32>
    %gt3A_445 = arith.cmpf ogt, %get3A_383, %scan3A_409#0 : vector<16xf32>
    %jit3A_446 = arith.constant 0.000000e+00 : f32
    %broadcast_in_dim3A_447 = vector.broadcast %jit3A_446 : f32 to vector<16xf32>
    %select_n3A_448 = arith.select %gt3A_445, %get3A_383, %broadcast_in_dim3A_447 : vector<16xi1>, vector<16xf32>
    %add3A_449 = arith.addf %add3A_441, %select_n3A_448 : vector<16xf32>
    %convert_element_type3A_450 = arith.extui %gt3A_445 : vector<16xi1> to vector<16xi32>
    %convert_element_type3A_451 = arith.sitofp %convert_element_type3A_450 : vector<16xi32> to vector<16xf32>
    %add3A_452 = arith.addf %add3A_444, %convert_element_type3A_451 : vector<16xf32>
    %gt3A_453 = arith.cmpf ogt, %get3A_385, %scan3A_409#0 : vector<16xf32>
    %jit3A_454 = arith.constant 0.000000e+00 : f32
    %broadcast_in_dim3A_455 = vector.broadcast %jit3A_454 : f32 to vector<16xf32>
    %select_n3A_456 = arith.select %gt3A_453, %get3A_385, %broadcast_in_dim3A_455 : vector<16xi1>, vector<16xf32>
    %add3A_457 = arith.addf %add3A_449, %select_n3A_456 : vector<16xf32>
    %convert_element_type3A_458 = arith.extui %gt3A_453 : vector<16xi1> to vector<16xi32>
    %convert_element_type3A_459 = arith.sitofp %convert_element_type3A_458 : vector<16xi32> to vector<16xf32>
    %add3A_460 = arith.addf %add3A_452, %convert_element_type3A_459 : vector<16xf32>
    %gt3A_461 = arith.cmpf ogt, %get3A_387, %scan3A_409#0 : vector<16xf32>
    %jit3A_462 = arith.constant 0.000000e+00 : f32
    %broadcast_in_dim3A_463 = vector.broadcast %jit3A_462 : f32 to vector<16xf32>
    %select_n3A_464 = arith.select %gt3A_461, %get3A_387, %broadcast_in_dim3A_463 : vector<16xi1>, vector<16xf32>
    %add3A_465 = arith.addf %add3A_457, %select_n3A_464 : vector<16xf32>
    %convert_element_type3A_466 = arith.extui %gt3A_461 : vector<16xi1> to vector<16xi32>
    %convert_element_type3A_467 = arith.sitofp %convert_element_type3A_466 : vector<16xi32> to vector<16xf32>
    %add3A_468 = arith.addf %add3A_460, %convert_element_type3A_467 : vector<16xf32>
    %gt3A_469 = arith.cmpf ogt, %get3A_389, %scan3A_409#0 : vector<16xf32>
    %jit3A_470 = arith.constant 0.000000e+00 : f32
    %broadcast_in_dim3A_471 = vector.broadcast %jit3A_470 : f32 to vector<16xf32>
    %select_n3A_472 = arith.select %gt3A_469, %get3A_389, %broadcast_in_dim3A_471 : vector<16xi1>, vector<16xf32>
    %add3A_473 = arith.addf %add3A_465, %select_n3A_472 : vector<16xf32>
    %convert_element_type3A_474 = arith.extui %gt3A_469 : vector<16xi1> to vector<16xi32>
    %convert_element_type3A_475 = arith.sitofp %convert_element_type3A_474 : vector<16xi32> to vector<16xf32>
    %add3A_476 = arith.addf %add3A_468, %convert_element_type3A_475 : vector<16xf32>
    %gt3A_477 = arith.cmpf ogt, %get3A_391, %scan3A_409#0 : vector<16xf32>
    %jit3A_478 = arith.constant 0.000000e+00 : f32
    %broadcast_in_dim3A_479 = vector.broadcast %jit3A_478 : f32 to vector<16xf32>
    %select_n3A_480 = arith.select %gt3A_477, %get3A_391, %broadcast_in_dim3A_479 : vector<16xi1>, vector<16xf32>
    %add3A_481 = arith.addf %add3A_473, %select_n3A_480 : vector<16xf32>
    %convert_element_type3A_482 = arith.extui %gt3A_477 : vector<16xi1> to vector<16xi32>
    %convert_element_type3A_483 = arith.sitofp %convert_element_type3A_482 : vector<16xi32> to vector<16xf32>
    %add3A_484 = arith.addf %add3A_476, %convert_element_type3A_483 : vector<16xf32>
    %gt3A_485 = arith.cmpf ogt, %get3A_393, %scan3A_409#0 : vector<16xf32>
    %jit3A_486 = arith.constant 0.000000e+00 : f32
    %broadcast_in_dim3A_487 = vector.broadcast %jit3A_486 : f32 to vector<16xf32>
    %select_n3A_488 = arith.select %gt3A_485, %get3A_393, %broadcast_in_dim3A_487 : vector<16xi1>, vector<16xf32>
    %add3A_489 = arith.addf %add3A_481, %select_n3A_488 : vector<16xf32>
    %convert_element_type3A_490 = arith.extui %gt3A_485 : vector<16xi1> to vector<16xi32>
    %convert_element_type3A_491 = arith.sitofp %convert_element_type3A_490 : vector<16xi32> to vector<16xf32>
    %add3A_492 = arith.addf %add3A_484, %convert_element_type3A_491 : vector<16xf32>
    %gt3A_493 = arith.cmpf ogt, %get3A_395, %scan3A_409#0 : vector<16xf32>
    %jit3A_494 = arith.constant 0.000000e+00 : f32
    %broadcast_in_dim3A_495 = vector.broadcast %jit3A_494 : f32 to vector<16xf32>
    %select_n3A_496 = arith.select %gt3A_493, %get3A_395, %broadcast_in_dim3A_495 : vector<16xi1>, vector<16xf32>
    %add3A_497 = arith.addf %add3A_489, %select_n3A_496 : vector<16xf32>
    %convert_element_type3A_498 = arith.extui %gt3A_493 : vector<16xi1> to vector<16xi32>
    %convert_element_type3A_499 = arith.sitofp %convert_element_type3A_498 : vector<16xi32> to vector<16xf32>
    %add3A_500 = arith.addf %add3A_492, %convert_element_type3A_499 : vector<16xf32>
    %gt3A_501 = arith.cmpf ogt, %get3A_397, %scan3A_409#0 : vector<16xf32>
    %jit3A_502 = arith.constant 0.000000e+00 : f32
    %broadcast_in_dim3A_503 = vector.broadcast %jit3A_502 : f32 to vector<16xf32>
    %select_n3A_504 = arith.select %gt3A_501, %get3A_397, %broadcast_in_dim3A_503 : vector<16xi1>, vector<16xf32>
    %add3A_505 = arith.addf %add3A_497, %select_n3A_504 : vector<16xf32>
    %convert_element_type3A_506 = arith.extui %gt3A_501 : vector<16xi1> to vector<16xi32>
    %convert_element_type3A_507 = arith.sitofp %convert_element_type3A_506 : vector<16xi32> to vector<16xf32>
    %add3A_508 = arith.addf %add3A_500, %convert_element_type3A_507 : vector<16xf32>
    %gt3A_509 = arith.cmpf ogt, %get3A_399, %scan3A_409#0 : vector<16xf32>
    %jit3A_510 = arith.constant 0.000000e+00 : f32
    %broadcast_in_dim3A_511 = vector.broadcast %jit3A_510 : f32 to vector<16xf32>
    %select_n3A_512 = arith.select %gt3A_509, %get3A_399, %broadcast_in_dim3A_511 : vector<16xi1>, vector<16xf32>
    %add3A_513 = arith.addf %add3A_505, %select_n3A_512 : vector<16xf32>
    %convert_element_type3A_514 = arith.extui %gt3A_509 : vector<16xi1> to vector<16xi32>
    %convert_element_type3A_515 = arith.sitofp %convert_element_type3A_514 : vector<16xi32> to vector<16xf32>
    %add3A_516 = arith.addf %add3A_508, %convert_element_type3A_515 : vector<16xf32>
    %gt3A_517 = arith.cmpf ogt, %get3A_401, %scan3A_409#0 : vector<16xf32>
    %jit3A_518 = arith.constant 0.000000e+00 : f32
    %broadcast_in_dim3A_519 = vector.broadcast %jit3A_518 : f32 to vector<16xf32>
    %select_n3A_520 = arith.select %gt3A_517, %get3A_401, %broadcast_in_dim3A_519 : vector<16xi1>, vector<16xf32>
    %add3A_521 = arith.addf %add3A_513, %select_n3A_520 : vector<16xf32>
    %convert_element_type3A_522 = arith.extui %gt3A_517 : vector<16xi1> to vector<16xi32>
    %convert_element_type3A_523 = arith.sitofp %convert_element_type3A_522 : vector<16xi32> to vector<16xf32>
    %add3A_524 = arith.addf %add3A_516, %convert_element_type3A_523 : vector<16xf32>
    %gt3A_525 = arith.cmpf ogt, %get3A_403, %scan3A_409#0 : vector<16xf32>
    %jit3A_526 = arith.constant 0.000000e+00 : f32
    %broadcast_in_dim3A_527 = vector.broadcast %jit3A_526 : f32 to vector<16xf32>
    %select_n3A_528 = arith.select %gt3A_525, %get3A_403, %broadcast_in_dim3A_527 : vector<16xi1>, vector<16xf32>
    %add3A_529 = arith.addf %add3A_521, %select_n3A_528 : vector<16xf32>
    %convert_element_type3A_530 = arith.extui %gt3A_525 : vector<16xi1> to vector<16xi32>
    %convert_element_type3A_531 = arith.sitofp %convert_element_type3A_530 : vector<16xi32> to vector<16xf32>
    %add3A_532 = arith.addf %add3A_524, %convert_element_type3A_531 : vector<16xf32>
    %gt3A_533 = arith.cmpf ogt, %get3A_405, %scan3A_409#0 : vector<16xf32>
    %jit3A_534 = arith.constant 0.000000e+00 : f32
    %broadcast_in_dim3A_535 = vector.broadcast %jit3A_534 : f32 to vector<16xf32>
    %select_n3A_536 = arith.select %gt3A_533, %get3A_405, %broadcast_in_dim3A_535 : vector<16xi1>, vector<16xf32>
    %add3A_537 = arith.addf %add3A_529, %select_n3A_536 : vector<16xf32>
    %convert_element_type3A_538 = arith.extui %gt3A_533 : vector<16xi1> to vector<16xi32>
    %convert_element_type3A_539 = arith.sitofp %convert_element_type3A_538 : vector<16xi32> to vector<16xf32>
    %add3A_540 = arith.addf %add3A_532, %convert_element_type3A_539 : vector<16xf32>
    %while3A_541 = arith.constant 16 : i32
    %while3A_542 = arith.subi %squeeze3A_374, %while3A_541 : i32
    %while3A_543 = arith.addi %while3A_541, %while3A_542 : i32
    %while3A_544 = arith.constant 1 : i32
    %while3A_545 = arith.divsi %while3A_542, %while3A_544 : i32
    %while3A_546 = arith.muli %while3A_545, %while3A_544 : i32
    %while3A_547 = arith.addi %while3A_541, %while3A_546 : i32
    %while3A_548 = arith.constant 1 : i32
    %while3A_549:2 = scf.for %while3A_1270 = %while3A_541 to %while3A_547 step %while3A_548 iter_args(%while3A_1271 = %add3A_537, %while3A_1272 = %add3A_540) -> (vector<16xf32>, vector<16xf32>)  : i32 {
      %mul3A_1273 = arith.constant 16 : i32
      %mul3A_1274 = arith.muli %while3A_1270, %mul3A_1273 : i32
      %get3A_1275 = arith.index_cast %mul3A_1274 : i32 to index
      %get3A_1276 = tpu.vector_load %arg6[%get3A_1275] {strides = array<i32>} : memref<32784xf32, #tpu.memory_space<vmem>>, vector<16xf32>,
      %gt3A_1277 = arith.cmpf ogt, %get3A_1276, %scan3A_409#0 : vector<16xf32>
      %jit3A_1278 = arith.constant 0.000000e+00 : f32
      %broadcast_in_dim3A_1279 = vector.broadcast %jit3A_1278 : f32 to vector<16xf32>
      %select_n3A_1280 = arith.select %gt3A_1277, %get3A_1276, %broadcast_in_dim3A_1279 : vector<16xi1>, vector<16xf32>
      %add3A_1281 = arith.addf %while3A_1271, %select_n3A_1280 : vector<16xf32>
      %convert_element_type3A_1282 = arith.extui %gt3A_1277 : vector<16xi1> to vector<16xi32>
      %convert_element_type3A_1283 = arith.sitofp %convert_element_type3A_1282 : vector<16xi32> to vector<16xf32>
      %add3A_1284 = arith.addf %while3A_1272, %convert_element_type3A_1283 : vector<16xf32>
      scf.yield %add3A_1281, %add3A_1284 : vector<16xf32>, vector<16xf32>
    }
    %while3A_550 = arith.constant 1 : i32
    %while3A_551:2 = scf.for %while3A_1270 = %while3A_547 to %while3A_543 step %while3A_550 iter_args(%while3A_1271 = %while3A_549#0, %while3A_1272 = %while3A_549#1) -> (vector<16xf32>, vector<16xf32>)  : i32 {
      %mul3A_1273 = arith.constant 16 : i32
      %mul3A_1274 = arith.muli %while3A_1270, %mul3A_1273 : i32
      %get3A_1275 = arith.index_cast %mul3A_1274 : i32 to index
      %get3A_1276 = tpu.vector_load %arg6[%get3A_1275] {strides = array<i32>} : memref<32784xf32, #tpu.memory_space<vmem>>, vector<16xf32>,
      %gt3A_1277 = arith.cmpf ogt, %get3A_1276, %scan3A_409#0 : vector<16xf32>
      %jit3A_1278 = arith.constant 0.000000e+00 : f32
      %broadcast_in_dim3A_1279 = vector.broadcast %jit3A_1278 : f32 to vector<16xf32>
      %select_n3A_1280 = arith.select %gt3A_1277, %get3A_1276, %broadcast_in_dim3A_1279 : vector<16xi1>, vector<16xf32>
      %add3A_1281 = arith.addf %while3A_1271, %select_n3A_1280 : vector<16xf32>
      %convert_element_type3A_1282 = arith.extui %gt3A_1277 : vector<16xi1> to vector<16xi32>
      %convert_element_type3A_1283 = arith.sitofp %convert_element_type3A_1282 : vector<16xi32> to vector<16xf32>
      %add3A_1284 = arith.addf %while3A_1272, %convert_element_type3A_1283 : vector<16xf32>
      scf.yield %add3A_1281, %add3A_1284 : vector<16xf32>, vector<16xf32>
    }
    %iota3A_552 = tpu.iota {dimensions = array<i32: 0>} : vector<16xi32>
    %xor3A_553 = arith.constant 8 : i32
    %xor3A_554 = vector.broadcast %xor3A_553 : i32 to vector<16xi32>
    %xor3A_555 = arith.xori %iota3A_552, %xor3A_554 : vector<16xi32>
    %broadcast_in_dim3A_556 = vector.shape_cast %xor3A_555 : vector<16xi32> to vector<16x1xi32>
    %gather3A_557 = vector.shape_cast %broadcast_in_dim3A_556 : vector<16x1xi32> to vector<16xi32>
    %gather3A_558 = tpu.dynamic_gather %while3A_551#0[%gather3A_557] in [0] : vector<16xf32>, vector<16xi32> -> vector<16xf32>
    %add3A_559 = arith.addf %while3A_551#0, %gather3A_558 : vector<16xf32>
    %iota3A_560 = tpu.iota {dimensions = array<i32: 0>} : vector<16xi32>
    %xor3A_561 = arith.constant 4 : i32
    %xor3A_562 = vector.broadcast %xor3A_561 : i32 to vector<16xi32>
    %xor3A_563 = arith.xori %iota3A_560, %xor3A_562 : vector<16xi32>
    %broadcast_in_dim3A_564 = vector.shape_cast %xor3A_563 : vector<16xi32> to vector<16x1xi32>
    %gather3A_565 = vector.shape_cast %broadcast_in_dim3A_564 : vector<16x1xi32> to vector<16xi32>
    %gather3A_566 = tpu.dynamic_gather %add3A_559[%gather3A_565] in [0] : vector<16xf32>, vector<16xi32> -> vector<16xf32>
    %add3A_567 = arith.addf %add3A_559, %gather3A_566 : vector<16xf32>
    %iota3A_568 = tpu.iota {dimensions = array<i32: 0>} : vector<16xi32>
    %xor3A_569 = arith.constant 2 : i32
    %xor3A_570 = vector.broadcast %xor3A_569 : i32 to vector<16xi32>
    %xor3A_571 = arith.xori %iota3A_568, %xor3A_570 : vector<16xi32>
    %broadcast_in_dim3A_572 = vector.shape_cast %xor3A_571 : vector<16xi32> to vector<16x1xi32>
    %gather3A_573 = vector.shape_cast %broadcast_in_dim3A_572 : vector<16x1xi32> to vector<16xi32>
    %gather3A_574 = tpu.dynamic_gather %add3A_567[%gather3A_573] in [0] : vector<16xf32>, vector<16xi32> -> vector<16xf32>
    %add3A_575 = arith.addf %add3A_567, %gather3A_574 : vector<16xf32>
    %iota3A_576 = tpu.iota {dimensions = array<i32: 0>} : vector<16xi32>
    %xor3A_577 = arith.constant 1 : i32
    %xor3A_578 = vector.broadcast %xor3A_577 : i32 to vector<16xi32>
    %xor3A_579 = arith.xori %iota3A_576, %xor3A_578 : vector<16xi32>
    %broadcast_in_dim3A_580 = vector.shape_cast %xor3A_579 : vector<16xi32> to vector<16x1xi32>
    %gather3A_581 = vector.shape_cast %broadcast_in_dim3A_580 : vector<16x1xi32> to vector<16xi32>
    %gather3A_582 = tpu.dynamic_gather %add3A_575[%gather3A_581] in [0] : vector<16xf32>, vector<16xi32> -> vector<16xf32>
    %add3A_583 = arith.addf %add3A_575, %gather3A_582 : vector<16xf32>
    %sub3A_584 = arith.constant 1.000000e+00 : f32
    %sub3A_585 = vector.broadcast %sub3A_584 : f32 to vector<16xf32>
    %sub3A_586 = arith.subf %add3A_583, %sub3A_585 : vector<16xf32>
    %iota3A_587 = tpu.iota {dimensions = array<i32: 0>} : vector<16xi32>
    %xor3A_588 = arith.constant 8 : i32
    %xor3A_589 = vector.broadcast %xor3A_588 : i32 to vector<16xi32>
    %xor3A_590 = arith.xori %iota3A_587, %xor3A_589 : vector<16xi32>
    %broadcast_in_dim3A_591 = vector.shape_cast %xor3A_590 : vector<16xi32> to vector<16x1xi32>
    %gather3A_592 = vector.shape_cast %broadcast_in_dim3A_591 : vector<16x1xi32> to vector<16xi32>
    %gather3A_593 = tpu.dynamic_gather %while3A_551#1[%gather3A_592] in [0] : vector<16xf32>, vector<16xi32> -> vector<16xf32>
    %add3A_594 = arith.addf %while3A_551#1, %gather3A_593 : vector<16xf32>
    %iota3A_595 = tpu.iota {dimensions = array<i32: 0>} : vector<16xi32>
    %xor3A_596 = arith.constant 4 : i32
    %xor3A_597 = vector.broadcast %xor3A_596 : i32 to vector<16xi32>
    %xor3A_598 = arith.xori %iota3A_595, %xor3A_597 : vector<16xi32>
    %broadcast_in_dim3A_599 = vector.shape_cast %xor3A_598 : vector<16xi32> to vector<16x1xi32>
    %gather3A_600 = vector.shape_cast %broadcast_in_dim3A_599 : vector<16x1xi32> to vector<16xi32>
    %gather3A_601 = tpu.dynamic_gather %add3A_594[%gather3A_600] in [0] : vector<16xf32>, vector<16xi32> -> vector<16xf32>
    %add3A_602 = arith.addf %add3A_594, %gather3A_601 : vector<16xf32>
    %iota3A_603 = tpu.iota {dimensions = array<i32: 0>} : vector<16xi32>
    %xor3A_604 = arith.constant 2 : i32
    %xor3A_605 = vector.broadcast %xor3A_604 : i32 to vector<16xi32>
    %xor3A_606 = arith.xori %iota3A_603, %xor3A_605 : vector<16xi32>
    %broadcast_in_dim3A_607 = vector.shape_cast %xor3A_606 : vector<16xi32> to vector<16x1xi32>
    %gather3A_608 = vector.shape_cast %broadcast_in_dim3A_607 : vector<16x1xi32> to vector<16xi32>
    %gather3A_609 = tpu.dynamic_gather %add3A_602[%gather3A_608] in [0] : vector<16xf32>, vector<16xi32> -> vector<16xf32>
    %add3A_610 = arith.addf %add3A_602, %gather3A_609 : vector<16xf32>
    %iota3A_611 = tpu.iota {dimensions = array<i32: 0>} : vector<16xi32>
    %xor3A_612 = arith.constant 1 : i32
    %xor3A_613 = vector.broadcast %xor3A_612 : i32 to vector<16xi32>
    %xor3A_614 = arith.xori %iota3A_611, %xor3A_613 : vector<16xi32>
    %broadcast_in_dim3A_615 = vector.shape_cast %xor3A_614 : vector<16xi32> to vector<16x1xi32>
    %gather3A_616 = vector.shape_cast %broadcast_in_dim3A_615 : vector<16x1xi32> to vector<16xi32>
    %gather3A_617 = tpu.dynamic_gather %add3A_610[%gather3A_616] in [0] : vector<16xf32>, vector<16xi32> -> vector<16xf32>
    %add3A_618 = arith.addf %add3A_610, %gather3A_617 : vector<16xf32>
    %div3A_619 = arith.divf %sub3A_586, %add3A_618 : vector<16xf32>
    %parallel_loop3A_620 = arith.constant 0 : i32
    %parallel_loop3A_621 = arith.constant 2048 : i32
    %parallel_loop3A_622 = arith.constant 8 : i32
    "tpu.trace_stop"() : () -> ()
    "tpu.trace_start"() <{level = 10 : i32, message = "out0"}> : () -> ()
    scf.for %parallel_loop3A_1270 = %parallel_loop3A_620 to %parallel_loop3A_621 step %parallel_loop3A_622  : i32 {
      %parallel_loop3A_1271 = arith.constant 0 : i32
      %parallel_loop3A_1272 = arith.addi %parallel_loop3A_1270, %parallel_loop3A_1271 : i32
      %parallel_loop3A_1273 = arith.constant 16 : i32
      %parallel_loop3A_1274 = arith.muli %parallel_loop3A_1272, %parallel_loop3A_1273 : i32
      %parallel_loop3A_1275 = arith.index_cast %parallel_loop3A_1274 : i32 to index
      %parallel_loop3A_1276 = tpu.vector_load %arg4[%parallel_loop3A_1275] {strides = array<i32>} : memref<32768xf32, #tpu.memory_space<vmem>>, vector<16xf32>,
      %parallel_loop3A_1277 = arith.subf %parallel_loop3A_1276, %div3A_619 : vector<16xf32>
      %parallel_loop3A_1278 = arith.constant 0.000000e+00 : f32
      %parallel_loop3A_1279 = vector.broadcast %parallel_loop3A_1278 : f32 to vector<16xf32>
      %parallel_loop3A_1280 = arith.maximumf %parallel_loop3A_1277, %parallel_loop3A_1279 : vector<16xf32>
      %parallel_loop3A_1281 = arith.constant 0 : i32
      %parallel_loop3A_1282 = arith.addi %parallel_loop3A_1270, %parallel_loop3A_1281 : i32
      %parallel_loop3A_1283 = arith.constant 16 : i32
      %parallel_loop3A_1284 = arith.muli %parallel_loop3A_1282, %parallel_loop3A_1283 : i32
      %parallel_loop3A_1285 = arith.index_cast %parallel_loop3A_1284 : i32 to index
      %parallel_loop3A_1286 = tpu.vector_load %arg4[%parallel_loop3A_1285] {strides = array<i32>} : memref<32768xf32, #tpu.memory_space<vmem>>, vector<16xf32>,
      tpu.vector_store %arg4[%parallel_loop3A_1285], %parallel_loop3A_1280 {strides = array<i32>} : memref<32768xf32, #tpu.memory_space<vmem>>, vector<16xf32>,
      %parallel_loop3A_1287 = arith.constant 1 : i32
      %parallel_loop3A_1288 = arith.addi %parallel_loop3A_1270, %parallel_loop3A_1287 : i32
      %parallel_loop3A_1289 = arith.constant 16 : i32
      %parallel_loop3A_1290 = arith.muli %parallel_loop3A_1288, %parallel_loop3A_1289 : i32
      %parallel_loop3A_1291 = arith.index_cast %parallel_loop3A_1290 : i32 to index
      %parallel_loop3A_1292 = tpu.vector_load %arg4[%parallel_loop3A_1291] {strides = array<i32>} : memref<32768xf32, #tpu.memory_space<vmem>>, vector<16xf32>,
      %parallel_loop3A_1293 = arith.subf %parallel_loop3A_1292, %div3A_619 : vector<16xf32>
      %parallel_loop3A_1294 = arith.constant 0.000000e+00 : f32
      %parallel_loop3A_1295 = vector.broadcast %parallel_loop3A_1294 : f32 to vector<16xf32>
      %parallel_loop3A_1296 = arith.maximumf %parallel_loop3A_1293, %parallel_loop3A_1295 : vector<16xf32>
      %parallel_loop3A_1297 = arith.constant 1 : i32
      %parallel_loop3A_1298 = arith.addi %parallel_loop3A_1270, %parallel_loop3A_1297 : i32
      %parallel_loop3A_1299 = arith.constant 16 : i32
      %parallel_loop3A_1300 = arith.muli %parallel_loop3A_1298, %parallel_loop3A_1299 : i32
      %parallel_loop3A_1301 = arith.index_cast %parallel_loop3A_1300 : i32 to index
      %parallel_loop3A_1302 = tpu.vector_load %arg4[%parallel_loop3A_1301] {strides = array<i32>} : memref<32768xf32, #tpu.memory_space<vmem>>, vector<16xf32>,
      tpu.vector_store %arg4[%parallel_loop3A_1301], %parallel_loop3A_1296 {strides = array<i32>} : memref<32768xf32, #tpu.memory_space<vmem>>, vector<16xf32>,
      %parallel_loop3A_1303 = arith.constant 2 : i32
      %parallel_loop3A_1304 = arith.addi %parallel_loop3A_1270, %parallel_loop3A_1303 : i32
      %parallel_loop3A_1305 = arith.constant 16 : i32
      %parallel_loop3A_1306 = arith.muli %parallel_loop3A_1304, %parallel_loop3A_1305 : i32
      %parallel_loop3A_1307 = arith.index_cast %parallel_loop3A_1306 : i32 to index
      %parallel_loop3A_1308 = tpu.vector_load %arg4[%parallel_loop3A_1307] {strides = array<i32>} : memref<32768xf32, #tpu.memory_space<vmem>>, vector<16xf32>,
      %parallel_loop3A_1309 = arith.subf %parallel_loop3A_1308, %div3A_619 : vector<16xf32>
      %parallel_loop3A_1310 = arith.constant 0.000000e+00 : f32
      %parallel_loop3A_1311 = vector.broadcast %parallel_loop3A_1310 : f32 to vector<16xf32>
      %parallel_loop3A_1312 = arith.maximumf %parallel_loop3A_1309, %parallel_loop3A_1311 : vector<16xf32>
      %parallel_loop3A_1313 = arith.constant 2 : i32
      %parallel_loop3A_1314 = arith.addi %parallel_loop3A_1270, %parallel_loop3A_1313 : i32
      %parallel_loop3A_1315 = arith.constant 16 : i32
      %parallel_loop3A_1316 = arith.muli %parallel_loop3A_1314, %parallel_loop3A_1315 : i32
      %parallel_loop3A_1317 = arith.index_cast %parallel_loop3A_1316 : i32 to index
      %parallel_loop3A_1318 = tpu.vector_load %arg4[%parallel_loop3A_1317] {strides = array<i32>} : memref<32768xf32, #tpu.memory_space<vmem>>, vector<16xf32>,
      tpu.vector_store %arg4[%parallel_loop3A_1317], %parallel_loop3A_1312 {strides = array<i32>} : memref<32768xf32, #tpu.memory_space<vmem>>, vector<16xf32>,
      %parallel_loop3A_1319 = arith.constant 3 : i32
      %parallel_loop3A_1320 = arith.addi %parallel_loop3A_1270, %parallel_loop3A_1319 : i32
      %parallel_loop3A_1321 = arith.constant 16 : i32
      %parallel_loop3A_1322 = arith.muli %parallel_loop3A_1320, %parallel_loop3A_1321 : i32
      %parallel_loop3A_1323 = arith.index_cast %parallel_loop3A_1322 : i32 to index
      %parallel_loop3A_1324 = tpu.vector_load %arg4[%parallel_loop3A_1323] {strides = array<i32>} : memref<32768xf32, #tpu.memory_space<vmem>>, vector<16xf32>,
      %parallel_loop3A_1325 = arith.subf %parallel_loop3A_1324, %div3A_619 : vector<16xf32>
      %parallel_loop3A_1326 = arith.constant 0.000000e+00 : f32
      %parallel_loop3A_1327 = vector.broadcast %parallel_loop3A_1326 : f32 to vector<16xf32>
      %parallel_loop3A_1328 = arith.maximumf %parallel_loop3A_1325, %parallel_loop3A_1327 : vector<16xf32>
      %parallel_loop3A_1329 = arith.constant 3 : i32
      %parallel_loop3A_1330 = arith.addi %parallel_loop3A_1270, %parallel_loop3A_1329 : i32
      %parallel_loop3A_1331 = arith.constant 16 : i32
      %parallel_loop3A_1332 = arith.muli %parallel_loop3A_1330, %parallel_loop3A_1331 : i32
      %parallel_loop3A_1333 = arith.index_cast %parallel_loop3A_1332 : i32 to index
      %parallel_loop3A_1334 = tpu.vector_load %arg4[%parallel_loop3A_1333] {strides = array<i32>} : memref<32768xf32, #tpu.memory_space<vmem>>, vector<16xf32>,
      tpu.vector_store %arg4[%parallel_loop3A_1333], %parallel_loop3A_1328 {strides = array<i32>} : memref<32768xf32, #tpu.memory_space<vmem>>, vector<16xf32>,
      %parallel_loop3A_1335 = arith.constant 4 : i32
      %parallel_loop3A_1336 = arith.addi %parallel_loop3A_1270, %parallel_loop3A_1335 : i32
      %parallel_loop3A_1337 = arith.constant 16 : i32
      %parallel_loop3A_1338 = arith.muli %parallel_loop3A_1336, %parallel_loop3A_1337 : i32
      %parallel_loop3A_1339 = arith.index_cast %parallel_loop3A_1338 : i32 to index
      %parallel_loop3A_1340 = tpu.vector_load %arg4[%parallel_loop3A_1339] {strides = array<i32>} : memref<32768xf32, #tpu.memory_space<vmem>>, vector<16xf32>,
      %parallel_loop3A_1341 = arith.subf %parallel_loop3A_1340, %div3A_619 : vector<16xf32>
      %parallel_loop3A_1342 = arith.constant 0.000000e+00 : f32
      %parallel_loop3A_1343 = vector.broadcast %parallel_loop3A_1342 : f32 to vector<16xf32>
      %parallel_loop3A_1344 = arith.maximumf %parallel_loop3A_1341, %parallel_loop3A_1343 : vector<16xf32>
      %parallel_loop3A_1345 = arith.constant 4 : i32
      %parallel_loop3A_1346 = arith.addi %parallel_loop3A_1270, %parallel_loop3A_1345 : i32
      %parallel_loop3A_1347 = arith.constant 16 : i32
      %parallel_loop3A_1348 = arith.muli %parallel_loop3A_1346, %parallel_loop3A_1347 : i32
      %parallel_loop3A_1349 = arith.index_cast %parallel_loop3A_1348 : i32 to index
      %parallel_loop3A_1350 = tpu.vector_load %arg4[%parallel_loop3A_1349] {strides = array<i32>} : memref<32768xf32, #tpu.memory_space<vmem>>, vector<16xf32>,
      tpu.vector_store %arg4[%parallel_loop3A_1349], %parallel_loop3A_1344 {strides = array<i32>} : memref<32768xf32, #tpu.memory_space<vmem>>, vector<16xf32>,
      %parallel_loop3A_1351 = arith.constant 5 : i32
      %parallel_loop3A_1352 = arith.addi %parallel_loop3A_1270, %parallel_loop3A_1351 : i32
      %parallel_loop3A_1353 = arith.constant 16 : i32
      %parallel_loop3A_1354 = arith.muli %parallel_loop3A_1352, %parallel_loop3A_1353 : i32
      %parallel_loop3A_1355 = arith.index_cast %parallel_loop3A_1354 : i32 to index
      %parallel_loop3A_1356 = tpu.vector_load %arg4[%parallel_loop3A_1355] {strides = array<i32>} : memref<32768xf32, #tpu.memory_space<vmem>>, vector<16xf32>,
      %parallel_loop3A_1357 = arith.subf %parallel_loop3A_1356, %div3A_619 : vector<16xf32>
      %parallel_loop3A_1358 = arith.constant 0.000000e+00 : f32
      %parallel_loop3A_1359 = vector.broadcast %parallel_loop3A_1358 : f32 to vector<16xf32>
      %parallel_loop3A_1360 = arith.maximumf %parallel_loop3A_1357, %parallel_loop3A_1359 : vector<16xf32>
      %parallel_loop3A_1361 = arith.constant 5 : i32
      %parallel_loop3A_1362 = arith.addi %parallel_loop3A_1270, %parallel_loop3A_1361 : i32
      %parallel_loop3A_1363 = arith.constant 16 : i32
      %parallel_loop3A_1364 = arith.muli %parallel_loop3A_1362, %parallel_loop3A_1363 : i32
      %parallel_loop3A_1365 = arith.index_cast %parallel_loop3A_1364 : i32 to index
      %parallel_loop3A_1366 = tpu.vector_load %arg4[%parallel_loop3A_1365] {strides = array<i32>} : memref<32768xf32, #tpu.memory_space<vmem>>, vector<16xf32>,
      tpu.vector_store %arg4[%parallel_loop3A_1365], %parallel_loop3A_1360 {strides = array<i32>} : memref<32768xf32, #tpu.memory_space<vmem>>, vector<16xf32>,
      %parallel_loop3A_1367 = arith.constant 6 : i32
      %parallel_loop3A_1368 = arith.addi %parallel_loop3A_1270, %parallel_loop3A_1367 : i32
      %parallel_loop3A_1369 = arith.constant 16 : i32
      %parallel_loop3A_1370 = arith.muli %parallel_loop3A_1368, %parallel_loop3A_1369 : i32
      %parallel_loop3A_1371 = arith.index_cast %parallel_loop3A_1370 : i32 to index
      %parallel_loop3A_1372 = tpu.vector_load %arg4[%parallel_loop3A_1371] {strides = array<i32>} : memref<32768xf32, #tpu.memory_space<vmem>>, vector<16xf32>,
      %parallel_loop3A_1373 = arith.subf %parallel_loop3A_1372, %div3A_619 : vector<16xf32>
      %parallel_loop3A_1374 = arith.constant 0.000000e+00 : f32
      %parallel_loop3A_1375 = vector.broadcast %parallel_loop3A_1374 : f32 to vector<16xf32>
      %parallel_loop3A_1376 = arith.maximumf %parallel_loop3A_1373, %parallel_loop3A_1375 : vector<16xf32>
      %parallel_loop3A_1377 = arith.constant 6 : i32
      %parallel_loop3A_1378 = arith.addi %parallel_loop3A_1270, %parallel_loop3A_1377 : i32
      %parallel_loop3A_1379 = arith.constant 16 : i32
      %parallel_loop3A_1380 = arith.muli %parallel_loop3A_1378, %parallel_loop3A_1379 : i32
      %parallel_loop3A_1381 = arith.index_cast %parallel_loop3A_1380 : i32 to index
      %parallel_loop3A_1382 = tpu.vector_load %arg4[%parallel_loop3A_1381] {strides = array<i32>} : memref<32768xf32, #tpu.memory_space<vmem>>, vector<16xf32>,
      tpu.vector_store %arg4[%parallel_loop3A_1381], %parallel_loop3A_1376 {strides = array<i32>} : memref<32768xf32, #tpu.memory_space<vmem>>, vector<16xf32>,
      %parallel_loop3A_1383 = arith.constant 7 : i32
      %parallel_loop3A_1384 = arith.addi %parallel_loop3A_1270, %parallel_loop3A_1383 : i32
      %parallel_loop3A_1385 = arith.constant 16 : i32
      %parallel_loop3A_1386 = arith.muli %parallel_loop3A_1384, %parallel_loop3A_1385 : i32
      %parallel_loop3A_1387 = arith.index_cast %parallel_loop3A_1386 : i32 to index
      %parallel_loop3A_1388 = tpu.vector_load %arg4[%parallel_loop3A_1387] {strides = array<i32>} : memref<32768xf32, #tpu.memory_space<vmem>>, vector<16xf32>,
      %parallel_loop3A_1389 = arith.subf %parallel_loop3A_1388, %div3A_619 : vector<16xf32>
      %parallel_loop3A_1390 = arith.constant 0.000000e+00 : f32
      %parallel_loop3A_1391 = vector.broadcast %parallel_loop3A_1390 : f32 to vector<16xf32>
      %parallel_loop3A_1392 = arith.maximumf %parallel_loop3A_1389, %parallel_loop3A_1391 : vector<16xf32>
      %parallel_loop3A_1393 = arith.constant 7 : i32
      %parallel_loop3A_1394 = arith.addi %parallel_loop3A_1270, %parallel_loop3A_1393 : i32
      %parallel_loop3A_1395 = arith.constant 16 : i32
      %parallel_loop3A_1396 = arith.muli %parallel_loop3A_1394, %parallel_loop3A_1395 : i32
      %parallel_loop3A_1397 = arith.index_cast %parallel_loop3A_1396 : i32 to index
      %parallel_loop3A_1398 = tpu.vector_load %arg4[%parallel_loop3A_1397] {strides = array<i32>} : memref<32768xf32, #tpu.memory_space<vmem>>, vector<16xf32>,
      tpu.vector_store %arg4[%parallel_loop3A_1397], %parallel_loop3A_1392 {strides = array<i32>} : memref<32768xf32, #tpu.memory_space<vmem>>, vector<16xf32>,
    } {sc.loop_unroll_factor = 2 : i64, sc.parallel_access}
    "tpu.trace_stop"() : () -> ()
    %dma_start3A_623 = arith.constant 0 : i32
    %dma_start3A_624 = tpu.memref_slice %arg3[%mul3A_2, %dma_start3A_623] : memref<64x32768xf32, #tpu.memory_space<hbm>> -> memref<1x32768xf32, #tpu.memory_space<hbm>>
    %dma_start3A_625 = tpu.memref_squeeze %dma_start3A_624 : memref<1x32768xf32, #tpu.memory_space<hbm>> -> memref<32768xf32, #tpu.memory_space<hbm>>
    %dma_start3A_626 = arith.constant 0 : i32
    %dma_start3A_627 = tpu.memref_slice %arg3[%mul3A_2, %dma_start3A_626] : memref<64x32768xf32, #tpu.memory_space<hbm>> -> memref<1x32768xf32, #tpu.memory_space<hbm>>
    %dma_start3A_628 = tpu.memref_squeeze %dma_start3A_627 : memref<1x32768xf32, #tpu.memory_space<hbm>> -> memref<32768xf32, #tpu.memory_space<hbm>>
    tpu.enqueue_dma source(%arg4 : memref<32768xf32, #tpu.memory_space<vmem>>) target(%dma_start3A_628 : memref<32768xf32, #tpu.memory_space<hbm>>) target_semaphore(%arg16 : memref<!tpu.dma_semaphore, #tpu.memory_space<semaphore_mem>>)
    "tpu.trace_start"() <{level = 10 : i32, message = "wait_i1"}> : () -> ()
    %dma_wait3A_629 = arith.constant 0 : i32
    %dma_wait3A_630 = tpu.memref_slice %arg2[%add3A_4, %dma_wait3A_629] : memref<64x32768xf32, #tpu.memory_space<hbm>> -> memref<1x32768xf32, #tpu.memory_space<hbm>>
    %dma_wait3A_631 = tpu.memref_squeeze %dma_wait3A_630 : memref<1x32768xf32, #tpu.memory_space<hbm>> -> memref<32768xf32, #tpu.memory_space<hbm>>
    %dma_wait3A_632 = arith.constant 0 : i32
    %dma_wait3A_633 = tpu.memref_slice %arg2[%add3A_4, %dma_wait3A_632] : memref<64x32768xf32, #tpu.memory_space<hbm>> -> memref<1x32768xf32, #tpu.memory_space<hbm>>
    %dma_wait3A_634 = tpu.memref_squeeze %dma_wait3A_633 : memref<1x32768xf32, #tpu.memory_space<hbm>> -> memref<32768xf32, #tpu.memory_space<hbm>>
    tpu.wait_dma2 semaphore(%arg15 : memref<!tpu.dma_semaphore, #tpu.memory_space<semaphore_mem>>) src(%dma_wait3A_634 : memref<32768xf32, #tpu.memory_space<hbm>>) dst(%arg5 : memref<32768xf32, #tpu.memory_space<vmem>>)
    %broadcast_in_dim3A_635 = arith.constant -3.400000e+38 : f32
    "tpu.trace_stop"() : () -> ()
    "tpu.trace_start"() <{level = 10 : i32, message = "max1"}> : () -> ()
    %broadcast_in_dim3A_636 = vector.broadcast %broadcast_in_dim3A_635 : f32 to vector<16xf32>
    %parallel_loop3A_637 = arith.constant 0 : i32
    %parallel_loop3A_638 = arith.constant 2048 : i32
    %parallel_loop3A_639 = arith.constant 8 : i32
    %parallel_loop3A_640 = scf.for %parallel_loop3A_1270 = %parallel_loop3A_637 to %parallel_loop3A_638 step %parallel_loop3A_639 iter_args(%parallel_loop3A_1271 = %broadcast_in_dim3A_636) -> (vector<16xf32>)  : i32 {
      %parallel_loop3A_1272 = arith.constant 0 : i32
      %parallel_loop3A_1273 = arith.addi %parallel_loop3A_1270, %parallel_loop3A_1272 : i32
      %parallel_loop3A_1274 = arith.constant 16 : i32
      %parallel_loop3A_1275 = arith.muli %parallel_loop3A_1273, %parallel_loop3A_1274 : i32
      %parallel_loop3A_1276 = arith.index_cast %parallel_loop3A_1275 : i32 to index
      %parallel_loop3A_1277 = tpu.vector_load %arg5[%parallel_loop3A_1276] {strides = array<i32>} : memref<32768xf32, #tpu.memory_space<vmem>>, vector<16xf32>,
      %parallel_loop3A_1278 = arith.constant 1 : i32
      %parallel_loop3A_1279 = arith.addi %parallel_loop3A_1270, %parallel_loop3A_1278 : i32
      %parallel_loop3A_1280 = arith.constant 16 : i32
      %parallel_loop3A_1281 = arith.muli %parallel_loop3A_1279, %parallel_loop3A_1280 : i32
      %parallel_loop3A_1282 = arith.index_cast %parallel_loop3A_1281 : i32 to index
      %parallel_loop3A_1283 = tpu.vector_load %arg5[%parallel_loop3A_1282] {strides = array<i32>} : memref<32768xf32, #tpu.memory_space<vmem>>, vector<16xf32>,
      %parallel_loop3A_1284 = arith.constant 2 : i32
      %parallel_loop3A_1285 = arith.addi %parallel_loop3A_1270, %parallel_loop3A_1284 : i32
      %parallel_loop3A_1286 = arith.constant 16 : i32
      %parallel_loop3A_1287 = arith.muli %parallel_loop3A_1285, %parallel_loop3A_1286 : i32
      %parallel_loop3A_1288 = arith.index_cast %parallel_loop3A_1287 : i32 to index
      %parallel_loop3A_1289 = tpu.vector_load %arg5[%parallel_loop3A_1288] {strides = array<i32>} : memref<32768xf32, #tpu.memory_space<vmem>>, vector<16xf32>,
      %parallel_loop3A_1290 = arith.constant 3 : i32
      %parallel_loop3A_1291 = arith.addi %parallel_loop3A_1270, %parallel_loop3A_1290 : i32
      %parallel_loop3A_1292 = arith.constant 16 : i32
      %parallel_loop3A_1293 = arith.muli %parallel_loop3A_1291, %parallel_loop3A_1292 : i32
      %parallel_loop3A_1294 = arith.index_cast %parallel_loop3A_1293 : i32 to index
      %parallel_loop3A_1295 = tpu.vector_load %arg5[%parallel_loop3A_1294] {strides = array<i32>} : memref<32768xf32, #tpu.memory_space<vmem>>, vector<16xf32>,
      %parallel_loop3A_1296 = arith.constant 4 : i32
      %parallel_loop3A_1297 = arith.addi %parallel_loop3A_1270, %parallel_loop3A_1296 : i32
      %parallel_loop3A_1298 = arith.constant 16 : i32
      %parallel_loop3A_1299 = arith.muli %parallel_loop3A_1297, %parallel_loop3A_1298 : i32
      %parallel_loop3A_1300 = arith.index_cast %parallel_loop3A_1299 : i32 to index
      %parallel_loop3A_1301 = tpu.vector_load %arg5[%parallel_loop3A_1300] {strides = array<i32>} : memref<32768xf32, #tpu.memory_space<vmem>>, vector<16xf32>,
      %parallel_loop3A_1302 = arith.constant 5 : i32
      %parallel_loop3A_1303 = arith.addi %parallel_loop3A_1270, %parallel_loop3A_1302 : i32
      %parallel_loop3A_1304 = arith.constant 16 : i32
      %parallel_loop3A_1305 = arith.muli %parallel_loop3A_1303, %parallel_loop3A_1304 : i32
      %parallel_loop3A_1306 = arith.index_cast %parallel_loop3A_1305 : i32 to index
      %parallel_loop3A_1307 = tpu.vector_load %arg5[%parallel_loop3A_1306] {strides = array<i32>} : memref<32768xf32, #tpu.memory_space<vmem>>, vector<16xf32>,
      %parallel_loop3A_1308 = arith.constant 6 : i32
      %parallel_loop3A_1309 = arith.addi %parallel_loop3A_1270, %parallel_loop3A_1308 : i32
      %parallel_loop3A_1310 = arith.constant 16 : i32
      %parallel_loop3A_1311 = arith.muli %parallel_loop3A_1309, %parallel_loop3A_1310 : i32
      %parallel_loop3A_1312 = arith.index_cast %parallel_loop3A_1311 : i32 to index
      %parallel_loop3A_1313 = tpu.vector_load %arg5[%parallel_loop3A_1312] {strides = array<i32>} : memref<32768xf32, #tpu.memory_space<vmem>>, vector<16xf32>,
      %parallel_loop3A_1314 = arith.constant 7 : i32
      %parallel_loop3A_1315 = arith.addi %parallel_loop3A_1270, %parallel_loop3A_1314 : i32
      %parallel_loop3A_1316 = arith.constant 16 : i32
      %parallel_loop3A_1317 = arith.muli %parallel_loop3A_1315, %parallel_loop3A_1316 : i32
      %parallel_loop3A_1318 = arith.index_cast %parallel_loop3A_1317 : i32 to index
      %parallel_loop3A_1319 = tpu.vector_load %arg5[%parallel_loop3A_1318] {strides = array<i32>} : memref<32768xf32, #tpu.memory_space<vmem>>, vector<16xf32>,
      %parallel_loop3A_1320 = arith.maximumf %parallel_loop3A_1277, %parallel_loop3A_1283 : vector<16xf32>
      %parallel_loop3A_1321 = arith.maximumf %parallel_loop3A_1289, %parallel_loop3A_1295 : vector<16xf32>
      %parallel_loop3A_1322 = arith.maximumf %parallel_loop3A_1301, %parallel_loop3A_1307 : vector<16xf32>
      %parallel_loop3A_1323 = arith.maximumf %parallel_loop3A_1313, %parallel_loop3A_1319 : vector<16xf32>
      %parallel_loop3A_1324 = arith.maximumf %parallel_loop3A_1320, %parallel_loop3A_1321 : vector<16xf32>
      %parallel_loop3A_1325 = arith.maximumf %parallel_loop3A_1322, %parallel_loop3A_1323 : vector<16xf32>
      %parallel_loop3A_1326 = arith.maximumf %parallel_loop3A_1324, %parallel_loop3A_1325 : vector<16xf32>
      %parallel_loop3A_1327 = arith.maximumf %parallel_loop3A_1271, %parallel_loop3A_1326 : vector<16xf32>
      scf.yield %parallel_loop3A_1327 : vector<16xf32>
    } {sc.loop_unroll_factor = 2 : i64, sc.parallel_access}
    "tpu.trace_stop"() : () -> ()
    "tpu.trace_start"() <{level = 10 : i32, message = "tau1"}> : () -> ()
    %iota3A_641 = tpu.iota {dimensions = array<i32: 0>} : vector<16xi32>
    %xor3A_642 = arith.constant 8 : i32
    %xor3A_643 = vector.broadcast %xor3A_642 : i32 to vector<16xi32>
    %xor3A_644 = arith.xori %iota3A_641, %xor3A_643 : vector<16xi32>
    %broadcast_in_dim3A_645 = vector.shape_cast %xor3A_644 : vector<16xi32> to vector<16x1xi32>
    %gather3A_646 = vector.shape_cast %broadcast_in_dim3A_645 : vector<16x1xi32> to vector<16xi32>
    %gather3A_647 = tpu.dynamic_gather %parallel_loop3A_640[%gather3A_646] in [0] : vector<16xf32>, vector<16xi32> -> vector<16xf32>
    %max3A_648 = arith.maximumf %parallel_loop3A_640, %gather3A_647 : vector<16xf32>
    %iota3A_649 = tpu.iota {dimensions = array<i32: 0>} : vector<16xi32>
    %xor3A_650 = arith.constant 4 : i32
    %xor3A_651 = vector.broadcast %xor3A_650 : i32 to vector<16xi32>
    %xor3A_652 = arith.xori %iota3A_649, %xor3A_651 : vector<16xi32>
    %broadcast_in_dim3A_653 = vector.shape_cast %xor3A_652 : vector<16xi32> to vector<16x1xi32>
    %gather3A_654 = vector.shape_cast %broadcast_in_dim3A_653 : vector<16x1xi32> to vector<16xi32>
    %gather3A_655 = tpu.dynamic_gather %max3A_648[%gather3A_654] in [0] : vector<16xf32>, vector<16xi32> -> vector<16xf32>
    %max3A_656 = arith.maximumf %max3A_648, %gather3A_655 : vector<16xf32>
    %iota3A_657 = tpu.iota {dimensions = array<i32: 0>} : vector<16xi32>
    %xor3A_658 = arith.constant 2 : i32
    %xor3A_659 = vector.broadcast %xor3A_658 : i32 to vector<16xi32>
    %xor3A_660 = arith.xori %iota3A_657, %xor3A_659 : vector<16xi32>
    %broadcast_in_dim3A_661 = vector.shape_cast %xor3A_660 : vector<16xi32> to vector<16x1xi32>
    %gather3A_662 = vector.shape_cast %broadcast_in_dim3A_661 : vector<16x1xi32> to vector<16xi32>
    %gather3A_663 = tpu.dynamic_gather %max3A_656[%gather3A_662] in [0] : vector<16xf32>, vector<16xi32> -> vector<16xf32>
    %max3A_664 = arith.maximumf %max3A_656, %gather3A_663 : vector<16xf32>
    %iota3A_665 = tpu.iota {dimensions = array<i32: 0>} : vector<16xi32>
    %xor3A_666 = arith.constant 1 : i32
    %xor3A_667 = vector.broadcast %xor3A_666 : i32 to vector<16xi32>
    %xor3A_668 = arith.xori %iota3A_665, %xor3A_667 : vector<16xi32>
    %broadcast_in_dim3A_669 = vector.shape_cast %xor3A_668 : vector<16xi32> to vector<16x1xi32>
    %gather3A_670 = vector.shape_cast %broadcast_in_dim3A_669 : vector<16x1xi32> to vector<16xi32>
    %gather3A_671 = tpu.dynamic_gather %max3A_664[%gather3A_670] in [0] : vector<16xf32>, vector<16xi32> -> vector<16xf32>
    %max3A_672 = arith.maximumf %max3A_664, %gather3A_671 : vector<16xf32>
    %sub3A_673 = arith.constant 1.000000e+00 : f32
    %sub3A_674 = vector.broadcast %sub3A_673 : f32 to vector<16xf32>
    %sub3A_675 = arith.subf %max3A_672, %sub3A_674 : vector<16xf32>
    %iota3A_676 = tpu.iota {dimensions = array<i32: 0>} : vector<16xi32>
    %broadcast_in_dim3A_677 = arith.constant 16 : i32
    %broadcast_in_dim3A_678 = vector.broadcast %broadcast_in_dim3A_677 : i32 to vector<16xi32>
    %broadcast_in_dim3A_679 = arith.constant 0 : i32
    %broadcast_in_dim3A_680 = vector.broadcast %broadcast_in_dim3A_679 : i32 to vector<16xi32>
    %parallel_loop3A_681 = arith.constant 0 : i32
    %parallel_loop3A_682 = arith.constant 2048 : i32
    %parallel_loop3A_683 = arith.constant 1 : i32
    "tpu.trace_start"() <{level = 10 : i32, message = "compact"}> : () -> ()
    %parallel_loop3A_684 = scf.for %parallel_loop3A_1270 = %parallel_loop3A_681 to %parallel_loop3A_682 step %parallel_loop3A_683 iter_args(%parallel_loop3A_1271 = %iota3A_676) -> (vector<16xi32>)  : i32 {
      %parallel_loop3A_1272 = arith.constant 16 : i32
      %parallel_loop3A_1273 = arith.muli %parallel_loop3A_1270, %parallel_loop3A_1272 : i32
      %parallel_loop3A_1274 = arith.index_cast %parallel_loop3A_1273 : i32 to index
      %parallel_loop3A_1275 = tpu.vector_load %arg5[%parallel_loop3A_1274] {strides = array<i32>} : memref<32768xf32, #tpu.memory_space<vmem>>, vector<16xf32>,
      %parallel_loop3A_1276 = arith.cmpf ogt, %parallel_loop3A_1275, %sub3A_675 : vector<16xf32>
      tpu.vector_store_idx %arg6[%parallel_loop3A_1271], %parallel_loop3A_1275 masked %parallel_loop3A_1276 : memref<32784xf32, #tpu.memory_space<vmem>>[vector<16xi32>], vector<16xf32>, vector<16xi1>
      %parallel_loop3A_1277 = arith.select %parallel_loop3A_1276, %broadcast_in_dim3A_678, %broadcast_in_dim3A_680 : vector<16xi1>, vector<16xi32>
      %parallel_loop3A_1278 = arith.addi %parallel_loop3A_1271, %parallel_loop3A_1277 : vector<16xi32>
      scf.yield %parallel_loop3A_1278 : vector<16xi32>
    } {sc.loop_unroll_factor = 8 : i64, sc.parallel_access}
    "tpu.trace_stop"() : () -> ()
    %sub3A_685 = arith.subi %parallel_loop3A_684, %iota3A_676 : vector<16xi32>
    %iota3A_686 = tpu.iota {dimensions = array<i32: 0>} : vector<16xi32>
    %xor3A_687 = arith.constant 8 : i32
    %xor3A_688 = vector.broadcast %xor3A_687 : i32 to vector<16xi32>
    %xor3A_689 = arith.xori %iota3A_686, %xor3A_688 : vector<16xi32>
    %broadcast_in_dim3A_690 = vector.shape_cast %xor3A_689 : vector<16xi32> to vector<16x1xi32>
    %gather3A_691 = vector.shape_cast %broadcast_in_dim3A_690 : vector<16x1xi32> to vector<16xi32>
    %gather3A_692 = tpu.dynamic_gather %sub3A_685[%gather3A_691] in [0] : vector<16xi32>, vector<16xi32> -> vector<16xi32>
    %max3A_693 = arith.maxsi %sub3A_685, %gather3A_692 : vector<16xi32>
    %iota3A_694 = tpu.iota {dimensions = array<i32: 0>} : vector<16xi32>
    %xor3A_695 = arith.constant 4 : i32
    %xor3A_696 = vector.broadcast %xor3A_695 : i32 to vector<16xi32>
    %xor3A_697 = arith.xori %iota3A_694, %xor3A_696 : vector<16xi32>
    %broadcast_in_dim3A_698 = vector.shape_cast %xor3A_697 : vector<16xi32> to vector<16x1xi32>
    %gather3A_699 = vector.shape_cast %broadcast_in_dim3A_698 : vector<16x1xi32> to vector<16xi32>
    %gather3A_700 = tpu.dynamic_gather %max3A_693[%gather3A_699] in [0] : vector<16xi32>, vector<16xi32> -> vector<16xi32>
    %max3A_701 = arith.maxsi %max3A_693, %gather3A_700 : vector<16xi32>
    %iota3A_702 = tpu.iota {dimensions = array<i32: 0>} : vector<16xi32>
    %xor3A_703 = arith.constant 2 : i32
    %xor3A_704 = vector.broadcast %xor3A_703 : i32 to vector<16xi32>
    %xor3A_705 = arith.xori %iota3A_702, %xor3A_704 : vector<16xi32>
    %broadcast_in_dim3A_706 = vector.shape_cast %xor3A_705 : vector<16xi32> to vector<16x1xi32>
    %gather3A_707 = vector.shape_cast %broadcast_in_dim3A_706 : vector<16x1xi32> to vector<16xi32>
    %gather3A_708 = tpu.dynamic_gather %max3A_701[%gather3A_707] in [0] : vector<16xi32>, vector<16xi32> -> vector<16xi32>
    %max3A_709 = arith.maxsi %max3A_701, %gather3A_708 : vector<16xi32>
    %iota3A_710 = tpu.iota {dimensions = array<i32: 0>} : vector<16xi32>
    %xor3A_711 = arith.constant 1 : i32
    %xor3A_712 = vector.broadcast %xor3A_711 : i32 to vector<16xi32>
    %xor3A_713 = arith.xori %iota3A_710, %xor3A_712 : vector<16xi32>
    %broadcast_in_dim3A_714 = vector.shape_cast %xor3A_713 : vector<16xi32> to vector<16x1xi32>
    %gather3A_715 = vector.shape_cast %broadcast_in_dim3A_714 : vector<16x1xi32> to vector<16xi32>
    %gather3A_716 = tpu.dynamic_gather %max3A_709[%gather3A_715] in [0] : vector<16xi32>, vector<16xi32> -> vector<16xi32>
    %max3A_717 = arith.maxsi %max3A_709, %gather3A_716 : vector<16xi32>
    %broadcast_in_dim3A_718 = arith.constant 256 : i32
    %broadcast_in_dim3A_719 = vector.broadcast %broadcast_in_dim3A_718 : i32 to vector<16xi32>
    %max3A_720 = arith.maxsi %max3A_717, %broadcast_in_dim3A_719 : vector<16xi32>
    %iota3A_721 = tpu.iota {dimensions = array<i32: 0>} : vector<16xi32>
    %xor3A_722 = arith.constant 8 : i32
    %xor3A_723 = vector.broadcast %xor3A_722 : i32 to vector<16xi32>
    %xor3A_724 = arith.xori %iota3A_721, %xor3A_723 : vector<16xi32>
    %broadcast_in_dim3A_725 = vector.shape_cast %xor3A_724 : vector<16xi32> to vector<16x1xi32>
    %gather3A_726 = vector.shape_cast %broadcast_in_dim3A_725 : vector<16x1xi32> to vector<16xi32>
    %gather3A_727 = tpu.dynamic_gather %sub3A_685[%gather3A_726] in [0] : vector<16xi32>, vector<16xi32> -> vector<16xi32>
    %min3A_728 = arith.minsi %sub3A_685, %gather3A_727 : vector<16xi32>
    %iota3A_729 = tpu.iota {dimensions = array<i32: 0>} : vector<16xi32>
    %xor3A_730 = arith.constant 4 : i32
    %xor3A_731 = vector.broadcast %xor3A_730 : i32 to vector<16xi32>
    %xor3A_732 = arith.xori %iota3A_729, %xor3A_731 : vector<16xi32>
    %broadcast_in_dim3A_733 = vector.shape_cast %xor3A_732 : vector<16xi32> to vector<16x1xi32>
    %gather3A_734 = vector.shape_cast %broadcast_in_dim3A_733 : vector<16x1xi32> to vector<16xi32>
    %gather3A_735 = tpu.dynamic_gather %min3A_728[%gather3A_734] in [0] : vector<16xi32>, vector<16xi32> -> vector<16xi32>
    %min3A_736 = arith.minsi %min3A_728, %gather3A_735 : vector<16xi32>
    %iota3A_737 = tpu.iota {dimensions = array<i32: 0>} : vector<16xi32>
    %xor3A_738 = arith.constant 2 : i32
    %xor3A_739 = vector.broadcast %xor3A_738 : i32 to vector<16xi32>
    %xor3A_740 = arith.xori %iota3A_737, %xor3A_739 : vector<16xi32>
    %broadcast_in_dim3A_741 = vector.shape_cast %xor3A_740 : vector<16xi32> to vector<16x1xi32>
    %gather3A_742 = vector.shape_cast %broadcast_in_dim3A_741 : vector<16x1xi32> to vector<16xi32>
    %gather3A_743 = tpu.dynamic_gather %min3A_736[%gather3A_742] in [0] : vector<16xi32>, vector<16xi32> -> vector<16xi32>
    %min3A_744 = arith.minsi %min3A_736, %gather3A_743 : vector<16xi32>
    %iota3A_745 = tpu.iota {dimensions = array<i32: 0>} : vector<16xi32>
    %xor3A_746 = arith.constant 1 : i32
    %xor3A_747 = vector.broadcast %xor3A_746 : i32 to vector<16xi32>
    %xor3A_748 = arith.xori %iota3A_745, %xor3A_747 : vector<16xi32>
    %broadcast_in_dim3A_749 = vector.shape_cast %xor3A_748 : vector<16xi32> to vector<16x1xi32>
    %gather3A_750 = vector.shape_cast %broadcast_in_dim3A_749 : vector<16x1xi32> to vector<16xi32>
    %gather3A_751 = tpu.dynamic_gather %min3A_744[%gather3A_750] in [0] : vector<16xi32>, vector<16xi32> -> vector<16xi32>
    %min3A_752 = arith.minsi %min3A_744, %gather3A_751 : vector<16xi32>
    %sub3A_753 = arith.subi %max3A_720, %min3A_752 : vector<16xi32>
    %jit3A_754 = arith.constant 16 : i32
    %div3A_755 = vector.broadcast %jit3A_754 : i32 to vector<16xi32>
    %div3A_756 = arith.divsi %sub3A_753, %div3A_755 : vector<16xi32>
    %sign3A_757 = arith.constant 0 : i32
    %sign3A_758 = vector.broadcast %sign3A_757 : i32 to vector<16xi32>
    %sign3A_759 = arith.cmpi sgt, %sub3A_753, %sign3A_758 : vector<16xi32>
    %sign3A_760 = arith.extui %sign3A_759 : vector<16xi1> to vector<16xi32>
    %sign3A_761 = arith.constant 0 : i32
    %sign3A_762 = vector.broadcast %sign3A_761 : i32 to vector<16xi32>
    %sign3A_763 = arith.cmpi slt, %sub3A_753, %sign3A_762 : vector<16xi32>
    %sign3A_764 = arith.extui %sign3A_763 : vector<16xi1> to vector<16xi32>
    %sign3A_765 = arith.subi %sign3A_760, %sign3A_764 : vector<16xi32>
    %sign3A_766 = arith.constant 0 : i32
    %sign3A_767 = arith.cmpi sgt, %jit3A_754, %sign3A_766 : i32
    %sign3A_768 = arith.extui %sign3A_767 : i1 to i32
    %sign3A_769 = arith.constant 0 : i32
    %sign3A_770 = arith.cmpi slt, %jit3A_754, %sign3A_769 : i32
    %sign3A_771 = arith.extui %sign3A_770 : i1 to i32
    %sign3A_772 = arith.subi %sign3A_768, %sign3A_771 : i32
    %ne3A_773 = vector.broadcast %sign3A_772 : i32 to vector<16xi32>
    %ne3A_774 = arith.cmpi ne, %sign3A_765, %ne3A_773 : vector<16xi32>
    %rem3A_775 = vector.broadcast %jit3A_754 : i32 to vector<16xi32>
    %rem3A_776 = arith.remsi %sub3A_753, %rem3A_775 : vector<16xi32>
    %ne3A_777 = arith.constant 0 : i32
    %ne3A_778 = vector.broadcast %ne3A_777 : i32 to vector<16xi32>
    %ne3A_779 = arith.cmpi ne, %rem3A_776, %ne3A_778 : vector<16xi32>
    %and3A_780 = arith.andi %ne3A_774, %ne3A_779 : vector<16xi1>
    %sub3A_781 = arith.constant 1 : i32
    %sub3A_782 = vector.broadcast %sub3A_781 : i32 to vector<16xi32>
    %sub3A_783 = arith.subi %div3A_756, %sub3A_782 : vector<16xi32>
    %select_n3A_784 = arith.select %and3A_780, %sub3A_783, %div3A_756 : vector<16xi1>, vector<16xi32>
    %slice3A_785 = vector.extract_strided_slice %select_n3A_784 {offsets = [0], sizes = [1], strides = [1]} : vector<16xi32> to vector<1xi32>
    %squeeze3A_786 = vector.extract %slice3A_785[0] : i32 from vector<1xi32>
    %while3A_787 = arith.constant 0 : i32
    %while3A_788 = arith.subi %squeeze3A_786, %while3A_787 : i32
    %while3A_789 = arith.addi %while3A_787, %while3A_788 : i32
    %while3A_790 = arith.constant 1 : i32
    %while3A_791 = arith.divsi %while3A_788, %while3A_790 : i32
    %while3A_792 = arith.muli %while3A_791, %while3A_790 : i32
    %while3A_793 = arith.addi %while3A_787, %while3A_792 : i32
    %while3A_794 = arith.constant 1 : i32
    %while3A_795 = scf.for %while3A_1270 = %while3A_787 to %while3A_793 step %while3A_794 iter_args(%while3A_1271 = %parallel_loop3A_684) -> (vector<16xi32>)  : i32 {
      %sub3A_1272 = arith.subi %while3A_1271, %iota3A_676 : vector<16xi32>
      %lt3A = arith.cmpi slt, %sub3A_1272, %max3A_720 : vector<16xi32>
      tpu.vector_store_idx %arg6[%while3A_1271], %sub3A_675 masked %lt3A : memref<32784xf32, #tpu.memory_space<vmem>>[vector<16xi32>], vector<16xf32>, vector<16xi1>
      %select_n3A_1273 = arith.select %lt3A, %broadcast_in_dim3A_678, %broadcast_in_dim3A_680 : vector<16xi1>, vector<16xi32>
      %add3A_1274 = arith.addi %while3A_1271, %select_n3A_1273 : vector<16xi32>
      scf.yield %add3A_1274 : vector<16xi32>
    }
    %while3A_796 = arith.constant 1 : i32
    %while3A_797 = scf.for %while3A_1270 = %while3A_793 to %while3A_789 step %while3A_796 iter_args(%while3A_1271 = %while3A_795) -> (vector<16xi32>)  : i32 {
      %sub3A_1272 = arith.subi %while3A_1271, %iota3A_676 : vector<16xi32>
      %lt3A = arith.cmpi slt, %sub3A_1272, %max3A_720 : vector<16xi32>
      tpu.vector_store_idx %arg6[%while3A_1271], %sub3A_675 masked %lt3A : memref<32784xf32, #tpu.memory_space<vmem>>[vector<16xi32>], vector<16xf32>, vector<16xi1>
      %select_n3A_1273 = arith.select %lt3A, %broadcast_in_dim3A_678, %broadcast_in_dim3A_680 : vector<16xi1>, vector<16xi32>
      %add3A_1274 = arith.addi %while3A_1271, %select_n3A_1273 : vector<16xi32>
      scf.yield %add3A_1274 : vector<16xi32>
    }
    %jit3A_798 = arith.constant 16 : i32
    %div3A_799 = vector.broadcast %jit3A_798 : i32 to vector<16xi32>
    %div3A_800 = arith.divsi %max3A_720, %div3A_799 : vector<16xi32>
    %sign3A_801 = arith.constant 0 : i32
    %sign3A_802 = vector.broadcast %sign3A_801 : i32 to vector<16xi32>
    %sign3A_803 = arith.cmpi sgt, %max3A_720, %sign3A_802 : vector<16xi32>
    %sign3A_804 = arith.extui %sign3A_803 : vector<16xi1> to vector<16xi32>
    %sign3A_805 = arith.constant 0 : i32
    %sign3A_806 = vector.broadcast %sign3A_805 : i32 to vector<16xi32>
    %sign3A_807 = arith.cmpi slt, %max3A_720, %sign3A_806 : vector<16xi32>
    %sign3A_808 = arith.extui %sign3A_807 : vector<16xi1> to vector<16xi32>
    %sign3A_809 = arith.subi %sign3A_804, %sign3A_808 : vector<16xi32>
    %sign3A_810 = arith.constant 0 : i32
    %sign3A_811 = arith.cmpi sgt, %jit3A_798, %sign3A_810 : i32
    %sign3A_812 = arith.extui %sign3A_811 : i1 to i32
    %sign3A_813 = arith.constant 0 : i32
    %sign3A_814 = arith.cmpi slt, %jit3A_798, %sign3A_813 : i32
    %sign3A_815 = arith.extui %sign3A_814 : i1 to i32
    %sign3A_816 = arith.subi %sign3A_812, %sign3A_815 : i32
    %ne3A_817 = vector.broadcast %sign3A_816 : i32 to vector<16xi32>
    %ne3A_818 = arith.cmpi ne, %sign3A_809, %ne3A_817 : vector<16xi32>
    %rem3A_819 = vector.broadcast %jit3A_798 : i32 to vector<16xi32>
    %rem3A_820 = arith.remsi %max3A_720, %rem3A_819 : vector<16xi32>
    %ne3A_821 = arith.constant 0 : i32
    %ne3A_822 = vector.broadcast %ne3A_821 : i32 to vector<16xi32>
    %ne3A_823 = arith.cmpi ne, %rem3A_820, %ne3A_822 : vector<16xi32>
    %and3A_824 = arith.andi %ne3A_818, %ne3A_823 : vector<16xi1>
    %sub3A_825 = arith.constant 1 : i32
    %sub3A_826 = vector.broadcast %sub3A_825 : i32 to vector<16xi32>
    %sub3A_827 = arith.subi %div3A_800, %sub3A_826 : vector<16xi32>
    %select_n3A_828 = arith.select %and3A_824, %sub3A_827, %div3A_800 : vector<16xi1>, vector<16xi32>
    %slice3A_829 = vector.extract_strided_slice %select_n3A_828 {offsets = [0], sizes = [1], strides = [1]} : vector<16xi32> to vector<1xi32>
    %squeeze3A_830 = vector.extract %slice3A_829[0] : i32 from vector<1xi32>
    %get3A_831 = arith.constant 0 : index
    %get3A_832 = tpu.vector_load %arg6[%get3A_831] {strides = array<i32>} : memref<32784xf32, #tpu.memory_space<vmem>>, vector<16xf32>,
    %get3A_833 = arith.constant 16 : index
    %get3A_834 = tpu.vector_load %arg6[%get3A_833] {strides = array<i32>} : memref<32784xf32, #tpu.memory_space<vmem>>, vector<16xf32>,
    %get3A_835 = arith.constant 32 : index
    %get3A_836 = tpu.vector_load %arg6[%get3A_835] {strides = array<i32>} : memref<32784xf32, #tpu.memory_space<vmem>>, vector<16xf32>,
    %get3A_837 = arith.constant 48 : index
    %get3A_838 = tpu.vector_load %arg6[%get3A_837] {strides = array<i32>} : memref<32784xf32, #tpu.memory_space<vmem>>, vector<16xf32>,
    %get3A_839 = arith.constant 64 : index
    %get3A_840 = tpu.vector_load %arg6[%get3A_839] {strides = array<i32>} : memref<32784xf32, #tpu.memory_space<vmem>>, vector<16xf32>,
    %get3A_841 = arith.constant 80 : index
    %get3A_842 = tpu.vector_load %arg6[%get3A_841] {strides = array<i32>} : memref<32784xf32, #tpu.memory_space<vmem>>, vector<16xf32>,
    %get3A_843 = arith.constant 96 : index
    %get3A_844 = tpu.vector_load %arg6[%get3A_843] {strides = array<i32>} : memref<32784xf32, #tpu.memory_space<vmem>>, vector<16xf32>,
    %get3A_845 = arith.constant 112 : index
    %get3A_846 = tpu.vector_load %arg6[%get3A_845] {strides = array<i32>} : memref<32784xf32, #tpu.memory_space<vmem>>, vector<16xf32>,
    %get3A_847 = arith.constant 128 : index
    %get3A_848 = tpu.vector_load %arg6[%get3A_847] {strides = array<i32>} : memref<32784xf32, #tpu.memory_space<vmem>>, vector<16xf32>,
    %get3A_849 = arith.constant 144 : index
    %get3A_850 = tpu.vector_load %arg6[%get3A_849] {strides = array<i32>} : memref<32784xf32, #tpu.memory_space<vmem>>, vector<16xf32>,
    %get3A_851 = arith.constant 160 : index
    %get3A_852 = tpu.vector_load %arg6[%get3A_851] {strides = array<i32>} : memref<32784xf32, #tpu.memory_space<vmem>>, vector<16xf32>,
    %get3A_853 = arith.constant 176 : index
    %get3A_854 = tpu.vector_load %arg6[%get3A_853] {strides = array<i32>} : memref<32784xf32, #tpu.memory_space<vmem>>, vector<16xf32>,
    %get3A_855 = arith.constant 192 : index
    %get3A_856 = tpu.vector_load %arg6[%get3A_855] {strides = array<i32>} : memref<32784xf32, #tpu.memory_space<vmem>>, vector<16xf32>,
    %get3A_857 = arith.constant 208 : index
    %get3A_858 = tpu.vector_load %arg6[%get3A_857] {strides = array<i32>} : memref<32784xf32, #tpu.memory_space<vmem>>, vector<16xf32>,
    %get3A_859 = arith.constant 224 : index
    %get3A_860 = tpu.vector_load %arg6[%get3A_859] {strides = array<i32>} : memref<32784xf32, #tpu.memory_space<vmem>>, vector<16xf32>,
    %get3A_861 = arith.constant 240 : index
    %get3A_862 = tpu.vector_load %arg6[%get3A_861] {strides = array<i32>} : memref<32784xf32, #tpu.memory_space<vmem>>, vector<16xf32>,
    "tpu.trace_start"() <{level = 10 : i32, message = "bisect"}> : () -> ()
    %scan3A_863 = arith.constant 0 : i32
    %scan3A_864 = arith.constant 15 : i32
    %scan3A_865 = arith.addi %scan3A_863, %scan3A_864 : i32
    %scan3A_866 = arith.constant 1 : i32
    %scan3A_867:2 = scf.for %scan3A_1270 = %scan3A_863 to %scan3A_865 step %scan3A_866 iter_args(%scan3A_1271 = %sub3A_675, %scan3A_1272 = %max3A_672) -> (vector<16xf32>, vector<16xf32>)  : i32 {
      %add3A_1273 = arith.addf %scan3A_1271, %scan3A_1272 : vector<16xf32>
      %mul3A_1274 = arith.constant 5.000000e-01 : f32
      %mul3A_1275 = vector.broadcast %mul3A_1274 : f32 to vector<16xf32>
      %mul3A_1276 = arith.mulf %mul3A_1275, %add3A_1273 : vector<16xf32>
      %broadcast_in_dim3A_1277 = arith.constant 0.000000e+00 : f32
      %broadcast_in_dim3A_1278 = vector.broadcast %broadcast_in_dim3A_1277 : f32 to vector<16xf32>
      %sub3A_1279 = arith.subf %get3A_832, %mul3A_1276 : vector<16xf32>
      %max3A_1280 = arith.constant 0.000000e+00 : f32
      %max3A_1281 = vector.broadcast %max3A_1280 : f32 to vector<16xf32>
      %max3A_1282 = arith.maximumf %sub3A_1279, %max3A_1281 : vector<16xf32>
      %add3A_1283 = arith.addf %broadcast_in_dim3A_1278, %max3A_1282 : vector<16xf32>
      %sub3A_1284 = arith.subf %get3A_834, %mul3A_1276 : vector<16xf32>
      %max3A_1285 = arith.constant 0.000000e+00 : f32
      %max3A_1286 = vector.broadcast %max3A_1285 : f32 to vector<16xf32>
      %max3A_1287 = arith.maximumf %sub3A_1284, %max3A_1286 : vector<16xf32>
      %add3A_1288 = arith.addf %add3A_1283, %max3A_1287 : vector<16xf32>
      %sub3A_1289 = arith.subf %get3A_836, %mul3A_1276 : vector<16xf32>
      %max3A_1290 = arith.constant 0.000000e+00 : f32
      %max3A_1291 = vector.broadcast %max3A_1290 : f32 to vector<16xf32>
      %max3A_1292 = arith.maximumf %sub3A_1289, %max3A_1291 : vector<16xf32>
      %add3A_1293 = arith.addf %add3A_1288, %max3A_1292 : vector<16xf32>
      %sub3A_1294 = arith.subf %get3A_838, %mul3A_1276 : vector<16xf32>
      %max3A_1295 = arith.constant 0.000000e+00 : f32
      %max3A_1296 = vector.broadcast %max3A_1295 : f32 to vector<16xf32>
      %max3A_1297 = arith.maximumf %sub3A_1294, %max3A_1296 : vector<16xf32>
      %add3A_1298 = arith.addf %add3A_1293, %max3A_1297 : vector<16xf32>
      %sub3A_1299 = arith.subf %get3A_840, %mul3A_1276 : vector<16xf32>
      %max3A_1300 = arith.constant 0.000000e+00 : f32
      %max3A_1301 = vector.broadcast %max3A_1300 : f32 to vector<16xf32>
      %max3A_1302 = arith.maximumf %sub3A_1299, %max3A_1301 : vector<16xf32>
      %add3A_1303 = arith.addf %add3A_1298, %max3A_1302 : vector<16xf32>
      %sub3A_1304 = arith.subf %get3A_842, %mul3A_1276 : vector<16xf32>
      %max3A_1305 = arith.constant 0.000000e+00 : f32
      %max3A_1306 = vector.broadcast %max3A_1305 : f32 to vector<16xf32>
      %max3A_1307 = arith.maximumf %sub3A_1304, %max3A_1306 : vector<16xf32>
      %add3A_1308 = arith.addf %add3A_1303, %max3A_1307 : vector<16xf32>
      %sub3A_1309 = arith.subf %get3A_844, %mul3A_1276 : vector<16xf32>
      %max3A_1310 = arith.constant 0.000000e+00 : f32
      %max3A_1311 = vector.broadcast %max3A_1310 : f32 to vector<16xf32>
      %max3A_1312 = arith.maximumf %sub3A_1309, %max3A_1311 : vector<16xf32>
      %add3A_1313 = arith.addf %add3A_1308, %max3A_1312 : vector<16xf32>
      %sub3A_1314 = arith.subf %get3A_846, %mul3A_1276 : vector<16xf32>
      %max3A_1315 = arith.constant 0.000000e+00 : f32
      %max3A_1316 = vector.broadcast %max3A_1315 : f32 to vector<16xf32>
      %max3A_1317 = arith.maximumf %sub3A_1314, %max3A_1316 : vector<16xf32>
      %add3A_1318 = arith.addf %add3A_1313, %max3A_1317 : vector<16xf32>
      %sub3A_1319 = arith.subf %get3A_848, %mul3A_1276 : vector<16xf32>
      %max3A_1320 = arith.constant 0.000000e+00 : f32
      %max3A_1321 = vector.broadcast %max3A_1320 : f32 to vector<16xf32>
      %max3A_1322 = arith.maximumf %sub3A_1319, %max3A_1321 : vector<16xf32>
      %add3A_1323 = arith.addf %add3A_1318, %max3A_1322 : vector<16xf32>
      %sub3A_1324 = arith.subf %get3A_850, %mul3A_1276 : vector<16xf32>
      %max3A_1325 = arith.constant 0.000000e+00 : f32
      %max3A_1326 = vector.broadcast %max3A_1325 : f32 to vector<16xf32>
      %max3A_1327 = arith.maximumf %sub3A_1324, %max3A_1326 : vector<16xf32>
      %add3A_1328 = arith.addf %add3A_1323, %max3A_1327 : vector<16xf32>
      %sub3A_1329 = arith.subf %get3A_852, %mul3A_1276 : vector<16xf32>
      %max3A_1330 = arith.constant 0.000000e+00 : f32
      %max3A_1331 = vector.broadcast %max3A_1330 : f32 to vector<16xf32>
      %max3A_1332 = arith.maximumf %sub3A_1329, %max3A_1331 : vector<16xf32>
      %add3A_1333 = arith.addf %add3A_1328, %max3A_1332 : vector<16xf32>
      %sub3A_1334 = arith.subf %get3A_854, %mul3A_1276 : vector<16xf32>
      %max3A_1335 = arith.constant 0.000000e+00 : f32
      %max3A_1336 = vector.broadcast %max3A_1335 : f32 to vector<16xf32>
      %max3A_1337 = arith.maximumf %sub3A_1334, %max3A_1336 : vector<16xf32>
      %add3A_1338 = arith.addf %add3A_1333, %max3A_1337 : vector<16xf32>
      %sub3A_1339 = arith.subf %get3A_856, %mul3A_1276 : vector<16xf32>
      %max3A_1340 = arith.constant 0.000000e+00 : f32
      %max3A_1341 = vector.broadcast %max3A_1340 : f32 to vector<16xf32>
      %max3A_1342 = arith.maximumf %sub3A_1339, %max3A_1341 : vector<16xf32>
      %add3A_1343 = arith.addf %add3A_1338, %max3A_1342 : vector<16xf32>
      %sub3A_1344 = arith.subf %get3A_858, %mul3A_1276 : vector<16xf32>
      %max3A_1345 = arith.constant 0.000000e+00 : f32
      %max3A_1346 = vector.broadcast %max3A_1345 : f32 to vector<16xf32>
      %max3A_1347 = arith.maximumf %sub3A_1344, %max3A_1346 : vector<16xf32>
      %add3A_1348 = arith.addf %add3A_1343, %max3A_1347 : vector<16xf32>
      %sub3A_1349 = arith.subf %get3A_860, %mul3A_1276 : vector<16xf32>
      %max3A_1350 = arith.constant 0.000000e+00 : f32
      %max3A_1351 = vector.broadcast %max3A_1350 : f32 to vector<16xf32>
      %max3A_1352 = arith.maximumf %sub3A_1349, %max3A_1351 : vector<16xf32>
      %add3A_1353 = arith.addf %add3A_1348, %max3A_1352 : vector<16xf32>
      %sub3A_1354 = arith.subf %get3A_862, %mul3A_1276 : vector<16xf32>
      %max3A_1355 = arith.constant 0.000000e+00 : f32
      %max3A_1356 = vector.broadcast %max3A_1355 : f32 to vector<16xf32>
      %max3A_1357 = arith.maximumf %sub3A_1354, %max3A_1356 : vector<16xf32>
      %add3A_1358 = arith.addf %add3A_1353, %max3A_1357 : vector<16xf32>
      %while3A_1359 = arith.constant 16 : i32
      %while3A_1360 = arith.subi %squeeze3A_830, %while3A_1359 : i32
      %while3A_1361 = arith.addi %while3A_1359, %while3A_1360 : i32
      %while3A_1362 = arith.constant 1 : i32
      %while3A_1363 = arith.divsi %while3A_1360, %while3A_1362 : i32
      %while3A_1364 = arith.muli %while3A_1363, %while3A_1362 : i32
      %while3A_1365 = arith.addi %while3A_1359, %while3A_1364 : i32
      %while3A_1366 = arith.constant 1 : i32
      %while3A_1367 = scf.for %while3A_1406 = %while3A_1359 to %while3A_1365 step %while3A_1366 iter_args(%while3A_1407 = %add3A_1358) -> (vector<16xf32>)  : i32 {
        %mul3A_1408 = arith.constant 16 : i32
        %mul3A_1409 = arith.muli %while3A_1406, %mul3A_1408 : i32
        %get3A_1410 = arith.index_cast %mul3A_1409 : i32 to index
        %get3A_1411 = tpu.vector_load %arg6[%get3A_1410] {strides = array<i32>} : memref<32784xf32, #tpu.memory_space<vmem>>, vector<16xf32>,
        %sub3A_1412 = arith.subf %get3A_1411, %mul3A_1276 : vector<16xf32>
        %max3A_1413 = arith.constant 0.000000e+00 : f32
        %max3A_1414 = vector.broadcast %max3A_1413 : f32 to vector<16xf32>
        %max3A_1415 = arith.maximumf %sub3A_1412, %max3A_1414 : vector<16xf32>
        %add3A_1416 = arith.addf %while3A_1407, %max3A_1415 : vector<16xf32>
        scf.yield %add3A_1416 : vector<16xf32>
      }
      %while3A_1368 = arith.constant 1 : i32
      %while3A_1369 = scf.for %while3A_1406 = %while3A_1365 to %while3A_1361 step %while3A_1368 iter_args(%while3A_1407 = %while3A_1367) -> (vector<16xf32>)  : i32 {
        %mul3A_1408 = arith.constant 16 : i32
        %mul3A_1409 = arith.muli %while3A_1406, %mul3A_1408 : i32
        %get3A_1410 = arith.index_cast %mul3A_1409 : i32 to index
        %get3A_1411 = tpu.vector_load %arg6[%get3A_1410] {strides = array<i32>} : memref<32784xf32, #tpu.memory_space<vmem>>, vector<16xf32>,
        %sub3A_1412 = arith.subf %get3A_1411, %mul3A_1276 : vector<16xf32>
        %max3A_1413 = arith.constant 0.000000e+00 : f32
        %max3A_1414 = vector.broadcast %max3A_1413 : f32 to vector<16xf32>
        %max3A_1415 = arith.maximumf %sub3A_1412, %max3A_1414 : vector<16xf32>
        %add3A_1416 = arith.addf %while3A_1407, %max3A_1415 : vector<16xf32>
        scf.yield %add3A_1416 : vector<16xf32>
      }
      %iota3A_1370 = tpu.iota {dimensions = array<i32: 0>} : vector<16xi32>
      %xor3A_1371 = arith.constant 8 : i32
      %xor3A_1372 = vector.broadcast %xor3A_1371 : i32 to vector<16xi32>
      %xor3A_1373 = arith.xori %iota3A_1370, %xor3A_1372 : vector<16xi32>
      %broadcast_in_dim3A_1374 = vector.shape_cast %xor3A_1373 : vector<16xi32> to vector<16x1xi32>
      %gather3A_1375 = vector.shape_cast %broadcast_in_dim3A_1374 : vector<16x1xi32> to vector<16xi32>
      %gather3A_1376 = tpu.dynamic_gather %while3A_1369[%gather3A_1375] in [0] : vector<16xf32>, vector<16xi32> -> vector<16xf32>
      %add3A_1377 = arith.addf %while3A_1369, %gather3A_1376 : vector<16xf32>
      %iota3A_1378 = tpu.iota {dimensions = array<i32: 0>} : vector<16xi32>
      %xor3A_1379 = arith.constant 4 : i32
      %xor3A_1380 = vector.broadcast %xor3A_1379 : i32 to vector<16xi32>
      %xor3A_1381 = arith.xori %iota3A_1378, %xor3A_1380 : vector<16xi32>
      %broadcast_in_dim3A_1382 = vector.shape_cast %xor3A_1381 : vector<16xi32> to vector<16x1xi32>
      %gather3A_1383 = vector.shape_cast %broadcast_in_dim3A_1382 : vector<16x1xi32> to vector<16xi32>
      %gather3A_1384 = tpu.dynamic_gather %add3A_1377[%gather3A_1383] in [0] : vector<16xf32>, vector<16xi32> -> vector<16xf32>
      %add3A_1385 = arith.addf %add3A_1377, %gather3A_1384 : vector<16xf32>
      %iota3A_1386 = tpu.iota {dimensions = array<i32: 0>} : vector<16xi32>
      %xor3A_1387 = arith.constant 2 : i32
      %xor3A_1388 = vector.broadcast %xor3A_1387 : i32 to vector<16xi32>
      %xor3A_1389 = arith.xori %iota3A_1386, %xor3A_1388 : vector<16xi32>
      %broadcast_in_dim3A_1390 = vector.shape_cast %xor3A_1389 : vector<16xi32> to vector<16x1xi32>
      %gather3A_1391 = vector.shape_cast %broadcast_in_dim3A_1390 : vector<16x1xi32> to vector<16xi32>
      %gather3A_1392 = tpu.dynamic_gather %add3A_1385[%gather3A_1391] in [0] : vector<16xf32>, vector<16xi32> -> vector<16xf32>
      %add3A_1393 = arith.addf %add3A_1385, %gather3A_1392 : vector<16xf32>
      %iota3A_1394 = tpu.iota {dimensions = array<i32: 0>} : vector<16xi32>
      %xor3A_1395 = arith.constant 1 : i32
      %xor3A_1396 = vector.broadcast %xor3A_1395 : i32 to vector<16xi32>
      %xor3A_1397 = arith.xori %iota3A_1394, %xor3A_1396 : vector<16xi32>
      %broadcast_in_dim3A_1398 = vector.shape_cast %xor3A_1397 : vector<16xi32> to vector<16x1xi32>
      %gather3A_1399 = vector.shape_cast %broadcast_in_dim3A_1398 : vector<16x1xi32> to vector<16xi32>
      %gather3A_1400 = tpu.dynamic_gather %add3A_1393[%gather3A_1399] in [0] : vector<16xf32>, vector<16xi32> -> vector<16xf32>
      %add3A_1401 = arith.addf %add3A_1393, %gather3A_1400 : vector<16xf32>
      %ge3A = arith.constant 1.000000e+00 : f32
      %ge3A_1402 = vector.broadcast %ge3A : f32 to vector<16xf32>
      %ge3A_1403 = arith.cmpf oge, %add3A_1401, %ge3A_1402 : vector<16xf32>
      %select_n3A_1404 = arith.select %ge3A_1403, %mul3A_1276, %scan3A_1271 : vector<16xi1>, vector<16xf32>
      %select_n3A_1405 = arith.select %ge3A_1403, %scan3A_1272, %mul3A_1276 : vector<16xi1>, vector<16xf32>
      scf.yield %select_n3A_1404, %select_n3A_1405 : vector<16xf32>, vector<16xf32>
    }
    %scan3A_868 = arith.constant 15 : i32
    %broadcast_in_dim3A_869 = arith.constant 0.000000e+00 : f32
    "tpu.trace_stop"() : () -> ()
    %broadcast_in_dim3A_870 = vector.broadcast %broadcast_in_dim3A_869 : f32 to vector<16xf32>
    %broadcast_in_dim3A_871 = arith.constant 0.000000e+00 : f32
    %broadcast_in_dim3A_872 = vector.broadcast %broadcast_in_dim3A_871 : f32 to vector<16xf32>
    %gt3A_873 = arith.cmpf ogt, %get3A_832, %scan3A_867#0 : vector<16xf32>
    %jit3A_874 = arith.constant 0.000000e+00 : f32
    %broadcast_in_dim3A_875 = vector.broadcast %jit3A_874 : f32 to vector<16xf32>
    %select_n3A_876 = arith.select %gt3A_873, %get3A_832, %broadcast_in_dim3A_875 : vector<16xi1>, vector<16xf32>
    %add3A_877 = arith.addf %broadcast_in_dim3A_870, %select_n3A_876 : vector<16xf32>
    %convert_element_type3A_878 = arith.extui %gt3A_873 : vector<16xi1> to vector<16xi32>
    %convert_element_type3A_879 = arith.sitofp %convert_element_type3A_878 : vector<16xi32> to vector<16xf32>
    %add3A_880 = arith.addf %broadcast_in_dim3A_872, %convert_element_type3A_879 : vector<16xf32>
    %gt3A_881 = arith.cmpf ogt, %get3A_834, %scan3A_867#0 : vector<16xf32>
    %jit3A_882 = arith.constant 0.000000e+00 : f32
    %broadcast_in_dim3A_883 = vector.broadcast %jit3A_882 : f32 to vector<16xf32>
    %select_n3A_884 = arith.select %gt3A_881, %get3A_834, %broadcast_in_dim3A_883 : vector<16xi1>, vector<16xf32>
    %add3A_885 = arith.addf %add3A_877, %select_n3A_884 : vector<16xf32>
    %convert_element_type3A_886 = arith.extui %gt3A_881 : vector<16xi1> to vector<16xi32>
    %convert_element_type3A_887 = arith.sitofp %convert_element_type3A_886 : vector<16xi32> to vector<16xf32>
    %add3A_888 = arith.addf %add3A_880, %convert_element_type3A_887 : vector<16xf32>
    %gt3A_889 = arith.cmpf ogt, %get3A_836, %scan3A_867#0 : vector<16xf32>
    %jit3A_890 = arith.constant 0.000000e+00 : f32
    %broadcast_in_dim3A_891 = vector.broadcast %jit3A_890 : f32 to vector<16xf32>
    %select_n3A_892 = arith.select %gt3A_889, %get3A_836, %broadcast_in_dim3A_891 : vector<16xi1>, vector<16xf32>
    %add3A_893 = arith.addf %add3A_885, %select_n3A_892 : vector<16xf32>
    %convert_element_type3A_894 = arith.extui %gt3A_889 : vector<16xi1> to vector<16xi32>
    %convert_element_type3A_895 = arith.sitofp %convert_element_type3A_894 : vector<16xi32> to vector<16xf32>
    %add3A_896 = arith.addf %add3A_888, %convert_element_type3A_895 : vector<16xf32>
    %gt3A_897 = arith.cmpf ogt, %get3A_838, %scan3A_867#0 : vector<16xf32>
    %jit3A_898 = arith.constant 0.000000e+00 : f32
    %broadcast_in_dim3A_899 = vector.broadcast %jit3A_898 : f32 to vector<16xf32>
    %select_n3A_900 = arith.select %gt3A_897, %get3A_838, %broadcast_in_dim3A_899 : vector<16xi1>, vector<16xf32>
    %add3A_901 = arith.addf %add3A_893, %select_n3A_900 : vector<16xf32>
    %convert_element_type3A_902 = arith.extui %gt3A_897 : vector<16xi1> to vector<16xi32>
    %convert_element_type3A_903 = arith.sitofp %convert_element_type3A_902 : vector<16xi32> to vector<16xf32>
    %add3A_904 = arith.addf %add3A_896, %convert_element_type3A_903 : vector<16xf32>
    %gt3A_905 = arith.cmpf ogt, %get3A_840, %scan3A_867#0 : vector<16xf32>
    %jit3A_906 = arith.constant 0.000000e+00 : f32
    %broadcast_in_dim3A_907 = vector.broadcast %jit3A_906 : f32 to vector<16xf32>
    %select_n3A_908 = arith.select %gt3A_905, %get3A_840, %broadcast_in_dim3A_907 : vector<16xi1>, vector<16xf32>
    %add3A_909 = arith.addf %add3A_901, %select_n3A_908 : vector<16xf32>
    %convert_element_type3A_910 = arith.extui %gt3A_905 : vector<16xi1> to vector<16xi32>
    %convert_element_type3A_911 = arith.sitofp %convert_element_type3A_910 : vector<16xi32> to vector<16xf32>
    %add3A_912 = arith.addf %add3A_904, %convert_element_type3A_911 : vector<16xf32>
    %gt3A_913 = arith.cmpf ogt, %get3A_842, %scan3A_867#0 : vector<16xf32>
    %jit3A_914 = arith.constant 0.000000e+00 : f32
    %broadcast_in_dim3A_915 = vector.broadcast %jit3A_914 : f32 to vector<16xf32>
    %select_n3A_916 = arith.select %gt3A_913, %get3A_842, %broadcast_in_dim3A_915 : vector<16xi1>, vector<16xf32>
    %add3A_917 = arith.addf %add3A_909, %select_n3A_916 : vector<16xf32>
    %convert_element_type3A_918 = arith.extui %gt3A_913 : vector<16xi1> to vector<16xi32>
    %convert_element_type3A_919 = arith.sitofp %convert_element_type3A_918 : vector<16xi32> to vector<16xf32>
    %add3A_920 = arith.addf %add3A_912, %convert_element_type3A_919 : vector<16xf32>
    %gt3A_921 = arith.cmpf ogt, %get3A_844, %scan3A_867#0 : vector<16xf32>
    %jit3A_922 = arith.constant 0.000000e+00 : f32
    %broadcast_in_dim3A_923 = vector.broadcast %jit3A_922 : f32 to vector<16xf32>
    %select_n3A_924 = arith.select %gt3A_921, %get3A_844, %broadcast_in_dim3A_923 : vector<16xi1>, vector<16xf32>
    %add3A_925 = arith.addf %add3A_917, %select_n3A_924 : vector<16xf32>
    %convert_element_type3A_926 = arith.extui %gt3A_921 : vector<16xi1> to vector<16xi32>
    %convert_element_type3A_927 = arith.sitofp %convert_element_type3A_926 : vector<16xi32> to vector<16xf32>
    %add3A_928 = arith.addf %add3A_920, %convert_element_type3A_927 : vector<16xf32>
    %gt3A_929 = arith.cmpf ogt, %get3A_846, %scan3A_867#0 : vector<16xf32>
    %jit3A_930 = arith.constant 0.000000e+00 : f32
    %broadcast_in_dim3A_931 = vector.broadcast %jit3A_930 : f32 to vector<16xf32>
    %select_n3A_932 = arith.select %gt3A_929, %get3A_846, %broadcast_in_dim3A_931 : vector<16xi1>, vector<16xf32>
    %add3A_933 = arith.addf %add3A_925, %select_n3A_932 : vector<16xf32>
    %convert_element_type3A_934 = arith.extui %gt3A_929 : vector<16xi1> to vector<16xi32>
    %convert_element_type3A_935 = arith.sitofp %convert_element_type3A_934 : vector<16xi32> to vector<16xf32>
    %add3A_936 = arith.addf %add3A_928, %convert_element_type3A_935 : vector<16xf32>
    %gt3A_937 = arith.cmpf ogt, %get3A_848, %scan3A_867#0 : vector<16xf32>
    %jit3A_938 = arith.constant 0.000000e+00 : f32
    %broadcast_in_dim3A_939 = vector.broadcast %jit3A_938 : f32 to vector<16xf32>
    %select_n3A_940 = arith.select %gt3A_937, %get3A_848, %broadcast_in_dim3A_939 : vector<16xi1>, vector<16xf32>
    %add3A_941 = arith.addf %add3A_933, %select_n3A_940 : vector<16xf32>
    %convert_element_type3A_942 = arith.extui %gt3A_937 : vector<16xi1> to vector<16xi32>
    %convert_element_type3A_943 = arith.sitofp %convert_element_type3A_942 : vector<16xi32> to vector<16xf32>
    %add3A_944 = arith.addf %add3A_936, %convert_element_type3A_943 : vector<16xf32>
    %gt3A_945 = arith.cmpf ogt, %get3A_850, %scan3A_867#0 : vector<16xf32>
    %jit3A_946 = arith.constant 0.000000e+00 : f32
    %broadcast_in_dim3A_947 = vector.broadcast %jit3A_946 : f32 to vector<16xf32>
    %select_n3A_948 = arith.select %gt3A_945, %get3A_850, %broadcast_in_dim3A_947 : vector<16xi1>, vector<16xf32>
    %add3A_949 = arith.addf %add3A_941, %select_n3A_948 : vector<16xf32>
    %convert_element_type3A_950 = arith.extui %gt3A_945 : vector<16xi1> to vector<16xi32>
    %convert_element_type3A_951 = arith.sitofp %convert_element_type3A_950 : vector<16xi32> to vector<16xf32>
    %add3A_952 = arith.addf %add3A_944, %convert_element_type3A_951 : vector<16xf32>
    %gt3A_953 = arith.cmpf ogt, %get3A_852, %scan3A_867#0 : vector<16xf32>
    %jit3A_954 = arith.constant 0.000000e+00 : f32
    %broadcast_in_dim3A_955 = vector.broadcast %jit3A_954 : f32 to vector<16xf32>
    %select_n3A_956 = arith.select %gt3A_953, %get3A_852, %broadcast_in_dim3A_955 : vector<16xi1>, vector<16xf32>
    %add3A_957 = arith.addf %add3A_949, %select_n3A_956 : vector<16xf32>
    %convert_element_type3A_958 = arith.extui %gt3A_953 : vector<16xi1> to vector<16xi32>
    %convert_element_type3A_959 = arith.sitofp %convert_element_type3A_958 : vector<16xi32> to vector<16xf32>
    %add3A_960 = arith.addf %add3A_952, %convert_element_type3A_959 : vector<16xf32>
    %gt3A_961 = arith.cmpf ogt, %get3A_854, %scan3A_867#0 : vector<16xf32>
    %jit3A_962 = arith.constant 0.000000e+00 : f32
    %broadcast_in_dim3A_963 = vector.broadcast %jit3A_962 : f32 to vector<16xf32>
    %select_n3A_964 = arith.select %gt3A_961, %get3A_854, %broadcast_in_dim3A_963 : vector<16xi1>, vector<16xf32>
    %add3A_965 = arith.addf %add3A_957, %select_n3A_964 : vector<16xf32>
    %convert_element_type3A_966 = arith.extui %gt3A_961 : vector<16xi1> to vector<16xi32>
    %convert_element_type3A_967 = arith.sitofp %convert_element_type3A_966 : vector<16xi32> to vector<16xf32>
    %add3A_968 = arith.addf %add3A_960, %convert_element_type3A_967 : vector<16xf32>
    %gt3A_969 = arith.cmpf ogt, %get3A_856, %scan3A_867#0 : vector<16xf32>
    %jit3A_970 = arith.constant 0.000000e+00 : f32
    %broadcast_in_dim3A_971 = vector.broadcast %jit3A_970 : f32 to vector<16xf32>
    %select_n3A_972 = arith.select %gt3A_969, %get3A_856, %broadcast_in_dim3A_971 : vector<16xi1>, vector<16xf32>
    %add3A_973 = arith.addf %add3A_965, %select_n3A_972 : vector<16xf32>
    %convert_element_type3A_974 = arith.extui %gt3A_969 : vector<16xi1> to vector<16xi32>
    %convert_element_type3A_975 = arith.sitofp %convert_element_type3A_974 : vector<16xi32> to vector<16xf32>
    %add3A_976 = arith.addf %add3A_968, %convert_element_type3A_975 : vector<16xf32>
    %gt3A_977 = arith.cmpf ogt, %get3A_858, %scan3A_867#0 : vector<16xf32>
    %jit3A_978 = arith.constant 0.000000e+00 : f32
    %broadcast_in_dim3A_979 = vector.broadcast %jit3A_978 : f32 to vector<16xf32>
    %select_n3A_980 = arith.select %gt3A_977, %get3A_858, %broadcast_in_dim3A_979 : vector<16xi1>, vector<16xf32>
    %add3A_981 = arith.addf %add3A_973, %select_n3A_980 : vector<16xf32>
    %convert_element_type3A_982 = arith.extui %gt3A_977 : vector<16xi1> to vector<16xi32>
    %convert_element_type3A_983 = arith.sitofp %convert_element_type3A_982 : vector<16xi32> to vector<16xf32>
    %add3A_984 = arith.addf %add3A_976, %convert_element_type3A_983 : vector<16xf32>
    %gt3A_985 = arith.cmpf ogt, %get3A_860, %scan3A_867#0 : vector<16xf32>
    %jit3A_986 = arith.constant 0.000000e+00 : f32
    %broadcast_in_dim3A_987 = vector.broadcast %jit3A_986 : f32 to vector<16xf32>
    %select_n3A_988 = arith.select %gt3A_985, %get3A_860, %broadcast_in_dim3A_987 : vector<16xi1>, vector<16xf32>
    %add3A_989 = arith.addf %add3A_981, %select_n3A_988 : vector<16xf32>
    %convert_element_type3A_990 = arith.extui %gt3A_985 : vector<16xi1> to vector<16xi32>
    %convert_element_type3A_991 = arith.sitofp %convert_element_type3A_990 : vector<16xi32> to vector<16xf32>
    %add3A_992 = arith.addf %add3A_984, %convert_element_type3A_991 : vector<16xf32>
    %gt3A_993 = arith.cmpf ogt, %get3A_862, %scan3A_867#0 : vector<16xf32>
    %jit3A_994 = arith.constant 0.000000e+00 : f32
    %broadcast_in_dim3A_995 = vector.broadcast %jit3A_994 : f32 to vector<16xf32>
    %select_n3A_996 = arith.select %gt3A_993, %get3A_862, %broadcast_in_dim3A_995 : vector<16xi1>, vector<16xf32>
    %add3A_997 = arith.addf %add3A_989, %select_n3A_996 : vector<16xf32>
    %convert_element_type3A_998 = arith.extui %gt3A_993 : vector<16xi1> to vector<16xi32>
    %convert_element_type3A_999 = arith.sitofp %convert_element_type3A_998 : vector<16xi32> to vector<16xf32>
    %add3A_1000 = arith.addf %add3A_992, %convert_element_type3A_999 : vector<16xf32>
    %while3A_1001 = arith.constant 16 : i32
    %while3A_1002 = arith.subi %squeeze3A_830, %while3A_1001 : i32
    %while3A_1003 = arith.addi %while3A_1001, %while3A_1002 : i32
    %while3A_1004 = arith.constant 1 : i32
    %while3A_1005 = arith.divsi %while3A_1002, %while3A_1004 : i32
    %while3A_1006 = arith.muli %while3A_1005, %while3A_1004 : i32
    %while3A_1007 = arith.addi %while3A_1001, %while3A_1006 : i32
    %while3A_1008 = arith.constant 1 : i32
    %while3A_1009:2 = scf.for %while3A_1270 = %while3A_1001 to %while3A_1007 step %while3A_1008 iter_args(%while3A_1271 = %add3A_997, %while3A_1272 = %add3A_1000) -> (vector<16xf32>, vector<16xf32>)  : i32 {
      %mul3A_1273 = arith.constant 16 : i32
      %mul3A_1274 = arith.muli %while3A_1270, %mul3A_1273 : i32
      %get3A_1275 = arith.index_cast %mul3A_1274 : i32 to index
      %get3A_1276 = tpu.vector_load %arg6[%get3A_1275] {strides = array<i32>} : memref<32784xf32, #tpu.memory_space<vmem>>, vector<16xf32>,
      %gt3A_1277 = arith.cmpf ogt, %get3A_1276, %scan3A_867#0 : vector<16xf32>
      %jit3A_1278 = arith.constant 0.000000e+00 : f32
      %broadcast_in_dim3A_1279 = vector.broadcast %jit3A_1278 : f32 to vector<16xf32>
      %select_n3A_1280 = arith.select %gt3A_1277, %get3A_1276, %broadcast_in_dim3A_1279 : vector<16xi1>, vector<16xf32>
      %add3A_1281 = arith.addf %while3A_1271, %select_n3A_1280 : vector<16xf32>
      %convert_element_type3A_1282 = arith.extui %gt3A_1277 : vector<16xi1> to vector<16xi32>
      %convert_element_type3A_1283 = arith.sitofp %convert_element_type3A_1282 : vector<16xi32> to vector<16xf32>
      %add3A_1284 = arith.addf %while3A_1272, %convert_element_type3A_1283 : vector<16xf32>
      scf.yield %add3A_1281, %add3A_1284 : vector<16xf32>, vector<16xf32>
    }
    %while3A_1010 = arith.constant 1 : i32
    %while3A_1011:2 = scf.for %while3A_1270 = %while3A_1007 to %while3A_1003 step %while3A_1010 iter_args(%while3A_1271 = %while3A_1009#0, %while3A_1272 = %while3A_1009#1) -> (vector<16xf32>, vector<16xf32>)  : i32 {
      %mul3A_1273 = arith.constant 16 : i32
      %mul3A_1274 = arith.muli %while3A_1270, %mul3A_1273 : i32
      %get3A_1275 = arith.index_cast %mul3A_1274 : i32 to index
      %get3A_1276 = tpu.vector_load %arg6[%get3A_1275] {strides = array<i32>} : memref<32784xf32, #tpu.memory_space<vmem>>, vector<16xf32>,
      %gt3A_1277 = arith.cmpf ogt, %get3A_1276, %scan3A_867#0 : vector<16xf32>
      %jit3A_1278 = arith.constant 0.000000e+00 : f32
      %broadcast_in_dim3A_1279 = vector.broadcast %jit3A_1278 : f32 to vector<16xf32>
      %select_n3A_1280 = arith.select %gt3A_1277, %get3A_1276, %broadcast_in_dim3A_1279 : vector<16xi1>, vector<16xf32>
      %add3A_1281 = arith.addf %while3A_1271, %select_n3A_1280 : vector<16xf32>
      %convert_element_type3A_1282 = arith.extui %gt3A_1277 : vector<16xi1> to vector<16xi32>
      %convert_element_type3A_1283 = arith.sitofp %convert_element_type3A_1282 : vector<16xi32> to vector<16xf32>
      %add3A_1284 = arith.addf %while3A_1272, %convert_element_type3A_1283 : vector<16xf32>
      scf.yield %add3A_1281, %add3A_1284 : vector<16xf32>, vector<16xf32>
    }
    %iota3A_1012 = tpu.iota {dimensions = array<i32: 0>} : vector<16xi32>
    %xor3A_1013 = arith.constant 8 : i32
    %xor3A_1014 = vector.broadcast %xor3A_1013 : i32 to vector<16xi32>
    %xor3A_1015 = arith.xori %iota3A_1012, %xor3A_1014 : vector<16xi32>
    %broadcast_in_dim3A_1016 = vector.shape_cast %xor3A_1015 : vector<16xi32> to vector<16x1xi32>
    %gather3A_1017 = vector.shape_cast %broadcast_in_dim3A_1016 : vector<16x1xi32> to vector<16xi32>
    %gather3A_1018 = tpu.dynamic_gather %while3A_1011#0[%gather3A_1017] in [0] : vector<16xf32>, vector<16xi32> -> vector<16xf32>
    %add3A_1019 = arith.addf %while3A_1011#0, %gather3A_1018 : vector<16xf32>
    %iota3A_1020 = tpu.iota {dimensions = array<i32: 0>} : vector<16xi32>
    %xor3A_1021 = arith.constant 4 : i32
    %xor3A_1022 = vector.broadcast %xor3A_1021 : i32 to vector<16xi32>
    %xor3A_1023 = arith.xori %iota3A_1020, %xor3A_1022 : vector<16xi32>
    %broadcast_in_dim3A_1024 = vector.shape_cast %xor3A_1023 : vector<16xi32> to vector<16x1xi32>
    %gather3A_1025 = vector.shape_cast %broadcast_in_dim3A_1024 : vector<16x1xi32> to vector<16xi32>
    %gather3A_1026 = tpu.dynamic_gather %add3A_1019[%gather3A_1025] in [0] : vector<16xf32>, vector<16xi32> -> vector<16xf32>
    %add3A_1027 = arith.addf %add3A_1019, %gather3A_1026 : vector<16xf32>
    %iota3A_1028 = tpu.iota {dimensions = array<i32: 0>} : vector<16xi32>
    %xor3A_1029 = arith.constant 2 : i32
    %xor3A_1030 = vector.broadcast %xor3A_1029 : i32 to vector<16xi32>
    %xor3A_1031 = arith.xori %iota3A_1028, %xor3A_1030 : vector<16xi32>
    %broadcast_in_dim3A_1032 = vector.shape_cast %xor3A_1031 : vector<16xi32> to vector<16x1xi32>
    %gather3A_1033 = vector.shape_cast %broadcast_in_dim3A_1032 : vector<16x1xi32> to vector<16xi32>
    %gather3A_1034 = tpu.dynamic_gather %add3A_1027[%gather3A_1033] in [0] : vector<16xf32>, vector<16xi32> -> vector<16xf32>
    %add3A_1035 = arith.addf %add3A_1027, %gather3A_1034 : vector<16xf32>
    %iota3A_1036 = tpu.iota {dimensions = array<i32: 0>} : vector<16xi32>
    %xor3A_1037 = arith.constant 1 : i32
    %xor3A_1038 = vector.broadcast %xor3A_1037 : i32 to vector<16xi32>
    %xor3A_1039 = arith.xori %iota3A_1036, %xor3A_1038 : vector<16xi32>
    %broadcast_in_dim3A_1040 = vector.shape_cast %xor3A_1039 : vector<16xi32> to vector<16x1xi32>
    %gather3A_1041 = vector.shape_cast %broadcast_in_dim3A_1040 : vector<16x1xi32> to vector<16xi32>
    %gather3A_1042 = tpu.dynamic_gather %add3A_1035[%gather3A_1041] in [0] : vector<16xf32>, vector<16xi32> -> vector<16xf32>
    %add3A_1043 = arith.addf %add3A_1035, %gather3A_1042 : vector<16xf32>
    %sub3A_1044 = arith.constant 1.000000e+00 : f32
    %sub3A_1045 = vector.broadcast %sub3A_1044 : f32 to vector<16xf32>
    %sub3A_1046 = arith.subf %add3A_1043, %sub3A_1045 : vector<16xf32>
    %iota3A_1047 = tpu.iota {dimensions = array<i32: 0>} : vector<16xi32>
    %xor3A_1048 = arith.constant 8 : i32
    %xor3A_1049 = vector.broadcast %xor3A_1048 : i32 to vector<16xi32>
    %xor3A_1050 = arith.xori %iota3A_1047, %xor3A_1049 : vector<16xi32>
    %broadcast_in_dim3A_1051 = vector.shape_cast %xor3A_1050 : vector<16xi32> to vector<16x1xi32>
    %gather3A_1052 = vector.shape_cast %broadcast_in_dim3A_1051 : vector<16x1xi32> to vector<16xi32>
    %gather3A_1053 = tpu.dynamic_gather %while3A_1011#1[%gather3A_1052] in [0] : vector<16xf32>, vector<16xi32> -> vector<16xf32>
    %add3A_1054 = arith.addf %while3A_1011#1, %gather3A_1053 : vector<16xf32>
    %iota3A_1055 = tpu.iota {dimensions = array<i32: 0>} : vector<16xi32>
    %xor3A_1056 = arith.constant 4 : i32
    %xor3A_1057 = vector.broadcast %xor3A_1056 : i32 to vector<16xi32>
    %xor3A_1058 = arith.xori %iota3A_1055, %xor3A_1057 : vector<16xi32>
    %broadcast_in_dim3A_1059 = vector.shape_cast %xor3A_1058 : vector<16xi32> to vector<16x1xi32>
    %gather3A_1060 = vector.shape_cast %broadcast_in_dim3A_1059 : vector<16x1xi32> to vector<16xi32>
    %gather3A_1061 = tpu.dynamic_gather %add3A_1054[%gather3A_1060] in [0] : vector<16xf32>, vector<16xi32> -> vector<16xf32>
    %add3A_1062 = arith.addf %add3A_1054, %gather3A_1061 : vector<16xf32>
    %iota3A_1063 = tpu.iota {dimensions = array<i32: 0>} : vector<16xi32>
    %xor3A_1064 = arith.constant 2 : i32
    %xor3A_1065 = vector.broadcast %xor3A_1064 : i32 to vector<16xi32>
    %xor3A_1066 = arith.xori %iota3A_1063, %xor3A_1065 : vector<16xi32>
    %broadcast_in_dim3A_1067 = vector.shape_cast %xor3A_1066 : vector<16xi32> to vector<16x1xi32>
    %gather3A_1068 = vector.shape_cast %broadcast_in_dim3A_1067 : vector<16x1xi32> to vector<16xi32>
    %gather3A_1069 = tpu.dynamic_gather %add3A_1062[%gather3A_1068] in [0] : vector<16xf32>, vector<16xi32> -> vector<16xf32>
    %add3A_1070 = arith.addf %add3A_1062, %gather3A_1069 : vector<16xf32>
    %iota3A_1071 = tpu.iota {dimensions = array<i32: 0>} : vector<16xi32>
    %xor3A_1072 = arith.constant 1 : i32
    %xor3A_1073 = vector.broadcast %xor3A_1072 : i32 to vector<16xi32>
    %xor3A_1074 = arith.xori %iota3A_1071, %xor3A_1073 : vector<16xi32>
    %broadcast_in_dim3A_1075 = vector.shape_cast %xor3A_1074 : vector<16xi32> to vector<16x1xi32>
    %gather3A_1076 = vector.shape_cast %broadcast_in_dim3A_1075 : vector<16x1xi32> to vector<16xi32>
    %gather3A_1077 = tpu.dynamic_gather %add3A_1070[%gather3A_1076] in [0] : vector<16xf32>, vector<16xi32> -> vector<16xf32>
    %add3A_1078 = arith.addf %add3A_1070, %gather3A_1077 : vector<16xf32>
    %div3A_1079 = arith.divf %sub3A_1046, %add3A_1078 : vector<16xf32>
    %parallel_loop3A_1080 = arith.constant 0 : i32
    %parallel_loop3A_1081 = arith.constant 256 : i32
    %parallel_loop3A_1082 = arith.constant 8 : i32
    "tpu.trace_stop"() : () -> ()
    scf.for %parallel_loop3A_1270 = %parallel_loop3A_1080 to %parallel_loop3A_1081 step %parallel_loop3A_1082  : i32 {
      %parallel_loop3A_1271 = arith.constant 0 : i32
      %parallel_loop3A_1272 = arith.addi %parallel_loop3A_1270, %parallel_loop3A_1271 : i32
      %parallel_loop3A_1273 = arith.constant 16 : i32
      %parallel_loop3A_1274 = arith.muli %parallel_loop3A_1272, %parallel_loop3A_1273 : i32
      %parallel_loop3A_1275 = arith.index_cast %parallel_loop3A_1274 : i32 to index
      %parallel_loop3A_1276 = tpu.vector_load %arg5[%parallel_loop3A_1275] {strides = array<i32>} : memref<32768xf32, #tpu.memory_space<vmem>>, vector<16xf32>,
      %parallel_loop3A_1277 = arith.subf %parallel_loop3A_1276, %div3A_1079 : vector<16xf32>
      %parallel_loop3A_1278 = arith.constant 0.000000e+00 : f32
      %parallel_loop3A_1279 = vector.broadcast %parallel_loop3A_1278 : f32 to vector<16xf32>
      %parallel_loop3A_1280 = arith.maximumf %parallel_loop3A_1277, %parallel_loop3A_1279 : vector<16xf32>
      %parallel_loop3A_1281 = arith.constant 0 : i32
      %parallel_loop3A_1282 = arith.addi %parallel_loop3A_1270, %parallel_loop3A_1281 : i32
      %parallel_loop3A_1283 = arith.constant 16 : i32
      %parallel_loop3A_1284 = arith.muli %parallel_loop3A_1282, %parallel_loop3A_1283 : i32
      %parallel_loop3A_1285 = arith.index_cast %parallel_loop3A_1284 : i32 to index
      %parallel_loop3A_1286 = tpu.vector_load %arg5[%parallel_loop3A_1285] {strides = array<i32>} : memref<32768xf32, #tpu.memory_space<vmem>>, vector<16xf32>,
      tpu.vector_store %arg5[%parallel_loop3A_1285], %parallel_loop3A_1280 {strides = array<i32>} : memref<32768xf32, #tpu.memory_space<vmem>>, vector<16xf32>,
      %parallel_loop3A_1287 = arith.constant 1 : i32
      %parallel_loop3A_1288 = arith.addi %parallel_loop3A_1270, %parallel_loop3A_1287 : i32
      %parallel_loop3A_1289 = arith.constant 16 : i32
      %parallel_loop3A_1290 = arith.muli %parallel_loop3A_1288, %parallel_loop3A_1289 : i32
      %parallel_loop3A_1291 = arith.index_cast %parallel_loop3A_1290 : i32 to index
      %parallel_loop3A_1292 = tpu.vector_load %arg5[%parallel_loop3A_1291] {strides = array<i32>} : memref<32768xf32, #tpu.memory_space<vmem>>, vector<16xf32>,
      %parallel_loop3A_1293 = arith.subf %parallel_loop3A_1292, %div3A_1079 : vector<16xf32>
      %parallel_loop3A_1294 = arith.constant 0.000000e+00 : f32
      %parallel_loop3A_1295 = vector.broadcast %parallel_loop3A_1294 : f32 to vector<16xf32>
      %parallel_loop3A_1296 = arith.maximumf %parallel_loop3A_1293, %parallel_loop3A_1295 : vector<16xf32>
      %parallel_loop3A_1297 = arith.constant 1 : i32
      %parallel_loop3A_1298 = arith.addi %parallel_loop3A_1270, %parallel_loop3A_1297 : i32
      %parallel_loop3A_1299 = arith.constant 16 : i32
      %parallel_loop3A_1300 = arith.muli %parallel_loop3A_1298, %parallel_loop3A_1299 : i32
      %parallel_loop3A_1301 = arith.index_cast %parallel_loop3A_1300 : i32 to index
      %parallel_loop3A_1302 = tpu.vector_load %arg5[%parallel_loop3A_1301] {strides = array<i32>} : memref<32768xf32, #tpu.memory_space<vmem>>, vector<16xf32>,
      tpu.vector_store %arg5[%parallel_loop3A_1301], %parallel_loop3A_1296 {strides = array<i32>} : memref<32768xf32, #tpu.memory_space<vmem>>, vector<16xf32>,
      %parallel_loop3A_1303 = arith.constant 2 : i32
      %parallel_loop3A_1304 = arith.addi %parallel_loop3A_1270, %parallel_loop3A_1303 : i32
      %parallel_loop3A_1305 = arith.constant 16 : i32
      %parallel_loop3A_1306 = arith.muli %parallel_loop3A_1304, %parallel_loop3A_1305 : i32
      %parallel_loop3A_1307 = arith.index_cast %parallel_loop3A_1306 : i32 to index
      %parallel_loop3A_1308 = tpu.vector_load %arg5[%parallel_loop3A_1307] {strides = array<i32>} : memref<32768xf32, #tpu.memory_space<vmem>>, vector<16xf32>,
      %parallel_loop3A_1309 = arith.subf %parallel_loop3A_1308, %div3A_1079 : vector<16xf32>
      %parallel_loop3A_1310 = arith.constant 0.000000e+00 : f32
      %parallel_loop3A_1311 = vector.broadcast %parallel_loop3A_1310 : f32 to vector<16xf32>
      %parallel_loop3A_1312 = arith.maximumf %parallel_loop3A_1309, %parallel_loop3A_1311 : vector<16xf32>
      %parallel_loop3A_1313 = arith.constant 2 : i32
      %parallel_loop3A_1314 = arith.addi %parallel_loop3A_1270, %parallel_loop3A_1313 : i32
      %parallel_loop3A_1315 = arith.constant 16 : i32
      %parallel_loop3A_1316 = arith.muli %parallel_loop3A_1314, %parallel_loop3A_1315 : i32
      %parallel_loop3A_1317 = arith.index_cast %parallel_loop3A_1316 : i32 to index
      %parallel_loop3A_1318 = tpu.vector_load %arg5[%parallel_loop3A_1317] {strides = array<i32>} : memref<32768xf32, #tpu.memory_space<vmem>>, vector<16xf32>,
      tpu.vector_store %arg5[%parallel_loop3A_1317], %parallel_loop3A_1312 {strides = array<i32>} : memref<32768xf32, #tpu.memory_space<vmem>>, vector<16xf32>,
      %parallel_loop3A_1319 = arith.constant 3 : i32
      %parallel_loop3A_1320 = arith.addi %parallel_loop3A_1270, %parallel_loop3A_1319 : i32
      %parallel_loop3A_1321 = arith.constant 16 : i32
      %parallel_loop3A_1322 = arith.muli %parallel_loop3A_1320, %parallel_loop3A_1321 : i32
      %parallel_loop3A_1323 = arith.index_cast %parallel_loop3A_1322 : i32 to index
      %parallel_loop3A_1324 = tpu.vector_load %arg5[%parallel_loop3A_1323] {strides = array<i32>} : memref<32768xf32, #tpu.memory_space<vmem>>, vector<16xf32>,
      %parallel_loop3A_1325 = arith.subf %parallel_loop3A_1324, %div3A_1079 : vector<16xf32>
      %parallel_loop3A_1326 = arith.constant 0.000000e+00 : f32
      %parallel_loop3A_1327 = vector.broadcast %parallel_loop3A_1326 : f32 to vector<16xf32>
      %parallel_loop3A_1328 = arith.maximumf %parallel_loop3A_1325, %parallel_loop3A_1327 : vector<16xf32>
      %parallel_loop3A_1329 = arith.constant 3 : i32
      %parallel_loop3A_1330 = arith.addi %parallel_loop3A_1270, %parallel_loop3A_1329 : i32
      %parallel_loop3A_1331 = arith.constant 16 : i32
      %parallel_loop3A_1332 = arith.muli %parallel_loop3A_1330, %parallel_loop3A_1331 : i32
      %parallel_loop3A_1333 = arith.index_cast %parallel_loop3A_1332 : i32 to index
      %parallel_loop3A_1334 = tpu.vector_load %arg5[%parallel_loop3A_1333] {strides = array<i32>} : memref<32768xf32, #tpu.memory_space<vmem>>, vector<16xf32>,
      tpu.vector_store %arg5[%parallel_loop3A_1333], %parallel_loop3A_1328 {strides = array<i32>} : memref<32768xf32, #tpu.memory_space<vmem>>, vector<16xf32>,
      %parallel_loop3A_1335 = arith.constant 4 : i32
      %parallel_loop3A_1336 = arith.addi %parallel_loop3A_1270, %parallel_loop3A_1335 : i32
      %parallel_loop3A_1337 = arith.constant 16 : i32
      %parallel_loop3A_1338 = arith.muli %parallel_loop3A_1336, %parallel_loop3A_1337 : i32
      %parallel_loop3A_1339 = arith.index_cast %parallel_loop3A_1338 : i32 to index
      %parallel_loop3A_1340 = tpu.vector_load %arg5[%parallel_loop3A_1339] {strides = array<i32>} : memref<32768xf32, #tpu.memory_space<vmem>>, vector<16xf32>,
      %parallel_loop3A_1341 = arith.subf %parallel_loop3A_1340, %div3A_1079 : vector<16xf32>
      %parallel_loop3A_1342 = arith.constant 0.000000e+00 : f32
      %parallel_loop3A_1343 = vector.broadcast %parallel_loop3A_1342 : f32 to vector<16xf32>
      %parallel_loop3A_1344 = arith.maximumf %parallel_loop3A_1341, %parallel_loop3A_1343 : vector<16xf32>
      %parallel_loop3A_1345 = arith.constant 4 : i32
      %parallel_loop3A_1346 = arith.addi %parallel_loop3A_1270, %parallel_loop3A_1345 : i32
      %parallel_loop3A_1347 = arith.constant 16 : i32
      %parallel_loop3A_1348 = arith.muli %parallel_loop3A_1346, %parallel_loop3A_1347 : i32
      %parallel_loop3A_1349 = arith.index_cast %parallel_loop3A_1348 : i32 to index
      %parallel_loop3A_1350 = tpu.vector_load %arg5[%parallel_loop3A_1349] {strides = array<i32>} : memref<32768xf32, #tpu.memory_space<vmem>>, vector<16xf32>,
      tpu.vector_store %arg5[%parallel_loop3A_1349], %parallel_loop3A_1344 {strides = array<i32>} : memref<32768xf32, #tpu.memory_space<vmem>>, vector<16xf32>,
      %parallel_loop3A_1351 = arith.constant 5 : i32
      %parallel_loop3A_1352 = arith.addi %parallel_loop3A_1270, %parallel_loop3A_1351 : i32
      %parallel_loop3A_1353 = arith.constant 16 : i32
      %parallel_loop3A_1354 = arith.muli %parallel_loop3A_1352, %parallel_loop3A_1353 : i32
      %parallel_loop3A_1355 = arith.index_cast %parallel_loop3A_1354 : i32 to index
      %parallel_loop3A_1356 = tpu.vector_load %arg5[%parallel_loop3A_1355] {strides = array<i32>} : memref<32768xf32, #tpu.memory_space<vmem>>, vector<16xf32>,
      %parallel_loop3A_1357 = arith.subf %parallel_loop3A_1356, %div3A_1079 : vector<16xf32>
      %parallel_loop3A_1358 = arith.constant 0.000000e+00 : f32
      %parallel_loop3A_1359 = vector.broadcast %parallel_loop3A_1358 : f32 to vector<16xf32>
      %parallel_loop3A_1360 = arith.maximumf %parallel_loop3A_1357, %parallel_loop3A_1359 : vector<16xf32>
      %parallel_loop3A_1361 = arith.constant 5 : i32
      %parallel_loop3A_1362 = arith.addi %parallel_loop3A_1270, %parallel_loop3A_1361 : i32
      %parallel_loop3A_1363 = arith.constant 16 : i32
      %parallel_loop3A_1364 = arith.muli %parallel_loop3A_1362, %parallel_loop3A_1363 : i32
      %parallel_loop3A_1365 = arith.index_cast %parallel_loop3A_1364 : i32 to index
      %parallel_loop3A_1366 = tpu.vector_load %arg5[%parallel_loop3A_1365] {strides = array<i32>} : memref<32768xf32, #tpu.memory_space<vmem>>, vector<16xf32>,
      tpu.vector_store %arg5[%parallel_loop3A_1365], %parallel_loop3A_1360 {strides = array<i32>} : memref<32768xf32, #tpu.memory_space<vmem>>, vector<16xf32>,
      %parallel_loop3A_1367 = arith.constant 6 : i32
      %parallel_loop3A_1368 = arith.addi %parallel_loop3A_1270, %parallel_loop3A_1367 : i32
      %parallel_loop3A_1369 = arith.constant 16 : i32
      %parallel_loop3A_1370 = arith.muli %parallel_loop3A_1368, %parallel_loop3A_1369 : i32
      %parallel_loop3A_1371 = arith.index_cast %parallel_loop3A_1370 : i32 to index
      %parallel_loop3A_1372 = tpu.vector_load %arg5[%parallel_loop3A_1371] {strides = array<i32>} : memref<32768xf32, #tpu.memory_space<vmem>>, vector<16xf32>,
      %parallel_loop3A_1373 = arith.subf %parallel_loop3A_1372, %div3A_1079 : vector<16xf32>
      %parallel_loop3A_1374 = arith.constant 0.000000e+00 : f32
      %parallel_loop3A_1375 = vector.broadcast %parallel_loop3A_1374 : f32 to vector<16xf32>
      %parallel_loop3A_1376 = arith.maximumf %parallel_loop3A_1373, %parallel_loop3A_1375 : vector<16xf32>
      %parallel_loop3A_1377 = arith.constant 6 : i32
      %parallel_loop3A_1378 = arith.addi %parallel_loop3A_1270, %parallel_loop3A_1377 : i32
      %parallel_loop3A_1379 = arith.constant 16 : i32
      %parallel_loop3A_1380 = arith.muli %parallel_loop3A_1378, %parallel_loop3A_1379 : i32
      %parallel_loop3A_1381 = arith.index_cast %parallel_loop3A_1380 : i32 to index
      %parallel_loop3A_1382 = tpu.vector_load %arg5[%parallel_loop3A_1381] {strides = array<i32>} : memref<32768xf32, #tpu.memory_space<vmem>>, vector<16xf32>,
      tpu.vector_store %arg5[%parallel_loop3A_1381], %parallel_loop3A_1376 {strides = array<i32>} : memref<32768xf32, #tpu.memory_space<vmem>>, vector<16xf32>,
      %parallel_loop3A_1383 = arith.constant 7 : i32
      %parallel_loop3A_1384 = arith.addi %parallel_loop3A_1270, %parallel_loop3A_1383 : i32
      %parallel_loop3A_1385 = arith.constant 16 : i32
      %parallel_loop3A_1386 = arith.muli %parallel_loop3A_1384, %parallel_loop3A_1385 : i32
      %parallel_loop3A_1387 = arith.index_cast %parallel_loop3A_1386 : i32 to index
      %parallel_loop3A_1388 = tpu.vector_load %arg5[%parallel_loop3A_1387] {strides = array<i32>} : memref<32768xf32, #tpu.memory_space<vmem>>, vector<16xf32>,
      %parallel_loop3A_1389 = arith.subf %parallel_loop3A_1388, %div3A_1079 : vector<16xf32>
      %parallel_loop3A_1390 = arith.constant 0.000000e+00 : f32
      %parallel_loop3A_1391 = vector.broadcast %parallel_loop3A_1390 : f32 to vector<16xf32>
      %parallel_loop3A_1392 = arith.maximumf %parallel_loop3A_1389, %parallel_loop3A_1391 : vector<16xf32>
      %parallel_loop3A_1393 = arith.constant 7 : i32
      %parallel_loop3A_1394 = arith.addi %parallel_loop3A_1270, %parallel_loop3A_1393 : i32
      %parallel_loop3A_1395 = arith.constant 16 : i32
      %parallel_loop3A_1396 = arith.muli %parallel_loop3A_1394, %parallel_loop3A_1395 : i32
      %parallel_loop3A_1397 = arith.index_cast %parallel_loop3A_1396 : i32 to index
      %parallel_loop3A_1398 = tpu.vector_load %arg5[%parallel_loop3A_1397] {strides = array<i32>} : memref<32768xf32, #tpu.memory_space<vmem>>, vector<16xf32>,
      tpu.vector_store %arg5[%parallel_loop3A_1397], %parallel_loop3A_1392 {strides = array<i32>} : memref<32768xf32, #tpu.memory_space<vmem>>, vector<16xf32>,
    } {sc.loop_unroll_factor = 2 : i64, sc.parallel_access}
    %dma_start3A_1083 = arith.constant 0 : i32
    %dma_start3A_1084 = tpu.memref_slice %arg5[%dma_start3A_1083] : memref<32768xf32, #tpu.memory_space<vmem>> -> memref<4096xf32, #tpu.memory_space<vmem>>
    %dma_start3A_1085 = arith.constant 0 : i32
    %dma_start3A_1086 = tpu.memref_slice %arg3[%add3A_4, %dma_start3A_1085] : memref<64x32768xf32, #tpu.memory_space<hbm>> -> memref<1x4096xf32, #tpu.memory_space<hbm>>
    %dma_start3A_1087 = tpu.memref_squeeze %dma_start3A_1086 : memref<1x4096xf32, #tpu.memory_space<hbm>> -> memref<4096xf32, #tpu.memory_space<hbm>>
    %dma_start3A_1088 = arith.constant 0 : i32
    %dma_start3A_1089 = tpu.memref_slice %arg3[%add3A_4, %dma_start3A_1088] : memref<64x32768xf32, #tpu.memory_space<hbm>> -> memref<1x4096xf32, #tpu.memory_space<hbm>>
    %dma_start3A_1090 = tpu.memref_squeeze %dma_start3A_1089 : memref<1x4096xf32, #tpu.memory_space<hbm>> -> memref<4096xf32, #tpu.memory_space<hbm>>
    %dma_start3A_1091 = arith.constant 0 : i32
    %dma_start3A_1092 = tpu.memref_slice %arg5[%dma_start3A_1091] : memref<32768xf32, #tpu.memory_space<vmem>> -> memref<4096xf32, #tpu.memory_space<vmem>>
    tpu.enqueue_dma source(%dma_start3A_1092 : memref<4096xf32, #tpu.memory_space<vmem>>) target(%dma_start3A_1090 : memref<4096xf32, #tpu.memory_space<hbm>>) target_semaphore(%arg7 : memref<!tpu.dma_semaphore, #tpu.memory_space<semaphore_mem>>)
    %parallel_loop3A_1093 = arith.constant 256 : i32
    %parallel_loop3A_1094 = arith.constant 512 : i32
    %parallel_loop3A_1095 = arith.constant 8 : i32
    scf.for %parallel_loop3A_1270 = %parallel_loop3A_1093 to %parallel_loop3A_1094 step %parallel_loop3A_1095  : i32 {
      %parallel_loop3A_1271 = arith.constant 0 : i32
      %parallel_loop3A_1272 = arith.addi %parallel_loop3A_1270, %parallel_loop3A_1271 : i32
      %parallel_loop3A_1273 = arith.constant 16 : i32
      %parallel_loop3A_1274 = arith.muli %parallel_loop3A_1272, %parallel_loop3A_1273 : i32
      %parallel_loop3A_1275 = arith.index_cast %parallel_loop3A_1274 : i32 to index
      %parallel_loop3A_1276 = tpu.vector_load %arg5[%parallel_loop3A_1275] {strides = array<i32>} : memref<32768xf32, #tpu.memory_space<vmem>>, vector<16xf32>,
      %parallel_loop3A_1277 = arith.subf %parallel_loop3A_1276, %div3A_1079 : vector<16xf32>
      %parallel_loop3A_1278 = arith.constant 0.000000e+00 : f32
      %parallel_loop3A_1279 = vector.broadcast %parallel_loop3A_1278 : f32 to vector<16xf32>
      %parallel_loop3A_1280 = arith.maximumf %parallel_loop3A_1277, %parallel_loop3A_1279 : vector<16xf32>
      %parallel_loop3A_1281 = arith.constant 0 : i32
      %parallel_loop3A_1282 = arith.addi %parallel_loop3A_1270, %parallel_loop3A_1281 : i32
      %parallel_loop3A_1283 = arith.constant 16 : i32
      %parallel_loop3A_1284 = arith.muli %parallel_loop3A_1282, %parallel_loop3A_1283 : i32
      %parallel_loop3A_1285 = arith.index_cast %parallel_loop3A_1284 : i32 to index
      %parallel_loop3A_1286 = tpu.vector_load %arg5[%parallel_loop3A_1285] {strides = array<i32>} : memref<32768xf32, #tpu.memory_space<vmem>>, vector<16xf32>,
      tpu.vector_store %arg5[%parallel_loop3A_1285], %parallel_loop3A_1280 {strides = array<i32>} : memref<32768xf32, #tpu.memory_space<vmem>>, vector<16xf32>,
      %parallel_loop3A_1287 = arith.constant 1 : i32
      %parallel_loop3A_1288 = arith.addi %parallel_loop3A_1270, %parallel_loop3A_1287 : i32
      %parallel_loop3A_1289 = arith.constant 16 : i32
      %parallel_loop3A_1290 = arith.muli %parallel_loop3A_1288, %parallel_loop3A_1289 : i32
      %parallel_loop3A_1291 = arith.index_cast %parallel_loop3A_1290 : i32 to index
      %parallel_loop3A_1292 = tpu.vector_load %arg5[%parallel_loop3A_1291] {strides = array<i32>} : memref<32768xf32, #tpu.memory_space<vmem>>, vector<16xf32>,
      %parallel_loop3A_1293 = arith.subf %parallel_loop3A_1292, %div3A_1079 : vector<16xf32>
      %parallel_loop3A_1294 = arith.constant 0.000000e+00 : f32
      %parallel_loop3A_1295 = vector.broadcast %parallel_loop3A_1294 : f32 to vector<16xf32>
      %parallel_loop3A_1296 = arith.maximumf %parallel_loop3A_1293, %parallel_loop3A_1295 : vector<16xf32>
      %parallel_loop3A_1297 = arith.constant 1 : i32
      %parallel_loop3A_1298 = arith.addi %parallel_loop3A_1270, %parallel_loop3A_1297 : i32
      %parallel_loop3A_1299 = arith.constant 16 : i32
      %parallel_loop3A_1300 = arith.muli %parallel_loop3A_1298, %parallel_loop3A_1299 : i32
      %parallel_loop3A_1301 = arith.index_cast %parallel_loop3A_1300 : i32 to index
      %parallel_loop3A_1302 = tpu.vector_load %arg5[%parallel_loop3A_1301] {strides = array<i32>} : memref<32768xf32, #tpu.memory_space<vmem>>, vector<16xf32>,
      tpu.vector_store %arg5[%parallel_loop3A_1301], %parallel_loop3A_1296 {strides = array<i32>} : memref<32768xf32, #tpu.memory_space<vmem>>, vector<16xf32>,
      %parallel_loop3A_1303 = arith.constant 2 : i32
      %parallel_loop3A_1304 = arith.addi %parallel_loop3A_1270, %parallel_loop3A_1303 : i32
      %parallel_loop3A_1305 = arith.constant 16 : i32
      %parallel_loop3A_1306 = arith.muli %parallel_loop3A_1304, %parallel_loop3A_1305 : i32
      %parallel_loop3A_1307 = arith.index_cast %parallel_loop3A_1306 : i32 to index
      %parallel_loop3A_1308 = tpu.vector_load %arg5[%parallel_loop3A_1307] {strides = array<i32>} : memref<32768xf32, #tpu.memory_space<vmem>>, vector<16xf32>,
      %parallel_loop3A_1309 = arith.subf %parallel_loop3A_1308, %div3A_1079 : vector<16xf32>
      %parallel_loop3A_1310 = arith.constant 0.000000e+00 : f32
      %parallel_loop3A_1311 = vector.broadcast %parallel_loop3A_1310 : f32 to vector<16xf32>
      %parallel_loop3A_1312 = arith.maximumf %parallel_loop3A_1309, %parallel_loop3A_1311 : vector<16xf32>
      %parallel_loop3A_1313 = arith.constant 2 : i32
      %parallel_loop3A_1314 = arith.addi %parallel_loop3A_1270, %parallel_loop3A_1313 : i32
      %parallel_loop3A_1315 = arith.constant 16 : i32
      %parallel_loop3A_1316 = arith.muli %parallel_loop3A_1314, %parallel_loop3A_1315 : i32
      %parallel_loop3A_1317 = arith.index_cast %parallel_loop3A_1316 : i32 to index
      %parallel_loop3A_1318 = tpu.vector_load %arg5[%parallel_loop3A_1317] {strides = array<i32>} : memref<32768xf32, #tpu.memory_space<vmem>>, vector<16xf32>,
      tpu.vector_store %arg5[%parallel_loop3A_1317], %parallel_loop3A_1312 {strides = array<i32>} : memref<32768xf32, #tpu.memory_space<vmem>>, vector<16xf32>,
      %parallel_loop3A_1319 = arith.constant 3 : i32
      %parallel_loop3A_1320 = arith.addi %parallel_loop3A_1270, %parallel_loop3A_1319 : i32
      %parallel_loop3A_1321 = arith.constant 16 : i32
      %parallel_loop3A_1322 = arith.muli %parallel_loop3A_1320, %parallel_loop3A_1321 : i32
      %parallel_loop3A_1323 = arith.index_cast %parallel_loop3A_1322 : i32 to index
      %parallel_loop3A_1324 = tpu.vector_load %arg5[%parallel_loop3A_1323] {strides = array<i32>} : memref<32768xf32, #tpu.memory_space<vmem>>, vector<16xf32>,
      %parallel_loop3A_1325 = arith.subf %parallel_loop3A_1324, %div3A_1079 : vector<16xf32>
      %parallel_loop3A_1326 = arith.constant 0.000000e+00 : f32
      %parallel_loop3A_1327 = vector.broadcast %parallel_loop3A_1326 : f32 to vector<16xf32>
      %parallel_loop3A_1328 = arith.maximumf %parallel_loop3A_1325, %parallel_loop3A_1327 : vector<16xf32>
      %parallel_loop3A_1329 = arith.constant 3 : i32
      %parallel_loop3A_1330 = arith.addi %parallel_loop3A_1270, %parallel_loop3A_1329 : i32
      %parallel_loop3A_1331 = arith.constant 16 : i32
      %parallel_loop3A_1332 = arith.muli %parallel_loop3A_1330, %parallel_loop3A_1331 : i32
      %parallel_loop3A_1333 = arith.index_cast %parallel_loop3A_1332 : i32 to index
      %parallel_loop3A_1334 = tpu.vector_load %arg5[%parallel_loop3A_1333] {strides = array<i32>} : memref<32768xf32, #tpu.memory_space<vmem>>, vector<16xf32>,
      tpu.vector_store %arg5[%parallel_loop3A_1333], %parallel_loop3A_1328 {strides = array<i32>} : memref<32768xf32, #tpu.memory_space<vmem>>, vector<16xf32>,
      %parallel_loop3A_1335 = arith.constant 4 : i32
      %parallel_loop3A_1336 = arith.addi %parallel_loop3A_1270, %parallel_loop3A_1335 : i32
      %parallel_loop3A_1337 = arith.constant 16 : i32
      %parallel_loop3A_1338 = arith.muli %parallel_loop3A_1336, %parallel_loop3A_1337 : i32
      %parallel_loop3A_1339 = arith.index_cast %parallel_loop3A_1338 : i32 to index
      %parallel_loop3A_1340 = tpu.vector_load %arg5[%parallel_loop3A_1339] {strides = array<i32>} : memref<32768xf32, #tpu.memory_space<vmem>>, vector<16xf32>,
      %parallel_loop3A_1341 = arith.subf %parallel_loop3A_1340, %div3A_1079 : vector<16xf32>
      %parallel_loop3A_1342 = arith.constant 0.000000e+00 : f32
      %parallel_loop3A_1343 = vector.broadcast %parallel_loop3A_1342 : f32 to vector<16xf32>
      %parallel_loop3A_1344 = arith.maximumf %parallel_loop3A_1341, %parallel_loop3A_1343 : vector<16xf32>
      %parallel_loop3A_1345 = arith.constant 4 : i32
      %parallel_loop3A_1346 = arith.addi %parallel_loop3A_1270, %parallel_loop3A_1345 : i32
      %parallel_loop3A_1347 = arith.constant 16 : i32
      %parallel_loop3A_1348 = arith.muli %parallel_loop3A_1346, %parallel_loop3A_1347 : i32
      %parallel_loop3A_1349 = arith.index_cast %parallel_loop3A_1348 : i32 to index
      %parallel_loop3A_1350 = tpu.vector_load %arg5[%parallel_loop3A_1349] {strides = array<i32>} : memref<32768xf32, #tpu.memory_space<vmem>>, vector<16xf32>,
      tpu.vector_store %arg5[%parallel_loop3A_1349], %parallel_loop3A_1344 {strides = array<i32>} : memref<32768xf32, #tpu.memory_space<vmem>>, vector<16xf32>,
      %parallel_loop3A_1351 = arith.constant 5 : i32
      %parallel_loop3A_1352 = arith.addi %parallel_loop3A_1270, %parallel_loop3A_1351 : i32
      %parallel_loop3A_1353 = arith.constant 16 : i32
      %parallel_loop3A_1354 = arith.muli %parallel_loop3A_1352, %parallel_loop3A_1353 : i32
      %parallel_loop3A_1355 = arith.index_cast %parallel_loop3A_1354 : i32 to index
      %parallel_loop3A_1356 = tpu.vector_load %arg5[%parallel_loop3A_1355] {strides = array<i32>} : memref<32768xf32, #tpu.memory_space<vmem>>, vector<16xf32>,
      %parallel_loop3A_1357 = arith.subf %parallel_loop3A_1356, %div3A_1079 : vector<16xf32>
      %parallel_loop3A_1358 = arith.constant 0.000000e+00 : f32
      %parallel_loop3A_1359 = vector.broadcast %parallel_loop3A_1358 : f32 to vector<16xf32>
      %parallel_loop3A_1360 = arith.maximumf %parallel_loop3A_1357, %parallel_loop3A_1359 : vector<16xf32>
      %parallel_loop3A_1361 = arith.constant 5 : i32
      %parallel_loop3A_1362 = arith.addi %parallel_loop3A_1270, %parallel_loop3A_1361 : i32
      %parallel_loop3A_1363 = arith.constant 16 : i32
      %parallel_loop3A_1364 = arith.muli %parallel_loop3A_1362, %parallel_loop3A_1363 : i32
      %parallel_loop3A_1365 = arith.index_cast %parallel_loop3A_1364 : i32 to index
      %parallel_loop3A_1366 = tpu.vector_load %arg5[%parallel_loop3A_1365] {strides = array<i32>} : memref<32768xf32, #tpu.memory_space<vmem>>, vector<16xf32>,
      tpu.vector_store %arg5[%parallel_loop3A_1365], %parallel_loop3A_1360 {strides = array<i32>} : memref<32768xf32, #tpu.memory_space<vmem>>, vector<16xf32>,
      %parallel_loop3A_1367 = arith.constant 6 : i32
      %parallel_loop3A_1368 = arith.addi %parallel_loop3A_1270, %parallel_loop3A_1367 : i32
      %parallel_loop3A_1369 = arith.constant 16 : i32
      %parallel_loop3A_1370 = arith.muli %parallel_loop3A_1368, %parallel_loop3A_1369 : i32
      %parallel_loop3A_1371 = arith.index_cast %parallel_loop3A_1370 : i32 to index
      %parallel_loop3A_1372 = tpu.vector_load %arg5[%parallel_loop3A_1371] {strides = array<i32>} : memref<32768xf32, #tpu.memory_space<vmem>>, vector<16xf32>,
      %parallel_loop3A_1373 = arith.subf %parallel_loop3A_1372, %div3A_1079 : vector<16xf32>
      %parallel_loop3A_1374 = arith.constant 0.000000e+00 : f32
      %parallel_loop3A_1375 = vector.broadcast %parallel_loop3A_1374 : f32 to vector<16xf32>
      %parallel_loop3A_1376 = arith.maximumf %parallel_loop3A_1373, %parallel_loop3A_1375 : vector<16xf32>
      %parallel_loop3A_1377 = arith.constant 6 : i32
      %parallel_loop3A_1378 = arith.addi %parallel_loop3A_1270, %parallel_loop3A_1377 : i32
      %parallel_loop3A_1379 = arith.constant 16 : i32
      %parallel_loop3A_1380 = arith.muli %parallel_loop3A_1378, %parallel_loop3A_1379 : i32
      %parallel_loop3A_1381 = arith.index_cast %parallel_loop3A_1380 : i32 to index
      %parallel_loop3A_1382 = tpu.vector_load %arg5[%parallel_loop3A_1381] {strides = array<i32>} : memref<32768xf32, #tpu.memory_space<vmem>>, vector<16xf32>,
      tpu.vector_store %arg5[%parallel_loop3A_1381], %parallel_loop3A_1376 {strides = array<i32>} : memref<32768xf32, #tpu.memory_space<vmem>>, vector<16xf32>,
      %parallel_loop3A_1383 = arith.constant 7 : i32
      %parallel_loop3A_1384 = arith.addi %parallel_loop3A_1270, %parallel_loop3A_1383 : i32
      %parallel_loop3A_1385 = arith.constant 16 : i32
      %parallel_loop3A_1386 = arith.muli %parallel_loop3A_1384, %parallel_loop3A_1385 : i32
      %parallel_loop3A_1387 = arith.index_cast %parallel_loop3A_1386 : i32 to index
      %parallel_loop3A_1388 = tpu.vector_load %arg5[%parallel_loop3A_1387] {strides = array<i32>} : memref<32768xf32, #tpu.memory_space<vmem>>, vector<16xf32>,
      %parallel_loop3A_1389 = arith.subf %parallel_loop3A_1388, %div3A_1079 : vector<16xf32>
      %parallel_loop3A_1390 = arith.constant 0.000000e+00 : f32
      %parallel_loop3A_1391 = vector.broadcast %parallel_loop3A_1390 : f32 to vector<16xf32>
      %parallel_loop3A_1392 = arith.maximumf %parallel_loop3A_1389, %parallel_loop3A_1391 : vector<16xf32>
      %parallel_loop3A_1393 = arith.constant 7 : i32
      %parallel_loop3A_1394 = arith.addi %parallel_loop3A_1270, %parallel_loop3A_1393 : i32
      %parallel_loop3A_1395 = arith.constant 16 : i32
      %parallel_loop3A_1396 = arith.muli %parallel_loop3A_1394, %parallel_loop3A_1395 : i32
      %parallel_loop3A_1397 = arith.index_cast %parallel_loop3A_1396 : i32 to index
      %parallel_loop3A_1398 = tpu.vector_load %arg5[%parallel_loop3A_1397] {strides = array<i32>} : memref<32768xf32, #tpu.memory_space<vmem>>, vector<16xf32>,
      tpu.vector_store %arg5[%parallel_loop3A_1397], %parallel_loop3A_1392 {strides = array<i32>} : memref<32768xf32, #tpu.memory_space<vmem>>, vector<16xf32>,
    } {sc.loop_unroll_factor = 2 : i64, sc.parallel_access}
    %dma_start3A_1096 = arith.constant 4096 : i32
    %dma_start3A_1097 = tpu.memref_slice %arg5[%dma_start3A_1096] : memref<32768xf32, #tpu.memory_space<vmem>> -> memref<4096xf32, #tpu.memory_space<vmem>>
    %dma_start3A_1098 = arith.constant 4096 : i32
    %dma_start3A_1099 = tpu.memref_slice %arg3[%add3A_4, %dma_start3A_1098] : memref<64x32768xf32, #tpu.memory_space<hbm>> -> memref<1x4096xf32, #tpu.memory_space<hbm>>
    %dma_start3A_1100 = tpu.memref_squeeze %dma_start3A_1099 : memref<1x4096xf32, #tpu.memory_space<hbm>> -> memref<4096xf32, #tpu.memory_space<hbm>>
    %dma_start3A_1101 = arith.constant 4096 : i32
    %dma_start3A_1102 = tpu.memref_slice %arg3[%add3A_4, %dma_start3A_1101] : memref<64x32768xf32, #tpu.memory_space<hbm>> -> memref<1x4096xf32, #tpu.memory_space<hbm>>
    %dma_start3A_1103 = tpu.memref_squeeze %dma_start3A_1102 : memref<1x4096xf32, #tpu.memory_space<hbm>> -> memref<4096xf32, #tpu.memory_space<hbm>>
    %dma_start3A_1104 = arith.constant 4096 : i32
    %dma_start3A_1105 = tpu.memref_slice %arg5[%dma_start3A_1104] : memref<32768xf32, #tpu.memory_space<vmem>> -> memref<4096xf32, #tpu.memory_space<vmem>>
    tpu.enqueue_dma source(%dma_start3A_1105 : memref<4096xf32, #tpu.memory_space<vmem>>) target(%dma_start3A_1103 : memref<4096xf32, #tpu.memory_space<hbm>>) target_semaphore(%arg8 : memref<!tpu.dma_semaphore, #tpu.memory_space<semaphore_mem>>)
    %parallel_loop3A_1106 = arith.constant 512 : i32
    %parallel_loop3A_1107 = arith.constant 768 : i32
    %parallel_loop3A_1108 = arith.constant 8 : i32
    scf.for %parallel_loop3A_1270 = %parallel_loop3A_1106 to %parallel_loop3A_1107 step %parallel_loop3A_1108  : i32 {
      %parallel_loop3A_1271 = arith.constant 0 : i32
      %parallel_loop3A_1272 = arith.addi %parallel_loop3A_1270, %parallel_loop3A_1271 : i32
      %parallel_loop3A_1273 = arith.constant 16 : i32
      %parallel_loop3A_1274 = arith.muli %parallel_loop3A_1272, %parallel_loop3A_1273 : i32
      %parallel_loop3A_1275 = arith.index_cast %parallel_loop3A_1274 : i32 to index
      %parallel_loop3A_1276 = tpu.vector_load %arg5[%parallel_loop3A_1275] {strides = array<i32>} : memref<32768xf32, #tpu.memory_space<vmem>>, vector<16xf32>,
      %parallel_loop3A_1277 = arith.subf %parallel_loop3A_1276, %div3A_1079 : vector<16xf32>
      %parallel_loop3A_1278 = arith.constant 0.000000e+00 : f32
      %parallel_loop3A_1279 = vector.broadcast %parallel_loop3A_1278 : f32 to vector<16xf32>
      %parallel_loop3A_1280 = arith.maximumf %parallel_loop3A_1277, %parallel_loop3A_1279 : vector<16xf32>
      %parallel_loop3A_1281 = arith.constant 0 : i32
      %parallel_loop3A_1282 = arith.addi %parallel_loop3A_1270, %parallel_loop3A_1281 : i32
      %parallel_loop3A_1283 = arith.constant 16 : i32
      %parallel_loop3A_1284 = arith.muli %parallel_loop3A_1282, %parallel_loop3A_1283 : i32
      %parallel_loop3A_1285 = arith.index_cast %parallel_loop3A_1284 : i32 to index
      %parallel_loop3A_1286 = tpu.vector_load %arg5[%parallel_loop3A_1285] {strides = array<i32>} : memref<32768xf32, #tpu.memory_space<vmem>>, vector<16xf32>,
      tpu.vector_store %arg5[%parallel_loop3A_1285], %parallel_loop3A_1280 {strides = array<i32>} : memref<32768xf32, #tpu.memory_space<vmem>>, vector<16xf32>,
      %parallel_loop3A_1287 = arith.constant 1 : i32
      %parallel_loop3A_1288 = arith.addi %parallel_loop3A_1270, %parallel_loop3A_1287 : i32
      %parallel_loop3A_1289 = arith.constant 16 : i32
      %parallel_loop3A_1290 = arith.muli %parallel_loop3A_1288, %parallel_loop3A_1289 : i32
      %parallel_loop3A_1291 = arith.index_cast %parallel_loop3A_1290 : i32 to index
      %parallel_loop3A_1292 = tpu.vector_load %arg5[%parallel_loop3A_1291] {strides = array<i32>} : memref<32768xf32, #tpu.memory_space<vmem>>, vector<16xf32>,
      %parallel_loop3A_1293 = arith.subf %parallel_loop3A_1292, %div3A_1079 : vector<16xf32>
      %parallel_loop3A_1294 = arith.constant 0.000000e+00 : f32
      %parallel_loop3A_1295 = vector.broadcast %parallel_loop3A_1294 : f32 to vector<16xf32>
      %parallel_loop3A_1296 = arith.maximumf %parallel_loop3A_1293, %parallel_loop3A_1295 : vector<16xf32>
      %parallel_loop3A_1297 = arith.constant 1 : i32
      %parallel_loop3A_1298 = arith.addi %parallel_loop3A_1270, %parallel_loop3A_1297 : i32
      %parallel_loop3A_1299 = arith.constant 16 : i32
      %parallel_loop3A_1300 = arith.muli %parallel_loop3A_1298, %parallel_loop3A_1299 : i32
      %parallel_loop3A_1301 = arith.index_cast %parallel_loop3A_1300 : i32 to index
      %parallel_loop3A_1302 = tpu.vector_load %arg5[%parallel_loop3A_1301] {strides = array<i32>} : memref<32768xf32, #tpu.memory_space<vmem>>, vector<16xf32>,
      tpu.vector_store %arg5[%parallel_loop3A_1301], %parallel_loop3A_1296 {strides = array<i32>} : memref<32768xf32, #tpu.memory_space<vmem>>, vector<16xf32>,
      %parallel_loop3A_1303 = arith.constant 2 : i32
      %parallel_loop3A_1304 = arith.addi %parallel_loop3A_1270, %parallel_loop3A_1303 : i32
      %parallel_loop3A_1305 = arith.constant 16 : i32
      %parallel_loop3A_1306 = arith.muli %parallel_loop3A_1304, %parallel_loop3A_1305 : i32
      %parallel_loop3A_1307 = arith.index_cast %parallel_loop3A_1306 : i32 to index
      %parallel_loop3A_1308 = tpu.vector_load %arg5[%parallel_loop3A_1307] {strides = array<i32>} : memref<32768xf32, #tpu.memory_space<vmem>>, vector<16xf32>,
      %parallel_loop3A_1309 = arith.subf %parallel_loop3A_1308, %div3A_1079 : vector<16xf32>
      %parallel_loop3A_1310 = arith.constant 0.000000e+00 : f32
      %parallel_loop3A_1311 = vector.broadcast %parallel_loop3A_1310 : f32 to vector<16xf32>
      %parallel_loop3A_1312 = arith.maximumf %parallel_loop3A_1309, %parallel_loop3A_1311 : vector<16xf32>
      %parallel_loop3A_1313 = arith.constant 2 : i32
      %parallel_loop3A_1314 = arith.addi %parallel_loop3A_1270, %parallel_loop3A_1313 : i32
      %parallel_loop3A_1315 = arith.constant 16 : i32
      %parallel_loop3A_1316 = arith.muli %parallel_loop3A_1314, %parallel_loop3A_1315 : i32
      %parallel_loop3A_1317 = arith.index_cast %parallel_loop3A_1316 : i32 to index
      %parallel_loop3A_1318 = tpu.vector_load %arg5[%parallel_loop3A_1317] {strides = array<i32>} : memref<32768xf32, #tpu.memory_space<vmem>>, vector<16xf32>,
      tpu.vector_store %arg5[%parallel_loop3A_1317], %parallel_loop3A_1312 {strides = array<i32>} : memref<32768xf32, #tpu.memory_space<vmem>>, vector<16xf32>,
      %parallel_loop3A_1319 = arith.constant 3 : i32
      %parallel_loop3A_1320 = arith.addi %parallel_loop3A_1270, %parallel_loop3A_1319 : i32
      %parallel_loop3A_1321 = arith.constant 16 : i32
      %parallel_loop3A_1322 = arith.muli %parallel_loop3A_1320, %parallel_loop3A_1321 : i32
      %parallel_loop3A_1323 = arith.index_cast %parallel_loop3A_1322 : i32 to index
      %parallel_loop3A_1324 = tpu.vector_load %arg5[%parallel_loop3A_1323] {strides = array<i32>} : memref<32768xf32, #tpu.memory_space<vmem>>, vector<16xf32>,
      %parallel_loop3A_1325 = arith.subf %parallel_loop3A_1324, %div3A_1079 : vector<16xf32>
      %parallel_loop3A_1326 = arith.constant 0.000000e+00 : f32
      %parallel_loop3A_1327 = vector.broadcast %parallel_loop3A_1326 : f32 to vector<16xf32>
      %parallel_loop3A_1328 = arith.maximumf %parallel_loop3A_1325, %parallel_loop3A_1327 : vector<16xf32>
      %parallel_loop3A_1329 = arith.constant 3 : i32
      %parallel_loop3A_1330 = arith.addi %parallel_loop3A_1270, %parallel_loop3A_1329 : i32
      %parallel_loop3A_1331 = arith.constant 16 : i32
      %parallel_loop3A_1332 = arith.muli %parallel_loop3A_1330, %parallel_loop3A_1331 : i32
      %parallel_loop3A_1333 = arith.index_cast %parallel_loop3A_1332 : i32 to index
      %parallel_loop3A_1334 = tpu.vector_load %arg5[%parallel_loop3A_1333] {strides = array<i32>} : memref<32768xf32, #tpu.memory_space<vmem>>, vector<16xf32>,
      tpu.vector_store %arg5[%parallel_loop3A_1333], %parallel_loop3A_1328 {strides = array<i32>} : memref<32768xf32, #tpu.memory_space<vmem>>, vector<16xf32>,
      %parallel_loop3A_1335 = arith.constant 4 : i32
      %parallel_loop3A_1336 = arith.addi %parallel_loop3A_1270, %parallel_loop3A_1335 : i32
      %parallel_loop3A_1337 = arith.constant 16 : i32
      %parallel_loop3A_1338 = arith.muli %parallel_loop3A_1336, %parallel_loop3A_1337 : i32
      %parallel_loop3A_1339 = arith.index_cast %parallel_loop3A_1338 : i32 to index
      %parallel_loop3A_1340 = tpu.vector_load %arg5[%parallel_loop3A_1339] {strides = array<i32>} : memref<32768xf32, #tpu.memory_space<vmem>>, vector<16xf32>,
      %parallel_loop3A_1341 = arith.subf %parallel_loop3A_1340, %div3A_1079 : vector<16xf32>
      %parallel_loop3A_1342 = arith.constant 0.000000e+00 : f32
      %parallel_loop3A_1343 = vector.broadcast %parallel_loop3A_1342 : f32 to vector<16xf32>
      %parallel_loop3A_1344 = arith.maximumf %parallel_loop3A_1341, %parallel_loop3A_1343 : vector<16xf32>
      %parallel_loop3A_1345 = arith.constant 4 : i32
      %parallel_loop3A_1346 = arith.addi %parallel_loop3A_1270, %parallel_loop3A_1345 : i32
      %parallel_loop3A_1347 = arith.constant 16 : i32
      %parallel_loop3A_1348 = arith.muli %parallel_loop3A_1346, %parallel_loop3A_1347 : i32
      %parallel_loop3A_1349 = arith.index_cast %parallel_loop3A_1348 : i32 to index
      %parallel_loop3A_1350 = tpu.vector_load %arg5[%parallel_loop3A_1349] {strides = array<i32>} : memref<32768xf32, #tpu.memory_space<vmem>>, vector<16xf32>,
      tpu.vector_store %arg5[%parallel_loop3A_1349], %parallel_loop3A_1344 {strides = array<i32>} : memref<32768xf32, #tpu.memory_space<vmem>>, vector<16xf32>,
      %parallel_loop3A_1351 = arith.constant 5 : i32
      %parallel_loop3A_1352 = arith.addi %parallel_loop3A_1270, %parallel_loop3A_1351 : i32
      %parallel_loop3A_1353 = arith.constant 16 : i32
      %parallel_loop3A_1354 = arith.muli %parallel_loop3A_1352, %parallel_loop3A_1353 : i32
      %parallel_loop3A_1355 = arith.index_cast %parallel_loop3A_1354 : i32 to index
      %parallel_loop3A_1356 = tpu.vector_load %arg5[%parallel_loop3A_1355] {strides = array<i32>} : memref<32768xf32, #tpu.memory_space<vmem>>, vector<16xf32>,
      %parallel_loop3A_1357 = arith.subf %parallel_loop3A_1356, %div3A_1079 : vector<16xf32>
      %parallel_loop3A_1358 = arith.constant 0.000000e+00 : f32
      %parallel_loop3A_1359 = vector.broadcast %parallel_loop3A_1358 : f32 to vector<16xf32>
      %parallel_loop3A_1360 = arith.maximumf %parallel_loop3A_1357, %parallel_loop3A_1359 : vector<16xf32>
      %parallel_loop3A_1361 = arith.constant 5 : i32
      %parallel_loop3A_1362 = arith.addi %parallel_loop3A_1270, %parallel_loop3A_1361 : i32
      %parallel_loop3A_1363 = arith.constant 16 : i32
      %parallel_loop3A_1364 = arith.muli %parallel_loop3A_1362, %parallel_loop3A_1363 : i32
      %parallel_loop3A_1365 = arith.index_cast %parallel_loop3A_1364 : i32 to index
      %parallel_loop3A_1366 = tpu.vector_load %arg5[%parallel_loop3A_1365] {strides = array<i32>} : memref<32768xf32, #tpu.memory_space<vmem>>, vector<16xf32>,
      tpu.vector_store %arg5[%parallel_loop3A_1365], %parallel_loop3A_1360 {strides = array<i32>} : memref<32768xf32, #tpu.memory_space<vmem>>, vector<16xf32>,
      %parallel_loop3A_1367 = arith.constant 6 : i32
      %parallel_loop3A_1368 = arith.addi %parallel_loop3A_1270, %parallel_loop3A_1367 : i32
      %parallel_loop3A_1369 = arith.constant 16 : i32
      %parallel_loop3A_1370 = arith.muli %parallel_loop3A_1368, %parallel_loop3A_1369 : i32
      %parallel_loop3A_1371 = arith.index_cast %parallel_loop3A_1370 : i32 to index
      %parallel_loop3A_1372 = tpu.vector_load %arg5[%parallel_loop3A_1371] {strides = array<i32>} : memref<32768xf32, #tpu.memory_space<vmem>>, vector<16xf32>,
      %parallel_loop3A_1373 = arith.subf %parallel_loop3A_1372, %div3A_1079 : vector<16xf32>
      %parallel_loop3A_1374 = arith.constant 0.000000e+00 : f32
      %parallel_loop3A_1375 = vector.broadcast %parallel_loop3A_1374 : f32 to vector<16xf32>
      %parallel_loop3A_1376 = arith.maximumf %parallel_loop3A_1373, %parallel_loop3A_1375 : vector<16xf32>
      %parallel_loop3A_1377 = arith.constant 6 : i32
      %parallel_loop3A_1378 = arith.addi %parallel_loop3A_1270, %parallel_loop3A_1377 : i32
      %parallel_loop3A_1379 = arith.constant 16 : i32
      %parallel_loop3A_1380 = arith.muli %parallel_loop3A_1378, %parallel_loop3A_1379 : i32
      %parallel_loop3A_1381 = arith.index_cast %parallel_loop3A_1380 : i32 to index
      %parallel_loop3A_1382 = tpu.vector_load %arg5[%parallel_loop3A_1381] {strides = array<i32>} : memref<32768xf32, #tpu.memory_space<vmem>>, vector<16xf32>,
      tpu.vector_store %arg5[%parallel_loop3A_1381], %parallel_loop3A_1376 {strides = array<i32>} : memref<32768xf32, #tpu.memory_space<vmem>>, vector<16xf32>,
      %parallel_loop3A_1383 = arith.constant 7 : i32
      %parallel_loop3A_1384 = arith.addi %parallel_loop3A_1270, %parallel_loop3A_1383 : i32
      %parallel_loop3A_1385 = arith.constant 16 : i32
      %parallel_loop3A_1386 = arith.muli %parallel_loop3A_1384, %parallel_loop3A_1385 : i32
      %parallel_loop3A_1387 = arith.index_cast %parallel_loop3A_1386 : i32 to index
      %parallel_loop3A_1388 = tpu.vector_load %arg5[%parallel_loop3A_1387] {strides = array<i32>} : memref<32768xf32, #tpu.memory_space<vmem>>, vector<16xf32>,
      %parallel_loop3A_1389 = arith.subf %parallel_loop3A_1388, %div3A_1079 : vector<16xf32>
      %parallel_loop3A_1390 = arith.constant 0.000000e+00 : f32
      %parallel_loop3A_1391 = vector.broadcast %parallel_loop3A_1390 : f32 to vector<16xf32>
      %parallel_loop3A_1392 = arith.maximumf %parallel_loop3A_1389, %parallel_loop3A_1391 : vector<16xf32>
      %parallel_loop3A_1393 = arith.constant 7 : i32
      %parallel_loop3A_1394 = arith.addi %parallel_loop3A_1270, %parallel_loop3A_1393 : i32
      %parallel_loop3A_1395 = arith.constant 16 : i32
      %parallel_loop3A_1396 = arith.muli %parallel_loop3A_1394, %parallel_loop3A_1395 : i32
      %parallel_loop3A_1397 = arith.index_cast %parallel_loop3A_1396 : i32 to index
      %parallel_loop3A_1398 = tpu.vector_load %arg5[%parallel_loop3A_1397] {strides = array<i32>} : memref<32768xf32, #tpu.memory_space<vmem>>, vector<16xf32>,
      tpu.vector_store %arg5[%parallel_loop3A_1397], %parallel_loop3A_1392 {strides = array<i32>} : memref<32768xf32, #tpu.memory_space<vmem>>, vector<16xf32>,
    } {sc.loop_unroll_factor = 2 : i64, sc.parallel_access}
    %dma_start3A_1109 = arith.constant 8192 : i32
    %dma_start3A_1110 = tpu.memref_slice %arg5[%dma_start3A_1109] : memref<32768xf32, #tpu.memory_space<vmem>> -> memref<4096xf32, #tpu.memory_space<vmem>>
    %dma_start3A_1111 = arith.constant 8192 : i32
    %dma_start3A_1112 = tpu.memref_slice %arg3[%add3A_4, %dma_start3A_1111] : memref<64x32768xf32, #tpu.memory_space<hbm>> -> memref<1x4096xf32, #tpu.memory_space<hbm>>
    %dma_start3A_1113 = tpu.memref_squeeze %dma_start3A_1112 : memref<1x4096xf32, #tpu.memory_space<hbm>> -> memref<4096xf32, #tpu.memory_space<hbm>>
    %dma_start3A_1114 = arith.constant 8192 : i32
    %dma_start3A_1115 = tpu.memref_slice %arg3[%add3A_4, %dma_start3A_1114] : memref<64x32768xf32, #tpu.memory_space<hbm>> -> memref<1x4096xf32, #tpu.memory_space<hbm>>
    %dma_start3A_1116 = tpu.memref_squeeze %dma_start3A_1115 : memref<1x4096xf32, #tpu.memory_space<hbm>> -> memref<4096xf32, #tpu.memory_space<hbm>>
    %dma_start3A_1117 = arith.constant 8192 : i32
    %dma_start3A_1118 = tpu.memref_slice %arg5[%dma_start3A_1117] : memref<32768xf32, #tpu.memory_space<vmem>> -> memref<4096xf32, #tpu.memory_space<vmem>>
    tpu.enqueue_dma source(%dma_start3A_1118 : memref<4096xf32, #tpu.memory_space<vmem>>) target(%dma_start3A_1116 : memref<4096xf32, #tpu.memory_space<hbm>>) target_semaphore(%arg9 : memref<!tpu.dma_semaphore, #tpu.memory_space<semaphore_mem>>)
    %parallel_loop3A_1119 = arith.constant 768 : i32
    %parallel_loop3A_1120 = arith.constant 1024 : i32
    %parallel_loop3A_1121 = arith.constant 8 : i32
    scf.for %parallel_loop3A_1270 = %parallel_loop3A_1119 to %parallel_loop3A_1120 step %parallel_loop3A_1121  : i32 {
      %parallel_loop3A_1271 = arith.constant 0 : i32
      %parallel_loop3A_1272 = arith.addi %parallel_loop3A_1270, %parallel_loop3A_1271 : i32
      %parallel_loop3A_1273 = arith.constant 16 : i32
      %parallel_loop3A_1274 = arith.muli %parallel_loop3A_1272, %parallel_loop3A_1273 : i32
      %parallel_loop3A_1275 = arith.index_cast %parallel_loop3A_1274 : i32 to index
      %parallel_loop3A_1276 = tpu.vector_load %arg5[%parallel_loop3A_1275] {strides = array<i32>} : memref<32768xf32, #tpu.memory_space<vmem>>, vector<16xf32>,
      %parallel_loop3A_1277 = arith.subf %parallel_loop3A_1276, %div3A_1079 : vector<16xf32>
      %parallel_loop3A_1278 = arith.constant 0.000000e+00 : f32
      %parallel_loop3A_1279 = vector.broadcast %parallel_loop3A_1278 : f32 to vector<16xf32>
      %parallel_loop3A_1280 = arith.maximumf %parallel_loop3A_1277, %parallel_loop3A_1279 : vector<16xf32>
      %parallel_loop3A_1281 = arith.constant 0 : i32
      %parallel_loop3A_1282 = arith.addi %parallel_loop3A_1270, %parallel_loop3A_1281 : i32
      %parallel_loop3A_1283 = arith.constant 16 : i32
      %parallel_loop3A_1284 = arith.muli %parallel_loop3A_1282, %parallel_loop3A_1283 : i32
      %parallel_loop3A_1285 = arith.index_cast %parallel_loop3A_1284 : i32 to index
      %parallel_loop3A_1286 = tpu.vector_load %arg5[%parallel_loop3A_1285] {strides = array<i32>} : memref<32768xf32, #tpu.memory_space<vmem>>, vector<16xf32>,
      tpu.vector_store %arg5[%parallel_loop3A_1285], %parallel_loop3A_1280 {strides = array<i32>} : memref<32768xf32, #tpu.memory_space<vmem>>, vector<16xf32>,
      %parallel_loop3A_1287 = arith.constant 1 : i32
      %parallel_loop3A_1288 = arith.addi %parallel_loop3A_1270, %parallel_loop3A_1287 : i32
      %parallel_loop3A_1289 = arith.constant 16 : i32
      %parallel_loop3A_1290 = arith.muli %parallel_loop3A_1288, %parallel_loop3A_1289 : i32
      %parallel_loop3A_1291 = arith.index_cast %parallel_loop3A_1290 : i32 to index
      %parallel_loop3A_1292 = tpu.vector_load %arg5[%parallel_loop3A_1291] {strides = array<i32>} : memref<32768xf32, #tpu.memory_space<vmem>>, vector<16xf32>,
      %parallel_loop3A_1293 = arith.subf %parallel_loop3A_1292, %div3A_1079 : vector<16xf32>
      %parallel_loop3A_1294 = arith.constant 0.000000e+00 : f32
      %parallel_loop3A_1295 = vector.broadcast %parallel_loop3A_1294 : f32 to vector<16xf32>
      %parallel_loop3A_1296 = arith.maximumf %parallel_loop3A_1293, %parallel_loop3A_1295 : vector<16xf32>
      %parallel_loop3A_1297 = arith.constant 1 : i32
      %parallel_loop3A_1298 = arith.addi %parallel_loop3A_1270, %parallel_loop3A_1297 : i32
      %parallel_loop3A_1299 = arith.constant 16 : i32
      %parallel_loop3A_1300 = arith.muli %parallel_loop3A_1298, %parallel_loop3A_1299 : i32
      %parallel_loop3A_1301 = arith.index_cast %parallel_loop3A_1300 : i32 to index
      %parallel_loop3A_1302 = tpu.vector_load %arg5[%parallel_loop3A_1301] {strides = array<i32>} : memref<32768xf32, #tpu.memory_space<vmem>>, vector<16xf32>,
      tpu.vector_store %arg5[%parallel_loop3A_1301], %parallel_loop3A_1296 {strides = array<i32>} : memref<32768xf32, #tpu.memory_space<vmem>>, vector<16xf32>,
      %parallel_loop3A_1303 = arith.constant 2 : i32
      %parallel_loop3A_1304 = arith.addi %parallel_loop3A_1270, %parallel_loop3A_1303 : i32
      %parallel_loop3A_1305 = arith.constant 16 : i32
      %parallel_loop3A_1306 = arith.muli %parallel_loop3A_1304, %parallel_loop3A_1305 : i32
      %parallel_loop3A_1307 = arith.index_cast %parallel_loop3A_1306 : i32 to index
      %parallel_loop3A_1308 = tpu.vector_load %arg5[%parallel_loop3A_1307] {strides = array<i32>} : memref<32768xf32, #tpu.memory_space<vmem>>, vector<16xf32>,
      %parallel_loop3A_1309 = arith.subf %parallel_loop3A_1308, %div3A_1079 : vector<16xf32>
      %parallel_loop3A_1310 = arith.constant 0.000000e+00 : f32
      %parallel_loop3A_1311 = vector.broadcast %parallel_loop3A_1310 : f32 to vector<16xf32>
      %parallel_loop3A_1312 = arith.maximumf %parallel_loop3A_1309, %parallel_loop3A_1311 : vector<16xf32>
      %parallel_loop3A_1313 = arith.constant 2 : i32
      %parallel_loop3A_1314 = arith.addi %parallel_loop3A_1270, %parallel_loop3A_1313 : i32
      %parallel_loop3A_1315 = arith.constant 16 : i32
      %parallel_loop3A_1316 = arith.muli %parallel_loop3A_1314, %parallel_loop3A_1315 : i32
      %parallel_loop3A_1317 = arith.index_cast %parallel_loop3A_1316 : i32 to index
      %parallel_loop3A_1318 = tpu.vector_load %arg5[%parallel_loop3A_1317] {strides = array<i32>} : memref<32768xf32, #tpu.memory_space<vmem>>, vector<16xf32>,
      tpu.vector_store %arg5[%parallel_loop3A_1317], %parallel_loop3A_1312 {strides = array<i32>} : memref<32768xf32, #tpu.memory_space<vmem>>, vector<16xf32>,
      %parallel_loop3A_1319 = arith.constant 3 : i32
      %parallel_loop3A_1320 = arith.addi %parallel_loop3A_1270, %parallel_loop3A_1319 : i32
      %parallel_loop3A_1321 = arith.constant 16 : i32
      %parallel_loop3A_1322 = arith.muli %parallel_loop3A_1320, %parallel_loop3A_1321 : i32
      %parallel_loop3A_1323 = arith.index_cast %parallel_loop3A_1322 : i32 to index
      %parallel_loop3A_1324 = tpu.vector_load %arg5[%parallel_loop3A_1323] {strides = array<i32>} : memref<32768xf32, #tpu.memory_space<vmem>>, vector<16xf32>,
      %parallel_loop3A_1325 = arith.subf %parallel_loop3A_1324, %div3A_1079 : vector<16xf32>
      %parallel_loop3A_1326 = arith.constant 0.000000e+00 : f32
      %parallel_loop3A_1327 = vector.broadcast %parallel_loop3A_1326 : f32 to vector<16xf32>
      %parallel_loop3A_1328 = arith.maximumf %parallel_loop3A_1325, %parallel_loop3A_1327 : vector<16xf32>
      %parallel_loop3A_1329 = arith.constant 3 : i32
      %parallel_loop3A_1330 = arith.addi %parallel_loop3A_1270, %parallel_loop3A_1329 : i32
      %parallel_loop3A_1331 = arith.constant 16 : i32
      %parallel_loop3A_1332 = arith.muli %parallel_loop3A_1330, %parallel_loop3A_1331 : i32
      %parallel_loop3A_1333 = arith.index_cast %parallel_loop3A_1332 : i32 to index
      %parallel_loop3A_1334 = tpu.vector_load %arg5[%parallel_loop3A_1333] {strides = array<i32>} : memref<32768xf32, #tpu.memory_space<vmem>>, vector<16xf32>,
      tpu.vector_store %arg5[%parallel_loop3A_1333], %parallel_loop3A_1328 {strides = array<i32>} : memref<32768xf32, #tpu.memory_space<vmem>>, vector<16xf32>,
      %parallel_loop3A_1335 = arith.constant 4 : i32
      %parallel_loop3A_1336 = arith.addi %parallel_loop3A_1270, %parallel_loop3A_1335 : i32
      %parallel_loop3A_1337 = arith.constant 16 : i32
      %parallel_loop3A_1338 = arith.muli %parallel_loop3A_1336, %parallel_loop3A_1337 : i32
      %parallel_loop3A_1339 = arith.index_cast %parallel_loop3A_1338 : i32 to index
      %parallel_loop3A_1340 = tpu.vector_load %arg5[%parallel_loop3A_1339] {strides = array<i32>} : memref<32768xf32, #tpu.memory_space<vmem>>, vector<16xf32>,
      %parallel_loop3A_1341 = arith.subf %parallel_loop3A_1340, %div3A_1079 : vector<16xf32>
      %parallel_loop3A_1342 = arith.constant 0.000000e+00 : f32
      %parallel_loop3A_1343 = vector.broadcast %parallel_loop3A_1342 : f32 to vector<16xf32>
      %parallel_loop3A_1344 = arith.maximumf %parallel_loop3A_1341, %parallel_loop3A_1343 : vector<16xf32>
      %parallel_loop3A_1345 = arith.constant 4 : i32
      %parallel_loop3A_1346 = arith.addi %parallel_loop3A_1270, %parallel_loop3A_1345 : i32
      %parallel_loop3A_1347 = arith.constant 16 : i32
      %parallel_loop3A_1348 = arith.muli %parallel_loop3A_1346, %parallel_loop3A_1347 : i32
      %parallel_loop3A_1349 = arith.index_cast %parallel_loop3A_1348 : i32 to index
      %parallel_loop3A_1350 = tpu.vector_load %arg5[%parallel_loop3A_1349] {strides = array<i32>} : memref<32768xf32, #tpu.memory_space<vmem>>, vector<16xf32>,
      tpu.vector_store %arg5[%parallel_loop3A_1349], %parallel_loop3A_1344 {strides = array<i32>} : memref<32768xf32, #tpu.memory_space<vmem>>, vector<16xf32>,
      %parallel_loop3A_1351 = arith.constant 5 : i32
      %parallel_loop3A_1352 = arith.addi %parallel_loop3A_1270, %parallel_loop3A_1351 : i32
      %parallel_loop3A_1353 = arith.constant 16 : i32
      %parallel_loop3A_1354 = arith.muli %parallel_loop3A_1352, %parallel_loop3A_1353 : i32
      %parallel_loop3A_1355 = arith.index_cast %parallel_loop3A_1354 : i32 to index
      %parallel_loop3A_1356 = tpu.vector_load %arg5[%parallel_loop3A_1355] {strides = array<i32>} : memref<32768xf32, #tpu.memory_space<vmem>>, vector<16xf32>,
      %parallel_loop3A_1357 = arith.subf %parallel_loop3A_1356, %div3A_1079 : vector<16xf32>
      %parallel_loop3A_1358 = arith.constant 0.000000e+00 : f32
      %parallel_loop3A_1359 = vector.broadcast %parallel_loop3A_1358 : f32 to vector<16xf32>
      %parallel_loop3A_1360 = arith.maximumf %parallel_loop3A_1357, %parallel_loop3A_1359 : vector<16xf32>
      %parallel_loop3A_1361 = arith.constant 5 : i32
      %parallel_loop3A_1362 = arith.addi %parallel_loop3A_1270, %parallel_loop3A_1361 : i32
      %parallel_loop3A_1363 = arith.constant 16 : i32
      %parallel_loop3A_1364 = arith.muli %parallel_loop3A_1362, %parallel_loop3A_1363 : i32
      %parallel_loop3A_1365 = arith.index_cast %parallel_loop3A_1364 : i32 to index
      %parallel_loop3A_1366 = tpu.vector_load %arg5[%parallel_loop3A_1365] {strides = array<i32>} : memref<32768xf32, #tpu.memory_space<vmem>>, vector<16xf32>,
      tpu.vector_store %arg5[%parallel_loop3A_1365], %parallel_loop3A_1360 {strides = array<i32>} : memref<32768xf32, #tpu.memory_space<vmem>>, vector<16xf32>,
      %parallel_loop3A_1367 = arith.constant 6 : i32
      %parallel_loop3A_1368 = arith.addi %parallel_loop3A_1270, %parallel_loop3A_1367 : i32
      %parallel_loop3A_1369 = arith.constant 16 : i32
      %parallel_loop3A_1370 = arith.muli %parallel_loop3A_1368, %parallel_loop3A_1369 : i32
      %parallel_loop3A_1371 = arith.index_cast %parallel_loop3A_1370 : i32 to index
      %parallel_loop3A_1372 = tpu.vector_load %arg5[%parallel_loop3A_1371] {strides = array<i32>} : memref<32768xf32, #tpu.memory_space<vmem>>, vector<16xf32>,
      %parallel_loop3A_1373 = arith.subf %parallel_loop3A_1372, %div3A_1079 : vector<16xf32>
      %parallel_loop3A_1374 = arith.constant 0.000000e+00 : f32
      %parallel_loop3A_1375 = vector.broadcast %parallel_loop3A_1374 : f32 to vector<16xf32>
      %parallel_loop3A_1376 = arith.maximumf %parallel_loop3A_1373, %parallel_loop3A_1375 : vector<16xf32>
      %parallel_loop3A_1377 = arith.constant 6 : i32
      %parallel_loop3A_1378 = arith.addi %parallel_loop3A_1270, %parallel_loop3A_1377 : i32
      %parallel_loop3A_1379 = arith.constant 16 : i32
      %parallel_loop3A_1380 = arith.muli %parallel_loop3A_1378, %parallel_loop3A_1379 : i32
      %parallel_loop3A_1381 = arith.index_cast %parallel_loop3A_1380 : i32 to index
      %parallel_loop3A_1382 = tpu.vector_load %arg5[%parallel_loop3A_1381] {strides = array<i32>} : memref<32768xf32, #tpu.memory_space<vmem>>, vector<16xf32>,
      tpu.vector_store %arg5[%parallel_loop3A_1381], %parallel_loop3A_1376 {strides = array<i32>} : memref<32768xf32, #tpu.memory_space<vmem>>, vector<16xf32>,
      %parallel_loop3A_1383 = arith.constant 7 : i32
      %parallel_loop3A_1384 = arith.addi %parallel_loop3A_1270, %parallel_loop3A_1383 : i32
      %parallel_loop3A_1385 = arith.constant 16 : i32
      %parallel_loop3A_1386 = arith.muli %parallel_loop3A_1384, %parallel_loop3A_1385 : i32
      %parallel_loop3A_1387 = arith.index_cast %parallel_loop3A_1386 : i32 to index
      %parallel_loop3A_1388 = tpu.vector_load %arg5[%parallel_loop3A_1387] {strides = array<i32>} : memref<32768xf32, #tpu.memory_space<vmem>>, vector<16xf32>,
      %parallel_loop3A_1389 = arith.subf %parallel_loop3A_1388, %div3A_1079 : vector<16xf32>
      %parallel_loop3A_1390 = arith.constant 0.000000e+00 : f32
      %parallel_loop3A_1391 = vector.broadcast %parallel_loop3A_1390 : f32 to vector<16xf32>
      %parallel_loop3A_1392 = arith.maximumf %parallel_loop3A_1389, %parallel_loop3A_1391 : vector<16xf32>
      %parallel_loop3A_1393 = arith.constant 7 : i32
      %parallel_loop3A_1394 = arith.addi %parallel_loop3A_1270, %parallel_loop3A_1393 : i32
      %parallel_loop3A_1395 = arith.constant 16 : i32
      %parallel_loop3A_1396 = arith.muli %parallel_loop3A_1394, %parallel_loop3A_1395 : i32
      %parallel_loop3A_1397 = arith.index_cast %parallel_loop3A_1396 : i32 to index
      %parallel_loop3A_1398 = tpu.vector_load %arg5[%parallel_loop3A_1397] {strides = array<i32>} : memref<32768xf32, #tpu.memory_space<vmem>>, vector<16xf32>,
      tpu.vector_store %arg5[%parallel_loop3A_1397], %parallel_loop3A_1392 {strides = array<i32>} : memref<32768xf32, #tpu.memory_space<vmem>>, vector<16xf32>,
    } {sc.loop_unroll_factor = 2 : i64, sc.parallel_access}
    %dma_start3A_1122 = arith.constant 12288 : i32
    %dma_start3A_1123 = tpu.memref_slice %arg5[%dma_start3A_1122] : memref<32768xf32, #tpu.memory_space<vmem>> -> memref<4096xf32, #tpu.memory_space<vmem>>
    %dma_start3A_1124 = arith.constant 12288 : i32
    %dma_start3A_1125 = tpu.memref_slice %arg3[%add3A_4, %dma_start3A_1124] : memref<64x32768xf32, #tpu.memory_space<hbm>> -> memref<1x4096xf32, #tpu.memory_space<hbm>>
    %dma_start3A_1126 = tpu.memref_squeeze %dma_start3A_1125 : memref<1x4096xf32, #tpu.memory_space<hbm>> -> memref<4096xf32, #tpu.memory_space<hbm>>
    %dma_start3A_1127 = arith.constant 12288 : i32
    %dma_start3A_1128 = tpu.memref_slice %arg3[%add3A_4, %dma_start3A_1127] : memref<64x32768xf32, #tpu.memory_space<hbm>> -> memref<1x4096xf32, #tpu.memory_space<hbm>>
    %dma_start3A_1129 = tpu.memref_squeeze %dma_start3A_1128 : memref<1x4096xf32, #tpu.memory_space<hbm>> -> memref<4096xf32, #tpu.memory_space<hbm>>
    %dma_start3A_1130 = arith.constant 12288 : i32
    %dma_start3A_1131 = tpu.memref_slice %arg5[%dma_start3A_1130] : memref<32768xf32, #tpu.memory_space<vmem>> -> memref<4096xf32, #tpu.memory_space<vmem>>
    tpu.enqueue_dma source(%dma_start3A_1131 : memref<4096xf32, #tpu.memory_space<vmem>>) target(%dma_start3A_1129 : memref<4096xf32, #tpu.memory_space<hbm>>) target_semaphore(%arg10 : memref<!tpu.dma_semaphore, #tpu.memory_space<semaphore_mem>>)
    %parallel_loop3A_1132 = arith.constant 1024 : i32
    %parallel_loop3A_1133 = arith.constant 1280 : i32
    %parallel_loop3A_1134 = arith.constant 8 : i32
    scf.for %parallel_loop3A_1270 = %parallel_loop3A_1132 to %parallel_loop3A_1133 step %parallel_loop3A_1134  : i32 {
      %parallel_loop3A_1271 = arith.constant 0 : i32
      %parallel_loop3A_1272 = arith.addi %parallel_loop3A_1270, %parallel_loop3A_1271 : i32
      %parallel_loop3A_1273 = arith.constant 16 : i32
      %parallel_loop3A_1274 = arith.muli %parallel_loop3A_1272, %parallel_loop3A_1273 : i32
      %parallel_loop3A_1275 = arith.index_cast %parallel_loop3A_1274 : i32 to index
      %parallel_loop3A_1276 = tpu.vector_load %arg5[%parallel_loop3A_1275] {strides = array<i32>} : memref<32768xf32, #tpu.memory_space<vmem>>, vector<16xf32>,
      %parallel_loop3A_1277 = arith.subf %parallel_loop3A_1276, %div3A_1079 : vector<16xf32>
      %parallel_loop3A_1278 = arith.constant 0.000000e+00 : f32
      %parallel_loop3A_1279 = vector.broadcast %parallel_loop3A_1278 : f32 to vector<16xf32>
      %parallel_loop3A_1280 = arith.maximumf %parallel_loop3A_1277, %parallel_loop3A_1279 : vector<16xf32>
      %parallel_loop3A_1281 = arith.constant 0 : i32
      %parallel_loop3A_1282 = arith.addi %parallel_loop3A_1270, %parallel_loop3A_1281 : i32
      %parallel_loop3A_1283 = arith.constant 16 : i32
      %parallel_loop3A_1284 = arith.muli %parallel_loop3A_1282, %parallel_loop3A_1283 : i32
      %parallel_loop3A_1285 = arith.index_cast %parallel_loop3A_1284 : i32 to index
      %parallel_loop3A_1286 = tpu.vector_load %arg5[%parallel_loop3A_1285] {strides = array<i32>} : memref<32768xf32, #tpu.memory_space<vmem>>, vector<16xf32>,
      tpu.vector_store %arg5[%parallel_loop3A_1285], %parallel_loop3A_1280 {strides = array<i32>} : memref<32768xf32, #tpu.memory_space<vmem>>, vector<16xf32>,
      %parallel_loop3A_1287 = arith.constant 1 : i32
      %parallel_loop3A_1288 = arith.addi %parallel_loop3A_1270, %parallel_loop3A_1287 : i32
      %parallel_loop3A_1289 = arith.constant 16 : i32
      %parallel_loop3A_1290 = arith.muli %parallel_loop3A_1288, %parallel_loop3A_1289 : i32
      %parallel_loop3A_1291 = arith.index_cast %parallel_loop3A_1290 : i32 to index
      %parallel_loop3A_1292 = tpu.vector_load %arg5[%parallel_loop3A_1291] {strides = array<i32>} : memref<32768xf32, #tpu.memory_space<vmem>>, vector<16xf32>,
      %parallel_loop3A_1293 = arith.subf %parallel_loop3A_1292, %div3A_1079 : vector<16xf32>
      %parallel_loop3A_1294 = arith.constant 0.000000e+00 : f32
      %parallel_loop3A_1295 = vector.broadcast %parallel_loop3A_1294 : f32 to vector<16xf32>
      %parallel_loop3A_1296 = arith.maximumf %parallel_loop3A_1293, %parallel_loop3A_1295 : vector<16xf32>
      %parallel_loop3A_1297 = arith.constant 1 : i32
      %parallel_loop3A_1298 = arith.addi %parallel_loop3A_1270, %parallel_loop3A_1297 : i32
      %parallel_loop3A_1299 = arith.constant 16 : i32
      %parallel_loop3A_1300 = arith.muli %parallel_loop3A_1298, %parallel_loop3A_1299 : i32
      %parallel_loop3A_1301 = arith.index_cast %parallel_loop3A_1300 : i32 to index
      %parallel_loop3A_1302 = tpu.vector_load %arg5[%parallel_loop3A_1301] {strides = array<i32>} : memref<32768xf32, #tpu.memory_space<vmem>>, vector<16xf32>,
      tpu.vector_store %arg5[%parallel_loop3A_1301], %parallel_loop3A_1296 {strides = array<i32>} : memref<32768xf32, #tpu.memory_space<vmem>>, vector<16xf32>,
      %parallel_loop3A_1303 = arith.constant 2 : i32
      %parallel_loop3A_1304 = arith.addi %parallel_loop3A_1270, %parallel_loop3A_1303 : i32
      %parallel_loop3A_1305 = arith.constant 16 : i32
      %parallel_loop3A_1306 = arith.muli %parallel_loop3A_1304, %parallel_loop3A_1305 : i32
      %parallel_loop3A_1307 = arith.index_cast %parallel_loop3A_1306 : i32 to index
      %parallel_loop3A_1308 = tpu.vector_load %arg5[%parallel_loop3A_1307] {strides = array<i32>} : memref<32768xf32, #tpu.memory_space<vmem>>, vector<16xf32>,
      %parallel_loop3A_1309 = arith.subf %parallel_loop3A_1308, %div3A_1079 : vector<16xf32>
      %parallel_loop3A_1310 = arith.constant 0.000000e+00 : f32
      %parallel_loop3A_1311 = vector.broadcast %parallel_loop3A_1310 : f32 to vector<16xf32>
      %parallel_loop3A_1312 = arith.maximumf %parallel_loop3A_1309, %parallel_loop3A_1311 : vector<16xf32>
      %parallel_loop3A_1313 = arith.constant 2 : i32
      %parallel_loop3A_1314 = arith.addi %parallel_loop3A_1270, %parallel_loop3A_1313 : i32
      %parallel_loop3A_1315 = arith.constant 16 : i32
      %parallel_loop3A_1316 = arith.muli %parallel_loop3A_1314, %parallel_loop3A_1315 : i32
      %parallel_loop3A_1317 = arith.index_cast %parallel_loop3A_1316 : i32 to index
      %parallel_loop3A_1318 = tpu.vector_load %arg5[%parallel_loop3A_1317] {strides = array<i32>} : memref<32768xf32, #tpu.memory_space<vmem>>, vector<16xf32>,
      tpu.vector_store %arg5[%parallel_loop3A_1317], %parallel_loop3A_1312 {strides = array<i32>} : memref<32768xf32, #tpu.memory_space<vmem>>, vector<16xf32>,
      %parallel_loop3A_1319 = arith.constant 3 : i32
      %parallel_loop3A_1320 = arith.addi %parallel_loop3A_1270, %parallel_loop3A_1319 : i32
      %parallel_loop3A_1321 = arith.constant 16 : i32
      %parallel_loop3A_1322 = arith.muli %parallel_loop3A_1320, %parallel_loop3A_1321 : i32
      %parallel_loop3A_1323 = arith.index_cast %parallel_loop3A_1322 : i32 to index
      %parallel_loop3A_1324 = tpu.vector_load %arg5[%parallel_loop3A_1323] {strides = array<i32>} : memref<32768xf32, #tpu.memory_space<vmem>>, vector<16xf32>,
      %parallel_loop3A_1325 = arith.subf %parallel_loop3A_1324, %div3A_1079 : vector<16xf32>
      %parallel_loop3A_1326 = arith.constant 0.000000e+00 : f32
      %parallel_loop3A_1327 = vector.broadcast %parallel_loop3A_1326 : f32 to vector<16xf32>
      %parallel_loop3A_1328 = arith.maximumf %parallel_loop3A_1325, %parallel_loop3A_1327 : vector<16xf32>
      %parallel_loop3A_1329 = arith.constant 3 : i32
      %parallel_loop3A_1330 = arith.addi %parallel_loop3A_1270, %parallel_loop3A_1329 : i32
      %parallel_loop3A_1331 = arith.constant 16 : i32
      %parallel_loop3A_1332 = arith.muli %parallel_loop3A_1330, %parallel_loop3A_1331 : i32
      %parallel_loop3A_1333 = arith.index_cast %parallel_loop3A_1332 : i32 to index
      %parallel_loop3A_1334 = tpu.vector_load %arg5[%parallel_loop3A_1333] {strides = array<i32>} : memref<32768xf32, #tpu.memory_space<vmem>>, vector<16xf32>,
      tpu.vector_store %arg5[%parallel_loop3A_1333], %parallel_loop3A_1328 {strides = array<i32>} : memref<32768xf32, #tpu.memory_space<vmem>>, vector<16xf32>,
      %parallel_loop3A_1335 = arith.constant 4 : i32
      %parallel_loop3A_1336 = arith.addi %parallel_loop3A_1270, %parallel_loop3A_1335 : i32
      %parallel_loop3A_1337 = arith.constant 16 : i32
      %parallel_loop3A_1338 = arith.muli %parallel_loop3A_1336, %parallel_loop3A_1337 : i32
      %parallel_loop3A_1339 = arith.index_cast %parallel_loop3A_1338 : i32 to index
      %parallel_loop3A_1340 = tpu.vector_load %arg5[%parallel_loop3A_1339] {strides = array<i32>} : memref<32768xf32, #tpu.memory_space<vmem>>, vector<16xf32>,
      %parallel_loop3A_1341 = arith.subf %parallel_loop3A_1340, %div3A_1079 : vector<16xf32>
      %parallel_loop3A_1342 = arith.constant 0.000000e+00 : f32
      %parallel_loop3A_1343 = vector.broadcast %parallel_loop3A_1342 : f32 to vector<16xf32>
      %parallel_loop3A_1344 = arith.maximumf %parallel_loop3A_1341, %parallel_loop3A_1343 : vector<16xf32>
      %parallel_loop3A_1345 = arith.constant 4 : i32
      %parallel_loop3A_1346 = arith.addi %parallel_loop3A_1270, %parallel_loop3A_1345 : i32
      %parallel_loop3A_1347 = arith.constant 16 : i32
      %parallel_loop3A_1348 = arith.muli %parallel_loop3A_1346, %parallel_loop3A_1347 : i32
      %parallel_loop3A_1349 = arith.index_cast %parallel_loop3A_1348 : i32 to index
      %parallel_loop3A_1350 = tpu.vector_load %arg5[%parallel_loop3A_1349] {strides = array<i32>} : memref<32768xf32, #tpu.memory_space<vmem>>, vector<16xf32>,
      tpu.vector_store %arg5[%parallel_loop3A_1349], %parallel_loop3A_1344 {strides = array<i32>} : memref<32768xf32, #tpu.memory_space<vmem>>, vector<16xf32>,
      %parallel_loop3A_1351 = arith.constant 5 : i32
      %parallel_loop3A_1352 = arith.addi %parallel_loop3A_1270, %parallel_loop3A_1351 : i32
      %parallel_loop3A_1353 = arith.constant 16 : i32
      %parallel_loop3A_1354 = arith.muli %parallel_loop3A_1352, %parallel_loop3A_1353 : i32
      %parallel_loop3A_1355 = arith.index_cast %parallel_loop3A_1354 : i32 to index
      %parallel_loop3A_1356 = tpu.vector_load %arg5[%parallel_loop3A_1355] {strides = array<i32>} : memref<32768xf32, #tpu.memory_space<vmem>>, vector<16xf32>,
      %parallel_loop3A_1357 = arith.subf %parallel_loop3A_1356, %div3A_1079 : vector<16xf32>
      %parallel_loop3A_1358 = arith.constant 0.000000e+00 : f32
      %parallel_loop3A_1359 = vector.broadcast %parallel_loop3A_1358 : f32 to vector<16xf32>
      %parallel_loop3A_1360 = arith.maximumf %parallel_loop3A_1357, %parallel_loop3A_1359 : vector<16xf32>
      %parallel_loop3A_1361 = arith.constant 5 : i32
      %parallel_loop3A_1362 = arith.addi %parallel_loop3A_1270, %parallel_loop3A_1361 : i32
      %parallel_loop3A_1363 = arith.constant 16 : i32
      %parallel_loop3A_1364 = arith.muli %parallel_loop3A_1362, %parallel_loop3A_1363 : i32
      %parallel_loop3A_1365 = arith.index_cast %parallel_loop3A_1364 : i32 to index
      %parallel_loop3A_1366 = tpu.vector_load %arg5[%parallel_loop3A_1365] {strides = array<i32>} : memref<32768xf32, #tpu.memory_space<vmem>>, vector<16xf32>,
      tpu.vector_store %arg5[%parallel_loop3A_1365], %parallel_loop3A_1360 {strides = array<i32>} : memref<32768xf32, #tpu.memory_space<vmem>>, vector<16xf32>,
      %parallel_loop3A_1367 = arith.constant 6 : i32
      %parallel_loop3A_1368 = arith.addi %parallel_loop3A_1270, %parallel_loop3A_1367 : i32
      %parallel_loop3A_1369 = arith.constant 16 : i32
      %parallel_loop3A_1370 = arith.muli %parallel_loop3A_1368, %parallel_loop3A_1369 : i32
      %parallel_loop3A_1371 = arith.index_cast %parallel_loop3A_1370 : i32 to index
      %parallel_loop3A_1372 = tpu.vector_load %arg5[%parallel_loop3A_1371] {strides = array<i32>} : memref<32768xf32, #tpu.memory_space<vmem>>, vector<16xf32>,
      %parallel_loop3A_1373 = arith.subf %parallel_loop3A_1372, %div3A_1079 : vector<16xf32>
      %parallel_loop3A_1374 = arith.constant 0.000000e+00 : f32
      %parallel_loop3A_1375 = vector.broadcast %parallel_loop3A_1374 : f32 to vector<16xf32>
      %parallel_loop3A_1376 = arith.maximumf %parallel_loop3A_1373, %parallel_loop3A_1375 : vector<16xf32>
      %parallel_loop3A_1377 = arith.constant 6 : i32
      %parallel_loop3A_1378 = arith.addi %parallel_loop3A_1270, %parallel_loop3A_1377 : i32
      %parallel_loop3A_1379 = arith.constant 16 : i32
      %parallel_loop3A_1380 = arith.muli %parallel_loop3A_1378, %parallel_loop3A_1379 : i32
      %parallel_loop3A_1381 = arith.index_cast %parallel_loop3A_1380 : i32 to index
      %parallel_loop3A_1382 = tpu.vector_load %arg5[%parallel_loop3A_1381] {strides = array<i32>} : memref<32768xf32, #tpu.memory_space<vmem>>, vector<16xf32>,
      tpu.vector_store %arg5[%parallel_loop3A_1381], %parallel_loop3A_1376 {strides = array<i32>} : memref<32768xf32, #tpu.memory_space<vmem>>, vector<16xf32>,
      %parallel_loop3A_1383 = arith.constant 7 : i32
      %parallel_loop3A_1384 = arith.addi %parallel_loop3A_1270, %parallel_loop3A_1383 : i32
      %parallel_loop3A_1385 = arith.constant 16 : i32
      %parallel_loop3A_1386 = arith.muli %parallel_loop3A_1384, %parallel_loop3A_1385 : i32
      %parallel_loop3A_1387 = arith.index_cast %parallel_loop3A_1386 : i32 to index
      %parallel_loop3A_1388 = tpu.vector_load %arg5[%parallel_loop3A_1387] {strides = array<i32>} : memref<32768xf32, #tpu.memory_space<vmem>>, vector<16xf32>,
      %parallel_loop3A_1389 = arith.subf %parallel_loop3A_1388, %div3A_1079 : vector<16xf32>
      %parallel_loop3A_1390 = arith.constant 0.000000e+00 : f32
      %parallel_loop3A_1391 = vector.broadcast %parallel_loop3A_1390 : f32 to vector<16xf32>
      %parallel_loop3A_1392 = arith.maximumf %parallel_loop3A_1389, %parallel_loop3A_1391 : vector<16xf32>
      %parallel_loop3A_1393 = arith.constant 7 : i32
      %parallel_loop3A_1394 = arith.addi %parallel_loop3A_1270, %parallel_loop3A_1393 : i32
      %parallel_loop3A_1395 = arith.constant 16 : i32
      %parallel_loop3A_1396 = arith.muli %parallel_loop3A_1394, %parallel_loop3A_1395 : i32
      %parallel_loop3A_1397 = arith.index_cast %parallel_loop3A_1396 : i32 to index
      %parallel_loop3A_1398 = tpu.vector_load %arg5[%parallel_loop3A_1397] {strides = array<i32>} : memref<32768xf32, #tpu.memory_space<vmem>>, vector<16xf32>,
      tpu.vector_store %arg5[%parallel_loop3A_1397], %parallel_loop3A_1392 {strides = array<i32>} : memref<32768xf32, #tpu.memory_space<vmem>>, vector<16xf32>,
    } {sc.loop_unroll_factor = 2 : i64, sc.parallel_access}
    %dma_start3A_1135 = arith.constant 16384 : i32
    %dma_start3A_1136 = tpu.memref_slice %arg5[%dma_start3A_1135] : memref<32768xf32, #tpu.memory_space<vmem>> -> memref<4096xf32, #tpu.memory_space<vmem>>
    %dma_start3A_1137 = arith.constant 16384 : i32
    %dma_start3A_1138 = tpu.memref_slice %arg3[%add3A_4, %dma_start3A_1137] : memref<64x32768xf32, #tpu.memory_space<hbm>> -> memref<1x4096xf32, #tpu.memory_space<hbm>>
    %dma_start3A_1139 = tpu.memref_squeeze %dma_start3A_1138 : memref<1x4096xf32, #tpu.memory_space<hbm>> -> memref<4096xf32, #tpu.memory_space<hbm>>
    %dma_start3A_1140 = arith.constant 16384 : i32
    %dma_start3A_1141 = tpu.memref_slice %arg3[%add3A_4, %dma_start3A_1140] : memref<64x32768xf32, #tpu.memory_space<hbm>> -> memref<1x4096xf32, #tpu.memory_space<hbm>>
    %dma_start3A_1142 = tpu.memref_squeeze %dma_start3A_1141 : memref<1x4096xf32, #tpu.memory_space<hbm>> -> memref<4096xf32, #tpu.memory_space<hbm>>
    %dma_start3A_1143 = arith.constant 16384 : i32
    %dma_start3A_1144 = tpu.memref_slice %arg5[%dma_start3A_1143] : memref<32768xf32, #tpu.memory_space<vmem>> -> memref<4096xf32, #tpu.memory_space<vmem>>
    tpu.enqueue_dma source(%dma_start3A_1144 : memref<4096xf32, #tpu.memory_space<vmem>>) target(%dma_start3A_1142 : memref<4096xf32, #tpu.memory_space<hbm>>) target_semaphore(%arg11 : memref<!tpu.dma_semaphore, #tpu.memory_space<semaphore_mem>>)
    %parallel_loop3A_1145 = arith.constant 1280 : i32
    %parallel_loop3A_1146 = arith.constant 1536 : i32
    %parallel_loop3A_1147 = arith.constant 8 : i32
    scf.for %parallel_loop3A_1270 = %parallel_loop3A_1145 to %parallel_loop3A_1146 step %parallel_loop3A_1147  : i32 {
      %parallel_loop3A_1271 = arith.constant 0 : i32
      %parallel_loop3A_1272 = arith.addi %parallel_loop3A_1270, %parallel_loop3A_1271 : i32
      %parallel_loop3A_1273 = arith.constant 16 : i32
      %parallel_loop3A_1274 = arith.muli %parallel_loop3A_1272, %parallel_loop3A_1273 : i32
      %parallel_loop3A_1275 = arith.index_cast %parallel_loop3A_1274 : i32 to index
      %parallel_loop3A_1276 = tpu.vector_load %arg5[%parallel_loop3A_1275] {strides = array<i32>} : memref<32768xf32, #tpu.memory_space<vmem>>, vector<16xf32>,
      %parallel_loop3A_1277 = arith.subf %parallel_loop3A_1276, %div3A_1079 : vector<16xf32>
      %parallel_loop3A_1278 = arith.constant 0.000000e+00 : f32
      %parallel_loop3A_1279 = vector.broadcast %parallel_loop3A_1278 : f32 to vector<16xf32>
      %parallel_loop3A_1280 = arith.maximumf %parallel_loop3A_1277, %parallel_loop3A_1279 : vector<16xf32>
      %parallel_loop3A_1281 = arith.constant 0 : i32
      %parallel_loop3A_1282 = arith.addi %parallel_loop3A_1270, %parallel_loop3A_1281 : i32
      %parallel_loop3A_1283 = arith.constant 16 : i32
      %parallel_loop3A_1284 = arith.muli %parallel_loop3A_1282, %parallel_loop3A_1283 : i32
      %parallel_loop3A_1285 = arith.index_cast %parallel_loop3A_1284 : i32 to index
      %parallel_loop3A_1286 = tpu.vector_load %arg5[%parallel_loop3A_1285] {strides = array<i32>} : memref<32768xf32, #tpu.memory_space<vmem>>, vector<16xf32>,
      tpu.vector_store %arg5[%parallel_loop3A_1285], %parallel_loop3A_1280 {strides = array<i32>} : memref<32768xf32, #tpu.memory_space<vmem>>, vector<16xf32>,
      %parallel_loop3A_1287 = arith.constant 1 : i32
      %parallel_loop3A_1288 = arith.addi %parallel_loop3A_1270, %parallel_loop3A_1287 : i32
      %parallel_loop3A_1289 = arith.constant 16 : i32
      %parallel_loop3A_1290 = arith.muli %parallel_loop3A_1288, %parallel_loop3A_1289 : i32
      %parallel_loop3A_1291 = arith.index_cast %parallel_loop3A_1290 : i32 to index
      %parallel_loop3A_1292 = tpu.vector_load %arg5[%parallel_loop3A_1291] {strides = array<i32>} : memref<32768xf32, #tpu.memory_space<vmem>>, vector<16xf32>,
      %parallel_loop3A_1293 = arith.subf %parallel_loop3A_1292, %div3A_1079 : vector<16xf32>
      %parallel_loop3A_1294 = arith.constant 0.000000e+00 : f32
      %parallel_loop3A_1295 = vector.broadcast %parallel_loop3A_1294 : f32 to vector<16xf32>
      %parallel_loop3A_1296 = arith.maximumf %parallel_loop3A_1293, %parallel_loop3A_1295 : vector<16xf32>
      %parallel_loop3A_1297 = arith.constant 1 : i32
      %parallel_loop3A_1298 = arith.addi %parallel_loop3A_1270, %parallel_loop3A_1297 : i32
      %parallel_loop3A_1299 = arith.constant 16 : i32
      %parallel_loop3A_1300 = arith.muli %parallel_loop3A_1298, %parallel_loop3A_1299 : i32
      %parallel_loop3A_1301 = arith.index_cast %parallel_loop3A_1300 : i32 to index
      %parallel_loop3A_1302 = tpu.vector_load %arg5[%parallel_loop3A_1301] {strides = array<i32>} : memref<32768xf32, #tpu.memory_space<vmem>>, vector<16xf32>,
      tpu.vector_store %arg5[%parallel_loop3A_1301], %parallel_loop3A_1296 {strides = array<i32>} : memref<32768xf32, #tpu.memory_space<vmem>>, vector<16xf32>,
      %parallel_loop3A_1303 = arith.constant 2 : i32
      %parallel_loop3A_1304 = arith.addi %parallel_loop3A_1270, %parallel_loop3A_1303 : i32
      %parallel_loop3A_1305 = arith.constant 16 : i32
      %parallel_loop3A_1306 = arith.muli %parallel_loop3A_1304, %parallel_loop3A_1305 : i32
      %parallel_loop3A_1307 = arith.index_cast %parallel_loop3A_1306 : i32 to index
      %parallel_loop3A_1308 = tpu.vector_load %arg5[%parallel_loop3A_1307] {strides = array<i32>} : memref<32768xf32, #tpu.memory_space<vmem>>, vector<16xf32>,
      %parallel_loop3A_1309 = arith.subf %parallel_loop3A_1308, %div3A_1079 : vector<16xf32>
      %parallel_loop3A_1310 = arith.constant 0.000000e+00 : f32
      %parallel_loop3A_1311 = vector.broadcast %parallel_loop3A_1310 : f32 to vector<16xf32>
      %parallel_loop3A_1312 = arith.maximumf %parallel_loop3A_1309, %parallel_loop3A_1311 : vector<16xf32>
      %parallel_loop3A_1313 = arith.constant 2 : i32
      %parallel_loop3A_1314 = arith.addi %parallel_loop3A_1270, %parallel_loop3A_1313 : i32
      %parallel_loop3A_1315 = arith.constant 16 : i32
      %parallel_loop3A_1316 = arith.muli %parallel_loop3A_1314, %parallel_loop3A_1315 : i32
      %parallel_loop3A_1317 = arith.index_cast %parallel_loop3A_1316 : i32 to index
      %parallel_loop3A_1318 = tpu.vector_load %arg5[%parallel_loop3A_1317] {strides = array<i32>} : memref<32768xf32, #tpu.memory_space<vmem>>, vector<16xf32>,
      tpu.vector_store %arg5[%parallel_loop3A_1317], %parallel_loop3A_1312 {strides = array<i32>} : memref<32768xf32, #tpu.memory_space<vmem>>, vector<16xf32>,
      %parallel_loop3A_1319 = arith.constant 3 : i32
      %parallel_loop3A_1320 = arith.addi %parallel_loop3A_1270, %parallel_loop3A_1319 : i32
      %parallel_loop3A_1321 = arith.constant 16 : i32
      %parallel_loop3A_1322 = arith.muli %parallel_loop3A_1320, %parallel_loop3A_1321 : i32
      %parallel_loop3A_1323 = arith.index_cast %parallel_loop3A_1322 : i32 to index
      %parallel_loop3A_1324 = tpu.vector_load %arg5[%parallel_loop3A_1323] {strides = array<i32>} : memref<32768xf32, #tpu.memory_space<vmem>>, vector<16xf32>,
      %parallel_loop3A_1325 = arith.subf %parallel_loop3A_1324, %div3A_1079 : vector<16xf32>
      %parallel_loop3A_1326 = arith.constant 0.000000e+00 : f32
      %parallel_loop3A_1327 = vector.broadcast %parallel_loop3A_1326 : f32 to vector<16xf32>
      %parallel_loop3A_1328 = arith.maximumf %parallel_loop3A_1325, %parallel_loop3A_1327 : vector<16xf32>
      %parallel_loop3A_1329 = arith.constant 3 : i32
      %parallel_loop3A_1330 = arith.addi %parallel_loop3A_1270, %parallel_loop3A_1329 : i32
      %parallel_loop3A_1331 = arith.constant 16 : i32
      %parallel_loop3A_1332 = arith.muli %parallel_loop3A_1330, %parallel_loop3A_1331 : i32
      %parallel_loop3A_1333 = arith.index_cast %parallel_loop3A_1332 : i32 to index
      %parallel_loop3A_1334 = tpu.vector_load %arg5[%parallel_loop3A_1333] {strides = array<i32>} : memref<32768xf32, #tpu.memory_space<vmem>>, vector<16xf32>,
      tpu.vector_store %arg5[%parallel_loop3A_1333], %parallel_loop3A_1328 {strides = array<i32>} : memref<32768xf32, #tpu.memory_space<vmem>>, vector<16xf32>,
      %parallel_loop3A_1335 = arith.constant 4 : i32
      %parallel_loop3A_1336 = arith.addi %parallel_loop3A_1270, %parallel_loop3A_1335 : i32
      %parallel_loop3A_1337 = arith.constant 16 : i32
      %parallel_loop3A_1338 = arith.muli %parallel_loop3A_1336, %parallel_loop3A_1337 : i32
      %parallel_loop3A_1339 = arith.index_cast %parallel_loop3A_1338 : i32 to index
      %parallel_loop3A_1340 = tpu.vector_load %arg5[%parallel_loop3A_1339] {strides = array<i32>} : memref<32768xf32, #tpu.memory_space<vmem>>, vector<16xf32>,
      %parallel_loop3A_1341 = arith.subf %parallel_loop3A_1340, %div3A_1079 : vector<16xf32>
      %parallel_loop3A_1342 = arith.constant 0.000000e+00 : f32
      %parallel_loop3A_1343 = vector.broadcast %parallel_loop3A_1342 : f32 to vector<16xf32>
      %parallel_loop3A_1344 = arith.maximumf %parallel_loop3A_1341, %parallel_loop3A_1343 : vector<16xf32>
      %parallel_loop3A_1345 = arith.constant 4 : i32
      %parallel_loop3A_1346 = arith.addi %parallel_loop3A_1270, %parallel_loop3A_1345 : i32
      %parallel_loop3A_1347 = arith.constant 16 : i32
      %parallel_loop3A_1348 = arith.muli %parallel_loop3A_1346, %parallel_loop3A_1347 : i32
      %parallel_loop3A_1349 = arith.index_cast %parallel_loop3A_1348 : i32 to index
      %parallel_loop3A_1350 = tpu.vector_load %arg5[%parallel_loop3A_1349] {strides = array<i32>} : memref<32768xf32, #tpu.memory_space<vmem>>, vector<16xf32>,
      tpu.vector_store %arg5[%parallel_loop3A_1349], %parallel_loop3A_1344 {strides = array<i32>} : memref<32768xf32, #tpu.memory_space<vmem>>, vector<16xf32>,
      %parallel_loop3A_1351 = arith.constant 5 : i32
      %parallel_loop3A_1352 = arith.addi %parallel_loop3A_1270, %parallel_loop3A_1351 : i32
      %parallel_loop3A_1353 = arith.constant 16 : i32
      %parallel_loop3A_1354 = arith.muli %parallel_loop3A_1352, %parallel_loop3A_1353 : i32
      %parallel_loop3A_1355 = arith.index_cast %parallel_loop3A_1354 : i32 to index
      %parallel_loop3A_1356 = tpu.vector_load %arg5[%parallel_loop3A_1355] {strides = array<i32>} : memref<32768xf32, #tpu.memory_space<vmem>>, vector<16xf32>,
      %parallel_loop3A_1357 = arith.subf %parallel_loop3A_1356, %div3A_1079 : vector<16xf32>
      %parallel_loop3A_1358 = arith.constant 0.000000e+00 : f32
      %parallel_loop3A_1359 = vector.broadcast %parallel_loop3A_1358 : f32 to vector<16xf32>
      %parallel_loop3A_1360 = arith.maximumf %parallel_loop3A_1357, %parallel_loop3A_1359 : vector<16xf32>
      %parallel_loop3A_1361 = arith.constant 5 : i32
      %parallel_loop3A_1362 = arith.addi %parallel_loop3A_1270, %parallel_loop3A_1361 : i32
      %parallel_loop3A_1363 = arith.constant 16 : i32
      %parallel_loop3A_1364 = arith.muli %parallel_loop3A_1362, %parallel_loop3A_1363 : i32
      %parallel_loop3A_1365 = arith.index_cast %parallel_loop3A_1364 : i32 to index
      %parallel_loop3A_1366 = tpu.vector_load %arg5[%parallel_loop3A_1365] {strides = array<i32>} : memref<32768xf32, #tpu.memory_space<vmem>>, vector<16xf32>,
      tpu.vector_store %arg5[%parallel_loop3A_1365], %parallel_loop3A_1360 {strides = array<i32>} : memref<32768xf32, #tpu.memory_space<vmem>>, vector<16xf32>,
      %parallel_loop3A_1367 = arith.constant 6 : i32
      %parallel_loop3A_1368 = arith.addi %parallel_loop3A_1270, %parallel_loop3A_1367 : i32
      %parallel_loop3A_1369 = arith.constant 16 : i32
      %parallel_loop3A_1370 = arith.muli %parallel_loop3A_1368, %parallel_loop3A_1369 : i32
      %parallel_loop3A_1371 = arith.index_cast %parallel_loop3A_1370 : i32 to index
      %parallel_loop3A_1372 = tpu.vector_load %arg5[%parallel_loop3A_1371] {strides = array<i32>} : memref<32768xf32, #tpu.memory_space<vmem>>, vector<16xf32>,
      %parallel_loop3A_1373 = arith.subf %parallel_loop3A_1372, %div3A_1079 : vector<16xf32>
      %parallel_loop3A_1374 = arith.constant 0.000000e+00 : f32
      %parallel_loop3A_1375 = vector.broadcast %parallel_loop3A_1374 : f32 to vector<16xf32>
      %parallel_loop3A_1376 = arith.maximumf %parallel_loop3A_1373, %parallel_loop3A_1375 : vector<16xf32>
      %parallel_loop3A_1377 = arith.constant 6 : i32
      %parallel_loop3A_1378 = arith.addi %parallel_loop3A_1270, %parallel_loop3A_1377 : i32
      %parallel_loop3A_1379 = arith.constant 16 : i32
      %parallel_loop3A_1380 = arith.muli %parallel_loop3A_1378, %parallel_loop3A_1379 : i32
      %parallel_loop3A_1381 = arith.index_cast %parallel_loop3A_1380 : i32 to index
      %parallel_loop3A_1382 = tpu.vector_load %arg5[%parallel_loop3A_1381] {strides = array<i32>} : memref<32768xf32, #tpu.memory_space<vmem>>, vector<16xf32>,
      tpu.vector_store %arg5[%parallel_loop3A_1381], %parallel_loop3A_1376 {strides = array<i32>} : memref<32768xf32, #tpu.memory_space<vmem>>, vector<16xf32>,
      %parallel_loop3A_1383 = arith.constant 7 : i32
      %parallel_loop3A_1384 = arith.addi %parallel_loop3A_1270, %parallel_loop3A_1383 : i32
      %parallel_loop3A_1385 = arith.constant 16 : i32
      %parallel_loop3A_1386 = arith.muli %parallel_loop3A_1384, %parallel_loop3A_1385 : i32
      %parallel_loop3A_1387 = arith.index_cast %parallel_loop3A_1386 : i32 to index
      %parallel_loop3A_1388 = tpu.vector_load %arg5[%parallel_loop3A_1387] {strides = array<i32>} : memref<32768xf32, #tpu.memory_space<vmem>>, vector<16xf32>,
      %parallel_loop3A_1389 = arith.subf %parallel_loop3A_1388, %div3A_1079 : vector<16xf32>
      %parallel_loop3A_1390 = arith.constant 0.000000e+00 : f32
      %parallel_loop3A_1391 = vector.broadcast %parallel_loop3A_1390 : f32 to vector<16xf32>
      %parallel_loop3A_1392 = arith.maximumf %parallel_loop3A_1389, %parallel_loop3A_1391 : vector<16xf32>
      %parallel_loop3A_1393 = arith.constant 7 : i32
      %parallel_loop3A_1394 = arith.addi %parallel_loop3A_1270, %parallel_loop3A_1393 : i32
      %parallel_loop3A_1395 = arith.constant 16 : i32
      %parallel_loop3A_1396 = arith.muli %parallel_loop3A_1394, %parallel_loop3A_1395 : i32
      %parallel_loop3A_1397 = arith.index_cast %parallel_loop3A_1396 : i32 to index
      %parallel_loop3A_1398 = tpu.vector_load %arg5[%parallel_loop3A_1397] {strides = array<i32>} : memref<32768xf32, #tpu.memory_space<vmem>>, vector<16xf32>,
      tpu.vector_store %arg5[%parallel_loop3A_1397], %parallel_loop3A_1392 {strides = array<i32>} : memref<32768xf32, #tpu.memory_space<vmem>>, vector<16xf32>,
    } {sc.loop_unroll_factor = 2 : i64, sc.parallel_access}
    %dma_start3A_1148 = arith.constant 20480 : i32
    %dma_start3A_1149 = tpu.memref_slice %arg5[%dma_start3A_1148] : memref<32768xf32, #tpu.memory_space<vmem>> -> memref<4096xf32, #tpu.memory_space<vmem>>
    %dma_start3A_1150 = arith.constant 20480 : i32
    %dma_start3A_1151 = tpu.memref_slice %arg3[%add3A_4, %dma_start3A_1150] : memref<64x32768xf32, #tpu.memory_space<hbm>> -> memref<1x4096xf32, #tpu.memory_space<hbm>>
    %dma_start3A_1152 = tpu.memref_squeeze %dma_start3A_1151 : memref<1x4096xf32, #tpu.memory_space<hbm>> -> memref<4096xf32, #tpu.memory_space<hbm>>
    %dma_start3A_1153 = arith.constant 20480 : i32
    %dma_start3A_1154 = tpu.memref_slice %arg3[%add3A_4, %dma_start3A_1153] : memref<64x32768xf32, #tpu.memory_space<hbm>> -> memref<1x4096xf32, #tpu.memory_space<hbm>>
    %dma_start3A_1155 = tpu.memref_squeeze %dma_start3A_1154 : memref<1x4096xf32, #tpu.memory_space<hbm>> -> memref<4096xf32, #tpu.memory_space<hbm>>
    %dma_start3A_1156 = arith.constant 20480 : i32
    %dma_start3A_1157 = tpu.memref_slice %arg5[%dma_start3A_1156] : memref<32768xf32, #tpu.memory_space<vmem>> -> memref<4096xf32, #tpu.memory_space<vmem>>
    tpu.enqueue_dma source(%dma_start3A_1157 : memref<4096xf32, #tpu.memory_space<vmem>>) target(%dma_start3A_1155 : memref<4096xf32, #tpu.memory_space<hbm>>) target_semaphore(%arg12 : memref<!tpu.dma_semaphore, #tpu.memory_space<semaphore_mem>>)
    %parallel_loop3A_1158 = arith.constant 1536 : i32
    %parallel_loop3A_1159 = arith.constant 1792 : i32
    %parallel_loop3A_1160 = arith.constant 8 : i32
    scf.for %parallel_loop3A_1270 = %parallel_loop3A_1158 to %parallel_loop3A_1159 step %parallel_loop3A_1160  : i32 {
      %parallel_loop3A_1271 = arith.constant 0 : i32
      %parallel_loop3A_1272 = arith.addi %parallel_loop3A_1270, %parallel_loop3A_1271 : i32
      %parallel_loop3A_1273 = arith.constant 16 : i32
      %parallel_loop3A_1274 = arith.muli %parallel_loop3A_1272, %parallel_loop3A_1273 : i32
      %parallel_loop3A_1275 = arith.index_cast %parallel_loop3A_1274 : i32 to index
      %parallel_loop3A_1276 = tpu.vector_load %arg5[%parallel_loop3A_1275] {strides = array<i32>} : memref<32768xf32, #tpu.memory_space<vmem>>, vector<16xf32>,
      %parallel_loop3A_1277 = arith.subf %parallel_loop3A_1276, %div3A_1079 : vector<16xf32>
      %parallel_loop3A_1278 = arith.constant 0.000000e+00 : f32
      %parallel_loop3A_1279 = vector.broadcast %parallel_loop3A_1278 : f32 to vector<16xf32>
      %parallel_loop3A_1280 = arith.maximumf %parallel_loop3A_1277, %parallel_loop3A_1279 : vector<16xf32>
      %parallel_loop3A_1281 = arith.constant 0 : i32
      %parallel_loop3A_1282 = arith.addi %parallel_loop3A_1270, %parallel_loop3A_1281 : i32
      %parallel_loop3A_1283 = arith.constant 16 : i32
      %parallel_loop3A_1284 = arith.muli %parallel_loop3A_1282, %parallel_loop3A_1283 : i32
      %parallel_loop3A_1285 = arith.index_cast %parallel_loop3A_1284 : i32 to index
      %parallel_loop3A_1286 = tpu.vector_load %arg5[%parallel_loop3A_1285] {strides = array<i32>} : memref<32768xf32, #tpu.memory_space<vmem>>, vector<16xf32>,
      tpu.vector_store %arg5[%parallel_loop3A_1285], %parallel_loop3A_1280 {strides = array<i32>} : memref<32768xf32, #tpu.memory_space<vmem>>, vector<16xf32>,
      %parallel_loop3A_1287 = arith.constant 1 : i32
      %parallel_loop3A_1288 = arith.addi %parallel_loop3A_1270, %parallel_loop3A_1287 : i32
      %parallel_loop3A_1289 = arith.constant 16 : i32
      %parallel_loop3A_1290 = arith.muli %parallel_loop3A_1288, %parallel_loop3A_1289 : i32
      %parallel_loop3A_1291 = arith.index_cast %parallel_loop3A_1290 : i32 to index
      %parallel_loop3A_1292 = tpu.vector_load %arg5[%parallel_loop3A_1291] {strides = array<i32>} : memref<32768xf32, #tpu.memory_space<vmem>>, vector<16xf32>,
      %parallel_loop3A_1293 = arith.subf %parallel_loop3A_1292, %div3A_1079 : vector<16xf32>
      %parallel_loop3A_1294 = arith.constant 0.000000e+00 : f32
      %parallel_loop3A_1295 = vector.broadcast %parallel_loop3A_1294 : f32 to vector<16xf32>
      %parallel_loop3A_1296 = arith.maximumf %parallel_loop3A_1293, %parallel_loop3A_1295 : vector<16xf32>
      %parallel_loop3A_1297 = arith.constant 1 : i32
      %parallel_loop3A_1298 = arith.addi %parallel_loop3A_1270, %parallel_loop3A_1297 : i32
      %parallel_loop3A_1299 = arith.constant 16 : i32
      %parallel_loop3A_1300 = arith.muli %parallel_loop3A_1298, %parallel_loop3A_1299 : i32
      %parallel_loop3A_1301 = arith.index_cast %parallel_loop3A_1300 : i32 to index
      %parallel_loop3A_1302 = tpu.vector_load %arg5[%parallel_loop3A_1301] {strides = array<i32>} : memref<32768xf32, #tpu.memory_space<vmem>>, vector<16xf32>,
      tpu.vector_store %arg5[%parallel_loop3A_1301], %parallel_loop3A_1296 {strides = array<i32>} : memref<32768xf32, #tpu.memory_space<vmem>>, vector<16xf32>,
      %parallel_loop3A_1303 = arith.constant 2 : i32
      %parallel_loop3A_1304 = arith.addi %parallel_loop3A_1270, %parallel_loop3A_1303 : i32
      %parallel_loop3A_1305 = arith.constant 16 : i32
      %parallel_loop3A_1306 = arith.muli %parallel_loop3A_1304, %parallel_loop3A_1305 : i32
      %parallel_loop3A_1307 = arith.index_cast %parallel_loop3A_1306 : i32 to index
      %parallel_loop3A_1308 = tpu.vector_load %arg5[%parallel_loop3A_1307] {strides = array<i32>} : memref<32768xf32, #tpu.memory_space<vmem>>, vector<16xf32>,
      %parallel_loop3A_1309 = arith.subf %parallel_loop3A_1308, %div3A_1079 : vector<16xf32>
      %parallel_loop3A_1310 = arith.constant 0.000000e+00 : f32
      %parallel_loop3A_1311 = vector.broadcast %parallel_loop3A_1310 : f32 to vector<16xf32>
      %parallel_loop3A_1312 = arith.maximumf %parallel_loop3A_1309, %parallel_loop3A_1311 : vector<16xf32>
      %parallel_loop3A_1313 = arith.constant 2 : i32
      %parallel_loop3A_1314 = arith.addi %parallel_loop3A_1270, %parallel_loop3A_1313 : i32
      %parallel_loop3A_1315 = arith.constant 16 : i32
      %parallel_loop3A_1316 = arith.muli %parallel_loop3A_1314, %parallel_loop3A_1315 : i32
      %parallel_loop3A_1317 = arith.index_cast %parallel_loop3A_1316 : i32 to index
      %parallel_loop3A_1318 = tpu.vector_load %arg5[%parallel_loop3A_1317] {strides = array<i32>} : memref<32768xf32, #tpu.memory_space<vmem>>, vector<16xf32>,
      tpu.vector_store %arg5[%parallel_loop3A_1317], %parallel_loop3A_1312 {strides = array<i32>} : memref<32768xf32, #tpu.memory_space<vmem>>, vector<16xf32>,
      %parallel_loop3A_1319 = arith.constant 3 : i32
      %parallel_loop3A_1320 = arith.addi %parallel_loop3A_1270, %parallel_loop3A_1319 : i32
      %parallel_loop3A_1321 = arith.constant 16 : i32
      %parallel_loop3A_1322 = arith.muli %parallel_loop3A_1320, %parallel_loop3A_1321 : i32
      %parallel_loop3A_1323 = arith.index_cast %parallel_loop3A_1322 : i32 to index
      %parallel_loop3A_1324 = tpu.vector_load %arg5[%parallel_loop3A_1323] {strides = array<i32>} : memref<32768xf32, #tpu.memory_space<vmem>>, vector<16xf32>,
      %parallel_loop3A_1325 = arith.subf %parallel_loop3A_1324, %div3A_1079 : vector<16xf32>
      %parallel_loop3A_1326 = arith.constant 0.000000e+00 : f32
      %parallel_loop3A_1327 = vector.broadcast %parallel_loop3A_1326 : f32 to vector<16xf32>
      %parallel_loop3A_1328 = arith.maximumf %parallel_loop3A_1325, %parallel_loop3A_1327 : vector<16xf32>
      %parallel_loop3A_1329 = arith.constant 3 : i32
      %parallel_loop3A_1330 = arith.addi %parallel_loop3A_1270, %parallel_loop3A_1329 : i32
      %parallel_loop3A_1331 = arith.constant 16 : i32
      %parallel_loop3A_1332 = arith.muli %parallel_loop3A_1330, %parallel_loop3A_1331 : i32
      %parallel_loop3A_1333 = arith.index_cast %parallel_loop3A_1332 : i32 to index
      %parallel_loop3A_1334 = tpu.vector_load %arg5[%parallel_loop3A_1333] {strides = array<i32>} : memref<32768xf32, #tpu.memory_space<vmem>>, vector<16xf32>,
      tpu.vector_store %arg5[%parallel_loop3A_1333], %parallel_loop3A_1328 {strides = array<i32>} : memref<32768xf32, #tpu.memory_space<vmem>>, vector<16xf32>,
      %parallel_loop3A_1335 = arith.constant 4 : i32
      %parallel_loop3A_1336 = arith.addi %parallel_loop3A_1270, %parallel_loop3A_1335 : i32
      %parallel_loop3A_1337 = arith.constant 16 : i32
      %parallel_loop3A_1338 = arith.muli %parallel_loop3A_1336, %parallel_loop3A_1337 : i32
      %parallel_loop3A_1339 = arith.index_cast %parallel_loop3A_1338 : i32 to index
      %parallel_loop3A_1340 = tpu.vector_load %arg5[%parallel_loop3A_1339] {strides = array<i32>} : memref<32768xf32, #tpu.memory_space<vmem>>, vector<16xf32>,
      %parallel_loop3A_1341 = arith.subf %parallel_loop3A_1340, %div3A_1079 : vector<16xf32>
      %parallel_loop3A_1342 = arith.constant 0.000000e+00 : f32
      %parallel_loop3A_1343 = vector.broadcast %parallel_loop3A_1342 : f32 to vector<16xf32>
      %parallel_loop3A_1344 = arith.maximumf %parallel_loop3A_1341, %parallel_loop3A_1343 : vector<16xf32>
      %parallel_loop3A_1345 = arith.constant 4 : i32
      %parallel_loop3A_1346 = arith.addi %parallel_loop3A_1270, %parallel_loop3A_1345 : i32
      %parallel_loop3A_1347 = arith.constant 16 : i32
      %parallel_loop3A_1348 = arith.muli %parallel_loop3A_1346, %parallel_loop3A_1347 : i32
      %parallel_loop3A_1349 = arith.index_cast %parallel_loop3A_1348 : i32 to index
      %parallel_loop3A_1350 = tpu.vector_load %arg5[%parallel_loop3A_1349] {strides = array<i32>} : memref<32768xf32, #tpu.memory_space<vmem>>, vector<16xf32>,
      tpu.vector_store %arg5[%parallel_loop3A_1349], %parallel_loop3A_1344 {strides = array<i32>} : memref<32768xf32, #tpu.memory_space<vmem>>, vector<16xf32>,
      %parallel_loop3A_1351 = arith.constant 5 : i32
      %parallel_loop3A_1352 = arith.addi %parallel_loop3A_1270, %parallel_loop3A_1351 : i32
      %parallel_loop3A_1353 = arith.constant 16 : i32
      %parallel_loop3A_1354 = arith.muli %parallel_loop3A_1352, %parallel_loop3A_1353 : i32
      %parallel_loop3A_1355 = arith.index_cast %parallel_loop3A_1354 : i32 to index
      %parallel_loop3A_1356 = tpu.vector_load %arg5[%parallel_loop3A_1355] {strides = array<i32>} : memref<32768xf32, #tpu.memory_space<vmem>>, vector<16xf32>,
      %parallel_loop3A_1357 = arith.subf %parallel_loop3A_1356, %div3A_1079 : vector<16xf32>
      %parallel_loop3A_1358 = arith.constant 0.000000e+00 : f32
      %parallel_loop3A_1359 = vector.broadcast %parallel_loop3A_1358 : f32 to vector<16xf32>
      %parallel_loop3A_1360 = arith.maximumf %parallel_loop3A_1357, %parallel_loop3A_1359 : vector<16xf32>
      %parallel_loop3A_1361 = arith.constant 5 : i32
      %parallel_loop3A_1362 = arith.addi %parallel_loop3A_1270, %parallel_loop3A_1361 : i32
      %parallel_loop3A_1363 = arith.constant 16 : i32
      %parallel_loop3A_1364 = arith.muli %parallel_loop3A_1362, %parallel_loop3A_1363 : i32
      %parallel_loop3A_1365 = arith.index_cast %parallel_loop3A_1364 : i32 to index
      %parallel_loop3A_1366 = tpu.vector_load %arg5[%parallel_loop3A_1365] {strides = array<i32>} : memref<32768xf32, #tpu.memory_space<vmem>>, vector<16xf32>,
      tpu.vector_store %arg5[%parallel_loop3A_1365], %parallel_loop3A_1360 {strides = array<i32>} : memref<32768xf32, #tpu.memory_space<vmem>>, vector<16xf32>,
      %parallel_loop3A_1367 = arith.constant 6 : i32
      %parallel_loop3A_1368 = arith.addi %parallel_loop3A_1270, %parallel_loop3A_1367 : i32
      %parallel_loop3A_1369 = arith.constant 16 : i32
      %parallel_loop3A_1370 = arith.muli %parallel_loop3A_1368, %parallel_loop3A_1369 : i32
      %parallel_loop3A_1371 = arith.index_cast %parallel_loop3A_1370 : i32 to index
      %parallel_loop3A_1372 = tpu.vector_load %arg5[%parallel_loop3A_1371] {strides = array<i32>} : memref<32768xf32, #tpu.memory_space<vmem>>, vector<16xf32>,
      %parallel_loop3A_1373 = arith.subf %parallel_loop3A_1372, %div3A_1079 : vector<16xf32>
      %parallel_loop3A_1374 = arith.constant 0.000000e+00 : f32
      %parallel_loop3A_1375 = vector.broadcast %parallel_loop3A_1374 : f32 to vector<16xf32>
      %parallel_loop3A_1376 = arith.maximumf %parallel_loop3A_1373, %parallel_loop3A_1375 : vector<16xf32>
      %parallel_loop3A_1377 = arith.constant 6 : i32
      %parallel_loop3A_1378 = arith.addi %parallel_loop3A_1270, %parallel_loop3A_1377 : i32
      %parallel_loop3A_1379 = arith.constant 16 : i32
      %parallel_loop3A_1380 = arith.muli %parallel_loop3A_1378, %parallel_loop3A_1379 : i32
      %parallel_loop3A_1381 = arith.index_cast %parallel_loop3A_1380 : i32 to index
      %parallel_loop3A_1382 = tpu.vector_load %arg5[%parallel_loop3A_1381] {strides = array<i32>} : memref<32768xf32, #tpu.memory_space<vmem>>, vector<16xf32>,
      tpu.vector_store %arg5[%parallel_loop3A_1381], %parallel_loop3A_1376 {strides = array<i32>} : memref<32768xf32, #tpu.memory_space<vmem>>, vector<16xf32>,
      %parallel_loop3A_1383 = arith.constant 7 : i32
      %parallel_loop3A_1384 = arith.addi %parallel_loop3A_1270, %parallel_loop3A_1383 : i32
      %parallel_loop3A_1385 = arith.constant 16 : i32
      %parallel_loop3A_1386 = arith.muli %parallel_loop3A_1384, %parallel_loop3A_1385 : i32
      %parallel_loop3A_1387 = arith.index_cast %parallel_loop3A_1386 : i32 to index
      %parallel_loop3A_1388 = tpu.vector_load %arg5[%parallel_loop3A_1387] {strides = array<i32>} : memref<32768xf32, #tpu.memory_space<vmem>>, vector<16xf32>,
      %parallel_loop3A_1389 = arith.subf %parallel_loop3A_1388, %div3A_1079 : vector<16xf32>
      %parallel_loop3A_1390 = arith.constant 0.000000e+00 : f32
      %parallel_loop3A_1391 = vector.broadcast %parallel_loop3A_1390 : f32 to vector<16xf32>
      %parallel_loop3A_1392 = arith.maximumf %parallel_loop3A_1389, %parallel_loop3A_1391 : vector<16xf32>
      %parallel_loop3A_1393 = arith.constant 7 : i32
      %parallel_loop3A_1394 = arith.addi %parallel_loop3A_1270, %parallel_loop3A_1393 : i32
      %parallel_loop3A_1395 = arith.constant 16 : i32
      %parallel_loop3A_1396 = arith.muli %parallel_loop3A_1394, %parallel_loop3A_1395 : i32
      %parallel_loop3A_1397 = arith.index_cast %parallel_loop3A_1396 : i32 to index
      %parallel_loop3A_1398 = tpu.vector_load %arg5[%parallel_loop3A_1397] {strides = array<i32>} : memref<32768xf32, #tpu.memory_space<vmem>>, vector<16xf32>,
      tpu.vector_store %arg5[%parallel_loop3A_1397], %parallel_loop3A_1392 {strides = array<i32>} : memref<32768xf32, #tpu.memory_space<vmem>>, vector<16xf32>,
    } {sc.loop_unroll_factor = 2 : i64, sc.parallel_access}
    %dma_start3A_1161 = arith.constant 24576 : i32
    %dma_start3A_1162 = tpu.memref_slice %arg5[%dma_start3A_1161] : memref<32768xf32, #tpu.memory_space<vmem>> -> memref<4096xf32, #tpu.memory_space<vmem>>
    %dma_start3A_1163 = arith.constant 24576 : i32
    %dma_start3A_1164 = tpu.memref_slice %arg3[%add3A_4, %dma_start3A_1163] : memref<64x32768xf32, #tpu.memory_space<hbm>> -> memref<1x4096xf32, #tpu.memory_space<hbm>>
    %dma_start3A_1165 = tpu.memref_squeeze %dma_start3A_1164 : memref<1x4096xf32, #tpu.memory_space<hbm>> -> memref<4096xf32, #tpu.memory_space<hbm>>
    %dma_start3A_1166 = arith.constant 24576 : i32
    %dma_start3A_1167 = tpu.memref_slice %arg3[%add3A_4, %dma_start3A_1166] : memref<64x32768xf32, #tpu.memory_space<hbm>> -> memref<1x4096xf32, #tpu.memory_space<hbm>>
    %dma_start3A_1168 = tpu.memref_squeeze %dma_start3A_1167 : memref<1x4096xf32, #tpu.memory_space<hbm>> -> memref<4096xf32, #tpu.memory_space<hbm>>
    %dma_start3A_1169 = arith.constant 24576 : i32
    %dma_start3A_1170 = tpu.memref_slice %arg5[%dma_start3A_1169] : memref<32768xf32, #tpu.memory_space<vmem>> -> memref<4096xf32, #tpu.memory_space<vmem>>
    tpu.enqueue_dma source(%dma_start3A_1170 : memref<4096xf32, #tpu.memory_space<vmem>>) target(%dma_start3A_1168 : memref<4096xf32, #tpu.memory_space<hbm>>) target_semaphore(%arg13 : memref<!tpu.dma_semaphore, #tpu.memory_space<semaphore_mem>>)
    %parallel_loop3A_1171 = arith.constant 1792 : i32
    %parallel_loop3A_1172 = arith.constant 2048 : i32
    %parallel_loop3A_1173 = arith.constant 8 : i32
    scf.for %parallel_loop3A_1270 = %parallel_loop3A_1171 to %parallel_loop3A_1172 step %parallel_loop3A_1173  : i32 {
      %parallel_loop3A_1271 = arith.constant 0 : i32
      %parallel_loop3A_1272 = arith.addi %parallel_loop3A_1270, %parallel_loop3A_1271 : i32
      %parallel_loop3A_1273 = arith.constant 16 : i32
      %parallel_loop3A_1274 = arith.muli %parallel_loop3A_1272, %parallel_loop3A_1273 : i32
      %parallel_loop3A_1275 = arith.index_cast %parallel_loop3A_1274 : i32 to index
      %parallel_loop3A_1276 = tpu.vector_load %arg5[%parallel_loop3A_1275] {strides = array<i32>} : memref<32768xf32, #tpu.memory_space<vmem>>, vector<16xf32>,
      %parallel_loop3A_1277 = arith.subf %parallel_loop3A_1276, %div3A_1079 : vector<16xf32>
      %parallel_loop3A_1278 = arith.constant 0.000000e+00 : f32
      %parallel_loop3A_1279 = vector.broadcast %parallel_loop3A_1278 : f32 to vector<16xf32>
      %parallel_loop3A_1280 = arith.maximumf %parallel_loop3A_1277, %parallel_loop3A_1279 : vector<16xf32>
      %parallel_loop3A_1281 = arith.constant 0 : i32
      %parallel_loop3A_1282 = arith.addi %parallel_loop3A_1270, %parallel_loop3A_1281 : i32
      %parallel_loop3A_1283 = arith.constant 16 : i32
      %parallel_loop3A_1284 = arith.muli %parallel_loop3A_1282, %parallel_loop3A_1283 : i32
      %parallel_loop3A_1285 = arith.index_cast %parallel_loop3A_1284 : i32 to index
      %parallel_loop3A_1286 = tpu.vector_load %arg5[%parallel_loop3A_1285] {strides = array<i32>} : memref<32768xf32, #tpu.memory_space<vmem>>, vector<16xf32>,
      tpu.vector_store %arg5[%parallel_loop3A_1285], %parallel_loop3A_1280 {strides = array<i32>} : memref<32768xf32, #tpu.memory_space<vmem>>, vector<16xf32>,
      %parallel_loop3A_1287 = arith.constant 1 : i32
      %parallel_loop3A_1288 = arith.addi %parallel_loop3A_1270, %parallel_loop3A_1287 : i32
      %parallel_loop3A_1289 = arith.constant 16 : i32
      %parallel_loop3A_1290 = arith.muli %parallel_loop3A_1288, %parallel_loop3A_1289 : i32
      %parallel_loop3A_1291 = arith.index_cast %parallel_loop3A_1290 : i32 to index
      %parallel_loop3A_1292 = tpu.vector_load %arg5[%parallel_loop3A_1291] {strides = array<i32>} : memref<32768xf32, #tpu.memory_space<vmem>>, vector<16xf32>,
      %parallel_loop3A_1293 = arith.subf %parallel_loop3A_1292, %div3A_1079 : vector<16xf32>
      %parallel_loop3A_1294 = arith.constant 0.000000e+00 : f32
      %parallel_loop3A_1295 = vector.broadcast %parallel_loop3A_1294 : f32 to vector<16xf32>
      %parallel_loop3A_1296 = arith.maximumf %parallel_loop3A_1293, %parallel_loop3A_1295 : vector<16xf32>
      %parallel_loop3A_1297 = arith.constant 1 : i32
      %parallel_loop3A_1298 = arith.addi %parallel_loop3A_1270, %parallel_loop3A_1297 : i32
      %parallel_loop3A_1299 = arith.constant 16 : i32
      %parallel_loop3A_1300 = arith.muli %parallel_loop3A_1298, %parallel_loop3A_1299 : i32
      %parallel_loop3A_1301 = arith.index_cast %parallel_loop3A_1300 : i32 to index
      %parallel_loop3A_1302 = tpu.vector_load %arg5[%parallel_loop3A_1301] {strides = array<i32>} : memref<32768xf32, #tpu.memory_space<vmem>>, vector<16xf32>,
      tpu.vector_store %arg5[%parallel_loop3A_1301], %parallel_loop3A_1296 {strides = array<i32>} : memref<32768xf32, #tpu.memory_space<vmem>>, vector<16xf32>,
      %parallel_loop3A_1303 = arith.constant 2 : i32
      %parallel_loop3A_1304 = arith.addi %parallel_loop3A_1270, %parallel_loop3A_1303 : i32
      %parallel_loop3A_1305 = arith.constant 16 : i32
      %parallel_loop3A_1306 = arith.muli %parallel_loop3A_1304, %parallel_loop3A_1305 : i32
      %parallel_loop3A_1307 = arith.index_cast %parallel_loop3A_1306 : i32 to index
      %parallel_loop3A_1308 = tpu.vector_load %arg5[%parallel_loop3A_1307] {strides = array<i32>} : memref<32768xf32, #tpu.memory_space<vmem>>, vector<16xf32>,
      %parallel_loop3A_1309 = arith.subf %parallel_loop3A_1308, %div3A_1079 : vector<16xf32>
      %parallel_loop3A_1310 = arith.constant 0.000000e+00 : f32
      %parallel_loop3A_1311 = vector.broadcast %parallel_loop3A_1310 : f32 to vector<16xf32>
      %parallel_loop3A_1312 = arith.maximumf %parallel_loop3A_1309, %parallel_loop3A_1311 : vector<16xf32>
      %parallel_loop3A_1313 = arith.constant 2 : i32
      %parallel_loop3A_1314 = arith.addi %parallel_loop3A_1270, %parallel_loop3A_1313 : i32
      %parallel_loop3A_1315 = arith.constant 16 : i32
      %parallel_loop3A_1316 = arith.muli %parallel_loop3A_1314, %parallel_loop3A_1315 : i32
      %parallel_loop3A_1317 = arith.index_cast %parallel_loop3A_1316 : i32 to index
      %parallel_loop3A_1318 = tpu.vector_load %arg5[%parallel_loop3A_1317] {strides = array<i32>} : memref<32768xf32, #tpu.memory_space<vmem>>, vector<16xf32>,
      tpu.vector_store %arg5[%parallel_loop3A_1317], %parallel_loop3A_1312 {strides = array<i32>} : memref<32768xf32, #tpu.memory_space<vmem>>, vector<16xf32>,
      %parallel_loop3A_1319 = arith.constant 3 : i32
      %parallel_loop3A_1320 = arith.addi %parallel_loop3A_1270, %parallel_loop3A_1319 : i32
      %parallel_loop3A_1321 = arith.constant 16 : i32
      %parallel_loop3A_1322 = arith.muli %parallel_loop3A_1320, %parallel_loop3A_1321 : i32
      %parallel_loop3A_1323 = arith.index_cast %parallel_loop3A_1322 : i32 to index
      %parallel_loop3A_1324 = tpu.vector_load %arg5[%parallel_loop3A_1323] {strides = array<i32>} : memref<32768xf32, #tpu.memory_space<vmem>>, vector<16xf32>,
      %parallel_loop3A_1325 = arith.subf %parallel_loop3A_1324, %div3A_1079 : vector<16xf32>
      %parallel_loop3A_1326 = arith.constant 0.000000e+00 : f32
      %parallel_loop3A_1327 = vector.broadcast %parallel_loop3A_1326 : f32 to vector<16xf32>
      %parallel_loop3A_1328 = arith.maximumf %parallel_loop3A_1325, %parallel_loop3A_1327 : vector<16xf32>
      %parallel_loop3A_1329 = arith.constant 3 : i32
      %parallel_loop3A_1330 = arith.addi %parallel_loop3A_1270, %parallel_loop3A_1329 : i32
      %parallel_loop3A_1331 = arith.constant 16 : i32
      %parallel_loop3A_1332 = arith.muli %parallel_loop3A_1330, %parallel_loop3A_1331 : i32
      %parallel_loop3A_1333 = arith.index_cast %parallel_loop3A_1332 : i32 to index
      %parallel_loop3A_1334 = tpu.vector_load %arg5[%parallel_loop3A_1333] {strides = array<i32>} : memref<32768xf32, #tpu.memory_space<vmem>>, vector<16xf32>,
      tpu.vector_store %arg5[%parallel_loop3A_1333], %parallel_loop3A_1328 {strides = array<i32>} : memref<32768xf32, #tpu.memory_space<vmem>>, vector<16xf32>,
      %parallel_loop3A_1335 = arith.constant 4 : i32
      %parallel_loop3A_1336 = arith.addi %parallel_loop3A_1270, %parallel_loop3A_1335 : i32
      %parallel_loop3A_1337 = arith.constant 16 : i32
      %parallel_loop3A_1338 = arith.muli %parallel_loop3A_1336, %parallel_loop3A_1337 : i32
      %parallel_loop3A_1339 = arith.index_cast %parallel_loop3A_1338 : i32 to index
      %parallel_loop3A_1340 = tpu.vector_load %arg5[%parallel_loop3A_1339] {strides = array<i32>} : memref<32768xf32, #tpu.memory_space<vmem>>, vector<16xf32>,
      %parallel_loop3A_1341 = arith.subf %parallel_loop3A_1340, %div3A_1079 : vector<16xf32>
      %parallel_loop3A_1342 = arith.constant 0.000000e+00 : f32
      %parallel_loop3A_1343 = vector.broadcast %parallel_loop3A_1342 : f32 to vector<16xf32>
      %parallel_loop3A_1344 = arith.maximumf %parallel_loop3A_1341, %parallel_loop3A_1343 : vector<16xf32>
      %parallel_loop3A_1345 = arith.constant 4 : i32
      %parallel_loop3A_1346 = arith.addi %parallel_loop3A_1270, %parallel_loop3A_1345 : i32
      %parallel_loop3A_1347 = arith.constant 16 : i32
      %parallel_loop3A_1348 = arith.muli %parallel_loop3A_1346, %parallel_loop3A_1347 : i32
      %parallel_loop3A_1349 = arith.index_cast %parallel_loop3A_1348 : i32 to index
      %parallel_loop3A_1350 = tpu.vector_load %arg5[%parallel_loop3A_1349] {strides = array<i32>} : memref<32768xf32, #tpu.memory_space<vmem>>, vector<16xf32>,
      tpu.vector_store %arg5[%parallel_loop3A_1349], %parallel_loop3A_1344 {strides = array<i32>} : memref<32768xf32, #tpu.memory_space<vmem>>, vector<16xf32>,
      %parallel_loop3A_1351 = arith.constant 5 : i32
      %parallel_loop3A_1352 = arith.addi %parallel_loop3A_1270, %parallel_loop3A_1351 : i32
      %parallel_loop3A_1353 = arith.constant 16 : i32
      %parallel_loop3A_1354 = arith.muli %parallel_loop3A_1352, %parallel_loop3A_1353 : i32
      %parallel_loop3A_1355 = arith.index_cast %parallel_loop3A_1354 : i32 to index
      %parallel_loop3A_1356 = tpu.vector_load %arg5[%parallel_loop3A_1355] {strides = array<i32>} : memref<32768xf32, #tpu.memory_space<vmem>>, vector<16xf32>,
      %parallel_loop3A_1357 = arith.subf %parallel_loop3A_1356, %div3A_1079 : vector<16xf32>
      %parallel_loop3A_1358 = arith.constant 0.000000e+00 : f32
      %parallel_loop3A_1359 = vector.broadcast %parallel_loop3A_1358 : f32 to vector<16xf32>
      %parallel_loop3A_1360 = arith.maximumf %parallel_loop3A_1357, %parallel_loop3A_1359 : vector<16xf32>
      %parallel_loop3A_1361 = arith.constant 5 : i32
      %parallel_loop3A_1362 = arith.addi %parallel_loop3A_1270, %parallel_loop3A_1361 : i32
      %parallel_loop3A_1363 = arith.constant 16 : i32
      %parallel_loop3A_1364 = arith.muli %parallel_loop3A_1362, %parallel_loop3A_1363 : i32
      %parallel_loop3A_1365 = arith.index_cast %parallel_loop3A_1364 : i32 to index
      %parallel_loop3A_1366 = tpu.vector_load %arg5[%parallel_loop3A_1365] {strides = array<i32>} : memref<32768xf32, #tpu.memory_space<vmem>>, vector<16xf32>,
      tpu.vector_store %arg5[%parallel_loop3A_1365], %parallel_loop3A_1360 {strides = array<i32>} : memref<32768xf32, #tpu.memory_space<vmem>>, vector<16xf32>,
      %parallel_loop3A_1367 = arith.constant 6 : i32
      %parallel_loop3A_1368 = arith.addi %parallel_loop3A_1270, %parallel_loop3A_1367 : i32
      %parallel_loop3A_1369 = arith.constant 16 : i32
      %parallel_loop3A_1370 = arith.muli %parallel_loop3A_1368, %parallel_loop3A_1369 : i32
      %parallel_loop3A_1371 = arith.index_cast %parallel_loop3A_1370 : i32 to index
      %parallel_loop3A_1372 = tpu.vector_load %arg5[%parallel_loop3A_1371] {strides = array<i32>} : memref<32768xf32, #tpu.memory_space<vmem>>, vector<16xf32>,
      %parallel_loop3A_1373 = arith.subf %parallel_loop3A_1372, %div3A_1079 : vector<16xf32>
      %parallel_loop3A_1374 = arith.constant 0.000000e+00 : f32
      %parallel_loop3A_1375 = vector.broadcast %parallel_loop3A_1374 : f32 to vector<16xf32>
      %parallel_loop3A_1376 = arith.maximumf %parallel_loop3A_1373, %parallel_loop3A_1375 : vector<16xf32>
      %parallel_loop3A_1377 = arith.constant 6 : i32
      %parallel_loop3A_1378 = arith.addi %parallel_loop3A_1270, %parallel_loop3A_1377 : i32
      %parallel_loop3A_1379 = arith.constant 16 : i32
      %parallel_loop3A_1380 = arith.muli %parallel_loop3A_1378, %parallel_loop3A_1379 : i32
      %parallel_loop3A_1381 = arith.index_cast %parallel_loop3A_1380 : i32 to index
      %parallel_loop3A_1382 = tpu.vector_load %arg5[%parallel_loop3A_1381] {strides = array<i32>} : memref<32768xf32, #tpu.memory_space<vmem>>, vector<16xf32>,
      tpu.vector_store %arg5[%parallel_loop3A_1381], %parallel_loop3A_1376 {strides = array<i32>} : memref<32768xf32, #tpu.memory_space<vmem>>, vector<16xf32>,
      %parallel_loop3A_1383 = arith.constant 7 : i32
      %parallel_loop3A_1384 = arith.addi %parallel_loop3A_1270, %parallel_loop3A_1383 : i32
      %parallel_loop3A_1385 = arith.constant 16 : i32
      %parallel_loop3A_1386 = arith.muli %parallel_loop3A_1384, %parallel_loop3A_1385 : i32
      %parallel_loop3A_1387 = arith.index_cast %parallel_loop3A_1386 : i32 to index
      %parallel_loop3A_1388 = tpu.vector_load %arg5[%parallel_loop3A_1387] {strides = array<i32>} : memref<32768xf32, #tpu.memory_space<vmem>>, vector<16xf32>,
      %parallel_loop3A_1389 = arith.subf %parallel_loop3A_1388, %div3A_1079 : vector<16xf32>
      %parallel_loop3A_1390 = arith.constant 0.000000e+00 : f32
      %parallel_loop3A_1391 = vector.broadcast %parallel_loop3A_1390 : f32 to vector<16xf32>
      %parallel_loop3A_1392 = arith.maximumf %parallel_loop3A_1389, %parallel_loop3A_1391 : vector<16xf32>
      %parallel_loop3A_1393 = arith.constant 7 : i32
      %parallel_loop3A_1394 = arith.addi %parallel_loop3A_1270, %parallel_loop3A_1393 : i32
      %parallel_loop3A_1395 = arith.constant 16 : i32
      %parallel_loop3A_1396 = arith.muli %parallel_loop3A_1394, %parallel_loop3A_1395 : i32
      %parallel_loop3A_1397 = arith.index_cast %parallel_loop3A_1396 : i32 to index
      %parallel_loop3A_1398 = tpu.vector_load %arg5[%parallel_loop3A_1397] {strides = array<i32>} : memref<32768xf32, #tpu.memory_space<vmem>>, vector<16xf32>,
      tpu.vector_store %arg5[%parallel_loop3A_1397], %parallel_loop3A_1392 {strides = array<i32>} : memref<32768xf32, #tpu.memory_space<vmem>>, vector<16xf32>,
    } {sc.loop_unroll_factor = 2 : i64, sc.parallel_access}
    %dma_start3A_1174 = arith.constant 28672 : i32
    %dma_start3A_1175 = tpu.memref_slice %arg5[%dma_start3A_1174] : memref<32768xf32, #tpu.memory_space<vmem>> -> memref<4096xf32, #tpu.memory_space<vmem>>
    %dma_start3A_1176 = arith.constant 28672 : i32
    %dma_start3A_1177 = tpu.memref_slice %arg3[%add3A_4, %dma_start3A_1176] : memref<64x32768xf32, #tpu.memory_space<hbm>> -> memref<1x4096xf32, #tpu.memory_space<hbm>>
    %dma_start3A_1178 = tpu.memref_squeeze %dma_start3A_1177 : memref<1x4096xf32, #tpu.memory_space<hbm>> -> memref<4096xf32, #tpu.memory_space<hbm>>
    %dma_start3A_1179 = arith.constant 28672 : i32
    %dma_start3A_1180 = tpu.memref_slice %arg3[%add3A_4, %dma_start3A_1179] : memref<64x32768xf32, #tpu.memory_space<hbm>> -> memref<1x4096xf32, #tpu.memory_space<hbm>>
    %dma_start3A_1181 = tpu.memref_squeeze %dma_start3A_1180 : memref<1x4096xf32, #tpu.memory_space<hbm>> -> memref<4096xf32, #tpu.memory_space<hbm>>
    %dma_start3A_1182 = arith.constant 28672 : i32
    %dma_start3A_1183 = tpu.memref_slice %arg5[%dma_start3A_1182] : memref<32768xf32, #tpu.memory_space<vmem>> -> memref<4096xf32, #tpu.memory_space<vmem>>
    tpu.enqueue_dma source(%dma_start3A_1183 : memref<4096xf32, #tpu.memory_space<vmem>>) target(%dma_start3A_1181 : memref<4096xf32, #tpu.memory_space<hbm>>) target_semaphore(%arg14 : memref<!tpu.dma_semaphore, #tpu.memory_space<semaphore_mem>>)
    %dma_wait3A_1184 = arith.constant 0 : i32
    %dma_wait3A_1185 = tpu.memref_slice %arg3[%mul3A_2, %dma_wait3A_1184] : memref<64x32768xf32, #tpu.memory_space<hbm>> -> memref<1x32768xf32, #tpu.memory_space<hbm>>
    %dma_wait3A_1186 = tpu.memref_squeeze %dma_wait3A_1185 : memref<1x32768xf32, #tpu.memory_space<hbm>> -> memref<32768xf32, #tpu.memory_space<hbm>>
    %dma_wait3A_1187 = arith.constant 0 : i32
    %dma_wait3A_1188 = tpu.memref_slice %arg3[%mul3A_2, %dma_wait3A_1187] : memref<64x32768xf32, #tpu.memory_space<hbm>> -> memref<1x32768xf32, #tpu.memory_space<hbm>>
    %dma_wait3A_1189 = tpu.memref_squeeze %dma_wait3A_1188 : memref<1x32768xf32, #tpu.memory_space<hbm>> -> memref<32768xf32, #tpu.memory_space<hbm>>
    tpu.wait_dma2 semaphore(%arg16 : memref<!tpu.dma_semaphore, #tpu.memory_space<semaphore_mem>>) src(%arg4 : memref<32768xf32, #tpu.memory_space<vmem>>) dst(%dma_wait3A_1189 : memref<32768xf32, #tpu.memory_space<hbm>>)
    %dma_wait3A_1190 = arith.constant 0 : i32
    %dma_wait3A_1191 = tpu.memref_slice %arg5[%dma_wait3A_1190] : memref<32768xf32, #tpu.memory_space<vmem>> -> memref<4096xf32, #tpu.memory_space<vmem>>
    %dma_wait3A_1192 = arith.constant 0 : i32
    %dma_wait3A_1193 = tpu.memref_slice %arg3[%add3A_4, %dma_wait3A_1192] : memref<64x32768xf32, #tpu.memory_space<hbm>> -> memref<1x4096xf32, #tpu.memory_space<hbm>>
    %dma_wait3A_1194 = tpu.memref_squeeze %dma_wait3A_1193 : memref<1x4096xf32, #tpu.memory_space<hbm>> -> memref<4096xf32, #tpu.memory_space<hbm>>
    %dma_wait3A_1195 = arith.constant 0 : i32
    %dma_wait3A_1196 = tpu.memref_slice %arg3[%add3A_4, %dma_wait3A_1195] : memref<64x32768xf32, #tpu.memory_space<hbm>> -> memref<1x4096xf32, #tpu.memory_space<hbm>>
    %dma_wait3A_1197 = tpu.memref_squeeze %dma_wait3A_1196 : memref<1x4096xf32, #tpu.memory_space<hbm>> -> memref<4096xf32, #tpu.memory_space<hbm>>
    %dma_wait3A_1198 = arith.constant 0 : i32
    %dma_wait3A_1199 = tpu.memref_slice %arg5[%dma_wait3A_1198] : memref<32768xf32, #tpu.memory_space<vmem>> -> memref<4096xf32, #tpu.memory_space<vmem>>
    tpu.wait_dma2 semaphore(%arg7 : memref<!tpu.dma_semaphore, #tpu.memory_space<semaphore_mem>>) src(%dma_wait3A_1199 : memref<4096xf32, #tpu.memory_space<vmem>>) dst(%dma_wait3A_1197 : memref<4096xf32, #tpu.memory_space<hbm>>)
    %dma_wait3A_1200 = arith.constant 4096 : i32
    %dma_wait3A_1201 = tpu.memref_slice %arg5[%dma_wait3A_1200] : memref<32768xf32, #tpu.memory_space<vmem>> -> memref<4096xf32, #tpu.memory_space<vmem>>
    %dma_wait3A_1202 = arith.constant 4096 : i32
    %dma_wait3A_1203 = tpu.memref_slice %arg3[%add3A_4, %dma_wait3A_1202] : memref<64x32768xf32, #tpu.memory_space<hbm>> -> memref<1x4096xf32, #tpu.memory_space<hbm>>
    %dma_wait3A_1204 = tpu.memref_squeeze %dma_wait3A_1203 : memref<1x4096xf32, #tpu.memory_space<hbm>> -> memref<4096xf32, #tpu.memory_space<hbm>>
    %dma_wait3A_1205 = arith.constant 4096 : i32
    %dma_wait3A_1206 = tpu.memref_slice %arg3[%add3A_4, %dma_wait3A_1205] : memref<64x32768xf32, #tpu.memory_space<hbm>> -> memref<1x4096xf32, #tpu.memory_space<hbm>>
    %dma_wait3A_1207 = tpu.memref_squeeze %dma_wait3A_1206 : memref<1x4096xf32, #tpu.memory_space<hbm>> -> memref<4096xf32, #tpu.memory_space<hbm>>
    %dma_wait3A_1208 = arith.constant 4096 : i32
    %dma_wait3A_1209 = tpu.memref_slice %arg5[%dma_wait3A_1208] : memref<32768xf32, #tpu.memory_space<vmem>> -> memref<4096xf32, #tpu.memory_space<vmem>>
    tpu.wait_dma2 semaphore(%arg8 : memref<!tpu.dma_semaphore, #tpu.memory_space<semaphore_mem>>) src(%dma_wait3A_1209 : memref<4096xf32, #tpu.memory_space<vmem>>) dst(%dma_wait3A_1207 : memref<4096xf32, #tpu.memory_space<hbm>>)
    %dma_wait3A_1210 = arith.constant 8192 : i32
    %dma_wait3A_1211 = tpu.memref_slice %arg5[%dma_wait3A_1210] : memref<32768xf32, #tpu.memory_space<vmem>> -> memref<4096xf32, #tpu.memory_space<vmem>>
    %dma_wait3A_1212 = arith.constant 8192 : i32
    %dma_wait3A_1213 = tpu.memref_slice %arg3[%add3A_4, %dma_wait3A_1212] : memref<64x32768xf32, #tpu.memory_space<hbm>> -> memref<1x4096xf32, #tpu.memory_space<hbm>>
    %dma_wait3A_1214 = tpu.memref_squeeze %dma_wait3A_1213 : memref<1x4096xf32, #tpu.memory_space<hbm>> -> memref<4096xf32, #tpu.memory_space<hbm>>
    %dma_wait3A_1215 = arith.constant 8192 : i32
    %dma_wait3A_1216 = tpu.memref_slice %arg3[%add3A_4, %dma_wait3A_1215] : memref<64x32768xf32, #tpu.memory_space<hbm>> -> memref<1x4096xf32, #tpu.memory_space<hbm>>
    %dma_wait3A_1217 = tpu.memref_squeeze %dma_wait3A_1216 : memref<1x4096xf32, #tpu.memory_space<hbm>> -> memref<4096xf32, #tpu.memory_space<hbm>>
    %dma_wait3A_1218 = arith.constant 8192 : i32
    %dma_wait3A_1219 = tpu.memref_slice %arg5[%dma_wait3A_1218] : memref<32768xf32, #tpu.memory_space<vmem>> -> memref<4096xf32, #tpu.memory_space<vmem>>
    tpu.wait_dma2 semaphore(%arg9 : memref<!tpu.dma_semaphore, #tpu.memory_space<semaphore_mem>>) src(%dma_wait3A_1219 : memref<4096xf32, #tpu.memory_space<vmem>>) dst(%dma_wait3A_1217 : memref<4096xf32, #tpu.memory_space<hbm>>)
    %dma_wait3A_1220 = arith.constant 12288 : i32
    %dma_wait3A_1221 = tpu.memref_slice %arg5[%dma_wait3A_1220] : memref<32768xf32, #tpu.memory_space<vmem>> -> memref<4096xf32, #tpu.memory_space<vmem>>
    %dma_wait3A_1222 = arith.constant 12288 : i32
    %dma_wait3A_1223 = tpu.memref_slice %arg3[%add3A_4, %dma_wait3A_1222] : memref<64x32768xf32, #tpu.memory_space<hbm>> -> memref<1x4096xf32, #tpu.memory_space<hbm>>
    %dma_wait3A_1224 = tpu.memref_squeeze %dma_wait3A_1223 : memref<1x4096xf32, #tpu.memory_space<hbm>> -> memref<4096xf32, #tpu.memory_space<hbm>>
    %dma_wait3A_1225 = arith.constant 12288 : i32
    %dma_wait3A_1226 = tpu.memref_slice %arg3[%add3A_4, %dma_wait3A_1225] : memref<64x32768xf32, #tpu.memory_space<hbm>> -> memref<1x4096xf32, #tpu.memory_space<hbm>>
    %dma_wait3A_1227 = tpu.memref_squeeze %dma_wait3A_1226 : memref<1x4096xf32, #tpu.memory_space<hbm>> -> memref<4096xf32, #tpu.memory_space<hbm>>
    %dma_wait3A_1228 = arith.constant 12288 : i32
    %dma_wait3A_1229 = tpu.memref_slice %arg5[%dma_wait3A_1228] : memref<32768xf32, #tpu.memory_space<vmem>> -> memref<4096xf32, #tpu.memory_space<vmem>>
    tpu.wait_dma2 semaphore(%arg10 : memref<!tpu.dma_semaphore, #tpu.memory_space<semaphore_mem>>) src(%dma_wait3A_1229 : memref<4096xf32, #tpu.memory_space<vmem>>) dst(%dma_wait3A_1227 : memref<4096xf32, #tpu.memory_space<hbm>>)
    %dma_wait3A_1230 = arith.constant 16384 : i32
    %dma_wait3A_1231 = tpu.memref_slice %arg5[%dma_wait3A_1230] : memref<32768xf32, #tpu.memory_space<vmem>> -> memref<4096xf32, #tpu.memory_space<vmem>>
    %dma_wait3A_1232 = arith.constant 16384 : i32
    %dma_wait3A_1233 = tpu.memref_slice %arg3[%add3A_4, %dma_wait3A_1232] : memref<64x32768xf32, #tpu.memory_space<hbm>> -> memref<1x4096xf32, #tpu.memory_space<hbm>>
    %dma_wait3A_1234 = tpu.memref_squeeze %dma_wait3A_1233 : memref<1x4096xf32, #tpu.memory_space<hbm>> -> memref<4096xf32, #tpu.memory_space<hbm>>
    %dma_wait3A_1235 = arith.constant 16384 : i32
    %dma_wait3A_1236 = tpu.memref_slice %arg3[%add3A_4, %dma_wait3A_1235] : memref<64x32768xf32, #tpu.memory_space<hbm>> -> memref<1x4096xf32, #tpu.memory_space<hbm>>
    %dma_wait3A_1237 = tpu.memref_squeeze %dma_wait3A_1236 : memref<1x4096xf32, #tpu.memory_space<hbm>> -> memref<4096xf32, #tpu.memory_space<hbm>>
    %dma_wait3A_1238 = arith.constant 16384 : i32
    %dma_wait3A_1239 = tpu.memref_slice %arg5[%dma_wait3A_1238] : memref<32768xf32, #tpu.memory_space<vmem>> -> memref<4096xf32, #tpu.memory_space<vmem>>
    tpu.wait_dma2 semaphore(%arg11 : memref<!tpu.dma_semaphore, #tpu.memory_space<semaphore_mem>>) src(%dma_wait3A_1239 : memref<4096xf32, #tpu.memory_space<vmem>>) dst(%dma_wait3A_1237 : memref<4096xf32, #tpu.memory_space<hbm>>)
    %dma_wait3A_1240 = arith.constant 20480 : i32
    %dma_wait3A_1241 = tpu.memref_slice %arg5[%dma_wait3A_1240] : memref<32768xf32, #tpu.memory_space<vmem>> -> memref<4096xf32, #tpu.memory_space<vmem>>
    %dma_wait3A_1242 = arith.constant 20480 : i32
    %dma_wait3A_1243 = tpu.memref_slice %arg3[%add3A_4, %dma_wait3A_1242] : memref<64x32768xf32, #tpu.memory_space<hbm>> -> memref<1x4096xf32, #tpu.memory_space<hbm>>
    %dma_wait3A_1244 = tpu.memref_squeeze %dma_wait3A_1243 : memref<1x4096xf32, #tpu.memory_space<hbm>> -> memref<4096xf32, #tpu.memory_space<hbm>>
    %dma_wait3A_1245 = arith.constant 20480 : i32
    %dma_wait3A_1246 = tpu.memref_slice %arg3[%add3A_4, %dma_wait3A_1245] : memref<64x32768xf32, #tpu.memory_space<hbm>> -> memref<1x4096xf32, #tpu.memory_space<hbm>>
    %dma_wait3A_1247 = tpu.memref_squeeze %dma_wait3A_1246 : memref<1x4096xf32, #tpu.memory_space<hbm>> -> memref<4096xf32, #tpu.memory_space<hbm>>
    %dma_wait3A_1248 = arith.constant 20480 : i32
    %dma_wait3A_1249 = tpu.memref_slice %arg5[%dma_wait3A_1248] : memref<32768xf32, #tpu.memory_space<vmem>> -> memref<4096xf32, #tpu.memory_space<vmem>>
    tpu.wait_dma2 semaphore(%arg12 : memref<!tpu.dma_semaphore, #tpu.memory_space<semaphore_mem>>) src(%dma_wait3A_1249 : memref<4096xf32, #tpu.memory_space<vmem>>) dst(%dma_wait3A_1247 : memref<4096xf32, #tpu.memory_space<hbm>>)
    %dma_wait3A_1250 = arith.constant 24576 : i32
    %dma_wait3A_1251 = tpu.memref_slice %arg5[%dma_wait3A_1250] : memref<32768xf32, #tpu.memory_space<vmem>> -> memref<4096xf32, #tpu.memory_space<vmem>>
    %dma_wait3A_1252 = arith.constant 24576 : i32
    %dma_wait3A_1253 = tpu.memref_slice %arg3[%add3A_4, %dma_wait3A_1252] : memref<64x32768xf32, #tpu.memory_space<hbm>> -> memref<1x4096xf32, #tpu.memory_space<hbm>>
    %dma_wait3A_1254 = tpu.memref_squeeze %dma_wait3A_1253 : memref<1x4096xf32, #tpu.memory_space<hbm>> -> memref<4096xf32, #tpu.memory_space<hbm>>
    %dma_wait3A_1255 = arith.constant 24576 : i32
    %dma_wait3A_1256 = tpu.memref_slice %arg3[%add3A_4, %dma_wait3A_1255] : memref<64x32768xf32, #tpu.memory_space<hbm>> -> memref<1x4096xf32, #tpu.memory_space<hbm>>
    %dma_wait3A_1257 = tpu.memref_squeeze %dma_wait3A_1256 : memref<1x4096xf32, #tpu.memory_space<hbm>> -> memref<4096xf32, #tpu.memory_space<hbm>>
    %dma_wait3A_1258 = arith.constant 24576 : i32
    %dma_wait3A_1259 = tpu.memref_slice %arg5[%dma_wait3A_1258] : memref<32768xf32, #tpu.memory_space<vmem>> -> memref<4096xf32, #tpu.memory_space<vmem>>
    tpu.wait_dma2 semaphore(%arg13 : memref<!tpu.dma_semaphore, #tpu.memory_space<semaphore_mem>>) src(%dma_wait3A_1259 : memref<4096xf32, #tpu.memory_space<vmem>>) dst(%dma_wait3A_1257 : memref<4096xf32, #tpu.memory_space<hbm>>)
    %dma_wait3A_1260 = arith.constant 28672 : i32
    %dma_wait3A_1261 = tpu.memref_slice %arg5[%dma_wait3A_1260] : memref<32768xf32, #tpu.memory_space<vmem>> -> memref<4096xf32, #tpu.memory_space<vmem>>
    %dma_wait3A_1262 = arith.constant 28672 : i32
    %dma_wait3A_1263 = tpu.memref_slice %arg3[%add3A_4, %dma_wait3A_1262] : memref<64x32768xf32, #tpu.memory_space<hbm>> -> memref<1x4096xf32, #tpu.memory_space<hbm>>
    %dma_wait3A_1264 = tpu.memref_squeeze %dma_wait3A_1263 : memref<1x4096xf32, #tpu.memory_space<hbm>> -> memref<4096xf32, #tpu.memory_space<hbm>>
    %dma_wait3A_1265 = arith.constant 28672 : i32
    %dma_wait3A_1266 = tpu.memref_slice %arg3[%add3A_4, %dma_wait3A_1265] : memref<64x32768xf32, #tpu.memory_space<hbm>> -> memref<1x4096xf32, #tpu.memory_space<hbm>>
    %dma_wait3A_1267 = tpu.memref_squeeze %dma_wait3A_1266 : memref<1x4096xf32, #tpu.memory_space<hbm>> -> memref<4096xf32, #tpu.memory_space<hbm>>
    %dma_wait3A_1268 = arith.constant 28672 : i32
    %dma_wait3A_1269 = tpu.memref_slice %arg5[%dma_wait3A_1268] : memref<32768xf32, #tpu.memory_space<vmem>> -> memref<4096xf32, #tpu.memory_space<vmem>>
    tpu.wait_dma2 semaphore(%arg14 : memref<!tpu.dma_semaphore, #tpu.memory_space<semaphore_mem>>) src(%dma_wait3A_1269 : memref<4096xf32, #tpu.memory_space<vmem>>) dst(%dma_wait3A_1267 : memref<4096xf32, #tpu.memory_space<hbm>>)
    return
  }
}

</mosaic_0001>

<sc_bundles>
// kernel: kernel.3.cloned.1.call-start
scs
__scs_entry_jumppad:
0x0: {  	(pc) =	sbr.rel $0x88, $3  }
0x1: {  	(tag) =	ssettag $0x0;
	lr =	simm.s32 $0x1  }
0x2: {  	[smem:$0x3FA0] =	sst lr;
	_ =	strace $0xD0000000  }
0x3: {  	_ = 	snop  }
0x4: {  	_ = 	snop  }
0x5: {  	_ = 	snop  }
0x6: {  	_ = 	snop  }
0x7: {  	_ = 	snop  }
__scs_overlays_trampoline_lowered:
0x8: {  	[smem:$0x3FAF] =	sst s0  }
0x9: {  	[smem:$0x3FB0] =	sst s1  }
0xa: {  	[smem:$0x3FB1] =	sst s2  }
0xb: {  	[smem:$0x3FB2] =	sst s3  }
0xc: {  	[smem:$0x3FB3] =	sst s4  }
0xd: {  	[smem:$0x3FB4] =	sst s5  }
0xe: {  	[smem:$0x3FB5] =	sst s6  }
0xf: {  	[smem:$0x3FB6] =	sst s7  }
0x10: {  	[smem:$0x3FB7] =	sst s8  }
0x11: {  	[smem:$0x3FB8] =	sst s9;
	s0 =	simm.s32 @!p0 $0x0  }
0x12: {  	s1 =	sld [smem:$0x3F9E];
	s0 =	simm.s32 @p0 $0x1  }
0x13: {  	[smem:$0x3FB9] =	sst s0;
	s0 =	simm.s32 @!p1 $0x0  }
0x14: {  	s2 =	sld [smem:$0x3F9D];
	s0 =	simm.s32 @p1 $0x1  }
0x15: {  	[smem:$0x3FBA] =	sst s0;
	s0 =	simm.s32 @!p2 $0x0  }
0x16: {  	s3 =	sld [smem:$0x3FDB];
	s0 =	simm.s32 @p2 $0x1  }
0x17: {  	s4 =	simm.s32 $0x1BF5;
	[smem:$0x3FBC] =	sst s0  }
0x18: {  	s0 =	sld [smem:$0x3F9F];
	_ =	swait.ge [sflag:s4], $0x0  }
0x19: {  	s7 =	sld [smem:$0x3FA0]  }
0x1a: {  	s8 =	sadd.s32 $0xFFFFE003, lr  }
0x1b: {  	s9 =	sadd.s32 $0xFFFFFEF7, lr;
	s5 =	simm.s32 $0xFFFFFFFF;
	p2 =	slt.u32 s8, $0xFFFFF086  }
0x1c: {  	p1 =	slt.u32 s9, $0xF7A;
	s5 =	simm.s32 @!p2 $0x0  }
0x1d: {  	s5 =	simm.s32 @p1 $0x1;
	p0 =	seq.s32 s7, s2  }
0x1e: {  	s7 =	smul.u32 @!p0 $0xF7A, s2;
	p2 =	seq.s32 @!p0 s5, $0x0  }
0x1f: {  	s9 =	smul.u32 $0xF7A, s1;
	s8 =	simm.s32 @!p0 $0x1BF5;
	p2 =	por !p2, p0  }
0x20: {  	[sflag:s8] =	ssyncset.s32 @!p0 $0xFFFFF086;
	s6 =	sadd.s32 @!p0 s3, s7;
	s7 =	simm.s32 @!p0 $0x108  }
0x21: {  	s3 =	sadd.s32 s3, s9;
	s6 =	sadd.s32 @!p0 $0x88, s6;
	s7 =	simm.s32 @p2 $0x1082  }
0x22: {  	[simem:s7], [sflag:s8] =	dma.local @!p0 [hbm:s6], $0xF7A  }
0x23: {  	s9 =	sor.u32 $0xD0000000, s2;
	s6 =	simm.s32 $0x108;
	_ =	swait.ge @!p0 [sflag:s8], $0x0  }
0x24: {  	s3 =	sadd.s32 $0x88, s3;
	s6 =	simm.s32 @!p1 $0x1082;
	[sflag:s4] =	ssyncset.s32 $0xFFFFF086  }
0x25: {  	[simem:s6], [sflag:s4] =	dma.local [hbm:s3], $0xF7A  }
0x26: {  	[smem:$0x3FA0] =	sst s1;
	(tag) =	ssettag s2;
	_ =	strace s9  }
0x27: {  	s1 =	sld [smem:$0x3FB0]  }
0x28: {  	s2 =	sld [smem:$0x3FB1]  }
0x29: {  	s4 =	sld [smem:$0x3FB3]  }
0x2a: {  	p0 =	seq.s32 s5, $0x0;
	s5 =	sld [smem:$0x3FB4]  }
0x2b: {  	s6 =	sld [smem:$0x3FB5]  }
0x2c: {  	s7 =	sld [smem:$0x3FB6]  }
0x2d: {  	s3 =	simm.s32 $0x108;
	s8 =	sld [smem:$0x3FB7]  }
0x2e: {  	s3 =	simm.s32 @!p0 $0x1082;
	s9 =	sld [smem:$0x3FB8]  }
0x2f: {  	lr =	sadd.s32 s0, s3;
	s0 =	sld [smem:$0x3FAF]  }
0x30: {  	s3 =	sld [smem:$0x3FB2]  }
0x31: {  	[smem:$0x3FBB] =	sst s10  }
0x32: {  	s10 =	sld [smem:$0x3FB9];
	_ =	sdelay $0x3  }
0x33: {  	p0 =	seq.s32 s10, $0x1;
	s10 =	sld [smem:$0x3FBB];
	_ =	sdelay $0x3  }
0x34: {  	[smem:$0x3FBB] =	sst s10  }
0x35: {  	s10 =	sld [smem:$0x3FBA];
	_ =	sdelay $0x3  }
0x36: {  	p1 =	seq.s32 s10, $0x1;
	s10 =	sld [smem:$0x3FBB];
	_ =	sdelay $0x3  }
0x37: {  	[smem:$0x3FBB] =	sst s10  }
0x38: {  	s10 =	sld [smem:$0x3FBC]  }
0x39: {  	_ = 	snop;
	(pc) =	sbr.ind lr, $3  }
0x3a: {  	_ = 	snop  }
0x3b: {  	_ = 	snop  }
0x3c: {  	p2 =	seq.s32 s10, $0x1;
	s10 =	sld [smem:$0x3FBB]  }
0x3d: {  	_ =	shalt  }
0x3e: {  	_ =	shalt  }
0x3f: {  	_ =	shalt  }
0x40: {  	_ =	shalt  }
0x41: {  	_ =	shalt  }
0x42: {  	_ =	shalt  }
0x43: {  	_ =	shalt  }
0x44: {  	_ =	shalt  }
0x45: {  	_ =	shalt  }
0x46: {  	_ =	shalt  }
0x47: {  	_ =	shalt  }
0x48: {  	_ =	shalt  }
0x49: {  	_ =	shalt  }
0x4a: {  	_ =	shalt  }
0x4b: {  	_ =	shalt  }
0x4c: {  	_ =	shalt  }
0x4d: {  	_ =	shalt  }
0x4e: {  	_ =	shalt  }
0x4f: {  	_ =	shalt  }
0x50: {  	_ =	shalt  }
0x51: {  	_ =	shalt  }
0x52: {  	_ =	shalt  }
0x53: {  	_ =	shalt  }
0x54: {  	_ =	shalt  }
0x55: {  	_ =	shalt  }
0x56: {  	_ =	shalt  }
0x57: {  	_ =	shalt  }
0x58: {  	_ =	shalt  }
0x59: {  	_ =	shalt  }
0x5a: {  	_ =	shalt  }
0x5b: {  	_ =	shalt  }
0x5c: {  	_ =	shalt  }
0x5d: {  	_ =	shalt  }
0x5e: {  	_ =	shalt  }
0x5f: {  	_ =	shalt  }
0x60: {  	_ =	shalt  }
0x61: {  	_ =	shalt  }
0x62: {  	_ =	shalt  }
0x63: {  	_ =	shalt  }
0x64: {  	_ =	shalt  }
0x65: {  	_ =	shalt  }
0x66: {  	_ =	shalt  }
0x67: {  	_ =	shalt  }
0x68: {  	_ =	shalt  }
0x69: {  	_ =	shalt  }
0x6a: {  	_ =	shalt  }
0x6b: {  	_ =	shalt  }
0x6c: {  	_ =	shalt  }
0x6d: {  	_ =	shalt  }
0x6e: {  	_ =	shalt  }
0x6f: {  	_ =	shalt  }
0x70: {  	_ =	shalt  }
0x71: {  	_ =	shalt  }
0x72: {  	_ =	shalt  }
0x73: {  	_ =	shalt  }
0x74: {  	_ =	shalt  }
0x75: {  	_ =	shalt  }
0x76: {  	_ =	shalt  }
0x77: {  	_ =	shalt  }
0x78: {  	_ =	shalt  }
0x79: {  	_ =	shalt  }
0x7a: {  	_ =	shalt  }
0x7b: {  	_ =	shalt  }
0x7c: {  	_ =	shalt  }
0x7d: {  	_ =	shalt  }
0x7e: {  	_ =	shalt  }
0x7f: {  	_ =	shalt  }
0x80: {  	_ =	shalt  }
0x81: {  	_ =	shalt  }
0x82: {  	_ =	shalt  }
0x83: {  	_ =	shalt  }
0x84: {  	_ =	shalt  }
0x85: {  	_ =	shalt  }
0x86: {  	_ =	shalt  }
0x87: {  	_ =	shalt  }
.Lfunc_end0:
.L_simem_size_0:
called_computation_lowered:
.L_overlay_start_0:
0x88: {  	s2 =	sld [smem:$0x3FD9]  }
0x89: {  	s3 =	sld [smem:$0x3FFE];
	_ =	sdelay $0x1  }
0x8a: {  	s1 =	srdreg.scid  }
0x8b: {  	s0 =	sand.u32 $0x1, s1  }
0x8c: {  	s18 =	sshll.u32 s0, $0xA;
	s2 =	sadd.s32 s3, s2  }
0x8d: {  	s2 =	sadd.s32 s2, s18  }
0x8e: {  	[smem:$0x3FC7] =	sst s2  }
0x8f: {  	_ = 	snop  }
0x90: {  	s2 =	sld [smem:$0x3FC9]  }
0x91: {  	s19 =	sld [smem:$0x3FD0];
	(tm) =	ssettm $0x1  }
0x92: {  	s4 =	sld [smem:$0x3FFB];
	_ =	sdelay $0x3  }
0x93: {  	_ =	strace s4  }
0x94: {  	s4 =	sld [smem:$0x3FFC];
	_ =	sdelay $0x3  }
0x95: {  	_ =	strace s4  }
0x96: {  	s4 =	sld [smem:$0x3FFD];
	_ =	sdelay $0x3  }
0x97: {  	_ =	strace s4  }
0x98: {  	_ =	strace $0x8FFFFFFF  }
0x99: {  	s20 =	sld [smem:$0x3FDB];
	_ =	sdelay $0x1  }
0x9a: {  	s5 =	simm.s32 $_scs_section_size  }
0x9b: {  	s6 =	simm.s32 $_size__tile_overlayer_lowered;
	s7 =	simm.s32 $_tile_overlayer_lowered  }
0x9c: {  	s23 =	simm.s32 $0x1BFF;
	s22 =	sshll.u32 s7, $0x1;
	s4 =	sadd.s32 s5, s20  }
0x9d: {  	s8 =	simm.s32 $0x0;
	s21 =	sshll.u32 s6, $0x1;
	s6 =	sadd.s32 s22, s4  }
0x9e: {  	[timem:s8], [sflag:s23] =	dma.local [hbm:s6], s21  }
0x9f: {  	_ =	swait.ge [sflag:s23], s21  }
0xa0: {  	s5 =	ssub.s32 $0x0, s21;
	[sflag:s23] =	ssyncset.done $0x0  }
0xa1: {  	[sflag:s23] =	ssyncadd.s32 s5;
	_ =	sdelay $0x1  }
0xa2: {  	s24 =	simm.s32 $0x1B8B  }
0xa3: {  	_ =	swait.ge [sflag:s24], $0x1  }
0xa4: {  	[sflag:s24] =	ssyncset.done $0x0  }
0xa5: {  	s25 =	simm.s32 $0x1B8E;
	[sflag:s24] =	ssyncadd.s32 $0xFFFFFFFF  }
0xa6: {  	s26 =	simm.s32 $execute0_lowered;
	[smem:$0x3FD2] =	sst s25  }
0xa7: {  	s5 =	sshll.u32 s26, $0x1;
	_ =	strace $0x80000046;
	[dreg:$0x1] =	wrdreg $0xFFFFFFFF  }
0xa8: {  	s28 =	simm.s32 $_size_execute0_lowered;
	s4 =	sadd.s32 s4, s5;
	[dreg:$0x0] =	wrdreg $0x0  }
0xa9: {  	s5 =	sshll.u32 s28, $0x1;
	[dreg:$0x2] =	wrdreg s4  }
0xaa: {  	[dreg:$0x3] =	wrdreg s5  }
0xab: {  	[dreg:$0x4] =	wrdreg $0xC0  }
0xac: {  	_ =	task [dreg:s8], $0x5FFFF  }
0xad: {  	[dreg:$0x1] =	wrdreg $0xFFFFFFFF  }
0xae: {  	[dreg:$0x0] =	wrdreg $0x60  }
0xaf: {  	[dreg:$0x2] =	wrdreg s2  }
0xb0: {  	[dreg:$0x3] =	wrdreg s19  }
0xb1: {  	[dreg:$0x4] =	wrdreg $0x9  }
0xb2: {  	_ =	task.clear_ibuf [dreg:s8], $0x5FFFF;
	_ =	strace $0x90000046  }
0xb3: {  	s29 =	simm.s32 $0x9;
	_ =	strace $0x80000052  }
0xb4: {  	_ =	swait.ge [sflag:s29], $0x1  }
0xb5: {  	[sflag:s29] =	ssyncadd.s32 $0xFFFFFFFF  }
0xb6: {  	_ =	strace $0x90000052  }
0xb7: {  	_ =	sfence  }
0xb8: {  	s30 =	sld [smem:$0x0];
	_ =	sdelay $0x2  }
0xb9: {  	s31 =	sshll.u32 s1, $0xD;
	s1 =	sshrl.u32 s1, $0x2  }
0xba: {  	s3 =	sand.u32 $0x4000, s31;
	s1 =	sadd.s32 s1, s30  }
0xbb: {  	s0 =	sor.u32 s3, s0;
	s1 =	sshll.u32 s1, $0x11  }
0xbc: {  	s0 =	sor.u32 s1, s0  }
0xbd: {  	s0 =	sadd.s32 $0x8F2B, s0  }
0xbe: {  	[sflag:s0] =	ssyncadd.remote.s32 $0x1  }
0xbf: {  	_ =	sfence.sel $0xFFFF  }
0xc0: {  	[dreg:$0x0] =	wrdreg $0xFFFFFFFF;
	(pc) =	sbr.abs _section_cstart, $3  }
0xc1: {  	[dreg:$0x1] =	wrdreg $0xFFFFFFFF  }
0xc2: {  	_ =	task.clear_ibuf [dreg:s8], $0x2FFFF;
	_ =	strace $0x9FFFFFFF  }
0xc3: {  	(tm) =	ssettm $0x7FFFFFFF  }
tec
execute0_lowered:
.L_overlay_start_1:
0x0: {  	(tag) =	ssettag $0x1  }
0x1: {  	s0 =	srdreg.scid  }
0x2: {  	s1 =	stileid.u32;
	s18 =	rddreg [dreg:$0x0]  }
0x3: {  	s5 =	rddreg [dreg:$0x1];
	s8 =	simm.s32 $0x0;
	s31 =	simm.s32 $0x1  }
0x4: {  	s28 =	simm.s32 $0x8;
	s29 =	simm.s32 $0x80;
	s30 =	simm.s32 $0x8000  }
0x5: {  	s0 =	sand.u32 $0x1, s0;
	s1 =	sshll.u32 s1, $0x2;
	[smem:$0x7FF] =	sst s8  }
0x6: {  	s2 =	sshll.u32 s0, $0x1;
	s0 =	ssub.s32 $0x2, s0;
	_ =	strace $0x80000047  }
0x7: {  	s1 =	sor.u32 s2, s1;
	s19 =	sshrl.u32 s0, $0x1;
	s2 =	simm.s32 $0x10000  }
0x8: {  	s4 =	sshll.u32 s1, $0xF;
	s1 =	sshll.u32 s1, $0x7;
	s0 =	ssub.s32 s0, s19  }
0x9: {  	s19 =	simm.s32 $0x4;
	s6 =	sand.u32 $0x1C0000, s4;
	s1 =	sand.u32 $0x300, s1  }
0xa: {  	s3 =	sor.u32 s1, s6;
	s23 =	sor.u32 s4, s1;
	s1 =	sor.u32 $0x80, s1  }
0xb: {  	s7 =	sshrl.u32 s3, $0x3;
	s8 =	sshrl.u32 s23, $0x3;
	s6 =	sor.u32 s6, s1  }
0xc: {  	s1 =	sor.u32 s4, s1;
	s4 =	simm.s32 $0x9;
	s3 =	sadd.s32 s18, s7  }
0xd: {  	v0 =	vimm.s32 $0xFEDCBA98;
	v1 =	vimm.s32 $0x76543210;
	s25 =	sor.u32 $0x6000, s8;
	s8 =	sor.u32 $0x7000, s8;
	s6 =	sshrl.u32 s6, $0x3  }
0xe: {  	v2 =	vimm.s32 $0xBA98FEDC;
	v3 =	vimm.s32 $0x32107654;
	s1 =	sshrl.u32 s1, $0x3;
	s20 =	sadd.s32 $0x1000, s3;
	s21 =	sadd.s32 $0x2000, s3  }
0xf: {  	v4 =	vimm.s32 $0xDCFE98BA;
	v5 =	vimm.s32 $0x54761032;
	s22 =	sadd.s32 $0x3000, s3;
	s9 =	sadd.s32 $0x4000, s3;
	[dreg:$0x3] =	wrdreg s20  }
0x10: {  	v6 =	vimm.s32 $0xEFCDAB89;
	v7 =	vimm.s32 $0x67452301;
	s24 =	sadd.s32 $0x5000, s3;
	s8 =	sadd.s32 s18, s8;
	[dreg:$0x4] =	wrdreg s21  }
0x11: {  	v0 =	vunpack.c.l.s4.s8 v0;
	v1 =	vunpack.c.l.s4.s8 v1;
	v2 =	vunpack.c.l.s4.s8 v2;
	s11 =	sadd.s32 s18, s6;
	s12 =	sadd.s32 s5, s6;
	[dreg:$0x5] =	wrdreg s22  }
0x12: {  	v3 =	vunpack.c.l.s4.s8 v3;
	v4 =	vunpack.c.l.s4.s8 v4;
	v5 =	vunpack.c.l.s4.s8 v5;
	s26 =	sor.u32 $0x6000, s1;
	s1 =	sor.u32 $0x7000, s1;
	[dreg:$0x6] =	wrdreg s9  }
0x13: {  	v6 =	vunpack.c.l.s4.s8 v6;
	v7 =	vunpack.c.l.s4.s8 v7;
	v0 =	vunpack.c.0.s8.s32 v0;
	s6 =	simm.s32 $0x0;
	[dreg:$0x7] =	wrdreg s24;
	s9 =	sadd.s32 s18, s25  }
0x14: {  	v2 =	vunpack.c.0.s8.s32 v2;
	v3 =	vunpack.c.0.s8.s32 v3;
	v4 =	vunpack.c.0.s8.s32 v4;
	[dreg:$0x9] =	wrdreg s8;
	s13 =	sadd.s32 $0x1000, s12;
	s14 =	sadd.s32 $0x2000, s12  }
0x15: {  	v5 =	vunpack.c.0.s8.s32 v5;
	v6 =	vunpack.c.0.s8.s32 v6;
	v7 =	vunpack.c.0.s8.s32 v7;
	s15 =	sadd.s32 $0x3000, s12;
	s16 =	sadd.s32 $0x4000, s12;
	s17 =	sadd.s32 $0x5000, s12  }
0x16: {  	v8 =	vunpack.c.0.s8.s32 v1;
	v9 =	vand.u32 $0xF, v0;
	v0 =	vcombine.low v3, v2;
	s18 =	simm.s32 $0x400;
	s21 =	sadd.s32 s5, s7;
	s22 =	sadd.s32 s5, s26  }
0x17: {  	v1 =	vcombine.low v5, v4;
	v2 =	vcombine.low v7, v6;
	v5 =	vlaneseq.u32;
	s23 =	sadd.s32 s5, s1;
	s24 =	smax.u32 s0, $0x1;
	s1 =	simm.s32 $0x2  }
0x18: {  	v4 =	vimm.s32 $0x0;
	v3 =	vcombine.low v9, v8;
	v5 =	vmul.u32 $0xFFFFFFFF, v5;
	s0 =	simm.s32 $0x3;
	s20 =	simm.s32 $0x5;
	s25 =	simm.s32 $0x6  }
0x19: {  	v6 =	vand.u32 $0xF, v0;
	v7 =	vand.u32 $0xF, v1;
	v8 =	vand.u32 $0xF, v2;
	s26 =	simm.s32 $0x7;
	s5 =	simm.s32 $0xA;
	[dreg:$0x8] =	wrdreg s9  }
.LBB2_1:
0x1a: {  	s7 =	simm.s32 $0x0  }
0x1b: {  	[tilespmem:s7], [sflag:$0x1] =	stream.strided.gather [hbm4b:s3+s29], $0x1000, s18, s29, $0x38;
	[tilespmem:$0x18080] =	vst v63  }
0x1c: {  	s10 =	rddreg [dreg:$0x3];
	s8 =	simm.s32 $0x1000  }
0x1d: {  	[tilespmem:s8], [sflag:$0x2] =	stream.strided.gather [hbm4b:s10+s29], $0x1000, s18, s29, $0x38;
	[tilespmem:$0x18080] =	vst v63  }
0x1e: {  	s9 =	rddreg [dreg:$0x4];
	s10 =	simm.s32 $0x2000  }
0x1f: {  	[tilespmem:s10], [sflag:$0x3] =	stream.strided.gather [hbm4b:s9+s29], $0x1000, s18, s29, $0x38;
	[tilespmem:$0x18080] =	vst v63  }
0x20: {  	s9 =	rddreg [dreg:$0x5];
	s10 =	simm.s32 $0x3000  }
0x21: {  	[tilespmem:s10], [sflag:$0x4] =	stream.strided.gather [hbm4b:s9+s29], $0x1000, s18, s29, $0x38;
	[tilespmem:$0x18080] =	vst v63  }
0x22: {  	s9 =	rddreg [dreg:$0x6];
	s10 =	simm.s32 $0x4000  }
0x23: {  	[tilespmem:s10], [sflag:$0x5] =	stream.strided.gather [hbm4b:s9+s29], $0x1000, s18, s29, $0x38;
	[tilespmem:$0x18080] =	vst v63  }
0x24: {  	s9 =	rddreg [dreg:$0x7];
	s10 =	simm.s32 $0x5000  }
0x25: {  	[tilespmem:s10], [sflag:$0x6] =	stream.strided.gather [hbm4b:s9+s29], $0x1000, s18, s29, $0x38;
	[tilespmem:$0x18080] =	vst v63  }
0x26: {  	s9 =	rddreg [dreg:$0x8];
	s10 =	simm.s32 $0x6000  }
0x27: {  	[tilespmem:s10], [sflag:$0x7] =	stream.strided.gather [hbm4b:s9+s29], $0x1000, s18, s29, $0x38;
	[tilespmem:$0x18080] =	vst v63  }
0x28: {  	s9 =	rddreg [dreg:$0x9];
	s10 =	simm.s32 $0x7000  }
0x29: {  	[tilespmem:s10], [sflag:$0x8] =	stream.strided.gather [hbm4b:s9+s29], $0x1000, s18, s29, $0x38;
	[tilespmem:$0x18080] =	vst v63  }
0x2a: {  	_ =	strace $0x80000048  }
0x2b: {  	_ =	swait.ge [sflag:s31], $0x1000  }
0x2c: {  	[sflag:s31] =	ssyncset.done $0x0  }
0x2d: {  	[sflag:s31] =	ssyncadd.s32 $0xFFFFF000  }
0x2e: {  	v23 =	vld [tilespmem:s29+$0x0]  }
0x2f: {  	v14 =	vld [tilespmem:s29+$0x10]  }
0x30: {  	v10 =	vld [tilespmem:s29+$0x20]  }
0x31: {  	v18 =	vld [tilespmem:s29+$0x30]  }
0x32: {  	v20 =	vld [tilespmem:s29+$0x40]  }
0x33: {  	v21 =	vld [tilespmem:s29+$0x50]  }
0x34: {  	v16 =	vld [tilespmem:s29+$0x60]  }
0x35: {  	v27 =	vld [tilespmem:s29+$0xFFFFFF80]  }
0x36: {  	v29 =	vld [tilespmem:s29+$0xFFFFFF90]  }
0x37: {  	v25 =	vld [tilespmem:s29+$0xFFFFFFA0]  }
0x38: {  	v30 =	vld [tilespmem:s29+$0xFFFFFFB0]  }
0x39: {  	v31 =	vld [tilespmem:s29+$0xFFFFFFC0]  }
0x3a: {  	v32 =	vld [tilespmem:s29+$0xFFFFFFD0]  }
0x3b: {  	v33 =	vld [tilespmem:s29+$0xFFFFFFE0]  }
0x3c: {  	v35 =	vld [tilespmem:s29+$0xFFFFFFF0]  }
0x3d: {  	v13 =	vimm.f32 $-3.399999950e+38;
	s7 =	simm.s32 $0x0;
	s8 =	simm.s32 $0x180;
	v34 =	vld [tilespmem:s29+$0x70]  }
.LBB2_2:
0x3e: {  	v9 =	vld [tilespmem:s8+$0x0]  }
0x3f: {  	v11 =	vmax.f32 v23, v14;
	v14 =	vld [tilespmem:s8+$0x10]  }
0x40: {  	v12 =	vmax.f32 v27, v29;
	v15 =	vmax.f32 v10, v18;
	v17 =	vmax.f32 v20, v21;
	v10 =	vld [tilespmem:s8+$0x20]  }
0x41: {  	v19 =	vmax.f32 v25, v30;
	v21 =	vmax.f32 v31, v32;
	v18 =	vld [tilespmem:s8+$0x30];
	v22 =	vmax.f32 v33, v35  }
0x42: {  	v12 =	vmax.f32 v12, v19;
	v20 =	vld [tilespmem:s8+$0x40];
	v19 =	vmax.f32 v21, v22;
	v16 =	vmax.f32 v16, v34  }
0x43: {  	v11 =	vmax.f32 v11, v15;
	v21 =	vld [tilespmem:s8+$0x50];
	v12 =	vmax.f32 v12, v19;
	v15 =	vmax.f32 v17, v16;
	v23 =	vmovc v9  }
0x44: {  	v16 =	vld [tilespmem:s8+$0x60];
	v9 =	vmax.f32 v13, v12;
	v11 =	vmax.f32 v11, v15  }
0x45: {  	v27 =	vld [tilespmem:s8+$0xFFFFFF80];
	v13 =	vmax.f32 v9, v11  }
0x46: {  	v29 =	vld [tilespmem:s8+$0xFFFFFF90]  }
0x47: {  	s7 =	sadd.s32 $0x10, s7;
	v25 =	vld [tilespmem:s8+$0xFFFFFFA0]  }
0x48: {  	p0 =	slt.u32 s7, $0xF0;
	v30 =	vld [tilespmem:s8+$0xFFFFFFB0]  }
.Ltmp0:
0x49: {  	v31 =	vld [tilespmem:s8+$0xFFFFFFC0];
	(pc) =	sbr.rel @p0 .LBB2_2-.Ltmp0, $4  }
0x4a: {  	v32 =	vld [tilespmem:s8+$0xFFFFFFD0]  }
0x4b: {  	v33 =	vld [tilespmem:s8+$0xFFFFFFE0]  }
0x4c: {  	v35 =	vld [tilespmem:s8+$0xFFFFFFF0]  }
0x4d: {  	v34 =	vld [tilespmem:s8+$0x70];
	s8 =	sadd.s32 $0x100, s8  }
0x4e: {  	_ =	swait.ge [sflag:s1], $0x1000  }
0x4f: {  	[sflag:s1] =	ssyncset.done $0x0  }
0x50: {  	s8 =	simm.s32 $0x10F0;
	[sflag:s1] =	ssyncadd.s32 $0xFFFFF000  }
0x51: {  	v22 =	vld [tilespmem:s8+$0xFFFFFF90]  }
0x52: {  	v11 =	vld [tilespmem:s8+$0xFFFFFFA0]  }
0x53: {  	v9 =	vld [tilespmem:s8+$0xFFFFFFB0]  }
0x54: {  	v15 =	vld [tilespmem:s8+$0xFFFFFFC0]  }
0x55: {  	v17 =	vld [tilespmem:s8+$0xFFFFFFD0]  }
0x56: {  	v19 =	vld [tilespmem:s8+$0xFFFFFFE0]  }
0x57: {  	v12 =	vld [tilespmem:s8+$0xFFFFFFF0]  }
0x58: {  	v26 =	vld [tilespmem:s8+$0xFFFFFF10]  }
0x59: {  	v28 =	vld [tilespmem:s8+$0xFFFFFF20]  }
0x5a: {  	v14 =	vmax.f32 v23, v14;
	v24 =	vld [tilespmem:s8+$0xFFFFFF30]  }
0x5b: {  	v23 =	vmax.f32 v27, v29;
	v10 =	vmax.f32 v10, v18;
	v18 =	vmax.f32 v20, v21;
	v29 =	vld [tilespmem:s8+$0xFFFFFF40]  }
0x5c: {  	v20 =	vmax.f32 v25, v30;
	v21 =	vmax.f32 v31, v32;
	v25 =	vmax.f32 v33, v35;
	v31 =	vld [tilespmem:s8+$0xFFFFFF50]  }
0x5d: {  	v20 =	vmax.f32 v23, v20;
	v32 =	vld [tilespmem:s8+$0xFFFFFF60];
	v21 =	vmax.f32 v21, v25;
	v16 =	vmax.f32 v16, v34  }
0x5e: {  	v10 =	vmax.f32 v14, v10;
	v33 =	vld [tilespmem:s8+$0xFFFFFF70];
	v20 =	vmax.f32 v20, v21;
	v14 =	vmax.f32 v18, v16  }
0x5f: {  	v35 =	vld [tilespmem:s8+$0xFFFFFF80];
	v13 =	vmax.f32 v13, v20;
	v10 =	vmax.f32 v10, v14  }
0x60: {  	s7 =	simm.s32 $0x100;
	v34 =	vld [tilespmem:s8+$0x0];
	s8 =	simm.s32 $0x11F0;
	v21 =	vmax.f32 v13, v10  }
.LBB2_4:
0x61: {  	v10 =	vld [tilespmem:s8+$0xFFFFFF90]  }
0x62: {  	v13 =	vmax.f32 v22, v11;
	v11 =	vld [tilespmem:s8+$0xFFFFFFA0]  }
0x63: {  	v14 =	vmax.f32 v26, v28;
	v16 =	vmax.f32 v9, v15;
	v18 =	vmax.f32 v17, v19;
	v9 =	vld [tilespmem:s8+$0xFFFFFFB0]  }
0x64: {  	v19 =	vmax.f32 v24, v29;
	v20 =	vmax.f32 v31, v32;
	v15 =	vld [tilespmem:s8+$0xFFFFFFC0];
	v23 =	vmax.f32 v33, v35  }
0x65: {  	v14 =	vmax.f32 v14, v19;
	v17 =	vld [tilespmem:s8+$0xFFFFFFD0];
	v20 =	vmax.f32 v20, v23;
	v12 =	vmax.f32 v12, v34  }
0x66: {  	v13 =	vmax.f32 v13, v16;
	v19 =	vld [tilespmem:s8+$0xFFFFFFE0];
	v14 =	vmax.f32 v14, v20;
	v16 =	vmax.f32 v18, v12;
	v22 =	vmovc v10  }
0x67: {  	v12 =	vld [tilespmem:s8+$0xFFFFFFF0];
	v10 =	vmax.f32 v21, v14;
	v13 =	vmax.f32 v13, v16  }
0x68: {  	v26 =	vld [tilespmem:s8+$0xFFFFFF10];
	v21 =	vmax.f32 v10, v13  }
0x69: {  	v28 =	vld [tilespmem:s8+$0xFFFFFF20]  }
0x6a: {  	s7 =	sadd.s32 $0x10, s7;
	v24 =	vld [tilespmem:s8+$0xFFFFFF30]  }
0x6b: {  	p0 =	slt.u32 s7, $0x1F0;
	v29 =	vld [tilespmem:s8+$0xFFFFFF40]  }
.Ltmp1:
0x6c: {  	v31 =	vld [tilespmem:s8+$0xFFFFFF50];
	(pc) =	sbr.rel @p0 .LBB2_4-.Ltmp1, $4  }
0x6d: {  	v32 =	vld [tilespmem:s8+$0xFFFFFF60]  }
0x6e: {  	v33 =	vld [tilespmem:s8+$0xFFFFFF70]  }
0x6f: {  	v35 =	vld [tilespmem:s8+$0xFFFFFF80]  }
0x70: {  	v34 =	vld [tilespmem:s8+$0x0];
	s8 =	sadd.s32 $0x100, s8  }
0x71: {  	_ =	swait.ge [sflag:s0], $0x1000  }
0x72: {  	[sflag:s0] =	ssyncset.done $0x0  }
0x73: {  	s8 =	simm.s32 $0x20F0;
	[sflag:s0] =	ssyncadd.s32 $0xFFFFF000  }
0x74: {  	v23 =	vld [tilespmem:s8+$0xFFFFFF90]  }
0x75: {  	v13 =	vld [tilespmem:s8+$0xFFFFFFA0]  }
0x76: {  	v10 =	vld [tilespmem:s8+$0xFFFFFFB0]  }
0x77: {  	v16 =	vld [tilespmem:s8+$0xFFFFFFC0]  }
0x78: {  	v18 =	vld [tilespmem:s8+$0xFFFFFFD0]  }
0x79: {  	v20 =	vld [tilespmem:s8+$0xFFFFFFE0]  }
0x7a: {  	v14 =	vld [tilespmem:s8+$0xFFFFFFF0]  }
0x7b: {  	v27 =	vld [tilespmem:s8+$0xFFFFFF10]  }
0x7c: {  	v30 =	vld [tilespmem:s8+$0xFFFFFF20]  }
0x7d: {  	v11 =	vmax.f32 v22, v11;
	v25 =	vld [tilespmem:s8+$0xFFFFFF30]  }
0x7e: {  	v22 =	vmax.f32 v26, v28;
	v9 =	vmax.f32 v9, v15;
	v15 =	vmax.f32 v17, v19;
	v28 =	vld [tilespmem:s8+$0xFFFFFF40]  }
0x7f: {  	v17 =	vmax.f32 v24, v29;
	v19 =	vmax.f32 v31, v32;
	v24 =	vmax.f32 v33, v35;
	v31 =	vld [tilespmem:s8+$0xFFFFFF50]  }
0x80: {  	v17 =	vmax.f32 v22, v17;
	v32 =	vld [tilespmem:s8+$0xFFFFFF60];
	v19 =	vmax.f32 v19, v24;
	v12 =	vmax.f32 v12, v34  }
0x81: {  	v9 =	vmax.f32 v11, v9;
	v33 =	vld [tilespmem:s8+$0xFFFFFF70];
	v17 =	vmax.f32 v17, v19;
	v11 =	vmax.f32 v15, v12  }
0x82: {  	v35 =	vld [tilespmem:s8+$0xFFFFFF80];
	v12 =	vmax.f32 v21, v17;
	v9 =	vmax.f32 v9, v11  }
0x83: {  	s7 =	simm.s32 $0x200;
	v34 =	vld [tilespmem:s8+$0x0];
	s8 =	simm.s32 $0x21F0;
	v21 =	vmax.f32 v12, v9  }
.LBB2_6:
0x84: {  	v9 =	vld [tilespmem:s8+$0xFFFFFF90]  }
0x85: {  	v11 =	vmax.f32 v23, v13;
	v13 =	vld [tilespmem:s8+$0xFFFFFFA0]  }
0x86: {  	v12 =	vmax.f32 v27, v30;
	v15 =	vmax.f32 v10, v16;
	v17 =	vmax.f32 v18, v20;
	v10 =	vld [tilespmem:s8+$0xFFFFFFB0]  }
0x87: {  	v19 =	vmax.f32 v25, v28;
	v20 =	vmax.f32 v31, v32;
	v16 =	vld [tilespmem:s8+$0xFFFFFFC0];
	v22 =	vmax.f32 v33, v35  }
0x88: {  	v12 =	vmax.f32 v12, v19;
	v18 =	vld [tilespmem:s8+$0xFFFFFFD0];
	v19 =	vmax.f32 v20, v22;
	v14 =	vmax.f32 v14, v34  }
0x89: {  	v11 =	vmax.f32 v11, v15;
	v20 =	vld [tilespmem:s8+$0xFFFFFFE0];
	v12 =	vmax.f32 v12, v19;
	v15 =	vmax.f32 v17, v14;
	v23 =	vmovc v9  }
0x8a: {  	v14 =	vld [tilespmem:s8+$0xFFFFFFF0];
	v9 =	vmax.f32 v21, v12;
	v11 =	vmax.f32 v11, v15  }
0x8b: {  	v27 =	vld [tilespmem:s8+$0xFFFFFF10];
	v21 =	vmax.f32 v9, v11  }
0x8c: {  	v30 =	vld [tilespmem:s8+$0xFFFFFF20]  }
0x8d: {  	s7 =	sadd.s32 $0x10, s7;
	v25 =	vld [tilespmem:s8+$0xFFFFFF30]  }
0x8e: {  	p0 =	slt.u32 s7, $0x2F0;
	v28 =	vld [tilespmem:s8+$0xFFFFFF40]  }
.Ltmp2:
0x8f: {  	v31 =	vld [tilespmem:s8+$0xFFFFFF50];
	(pc) =	sbr.rel @p0 .LBB2_6-.Ltmp2, $4  }
0x90: {  	v32 =	vld [tilespmem:s8+$0xFFFFFF60]  }
0x91: {  	v33 =	vld [tilespmem:s8+$0xFFFFFF70]  }
0x92: {  	v35 =	vld [tilespmem:s8+$0xFFFFFF80]  }
0x93: {  	v34 =	vld [tilespmem:s8+$0x0];
	s8 =	sadd.s32 $0x100, s8  }
0x94: {  	_ =	swait.ge [sflag:s19], $0x1000  }
0x95: {  	[sflag:s19] =	ssyncset.done $0x0  }
0x96: {  	s8 =	simm.s32 $0x30F0;
	[sflag:s19] =	ssyncadd.s32 $0xFFFFF000  }
0x97: {  	v22 =	vld [tilespmem:s8+$0xFFFFFF90]  }
0x98: {  	v11 =	vld [tilespmem:s8+$0xFFFFFFA0]  }
0x99: {  	v9 =	vld [tilespmem:s8+$0xFFFFFFB0]  }
0x9a: {  	v15 =	vld [tilespmem:s8+$0xFFFFFFC0]  }
0x9b: {  	v17 =	vld [tilespmem:s8+$0xFFFFFFD0]  }
0x9c: {  	v19 =	vld [tilespmem:s8+$0xFFFFFFE0]  }
0x9d: {  	v12 =	vld [tilespmem:s8+$0xFFFFFFF0]  }
0x9e: {  	v26 =	vld [tilespmem:s8+$0xFFFFFF10]  }
0x9f: {  	v29 =	vld [tilespmem:s8+$0xFFFFFF20]  }
0xa0: {  	v13 =	vmax.f32 v23, v13;
	v24 =	vld [tilespmem:s8+$0xFFFFFF30]  }
0xa1: {  	v23 =	vmax.f32 v27, v30;
	v10 =	vmax.f32 v10, v16;
	v16 =	vmax.f32 v18, v20;
	v30 =	vld [tilespmem:s8+$0xFFFFFF40]  }
0xa2: {  	v18 =	vmax.f32 v25, v28;
	v20 =	vmax.f32 v31, v32;
	v25 =	vmax.f32 v33, v35;
	v31 =	vld [tilespmem:s8+$0xFFFFFF50]  }
0xa3: {  	v18 =	vmax.f32 v23, v18;
	v32 =	vld [tilespmem:s8+$0xFFFFFF60];
	v20 =	vmax.f32 v20, v25;
	v14 =	vmax.f32 v14, v34  }
0xa4: {  	v10 =	vmax.f32 v13, v10;
	v33 =	vld [tilespmem:s8+$0xFFFFFF70];
	v18 =	vmax.f32 v18, v20;
	v13 =	vmax.f32 v16, v14  }
0xa5: {  	v35 =	vld [tilespmem:s8+$0xFFFFFF80];
	v14 =	vmax.f32 v21, v18;
	v10 =	vmax.f32 v10, v13  }
0xa6: {  	s7 =	simm.s32 $0x300;
	v34 =	vld [tilespmem:s8+$0x0];
	s8 =	simm.s32 $0x31F0;
	v21 =	vmax.f32 v14, v10  }
.LBB2_8:
0xa7: {  	v10 =	vld [tilespmem:s8+$0xFFFFFF90]  }
0xa8: {  	v13 =	vmax.f32 v22, v11;
	v11 =	vld [tilespmem:s8+$0xFFFFFFA0]  }
0xa9: {  	v14 =	vmax.f32 v26, v29;
	v16 =	vmax.f32 v9, v15;
	v18 =	vmax.f32 v17, v19;
	v9 =	vld [tilespmem:s8+$0xFFFFFFB0]  }
0xaa: {  	v19 =	vmax.f32 v24, v30;
	v20 =	vmax.f32 v31, v32;
	v15 =	vld [tilespmem:s8+$0xFFFFFFC0];
	v23 =	vmax.f32 v33, v35  }
0xab: {  	v14 =	vmax.f32 v14, v19;
	v17 =	vld [tilespmem:s8+$0xFFFFFFD0];
	v20 =	vmax.f32 v20, v23;
	v12 =	vmax.f32 v12, v34  }
0xac: {  	v13 =	vmax.f32 v13, v16;
	v19 =	vld [tilespmem:s8+$0xFFFFFFE0];
	v14 =	vmax.f32 v14, v20;
	v16 =	vmax.f32 v18, v12;
	v22 =	vmovc v10  }
0xad: {  	v12 =	vld [tilespmem:s8+$0xFFFFFFF0];
	v10 =	vmax.f32 v21, v14;
	v13 =	vmax.f32 v13, v16  }
0xae: {  	v26 =	vld [tilespmem:s8+$0xFFFFFF10];
	v21 =	vmax.f32 v10, v13  }
0xaf: {  	v29 =	vld [tilespmem:s8+$0xFFFFFF20]  }
0xb0: {  	s7 =	sadd.s32 $0x10, s7;
	v24 =	vld [tilespmem:s8+$0xFFFFFF30]  }
0xb1: {  	p0 =	slt.u32 s7, $0x3F0;
	v30 =	vld [tilespmem:s8+$0xFFFFFF40]  }
.Ltmp3:
0xb2: {  	v31 =	vld [tilespmem:s8+$0xFFFFFF50];
	(pc) =	sbr.rel @p0 .LBB2_8-.Ltmp3, $4  }
0xb3: {  	v32 =	vld [tilespmem:s8+$0xFFFFFF60]  }
0xb4: {  	v33 =	vld [tilespmem:s8+$0xFFFFFF70]  }
0xb5: {  	v35 =	vld [tilespmem:s8+$0xFFFFFF80]  }
0xb6: {  	v34 =	vld [tilespmem:s8+$0x0];
	s8 =	sadd.s32 $0x100, s8  }
0xb7: {  	_ =	swait.ge [sflag:s20], $0x1000  }
0xb8: {  	[sflag:s20] =	ssyncset.done $0x0  }
0xb9: {  	s8 =	simm.s32 $0x40F0;
	[sflag:s20] =	ssyncadd.s32 $0xFFFFF000  }
0xba: {  	v23 =	vld [tilespmem:s8+$0xFFFFFF90]  }
0xbb: {  	v13 =	vld [tilespmem:s8+$0xFFFFFFA0]  }
0xbc: {  	v10 =	vld [tilespmem:s8+$0xFFFFFFB0]  }
0xbd: {  	v16 =	vld [tilespmem:s8+$0xFFFFFFC0]  }
0xbe: {  	v18 =	vld [tilespmem:s8+$0xFFFFFFD0]  }
0xbf: {  	v20 =	vld [tilespmem:s8+$0xFFFFFFE0]  }
0xc0: {  	v14 =	vld [tilespmem:s8+$0xFFFFFFF0]  }
0xc1: {  	v27 =	vld [tilespmem:s8+$0xFFFFFF10]  }
0xc2: {  	v28 =	vld [tilespmem:s8+$0xFFFFFF20]  }
0xc3: {  	v11 =	vmax.f32 v22, v11;
	v25 =	vld [tilespmem:s8+$0xFFFFFF30]  }
0xc4: {  	v22 =	vmax.f32 v26, v29;
	v9 =	vmax.f32 v9, v15;
	v15 =	vmax.f32 v17, v19;
	v29 =	vld [tilespmem:s8+$0xFFFFFF40]  }
0xc5: {  	v17 =	vmax.f32 v24, v30;
	v19 =	vmax.f32 v31, v32;
	v24 =	vmax.f32 v33, v35;
	v31 =	vld [tilespmem:s8+$0xFFFFFF50]  }
0xc6: {  	v17 =	vmax.f32 v22, v17;
	v32 =	vld [tilespmem:s8+$0xFFFFFF60];
	v19 =	vmax.f32 v19, v24;
	v12 =	vmax.f32 v12, v34  }
0xc7: {  	v9 =	vmax.f32 v11, v9;
	v33 =	vld [tilespmem:s8+$0xFFFFFF70];
	v17 =	vmax.f32 v17, v19;
	v11 =	vmax.f32 v15, v12  }
0xc8: {  	v35 =	vld [tilespmem:s8+$0xFFFFFF80];
	v12 =	vmax.f32 v21, v17;
	v9 =	vmax.f32 v9, v11  }
0xc9: {  	s7 =	simm.s32 $0x400;
	v34 =	vld [tilespmem:s8+$0x0];
	s8 =	simm.s32 $0x41F0;
	v21 =	vmax.f32 v12, v9  }
.LBB2_10:
0xca: {  	v9 =	vld [tilespmem:s8+$0xFFFFFF90]  }
0xcb: {  	v11 =	vmax.f32 v23, v13;
	v13 =	vld [tilespmem:s8+$0xFFFFFFA0]  }
0xcc: {  	v12 =	vmax.f32 v27, v28;
	v15 =	vmax.f32 v10, v16;
	v17 =	vmax.f32 v18, v20;
	v10 =	vld [tilespmem:s8+$0xFFFFFFB0]  }
0xcd: {  	v19 =	vmax.f32 v25, v29;
	v20 =	vmax.f32 v31, v32;
	v16 =	vld [tilespmem:s8+$0xFFFFFFC0];
	v22 =	vmax.f32 v33, v35  }
0xce: {  	v12 =	vmax.f32 v12, v19;
	v18 =	vld [tilespmem:s8+$0xFFFFFFD0];
	v19 =	vmax.f32 v20, v22;
	v14 =	vmax.f32 v14, v34  }
0xcf: {  	v11 =	vmax.f32 v11, v15;
	v20 =	vld [tilespmem:s8+$0xFFFFFFE0];
	v12 =	vmax.f32 v12, v19;
	v15 =	vmax.f32 v17, v14;
	v23 =	vmovc v9  }
0xd0: {  	v14 =	vld [tilespmem:s8+$0xFFFFFFF0];
	v9 =	vmax.f32 v21, v12;
	v11 =	vmax.f32 v11, v15  }
0xd1: {  	v27 =	vld [tilespmem:s8+$0xFFFFFF10];
	v21 =	vmax.f32 v9, v11  }
0xd2: {  	v28 =	vld [tilespmem:s8+$0xFFFFFF20]  }
0xd3: {  	s7 =	sadd.s32 $0x10, s7;
	v25 =	vld [tilespmem:s8+$0xFFFFFF30]  }
0xd4: {  	p0 =	slt.u32 s7, $0x4F0;
	v29 =	vld [tilespmem:s8+$0xFFFFFF40]  }
.Ltmp4:
0xd5: {  	v31 =	vld [tilespmem:s8+$0xFFFFFF50];
	(pc) =	sbr.rel @p0 .LBB2_10-.Ltmp4, $4  }
0xd6: {  	v32 =	vld [tilespmem:s8+$0xFFFFFF60]  }
0xd7: {  	v33 =	vld [tilespmem:s8+$0xFFFFFF70]  }
0xd8: {  	v35 =	vld [tilespmem:s8+$0xFFFFFF80]  }
0xd9: {  	v34 =	vld [tilespmem:s8+$0x0];
	s8 =	sadd.s32 $0x100, s8  }
0xda: {  	_ =	swait.ge [sflag:s25], $0x1000  }
0xdb: {  	[sflag:s25] =	ssyncset.done $0x0  }
0xdc: {  	s8 =	simm.s32 $0x50F0;
	[sflag:s25] =	ssyncadd.s32 $0xFFFFF000  }
0xdd: {  	v22 =	vld [tilespmem:s8+$0xFFFFFF90]  }
0xde: {  	v11 =	vld [tilespmem:s8+$0xFFFFFFA0]  }
0xdf: {  	v9 =	vld [tilespmem:s8+$0xFFFFFFB0]  }
0xe0: {  	v15 =	vld [tilespmem:s8+$0xFFFFFFC0]  }
0xe1: {  	v17 =	vld [tilespmem:s8+$0xFFFFFFD0]  }
0xe2: {  	v19 =	vld [tilespmem:s8+$0xFFFFFFE0]  }
0xe3: {  	v12 =	vld [tilespmem:s8+$0xFFFFFFF0]  }
0xe4: {  	v26 =	vld [tilespmem:s8+$0xFFFFFF10]  }
0xe5: {  	v30 =	vld [tilespmem:s8+$0xFFFFFF20]  }
0xe6: {  	v13 =	vmax.f32 v23, v13;
	v24 =	vld [tilespmem:s8+$0xFFFFFF30]  }
0xe7: {  	v23 =	vmax.f32 v27, v28;
	v10 =	vmax.f32 v10, v16;
	v16 =	vmax.f32 v18, v20;
	v27 =	vld [tilespmem:s8+$0xFFFFFF40]  }
0xe8: {  	v18 =	vmax.f32 v25, v29;
	v20 =	vmax.f32 v31, v32;
	v25 =	vmax.f32 v33, v35;
	v29 =	vld [tilespmem:s8+$0xFFFFFF50]  }
0xe9: {  	v18 =	vmax.f32 v23, v18;
	v31 =	vld [tilespmem:s8+$0xFFFFFF60];
	v20 =	vmax.f32 v20, v25;
	v14 =	vmax.f32 v14, v34  }
0xea: {  	v10 =	vmax.f32 v13, v10;
	v32 =	vld [tilespmem:s8+$0xFFFFFF70];
	v18 =	vmax.f32 v18, v20;
	v13 =	vmax.f32 v16, v14  }
0xeb: {  	v34 =	vld [tilespmem:s8+$0xFFFFFF80];
	v14 =	vmax.f32 v21, v18;
	v10 =	vmax.f32 v10, v13  }
0xec: {  	s7 =	simm.s32 $0x500;
	v33 =	vld [tilespmem:s8+$0x0];
	s8 =	simm.s32 $0x51F0;
	v21 =	vmax.f32 v14, v10  }
.LBB2_12:
0xed: {  	v10 =	vld [tilespmem:s8+$0xFFFFFF90]  }
0xee: {  	v13 =	vmax.f32 v22, v11;
	v11 =	vld [tilespmem:s8+$0xFFFFFFA0]  }
0xef: {  	v14 =	vmax.f32 v26, v30;
	v16 =	vmax.f32 v9, v15;
	v18 =	vmax.f32 v17, v19;
	v9 =	vld [tilespmem:s8+$0xFFFFFFB0]  }
0xf0: {  	v19 =	vmax.f32 v24, v27;
	v20 =	vmax.f32 v29, v31;
	v15 =	vld [tilespmem:s8+$0xFFFFFFC0];
	v23 =	vmax.f32 v32, v34  }
0xf1: {  	v14 =	vmax.f32 v14, v19;
	v17 =	vld [tilespmem:s8+$0xFFFFFFD0];
	v20 =	vmax.f32 v20, v23;
	v12 =	vmax.f32 v12, v33  }
0xf2: {  	v13 =	vmax.f32 v13, v16;
	v19 =	vld [tilespmem:s8+$0xFFFFFFE0];
	v14 =	vmax.f32 v14, v20;
	v16 =	vmax.f32 v18, v12;
	v22 =	vmovc v10  }
0xf3: {  	v12 =	vld [tilespmem:s8+$0xFFFFFFF0];
	v10 =	vmax.f32 v21, v14;
	v13 =	vmax.f32 v13, v16  }
0xf4: {  	v26 =	vld [tilespmem:s8+$0xFFFFFF10];
	v21 =	vmax.f32 v10, v13  }
0xf5: {  	v30 =	vld [tilespmem:s8+$0xFFFFFF20]  }
0xf6: {  	s7 =	sadd.s32 $0x10, s7;
	v24 =	vld [tilespmem:s8+$0xFFFFFF30]  }
0xf7: {  	p0 =	slt.u32 s7, $0x5F0;
	v27 =	vld [tilespmem:s8+$0xFFFFFF40]  }
.Ltmp5:
0xf8: {  	v29 =	vld [tilespmem:s8+$0xFFFFFF50];
	(pc) =	sbr.rel @p0 .LBB2_12-.Ltmp5, $4  }
0xf9: {  	v31 =	vld [tilespmem:s8+$0xFFFFFF60]  }
0xfa: {  	v32 =	vld [tilespmem:s8+$0xFFFFFF70]  }
0xfb: {  	v34 =	vld [tilespmem:s8+$0xFFFFFF80]  }
0xfc: {  	v33 =	vld [tilespmem:s8+$0x0];
	s8 =	sadd.s32 $0x100, s8  }
0xfd: {  	_ =	swait.ge [sflag:s26], $0x1000  }
0xfe: {  	[sflag:s26] =	ssyncset.done $0x0  }
0xff: {  	s8 =	simm.s32 $0x60F0;
	[sflag:s26] =	ssyncadd.s32 $0xFFFFF000  }
0x100: {  	v23 =	vld [tilespmem:s8+$0xFFFFFF90]  }
0x101: {  	v13 =	vld [tilespmem:s8+$0xFFFFFFA0]  }
0x102: {  	v10 =	vld [tilespmem:s8+$0xFFFFFFB0]  }
0x103: {  	v16 =	vld [tilespmem:s8+$0xFFFFFFC0]  }
0x104: {  	v18 =	vld [tilespmem:s8+$0xFFFFFFD0]  }
0x105: {  	v20 =	vld [tilespmem:s8+$0xFFFFFFE0]  }
0x106: {  	v14 =	vld [tilespmem:s8+$0xFFFFFFF0]  }
0x107: {  	v25 =	vld [tilespmem:s8+$0xFFFFFF10]  }
0x108: {  	v28 =	vld [tilespmem:s8+$0xFFFFFF20]  }
0x109: {  	v11 =	vmax.f32 v22, v11;
	v22 =	vld [tilespmem:s8+$0xFFFFFF30]  }
0x10a: {  	v30 =	vmax.f32 v26, v30;
	v9 =	vmax.f32 v9, v15;
	v15 =	vmax.f32 v17, v19;
	v26 =	vld [tilespmem:s8+$0xFFFFFF40]  }
0x10b: {  	v17 =	vmax.f32 v24, v27;
	v19 =	vmax.f32 v29, v31;
	v24 =	vmax.f32 v32, v34;
	v27 =	vld [tilespmem:s8+$0xFFFFFF50]  }
0x10c: {  	v17 =	vmax.f32 v30, v17;
	v29 =	vld [tilespmem:s8+$0xFFFFFF60];
	v19 =	vmax.f32 v19, v24;
	v12 =	vmax.f32 v12, v33  }
0x10d: {  	v9 =	vmax.f32 v11, v9;
	v31 =	vld [tilespmem:s8+$0xFFFFFF70];
	v17 =	vmax.f32 v17, v19;
	v11 =	vmax.f32 v15, v12  }
0x10e: {  	v34 =	vld [tilespmem:s8+$0xFFFFFF80];
	v12 =	vmax.f32 v21, v17;
	v9 =	vmax.f32 v9, v11  }
0x10f: {  	s7 =	simm.s32 $0x600;
	v33 =	vld [tilespmem:s8+$0x0];
	s8 =	simm.s32 $0x61F0;
	v12 =	vmax.f32 v12, v9  }
.LBB2_14:
0x110: {  	v9 =	vld [tilespmem:s8+$0xFFFFFF90]  }
0x111: {  	v11 =	vmax.f32 v23, v13;
	v13 =	vld [tilespmem:s8+$0xFFFFFFA0]  }
0x112: {  	v15 =	vmax.f32 v25, v28;
	v17 =	vmax.f32 v10, v16;
	v19 =	vmax.f32 v18, v20;
	v10 =	vld [tilespmem:s8+$0xFFFFFFB0]  }
0x113: {  	v20 =	vmax.f32 v22, v26;
	v21 =	vmax.f32 v27, v29;
	v16 =	vld [tilespmem:s8+$0xFFFFFFC0];
	v22 =	vmax.f32 v31, v34  }
0x114: {  	v15 =	vmax.f32 v15, v20;
	v18 =	vld [tilespmem:s8+$0xFFFFFFD0];
	v21 =	vmax.f32 v21, v22;
	v14 =	vmax.f32 v14, v33  }
0x115: {  	v11 =	vmax.f32 v11, v17;
	v20 =	vld [tilespmem:s8+$0xFFFFFFE0];
	v15 =	vmax.f32 v15, v21;
	v17 =	vmax.f32 v19, v14;
	v23 =	vmovc v9  }
0x116: {  	v14 =	vld [tilespmem:s8+$0xFFFFFFF0];
	v9 =	vmax.f32 v12, v15;
	v11 =	vmax.f32 v11, v17  }
0x117: {  	v25 =	vld [tilespmem:s8+$0xFFFFFF10];
	v12 =	vmax.f32 v9, v11  }
0x118: {  	v28 =	vld [tilespmem:s8+$0xFFFFFF20]  }
0x119: {  	s7 =	sadd.s32 $0x10, s7;
	v22 =	vld [tilespmem:s8+$0xFFFFFF30]  }
0x11a: {  	p0 =	slt.u32 s7, $0x6F0;
	v26 =	vld [tilespmem:s8+$0xFFFFFF40]  }
.Ltmp6:
0x11b: {  	v27 =	vld [tilespmem:s8+$0xFFFFFF50];
	(pc) =	sbr.rel @p0 .LBB2_14-.Ltmp6, $4  }
0x11c: {  	v29 =	vld [tilespmem:s8+$0xFFFFFF60]  }
0x11d: {  	v31 =	vld [tilespmem:s8+$0xFFFFFF70]  }
0x11e: {  	v34 =	vld [tilespmem:s8+$0xFFFFFF80]  }
0x11f: {  	v33 =	vld [tilespmem:s8+$0x0];
	s8 =	sadd.s32 $0x100, s8  }
0x120: {  	_ =	swait.ge [sflag:s28], $0x1000  }
0x121: {  	[sflag:s28] =	ssyncset.done $0x0  }
0x122: {  	s8 =	simm.s32 $0x70F0;
	[sflag:s28] =	ssyncadd.s32 $0xFFFFF000  }
0x123: {  	v24 =	vld [tilespmem:s8+$0xFFFFFF90]  }
0x124: {  	v11 =	vld [tilespmem:s8+$0xFFFFFFA0]  }
0x125: {  	v9 =	vld [tilespmem:s8+$0xFFFFFFB0]  }
0x126: {  	v15 =	vld [tilespmem:s8+$0xFFFFFFC0]  }
0x127: {  	v19 =	vld [tilespmem:s8+$0xFFFFFFD0]  }
0x128: {  	v21 =	vld [tilespmem:s8+$0xFFFFFFE0]  }
0x129: {  	v17 =	vld [tilespmem:s8+$0xFFFFFFF0]  }
0x12a: {  	v30 =	vld [tilespmem:s8+$0xFFFFFF10]  }
0x12b: {  	v32 =	vld [tilespmem:s8+$0xFFFFFF20]  }
0x12c: {  	v23 =	vmax.f32 v23, v13;
	v13 =	vld [tilespmem:s8+$0xFFFFFF30]  }
0x12d: {  	v25 =	vmax.f32 v25, v28;
	v10 =	vmax.f32 v10, v16;
	v20 =	vmax.f32 v18, v20;
	v16 =	vld [tilespmem:s8+$0xFFFFFF40]  }
0x12e: {  	v22 =	vmax.f32 v22, v26;
	v26 =	vmax.f32 v27, v29;
	v27 =	vmax.f32 v31, v34;
	v18 =	vld [tilespmem:s8+$0xFFFFFF50]  }
0x12f: {  	v22 =	vmax.f32 v25, v22;
	v25 =	vmax.f32 v26, v27;
	v26 =	vmax.f32 v14, v33;
	v14 =	vld [tilespmem:s8+$0xFFFFFF60]  }
0x130: {  	v10 =	vmax.f32 v23, v10;
	v22 =	vmax.f32 v22, v25;
	v23 =	vmax.f32 v20, v26;
	v20 =	vld [tilespmem:s8+$0xFFFFFF70]  }
0x131: {  	v12 =	vmax.f32 v12, v22;
	v10 =	vmax.f32 v10, v23;
	v22 =	vld [tilespmem:s8+$0xFFFFFF80]  }
0x132: {  	s7 =	simm.s32 $0x700;
	v10 =	vmax.f32 v12, v10;
	v12 =	vld [tilespmem:s8+$0x0];
	s8 =	simm.s32 $0x71F0  }
.LBB2_16:
0x133: {  	v23 =	vld [tilespmem:s8+$0xFFFFFF90]  }
0x134: {  	v24 =	vmax.f32 v24, v11;
	v11 =	vld [tilespmem:s8+$0xFFFFFFA0]  }
0x135: {  	v25 =	vmax.f32 v30, v32;
	v26 =	vmax.f32 v9, v15;
	v27 =	vmax.f32 v19, v21;
	v9 =	vld [tilespmem:s8+$0xFFFFFFB0]  }
0x136: {  	v13 =	vmax.f32 v13, v16;
	v14 =	vmax.f32 v18, v14;
	v15 =	vld [tilespmem:s8+$0xFFFFFFC0];
	v16 =	vmax.f32 v20, v22  }
0x137: {  	v13 =	vmax.f32 v25, v13;
	v19 =	vld [tilespmem:s8+$0xFFFFFFD0];
	v14 =	vmax.f32 v14, v16;
	v12 =	vmax.f32 v17, v12  }
0x138: {  	v21 =	vld [tilespmem:s8+$0xFFFFFFE0];
	v13 =	vmax.f32 v13, v14;
	v14 =	vmax.f32 v24, v26;
	v12 =	vmax.f32 v27, v12;
	v24 =	vmovc v23  }
0x139: {  	v17 =	vld [tilespmem:s8+$0xFFFFFFF0];
	v10 =	vmax.f32 v10, v13;
	v12 =	vmax.f32 v14, v12  }
0x13a: {  	v30 =	vld [tilespmem:s8+$0xFFFFFF10];
	v10 =	vmax.f32 v10, v12  }
0x13b: {  	v32 =	vld [tilespmem:s8+$0xFFFFFF20]  }
0x13c: {  	s7 =	sadd.s32 $0x10, s7;
	v13 =	vld [tilespmem:s8+$0xFFFFFF30]  }
0x13d: {  	p0 =	slt.u32 s7, $0x7F0;
	v16 =	vld [tilespmem:s8+$0xFFFFFF40]  }
.Ltmp7:
0x13e: {  	v18 =	vld [tilespmem:s8+$0xFFFFFF50];
	(pc) =	sbr.rel @p0 .LBB2_16-.Ltmp7, $4  }
0x13f: {  	v14 =	vld [tilespmem:s8+$0xFFFFFF60]  }
0x140: {  	v20 =	vld [tilespmem:s8+$0xFFFFFF70]  }
0x141: {  	v22 =	vld [tilespmem:s8+$0xFFFFFF80]  }
0x142: {  	v12 =	vld [tilespmem:s8+$0x0];
	s8 =	sadd.s32 $0x100, s8  }
0x143: {  	_ = 	snop  }
0x144: {  	v11 =	vmax.f32 v24, v11  }
0x145: {  	v23 =	vmax.f32 v30, v32;
	v9 =	vmax.f32 v9, v15;
	v15 =	vmax.f32 v19, v21  }
0x146: {  	v13 =	vmax.f32 v13, v16;
	v14 =	vmax.f32 v18, v14;
	v16 =	vmax.f32 v20, v22  }
0x147: {  	v13 =	vmax.f32 v23, v13;
	v14 =	vmax.f32 v14, v16;
	v12 =	vmax.f32 v17, v12  }
0x148: {  	v9 =	vmax.f32 v11, v9;
	v13 =	vmax.f32 v13, v14;
	v11 =	vmax.f32 v15, v12  }
0x149: {  	v10 =	vmax.f32 v10, v13;
	v9 =	vmax.f32 v9, v11  }
0x14a: {  	v9 =	vmax.f32 v10, v9  }
0x14b: {  	v10 =	vperm.xlane v9, v3;
	_ =	sdelay $0x1  }
0x14c: {  	v9 =	vmax.f32 v9, v10  }
0x14d: {  	v10 =	vperm.xlane v9, v0;
	_ =	sdelay $0x1  }
0x14e: {  	_ =	strace $0x90000048;
	v9 =	vmax.f32 v9, v10  }
0x14f: {  	[tilespmem:s30], [sflag:$0x9] =	stream.strided.gather [hbm4b:s11+s29], $0x8000, s18, s29, $0x38;
	v10 =	vperm.xlane v9, v1;
	[tilespmem:$0x18080] =	vst v63  }
0x150: {  	_ =	strace $0x80000049  }
0x151: {  	s7 =	simm.s32 $0x40;
	_ =	strace $0x8000004A;
	v9 =	vmax.f32 v9, v10  }
0x152: {  	v12 =	vld [tilespmem:s7+$0xFFFFFFC0];
	v10 =	vperm.xlane v9, v2  }
0x153: {  	v15 =	vld [tilespmem:s7+$0xFFFFFFD0]  }
0x154: {  	v18 =	vld [tilespmem:s7+$0xFFFFFFE0];
	v10 =	vmax.f32 v9, v10  }
0x155: {  	v19 =	vld [tilespmem:s7+$0xFFFFFFF0];
	v9 =	vadd.f32 $-1.000000000e+00, v10  }
0x156: {  	v21 =	vld [tilespmem:s7+$0x0]  }
0x157: {  	v11 =	vld [tilespmem:s7+$0x10];
	vm1 =	vgt.f32 v12, v9  }
0x158: {  	v20 =	vlaneseq.u32;
	v17 =	vld [tilespmem:s7+$0x20];
	vm2 =	vgt.f32 v15, v9;
	v13 =	vsel vm1, $0x10, v4  }
0x159: {  	v14 =	vld [tilespmem:s7+$0x30];
	vm3 =	vgt.f32 v18, v9;
	v23 =	vadd.s32 v20, v13;
	v13 =	vsel vm2, $0x10, v4  }
0x15a: {  	vm4 =	vgt.f32 v19, v9;
	v24 =	vadd.s32 v23, v13;
	v13 =	vsel vm3, $0x10, v4  }
0x15b: {  	s7 =	simm.s32 $0xC0;
	vm5 =	vgt.f32 v21, v9;
	v16 =	vsel vm4, $0x10, v4;
	v25 =	vadd.s32 v24, v13  }
0x15c: {  	vm0 =	vgt.f32 v11, v9;
	v22 =	vsel vm5, $0x10, v4;
	v13 =	vld [tilespmem:s7+$0xFFFFFFC0];
	v26 =	vadd.s32 v25, v16  }
0x15d: {  	v16 =	vld [tilespmem:s7+$0xFFFFFFD0];
	[tilespmem:v20+s2+$0x0] =	vst.idx.msk vm1, v12;
	v22 =	vadd.s32 v26, v22;
	v20 =	vsel vm0, $0x10, v4;
	vm1 =	vgt.f32 v17, v9  }
0x15e: {  	v12 =	vld [tilespmem:s7+$0xFFFFFFE0];
	[tilespmem:v23+s2+$0x0] =	vst.idx.msk vm2, v15;
	v23 =	vadd.s32 v22, v20;
	v20 =	vsel vm1, $0x10, v4;
	vm2 =	vgt.f32 v14, v9  }
0x15f: {  	v15 =	vld [tilespmem:s7+$0xFFFFFFF0];
	[tilespmem:v24+s2+$0x0] =	vst.idx.msk vm3, v18;
	v24 =	vadd.s32 v23, v20  }
0x160: {  	v20 =	vsel vm2, $0x10, v4;
	v18 =	vld [tilespmem:s7+$0x0];
	[tilespmem:v25+s2+$0x0] =	vst.idx.msk vm4, v19  }
0x161: {  	s8 =	simm.s32 $0x8;
	v20 =	vadd.s32 v24, v20;
	vm3 =	vgt.f32 v13, v9;
	v19 =	vld [tilespmem:s7+$0x10];
	[tilespmem:v26+s2+$0x0] =	vst.idx.msk vm5, v21  }
.LBB2_18:
0x162: {  	s8 =	sadd.s32 $0x8, s8;
	v21 =	vsel vm3, $0x10, v4;
	vm4 =	vgt.f32 v16, v9;
	v25 =	vld [tilespmem:s7+$0x20];
	[tilespmem:v22+s2+$0x0] =	vst.idx.msk vm0, v11;
	v26 =	vmov v16  }
0x163: {  	p0 =	slt.u32 s8, $0x7F8;
	v21 =	vadd.s32 v20, v21;
	v11 =	vsel vm4, $0x10, v4;
	vm7 =	vgt.f32 v12, v9;
	v27 =	vld [tilespmem:s7+$0x30];
	[tilespmem:v23+s2+$0x0] =	vst.idx.msk vm1, v17  }
0x164: {  	v17 =	vadd.s32 v21, v11;
	v22 =	vsel vm7, $0x10, v4;
	vm5 =	vgt.f32 v15, v9;
	[tilespmem:v24+s2+$0x0] =	vst.idx.msk vm2, v14  }
0x165: {  	s7 =	sadd.s32 $0x80, s7;
	v14 =	vmovc v12;
	v29 =	vmovc v15;
	v28 =	vadd.s32 v17, v22;
	v16 =	vsel vm5, $0x10, v4;
	vm6 =	vgt.f32 v18, v9  }
0x166: {  	v32 =	vmovc v18;
	v30 =	vld [tilespmem:s7+$0xFFFFFFC0];
	v31 =	vadd.s32 v28, v16;
	v12 =	vsel vm6, $0x10, v4;
	vm0 =	vgt.f32 v19, v9;
	v11 =	vmovc v19  }
.Ltmp8:
0x167: {  	v16 =	vld [tilespmem:s7+$0xFFFFFFD0];
	[tilespmem:v20+s2+$0x0] =	vst.idx.msk vm3, v13;
	v22 =	vadd.s32 v31, v12;
	v13 =	vsel vm0, $0x10, v4;
	vm1 =	vgt.f32 v25, v9;
	(pc) =	sbr.rel @p0 .LBB2_18-.Ltmp8, $4  }
0x168: {  	v12 =	vld [tilespmem:s7+$0xFFFFFFE0];
	[tilespmem:v21+s2+$0x0] =	vst.idx.msk vm4, v26;
	v23 =	vadd.s32 v22, v13;
	v13 =	vsel vm1, $0x10, v4;
	vm2 =	vgt.f32 v27, v9  }
0x169: {  	v15 =	vld [tilespmem:s7+$0xFFFFFFF0];
	[tilespmem:v17+s2+$0x0] =	vst.idx.msk vm7, v14;
	v24 =	vadd.s32 v23, v13;
	v21 =	vsel vm2, $0x10, v4;
	v17 =	vmovc v25;
	v14 =	vmov v27  }
0x16a: {  	v18 =	vld [tilespmem:s7+$0x0];
	[tilespmem:v28+s2+$0x0] =	vst.idx.msk vm5, v29;
	v20 =	vadd.s32 v24, v21  }
0x16b: {  	vm3 =	vgt.f32 v30, v9;
	v19 =	vld [tilespmem:s7+$0x10];
	[tilespmem:v31+s2+$0x0] =	vst.idx.msk vm6, v32;
	v13 =	vmov v30  }
0x16c: {  	v21 =	vsel vm3, $0x10, v4;
	vm4 =	vgt.f32 v16, v9;
	v26 =	vld [tilespmem:s7+$0x20]  }
0x16d: {  	v28 =	vld [tilespmem:s7+$0x30];
	v27 =	vadd.s32 v20, v21;
	v21 =	vsel vm4, $0x10, v4;
	vm5 =	vgt.f32 v12, v9  }
0x16e: {  	v29 =	vadd.s32 v27, v21;
	v21 =	vsel vm5, $0x10, v4;
	vm6 =	vgt.f32 v15, v9  }
0x16f: {  	v30 =	vadd.s32 v29, v21;
	v21 =	vsel vm6, $0x10, v4;
	vm7 =	vgt.f32 v18, v9  }
0x170: {  	v31 =	vadd.s32 v30, v21;
	v21 =	vsel vm7, $0x10, v4;
	vm8 =	vgt.f32 v19, v9  }
0x171: {  	v32 =	vadd.s32 v31, v21;
	v21 =	vsel vm8, $0x10, v4;
	vm9 =	vgt.f32 v26, v9  }
0x172: {  	vm10 =	vgt.f32 v28, v9;
	v33 =	vadd.s32 v32, v21;
	v21 =	vsel vm9, $0x10, v4  }
0x173: {  	v34 =	vadd.s32 v33, v21;
	v21 =	vsel vm10, $0x10, v4  }
0x174: {  	v21 =	vadd.s32 v34, v21  }
0x175: {  	v25 =	vadd.s32 v5, v21  }
0x176: {  	v35 =	vperm.xlane v25, v3;
	_ =	sdelay $0x1  }
0x177: {  	vm11 =	vgt.s32 v25, v35  }
0x178: {  	v36 =	vsel vm11, v25, v35  }
0x179: {  	v37 =	vperm.xlane v36, v6  }
0x17a: {  	v35 =	vsel vm11, v35, v25  }
0x17b: {  	v38 =	vperm.xlane v35, v6;
	vm15 =	vgt.s32 v36, v37  }
0x17c: {  	[tilespmem:v22+s2+$0x0] =	vst.idx.msk vm0, v11;
	v11 =	vsel vm15, v36, v37  }
0x17d: {  	[tilespmem:v23+s2+$0x0] =	vst.idx.msk vm1, v17;
	vm11 =	vlt.s32 v35, v38;
	v59 =	vperm.xlane v11, v7  }
0x17e: {  	[tilespmem:v24+s2+$0x0] =	vst.idx.msk vm2, v14;
	v60 =	vsel vm11, v35, v38  }
0x17f: {  	[tilespmem:v20+s2+$0x0] =	vst.idx.msk vm3, v13;
	v61 =	vperm.xlane v60, v7;
	vm12 =	vgt.s32 v11, v59  }
0x180: {  	[tilespmem:v27+s2+$0x0] =	vst.idx.msk vm4, v16;
	v11 =	vsel vm12, v11, v59  }
0x181: {  	[tilespmem:v29+s2+$0x0] =	vst.idx.msk vm5, v12;
	vm13 =	vlt.s32 v60, v61;
	v62 =	vperm.xlane v11, v8  }
0x182: {  	[tilespmem:v30+s2+$0x0] =	vst.idx.msk vm6, v15;
	v13 =	vsel vm13, v60, v61  }
0x183: {  	[tilespmem:v31+s2+$0x0] =	vst.idx.msk vm7, v18;
	v14 =	vperm.xlane v13, v8;
	vm14 =	vgt.s32 v11, v62  }
0x184: {  	[tilespmem:v32+s2+$0x0] =	vst.idx.msk vm8, v19;
	v11 =	vsel vm14, v11, v62  }
0x185: {  	[tilespmem:v33+s2+$0x0] =	vst.idx.msk vm9, v26;
	vm15 =	vlt.s32 v13, v14;
	vm0 =	vgt.s32 v11, $0x100  }
0x186: {  	[tilespmem:v34+s2+$0x0] =	vst.idx.msk vm10, v28;
	v63 =	vsel vm15, v13, v14;
	v11 =	vnsel vm0, $0x100, v11  }
0x187: {  	_ =	strace $0x9000004A;
	v13 =	vsub.s32 v11, v63;
	vm0 =	vne.s32 v11, v63  }
0x188: {  	(v2sf) =	vpush v13, $0x0;
	v12 =	vsel vm0, $0x1, v4  }
0x189: {  	(v2sf) =	vpush v12, $0x0;
	_ =	sdelay $0xd  }
0x18a: {  	s7 =	spop (v2sf)  }
0x18b: {  	s8 =	spop (v2sf)  }
0x18c: {  	p0 =	sne.s32 s8, $0x0;
	s8 =	simm.s32 $0x1  }
0x18d: {  	s9 =	sshra.s32 s7, $0x1F;
	s8 =	simm.s32 @!p0 $0x0  }
0x18e: {  	s10 =	sand.u32 $0xF, s7;
	s8 =	sor.u32 s8, s9  }
0x18f: {  	p1 =	sne.s32 s10, $0x0;
	p6 =	sne.s32 s8, $0x1  }
0x190: {  	s10 =	sshrl.u32 s9, $0x1C;
	p0 =	por !p1, !p6  }
0x191: {  	s7 =	sadd.s32 s10, s7;
	s8 =	simm.s32 $0x1;
	p0 =	por !p0, !p0  }
0x192: {  	s7 =	sshra.s32 s7, $0x4;
	s8 =	simm.s32 @!p0 $0x0  }
0x193: {  	s7 =	ssub.s32 s7, s8  }
0x194: {  	p0 =	slt.s32 s7, $0x1  }
.Ltmp9:
0x195: {  	_ = 	snop;
	(pc) =	sbr.rel @p0 .LBB2_23-.Ltmp9, $1  }
0x196: {  	_ =	sdelay $0x3  }
0x197: {  	p0 =	sne.s32 s7, $0x1  }
.Ltmp10:
0x198: {  	_ = 	snop;
	(pc) =	sbr.rel @!p0 .LBB2_22-.Ltmp10, $2  }
0x199: {  	_ =	sdelay $0x2  }
0x19a: {  	s7 =	sadd.s32 $0xFFFFFFFF, s7;
	vm0 =	vlt.s32 v25, v11;
	v12 =	vmov v21  }
.LBB2_21:
0x19b: {  	p0 =	sne.s32 s7, $0x1;
	s7 =	sadd.s32 $0xFFFFFFFF, s7;
	v13 =	vsel vm0, $0x10, v4  }
.Ltmp11:
0x19c: {  	v12 =	vadd.s32 v12, v13;
	(pc) =	sbr.rel @p0 .LBB2_21-.Ltmp11, $3  }
0x19d: {  	_ =	sdelay $0x1  }
0x19e: {  	v13 =	vadd.s32 v5, v12  }
0x19f: {  	[tilespmem:v21+s2+$0x0] =	vst.idx.msk vm0, v9;
	vm0 =	vlt.s32 v13, v11;
	v21 =	vmov v12  }
.LBB2_22:
0x1a0: {  	_ =	sdelay $0x4  }
0x1a1: {  	[tilespmem:v21+s2+$0x0] =	vst.idx.msk vm0, v9  }
.LBB2_23:
0x1a2: {  	(v2sf) =	vpush v11, $0x0;
	_ =	sdelay $0x1  }
0x1a3: {  	v26 =	vld [tilespmem:$0x10000]  }
0x1a4: {  	v25 =	vld [tilespmem:$0x10010]  }
0x1a5: {  	v24 =	vld [tilespmem:$0x10020]  }
0x1a6: {  	v23 =	vld [tilespmem:$0x10030]  }
0x1a7: {  	v22 =	vld [tilespmem:$0x10040]  }
0x1a8: {  	v21 =	vld [tilespmem:$0x10050]  }
0x1a9: {  	v20 =	vld [tilespmem:$0x10060]  }
0x1aa: {  	v19 =	vld [tilespmem:$0x10070]  }
0x1ab: {  	v18 =	vld [tilespmem:$0x10080]  }
0x1ac: {  	v17 =	vld [tilespmem:$0x10090]  }
0x1ad: {  	v16 =	vld [tilespmem:$0x100A0]  }
.Ltmp12:
0x1ae: {  	v15 =	vld [tilespmem:$0x100B0];
	(pc) =	sbr.rel .LBB2_24-.Ltmp12, $4  }
0x1af: {  	v14 =	vld [tilespmem:$0x100C0]  }
0x1b0: {  	v13 =	vld [tilespmem:$0x100D0];
	s9 =	spop (v2sf)  }
0x1b1: {  	v12 =	vld [tilespmem:$0x100E0];
	s8 =	simm.s32 $0x0;
	s7 =	sshrl.u32 s9, $0x4  }
0x1b2: {  	v11 =	vld [tilespmem:$0x100F0];
	_ =	strace $0x8000004B;
	p0 =	slt.u32 s9, $0x110;
	s7 =	sadd.s32 $0xFFFFFFF0, s7  }
.LBB2_27:
0x1b3: {  	v29 =	vmax.f32 v29, $0.0e+00  }
0x1b4: {  	v28 =	vadd.f32 v29, v28  }
.LBB2_28:
0x1b5: {  	_ = 	snop  }
0x1b6: {  	v29 =	vperm.xlane v28, v3;
	_ =	sdelay $0x1  }
0x1b7: {  	v28 =	vadd.f32 v29, v28;
	_ =	sdelay $0x1  }
0x1b8: {  	v29 =	vperm.xlane v28, v0;
	_ =	sdelay $0x1  }
0x1b9: {  	v28 =	vadd.f32 v29, v28;
	_ =	sdelay $0x1  }
0x1ba: {  	v29 =	vperm.xlane v28, v1;
	_ =	sdelay $0x1  }
0x1bb: {  	v28 =	vadd.f32 v29, v28  }
0x1bc: {  	s8 =	sadd.s32 $0x1, s8  }
0x1bd: {  	p1 =	sne.s32 s8, $0xF;
	v29 =	vperm.xlane v28, v2  }
.Ltmp13:
0x1be: {  	_ = 	snop;
	(pc) =	sbr.rel @!p1 .LBB2_29-.Ltmp13, $3  }
0x1bf: {  	v28 =	vadd.f32 v29, v28;
	_ =	sdelay $0x1  }
0x1c0: {  	vm0 =	vge.f32 v28, $1.000000000e+00  }
0x1c1: {  	v9 =	vsel vm0, v27, v9;
	v10 =	vsel vm0, v10, v27  }
.LBB2_24:
0x1c2: {  	v27 =	vadd.f32 v10, v9;
	_ =	sdelay $0x1  }
0x1c3: {  	v27 =	vmul.f32 $5.000000000e-01, v27;
	_ =	sdelay $0x1  }
0x1c4: {  	v28 =	vsub.f32 v26, v27;
	_ =	sdelay $0x1  }
0x1c5: {  	v29 =	vsub.f32 v25, v27;
	v28 =	vmax.f32 v28, $0.0e+00  }
0x1c6: {  	v28 =	vadd.f32 $0.0e+00, v28  }
0x1c7: {  	v30 =	vsub.f32 v24, v27;
	v29 =	vmax.f32 v29, $0.0e+00  }
0x1c8: {  	v28 =	vadd.f32 v28, v29  }
0x1c9: {  	v29 =	vmax.f32 v30, $0.0e+00;
	v30 =	vsub.f32 v23, v27  }
0x1ca: {  	v28 =	vadd.f32 v28, v29  }
0x1cb: {  	v29 =	vmax.f32 v30, $0.0e+00;
	v30 =	vsub.f32 v22, v27  }
0x1cc: {  	v28 =	vadd.f32 v28, v29  }
0x1cd: {  	v29 =	vmax.f32 v30, $0.0e+00;
	v30 =	vsub.f32 v21, v27  }
0x1ce: {  	v28 =	vadd.f32 v28, v29  }
0x1cf: {  	v29 =	vmax.f32 v30, $0.0e+00;
	v30 =	vsub.f32 v20, v27  }
0x1d0: {  	v28 =	vadd.f32 v28, v29  }
0x1d1: {  	v29 =	vmax.f32 v30, $0.0e+00;
	v30 =	vsub.f32 v19, v27  }
0x1d2: {  	v28 =	vadd.f32 v28, v29  }
0x1d3: {  	v29 =	vmax.f32 v30, $0.0e+00;
	v30 =	vsub.f32 v18, v27  }
0x1d4: {  	v28 =	vadd.f32 v28, v29  }
0x1d5: {  	v29 =	vmax.f32 v30, $0.0e+00;
	v30 =	vsub.f32 v17, v27  }
0x1d6: {  	v28 =	vadd.f32 v28, v29  }
0x1d7: {  	v29 =	vmax.f32 v30, $0.0e+00;
	v30 =	vsub.f32 v16, v27  }
0x1d8: {  	v28 =	vadd.f32 v28, v29  }
0x1d9: {  	v29 =	vmax.f32 v30, $0.0e+00;
	v30 =	vsub.f32 v15, v27  }
0x1da: {  	v28 =	vadd.f32 v28, v29  }
0x1db: {  	v29 =	vmax.f32 v30, $0.0e+00;
	v30 =	vsub.f32 v14, v27  }
0x1dc: {  	v28 =	vadd.f32 v28, v29  }
0x1dd: {  	v29 =	vmax.f32 v30, $0.0e+00;
	v30 =	vsub.f32 v13, v27  }
0x1de: {  	v28 =	vadd.f32 v28, v29  }
0x1df: {  	v29 =	vmax.f32 v30, $0.0e+00;
	v30 =	vsub.f32 v12, v27  }
.Ltmp14:
0x1e0: {  	v28 =	vadd.f32 v28, v29;
	(pc) =	sbr.rel @p0 .LBB2_28-.Ltmp14, $4  }
0x1e1: {  	v29 =	vmax.f32 v30, $0.0e+00;
	v30 =	vsub.f32 v11, v27  }
0x1e2: {  	v28 =	vadd.f32 v28, v29  }
0x1e3: {  	v29 =	vmax.f32 v30, $0.0e+00  }
0x1e4: {  	s10 =	simm.s32 $0x10100;
	v28 =	vadd.f32 v28, v29  }
0x1e5: {  	v29 =	vld [tilespmem:s10+$0x0]  }
0x1e6: {  	p1 =	sne.s32 s7, $0x1  }
.Ltmp15:
0x1e7: {  	_ = 	snop;
	(pc) =	sbr.rel @!p1 .LBB2_27-.Ltmp15, $3  }
0x1e8: {  	_ =	sdelay $0x1  }
0x1e9: {  	v29 =	vsub.f32 v29, v27  }
0x1ea: {  	s9 =	sadd.s32 $0xFFFFFFFF, s7;
	s10 =	sadd.s32 $0x10, s10  }
.LBB2_26:
0x1eb: {  	v30 =	vld [tilespmem:s10+$0x0];
	p1 =	sne.s32 s9, $0x1;
	s9 =	sadd.s32 $0xFFFFFFFF, s9  }
.Ltmp16:
0x1ec: {  	v29 =	vmax.f32 v29, $0.0e+00;
	(pc) =	sbr.rel @p1 .LBB2_26-.Ltmp16, $2  }
0x1ed: {  	v28 =	vadd.f32 v29, v28;
	_ =	sdelay $0x2  }
0x1ee: {  	s10 =	sadd.s32 $0x10, s10;
	v29 =	vsub.f32 v30, v27  }
.Ltmp17:
0x1ef: {  	_ = 	snop;
	(pc) =	sbr.rel .LBB2_27-.Ltmp17, $1  }
0x1f0: {  	_ =	sdelay $0x3  }
.LBB2_29:
0x1f1: {  	v10 =	vadd.f32 $0.0e+00, v26;
	vm0 =	vgt.f32 v26, v9  }
0x1f2: {  	vm1 =	vgt.f32 v25, v9;
	v26 =	vsel vm0, $0x3F800000, v4  }
0x1f3: {  	v25 =	vnsel vm1, $0x0, v25;
	v27 =	vsel vm1, $0x3F800000, v4;
	v10 =	vnsel vm0, $0x0, v10  }
0x1f4: {  	vm14 =	vgt.f32 v24, v9;
	v36 =	vadd.f32 v27, v26;
	v10 =	vadd.f32 v25, v10  }
0x1f5: {  	v24 =	vnsel vm14, $0x0, v24;
	v37 =	vsel vm14, $0x3F800000, v4  }
0x1f6: {  	vm15 =	vgt.f32 v23, v9;
	v38 =	vadd.f32 v37, v36;
	v10 =	vadd.f32 v10, v24  }
0x1f7: {  	v23 =	vnsel vm15, $0x0, v23;
	v39 =	vsel vm15, $0x3F800000, v4  }
0x1f8: {  	vm4 =	vgt.f32 v22, v9;
	v40 =	vadd.f32 v39, v38;
	v10 =	vadd.f32 v10, v23  }
0x1f9: {  	v22 =	vnsel vm4, $0x0, v22;
	v41 =	vsel vm4, $0x3F800000, v4  }
0x1fa: {  	vm5 =	vgt.f32 v21, v9;
	v42 =	vadd.f32 v41, v40;
	v10 =	vadd.f32 v10, v22  }
0x1fb: {  	v21 =	vnsel vm5, $0x0, v21;
	v43 =	vsel vm5, $0x3F800000, v4  }
0x1fc: {  	vm6 =	vgt.f32 v20, v9;
	v44 =	vadd.f32 v43, v42;
	v10 =	vadd.f32 v10, v21  }
0x1fd: {  	v20 =	vnsel vm6, $0x0, v20;
	v45 =	vsel vm6, $0x3F800000, v4  }
0x1fe: {  	vm7 =	vgt.f32 v19, v9;
	v46 =	vadd.f32 v45, v44;
	v10 =	vadd.f32 v10, v20  }
0x1ff: {  	v19 =	vnsel vm7, $0x0, v19;
	v47 =	vsel vm7, $0x3F800000, v4  }
0x200: {  	vm8 =	vgt.f32 v18, v9;
	v48 =	vadd.f32 v47, v46;
	v10 =	vadd.f32 v10, v19  }
0x201: {  	v18 =	vnsel vm8, $0x0, v18;
	v49 =	vsel vm8, $0x3F800000, v4  }
0x202: {  	vm9 =	vgt.f32 v17, v9;
	v50 =	vadd.f32 v49, v48;
	v10 =	vadd.f32 v10, v18  }
0x203: {  	v17 =	vnsel vm9, $0x0, v17;
	v51 =	vsel vm9, $0x3F800000, v4  }
0x204: {  	vm10 =	vgt.f32 v16, v9;
	v52 =	vadd.f32 v51, v50;
	v10 =	vadd.f32 v10, v17  }
0x205: {  	v16 =	vnsel vm10, $0x0, v16;
	v53 =	vsel vm10, $0x3F800000, v4  }
0x206: {  	vm11 =	vgt.f32 v15, v9;
	v54 =	vadd.f32 v53, v52;
	v10 =	vadd.f32 v10, v16  }
0x207: {  	v15 =	vnsel vm11, $0x0, v15;
	v55 =	vsel vm11, $0x3F800000, v4  }
0x208: {  	vm12 =	vgt.f32 v14, v9;
	v56 =	vadd.f32 v55, v54;
	v10 =	vadd.f32 v10, v15  }
0x209: {  	v14 =	vnsel vm12, $0x0, v14;
	v57 =	vsel vm12, $0x3F800000, v4  }
0x20a: {  	vm13 =	vgt.f32 v13, v9;
	v58 =	vadd.f32 v57, v56;
	v10 =	vadd.f32 v10, v14  }
0x20b: {  	v13 =	vnsel vm13, $0x0, v13;
	v59 =	vsel vm13, $0x3F800000, v4  }
.Ltmp18:
0x20c: {  	vm14 =	vgt.f32 v12, v9;
	v60 =	vadd.f32 v59, v58;
	v10 =	vadd.f32 v10, v13;
	(pc) =	sbr.rel @p0 .LBB2_33-.Ltmp18, $4  }
0x20d: {  	v12 =	vnsel vm14, $0x0, v12;
	v61 =	vsel vm14, $0x3F800000, v4  }
0x20e: {  	vm15 =	vgt.f32 v11, v9;
	v62 =	vadd.f32 v61, v60;
	v10 =	vadd.f32 v10, v12  }
0x20f: {  	v11 =	vnsel vm15, $0x0, v11;
	v63 =	vsel vm15, $0x3F800000, v4  }
0x210: {  	_ =	strace $0x9000004B;
	s8 =	simm.s32 $0x10100;
	v10 =	vadd.f32 v10, v11;
	v11 =	vadd.f32 v63, v62  }
0x211: {  	v12 =	vld [tilespmem:s8+$0x0];
	p0 =	sne.s32 s7, $0x1  }
.Ltmp19:
0x212: {  	_ = 	snop;
	(pc) =	sbr.rel @!p0 .LBB2_32-.Ltmp19, $2  }
0x213: {  	_ =	sdelay $0x2  }
0x214: {  	s7 =	sadd.s32 $0xFFFFFFFF, s7;
	s8 =	sadd.s32 $0x10, s8;
	vm0 =	vgt.f32 v12, v9  }
.LBB2_31:
0x215: {  	p0 =	sne.s32 s7, $0x1;
	s7 =	sadd.s32 $0xFFFFFFFF, s7;
	v13 =	vnsel vm0, $0x0, v12;
	v12 =	vld [tilespmem:s8+$0x0];
	v14 =	vsel vm0, $0x3F800000, v4  }
.Ltmp20:
0x216: {  	v10 =	vadd.f32 v13, v10;
	v11 =	vadd.f32 v14, v11;
	(pc) =	sbr.rel @p0 .LBB2_31-.Ltmp20, $2  }
0x217: {  	_ =	sdelay $0x2  }
0x218: {  	s8 =	sadd.s32 $0x10, s8;
	vm0 =	vgt.f32 v12, v9  }
.LBB2_32:
0x219: {  	v9 =	vnsel vm0, $0x0, v12;
	v63 =	vsel vm0, $0x3F800000, v4  }
0x21a: {  	v10 =	vadd.f32 v9, v10;
	v11 =	vadd.f32 v63, v11  }
.LBB2_33:
0x21b: {  	_ = 	snop  }
0x21c: {  	v9 =	vperm.xlane v11, v3;
	_ =	sdelay $0x1  }
0x21d: {  	v9 =	vadd.f32 v9, v11;
	_ =	sdelay $0x1  }
0x21e: {  	v11 =	vperm.xlane v9, v6;
	_ =	sdelay $0x1  }
0x21f: {  	v9 =	vadd.f32 v11, v9;
	_ =	sdelay $0x1  }
0x220: {  	v11 =	vperm.xlane v9, v7;
	_ =	sdelay $0x1  }
0x221: {  	v9 =	vadd.f32 v11, v9;
	_ =	sdelay $0x1  }
0x222: {  	v11 =	vperm.xlane v9, v8;
	_ =	sdelay $0x1  }
0x223: {  	v12 =	vperm.xlane v10, v3;
	v9 =	vadd.f32 v11, v9;
	_ =	sdelay $0x1  }
0x224: {  	v10 =	vadd.f32 v12, v10;
	(erf) = vrcp.f32 v9;
	_ =	sdelay $0x1  }
0x225: {  	v9 =	vperm.xlane v10, v6;
	_ =	sdelay $0x1  }
0x226: {  	v9 =	vadd.f32 v9, v10;
	_ =	sdelay $0x1  }
0x227: {  	v10 =	vperm.xlane v9, v7;
	_ =	sdelay $0x1  }
0x228: {  	v9 =	vadd.f32 v10, v9  }
0x229: {  	v11 =	vpop (erf)  }
0x22a: {  	v10 =	vperm.xlane v9, v8;
	_ =	strace $0x90000049  }
0x22b: {  	s7 =	simm.s32 $0x80;
	_ =	strace $0x8000004C  }
0x22c: {  	v9 =	vadd.f32 v10, v9;
	v10 =	vld [tilespmem:s7+$0x70]  }
0x22d: {  	v12 =	vld [tilespmem:s7+$0xFFFFFF90]  }
0x22e: {  	v13 =	vld [tilespmem:s7+$0xFFFFFFA0]  }
0x22f: {  	v9 =	vadd.f32 $-1.000000000e+00, v9;
	v14 =	vld [tilespmem:s7+$0xFFFFFFC0]  }
0x230: {  	v15 =	vld [tilespmem:s7+$0xFFFFFFD0]  }
0x231: {  	v9 =	vmul.f32 v11, v9;
	v11 =	vld [tilespmem:s7+$0xFFFFFFB0]  }
0x232: {  	v16 =	vld [tilespmem:s7+$0xFFFFFFE0]  }
0x233: {  	v18 =	vld [tilespmem:s7+$0xFFFFFFF0];
	v10 =	vsub.f32 v10, v9  }
0x234: {  	v12 =	vsub.f32 v12, v9  }
0x235: {  	v13 =	vsub.f32 v13, v9;
	v10 =	vmax.f32 v10, $0.0e+00  }
0x236: {  	v17 =	vld [tilespmem:s7+$0x0];
	v12 =	vmax.f32 v12, $0.0e+00;
	v11 =	vsub.f32 v11, v9;
	[tilespmem:s7+$0x70] =	vst v10  }
0x237: {  	[tilespmem:s7+$0xFFFFFF90] =	vst v12;
	v10 =	vmax.f32 v13, $0.0e+00;
	v12 =	vsub.f32 v14, v9;
	v14 =	vld [tilespmem:s7+$0x10];
	v13 =	vsub.f32 v15, v9  }
0x238: {  	v19 =	vld [tilespmem:s7+$0x20];
	v15 =	vsub.f32 v16, v9;
	v16 =	vsub.f32 v18, v9;
	[tilespmem:s7+$0xFFFFFFA0] =	vst v10;
	v10 =	vmax.f32 v11, $0.0e+00  }
0x239: {  	v11 =	vld [tilespmem:s7+$0x30];
	[tilespmem:s7+$0xFFFFFFB0] =	vst v10;
	v10 =	vmax.f32 v12, $0.0e+00  }
0x23a: {  	v12 =	vld [tilespmem:s7+$0x40];
	v16 =	vmax.f32 v16, $0.0e+00;
	[tilespmem:s7+$0xFFFFFFC0] =	vst v10  }
0x23b: {  	v17 =	vsub.f32 v17, v9;
	v10 =	vmax.f32 v13, $0.0e+00;
	v13 =	vld [tilespmem:s7+$0x50];
	[tilespmem:s7+$0xFFFFFFF0] =	vst v16  }
0x23c: {  	[tilespmem:s7+$0xFFFFFFD0] =	vst v10;
	v10 =	vmax.f32 v15, $0.0e+00;
	v15 =	vsub.f32 v14, v9;
	v14 =	vld [tilespmem:s7+$0x60]  }
0x23d: {  	s8 =	simm.s32 $0x0;
	s9 =	simm.s32 $0x180;
	v17 =	vmax.f32 v17, $0.0e+00;
	v16 =	vsub.f32 v19, v9;
	[tilespmem:s7+$0xFFFFFFE0] =	vst v10;
	v10 =	vld [tilespmem:s7+$0xFFFFFF80]  }
.LBB2_34:
0x23e: {  	v18 =	vld [tilespmem:s9+$0x70];
	s8 =	sadd.s32 $0x10, s8;
	[tilespmem:s7+$0x0] =	vst v17;
	v15 =	vmax.f32 v15, $0.0e+00;
	v11 =	vsub.f32 v11, v9  }
0x23f: {  	v17 =	vld [tilespmem:s9+$0xFFFFFF90];
	p0 =	slt.u32 s8, $0x7F0;
	[tilespmem:s7+$0x10] =	vst v15;
	v15 =	vmax.f32 v16, $0.0e+00;
	v12 =	vsub.f32 v12, v9  }
0x240: {  	v16 =	vld [tilespmem:s9+$0xFFFFFFA0];
	[tilespmem:s7+$0x20] =	vst v15;
	v11 =	vmax.f32 v11, $0.0e+00;
	v13 =	vsub.f32 v13, v9  }
0x241: {  	v15 =	vld [tilespmem:s9+$0xFFFFFFB0];
	[tilespmem:s7+$0x30] =	vst v11;
	v11 =	vmax.f32 v12, $0.0e+00;
	v12 =	vsub.f32 v14, v9  }
0x242: {  	v14 =	vld [tilespmem:s9+$0xFFFFFFC0];
	v10 =	vsub.f32 v10, v9;
	[tilespmem:s7+$0x40] =	vst v11;
	v11 =	vmax.f32 v13, $0.0e+00  }
0x243: {  	v13 =	vld [tilespmem:s9+$0xFFFFFFD0];
	v18 =	vsub.f32 v18, v9;
	[tilespmem:s7+$0x50] =	vst v11;
	v11 =	vmax.f32 v12, $0.0e+00  }
0x244: {  	v12 =	vsub.f32 v17, v9;
	v17 =	vld [tilespmem:s9+$0xFFFFFFE0];
	v10 =	vmax.f32 v10, $0.0e+00;
	[tilespmem:s7+$0x60] =	vst v11  }
0x245: {  	v11 =	vsub.f32 v16, v9;
	v16 =	vld [tilespmem:s9+$0xFFFFFFF0];
	v18 =	vmax.f32 v18, $0.0e+00;
	[tilespmem:s7+$0xFFFFFF80] =	vst v10;
	s7 =	smov.u32 s9  }
0x246: {  	v10 =	vmax.f32 v12, $0.0e+00;
	v12 =	vsub.f32 v15, v9;
	v15 =	vld [tilespmem:s9+$0x0];
	[tilespmem:s9+$0x70] =	vst v18  }
0x247: {  	[tilespmem:s9+$0xFFFFFF90] =	vst v10;
	v10 =	vmax.f32 v11, $0.0e+00;
	v11 =	vsub.f32 v14, v9;
	v14 =	vld [tilespmem:s9+$0x10]  }
0x248: {  	[tilespmem:s9+$0xFFFFFFA0] =	vst v10;
	v10 =	vmax.f32 v12, $0.0e+00;
	v12 =	vsub.f32 v13, v9;
	v18 =	vld [tilespmem:s9+$0x20]  }
.Ltmp21:
0x249: {  	[tilespmem:s9+$0xFFFFFFB0] =	vst v10;
	v10 =	vmax.f32 v11, $0.0e+00;
	v13 =	vsub.f32 v17, v9;
	v11 =	vld [tilespmem:s9+$0x30];
	(pc) =	sbr.rel @p0 .LBB2_34-.Ltmp21, $4  }
0x24a: {  	[tilespmem:s9+$0xFFFFFFC0] =	vst v10;
	v10 =	vmax.f32 v12, $0.0e+00;
	v16 =	vsub.f32 v16, v9;
	v12 =	vld [tilespmem:s9+$0x40]  }
0x24b: {  	[tilespmem:s9+$0xFFFFFFD0] =	vst v10;
	v10 =	vmax.f32 v13, $0.0e+00;
	v17 =	vsub.f32 v15, v9;
	v13 =	vld [tilespmem:s9+$0x50]  }
0x24c: {  	[tilespmem:s9+$0xFFFFFFE0] =	vst v10;
	v16 =	vmax.f32 v16, $0.0e+00;
	v15 =	vsub.f32 v14, v9;
	v14 =	vld [tilespmem:s9+$0x60]  }
0x24d: {  	s9 =	sadd.s32 $0x100, s9;
	v10 =	vld [tilespmem:s7+$0xFFFFFF80];
	[tilespmem:s7+$0xFFFFFFF0] =	vst v16;
	v17 =	vmax.f32 v17, $0.0e+00;
	v16 =	vsub.f32 v18, v9  }
0x24e: {  	[tilespmem:s7+$0x0] =	vst v17;
	v15 =	vmax.f32 v15, $0.0e+00;
	v11 =	vsub.f32 v11, v9  }
0x24f: {  	[tilespmem:s7+$0x10] =	vst v15;
	v15 =	vmax.f32 v16, $0.0e+00;
	v12 =	vsub.f32 v12, v9  }
0x250: {  	[tilespmem:s7+$0x20] =	vst v15;
	v11 =	vmax.f32 v11, $0.0e+00;
	v13 =	vsub.f32 v13, v9  }
0x251: {  	[tilespmem:s7+$0x30] =	vst v11;
	v11 =	vmax.f32 v12, $0.0e+00;
	v12 =	vsub.f32 v14, v9  }
0x252: {  	v9 =	vsub.f32 v10, v9;
	[tilespmem:s7+$0x40] =	vst v11;
	v10 =	vmax.f32 v13, $0.0e+00  }
0x253: {  	[tilespmem:s7+$0x50] =	vst v10;
	v10 =	vmax.f32 v12, $0.0e+00  }
0x254: {  	v9 =	vmax.f32 v9, $0.0e+00;
	[tilespmem:s7+$0x60] =	vst v10  }
0x255: {  	[tilespmem:s7+$0xFFFFFF80] =	vst v9  }
0x256: {  	s10 =	simm.s32 $0x0;
	_ =	strace $0x9000004C  }
0x257: {  	[hbm4b:s21+s29] =	stream.strided.scatter [tilespmem:s10], [sflag:$0xA], $0x8000, s18, s29, $0x38;
	[tilespmem:$0x18080] =	vst v63  }
0x258: {  	_ =	strace $0x8000004D  }
0x259: {  	_ =	swait.ge [sflag:s4], $0x8000  }
0x25a: {  	[sflag:s4] =	ssyncset.done $0x0  }
0x25b: {  	[sflag:s4] =	ssyncadd.s32 $0xFFFF8000  }
0x25c: {  	_ =	strace $0x9000004D  }
0x25d: {  	s8 =	simm.s32 $0x8080;
	_ =	strace $0x8000004E  }
0x25e: {  	v16 =	vld [tilespmem:s8+$0x0]  }
0x25f: {  	v10 =	vld [tilespmem:s8+$0x10]  }
0x260: {  	v9 =	vld [tilespmem:s8+$0x20]  }
0x261: {  	v11 =	vld [tilespmem:s8+$0x30]  }
0x262: {  	v14 =	vld [tilespmem:s8+$0x40]  }
0x263: {  	v15 =	vld [tilespmem:s8+$0x50]  }
0x264: {  	v12 =	vld [tilespmem:s8+$0x60]  }
0x265: {  	v18 =	vld [tilespmem:s8+$0xFFFFFF80]  }
0x266: {  	v21 =	vld [tilespmem:s8+$0xFFFFFF90]  }
0x267: {  	v17 =	vld [tilespmem:s8+$0xFFFFFFA0]  }
0x268: {  	v19 =	vld [tilespmem:s8+$0xFFFFFFB0]  }
0x269: {  	v20 =	vld [tilespmem:s8+$0xFFFFFFC0]  }
0x26a: {  	v22 =	vld [tilespmem:s8+$0xFFFFFFD0]  }
0x26b: {  	v23 =	vld [tilespmem:s8+$0xFFFFFFE0]  }
0x26c: {  	v25 =	vld [tilespmem:s8+$0xFFFFFFF0]  }
0x26d: {  	v13 =	vimm.f32 $-3.399999950e+38;
	s7 =	simm.s32 $0x0;
	v24 =	vld [tilespmem:s8+$0x70];
	s8 =	simm.s32 $0x8180  }
.LBB2_36:
0x26e: {  	v26 =	vld [tilespmem:s8+$0x0]  }
0x26f: {  	v16 =	vmax.f32 v16, v10;
	v10 =	vld [tilespmem:s8+$0x10]  }
0x270: {  	v18 =	vmax.f32 v18, v21;
	v21 =	vmax.f32 v9, v11;
	v27 =	vmax.f32 v14, v15;
	v9 =	vld [tilespmem:s8+$0x20]  }
0x271: {  	v15 =	vmax.f32 v17, v19;
	v17 =	vmax.f32 v20, v22;
	v11 =	vld [tilespmem:s8+$0x30];
	v19 =	vmax.f32 v23, v25  }
0x272: {  	v18 =	vmax.f32 v18, v15;
	v14 =	vld [tilespmem:s8+$0x40];
	v17 =	vmax.f32 v17, v19;
	v12 =	vmax.f32 v12, v24  }
0x273: {  	v15 =	vld [tilespmem:s8+$0x50];
	v17 =	vmax.f32 v18, v17;
	v18 =	vmax.f32 v16, v21;
	v19 =	vmax.f32 v27, v12;
	v16 =	vmovc v26  }
0x274: {  	v12 =	vld [tilespmem:s8+$0x60];
	v13 =	vmax.f32 v13, v17;
	v17 =	vmax.f32 v18, v19  }
0x275: {  	v18 =	vld [tilespmem:s8+$0xFFFFFF80];
	v13 =	vmax.f32 v13, v17  }
0x276: {  	v21 =	vld [tilespmem:s8+$0xFFFFFF90]  }
0x277: {  	s7 =	sadd.s32 $0x10, s7;
	v17 =	vld [tilespmem:s8+$0xFFFFFFA0]  }
0x278: {  	p0 =	slt.u32 s7, $0x7F0;
	v19 =	vld [tilespmem:s8+$0xFFFFFFB0]  }
.Ltmp22:
0x279: {  	v20 =	vld [tilespmem:s8+$0xFFFFFFC0];
	(pc) =	sbr.rel @p0 .LBB2_36-.Ltmp22, $4  }
0x27a: {  	v22 =	vld [tilespmem:s8+$0xFFFFFFD0]  }
0x27b: {  	v23 =	vld [tilespmem:s8+$0xFFFFFFE0]  }
0x27c: {  	v25 =	vld [tilespmem:s8+$0xFFFFFFF0]  }
0x27d: {  	v24 =	vld [tilespmem:s8+$0x70];
	s8 =	sadd.s32 $0x100, s8  }
0x27e: {  	_ = 	snop  }
0x27f: {  	v10 =	vmax.f32 v16, v10  }
0x280: {  	v16 =	vmax.f32 v18, v21;
	v9 =	vmax.f32 v9, v11;
	v11 =	vmax.f32 v14, v15  }
0x281: {  	v14 =	vmax.f32 v17, v19;
	v15 =	vmax.f32 v20, v22;
	v17 =	vmax.f32 v23, v25  }
0x282: {  	v14 =	vmax.f32 v16, v14;
	v15 =	vmax.f32 v15, v17;
	v12 =	vmax.f32 v12, v24  }
0x283: {  	v9 =	vmax.f32 v10, v9;
	v14 =	vmax.f32 v14, v15;
	v10 =	vmax.f32 v11, v12  }
0x284: {  	v11 =	vmax.f32 v13, v14;
	v9 =	vmax.f32 v9, v10  }
0x285: {  	v9 =	vmax.f32 v11, v9  }
0x286: {  	v10 =	vperm.xlane v9, v3;
	_ =	sdelay $0x1  }
0x287: {  	v9 =	vmax.f32 v9, v10  }
0x288: {  	v10 =	vperm.xlane v9, v0;
	_ =	sdelay $0x1  }
0x289: {  	v9 =	vmax.f32 v9, v10  }
0x28a: {  	_ =	strace $0x9000004E;
	v10 =	vperm.xlane v9, v1  }
0x28b: {  	_ =	strace $0x8000004F  }
0x28c: {  	s7 =	simm.s32 $0x8040;
	_ =	strace $0x80000050;
	v9 =	vmax.f32 v9, v10  }
0x28d: {  	v12 =	vld [tilespmem:s7+$0xFFFFFFC0];
	v10 =	vperm.xlane v9, v2  }
0x28e: {  	v15 =	vld [tilespmem:s7+$0xFFFFFFD0]  }
0x28f: {  	v18 =	vld [tilespmem:s7+$0xFFFFFFE0];
	v10 =	vmax.f32 v9, v10  }
0x290: {  	v19 =	vld [tilespmem:s7+$0xFFFFFFF0];
	v9 =	vadd.f32 $-1.000000000e+00, v10  }
0x291: {  	v21 =	vld [tilespmem:s7+$0x0]  }
0x292: {  	v11 =	vld [tilespmem:s7+$0x10];
	vm1 =	vgt.f32 v12, v9  }
0x293: {  	v20 =	vlaneseq.u32;
	v17 =	vld [tilespmem:s7+$0x20];
	vm2 =	vgt.f32 v15, v9;
	v13 =	vsel vm1, $0x10, v4  }
0x294: {  	v14 =	vld [tilespmem:s7+$0x30];
	vm3 =	vgt.f32 v18, v9;
	v23 =	vadd.s32 v20, v13;
	v13 =	vsel vm2, $0x10, v4  }
0x295: {  	vm4 =	vgt.f32 v19, v9;
	v24 =	vadd.s32 v23, v13;
	v13 =	vsel vm3, $0x10, v4  }
0x296: {  	s7 =	simm.s32 $0x80C0;
	vm5 =	vgt.f32 v21, v9;
	v16 =	vsel vm4, $0x10, v4;
	v25 =	vadd.s32 v24, v13  }
0x297: {  	vm0 =	vgt.f32 v11, v9;
	v22 =	vsel vm5, $0x10, v4;
	v13 =	vld [tilespmem:s7+$0xFFFFFFC0];
	v26 =	vadd.s32 v25, v16  }
0x298: {  	v16 =	vld [tilespmem:s7+$0xFFFFFFD0];
	[tilespmem:v20+s2+$0x0] =	vst.idx.msk vm1, v12;
	v22 =	vadd.s32 v26, v22;
	v20 =	vsel vm0, $0x10, v4;
	vm1 =	vgt.f32 v17, v9  }
0x299: {  	v12 =	vld [tilespmem:s7+$0xFFFFFFE0];
	[tilespmem:v23+s2+$0x0] =	vst.idx.msk vm2, v15;
	v23 =	vadd.s32 v22, v20;
	v20 =	vsel vm1, $0x10, v4;
	vm2 =	vgt.f32 v14, v9  }
0x29a: {  	v15 =	vld [tilespmem:s7+$0xFFFFFFF0];
	[tilespmem:v24+s2+$0x0] =	vst.idx.msk vm3, v18;
	v24 =	vadd.s32 v23, v20  }
0x29b: {  	v20 =	vsel vm2, $0x10, v4;
	v18 =	vld [tilespmem:s7+$0x0];
	[tilespmem:v25+s2+$0x0] =	vst.idx.msk vm4, v19  }
0x29c: {  	s8 =	simm.s32 $0x8;
	v20 =	vadd.s32 v24, v20;
	vm3 =	vgt.f32 v13, v9;
	v19 =	vld [tilespmem:s7+$0x10];
	[tilespmem:v26+s2+$0x0] =	vst.idx.msk vm5, v21  }
.LBB2_38:
0x29d: {  	s8 =	sadd.s32 $0x8, s8;
	v21 =	vsel vm3, $0x10, v4;
	vm4 =	vgt.f32 v16, v9;
	v25 =	vld [tilespmem:s7+$0x20];
	[tilespmem:v22+s2+$0x0] =	vst.idx.msk vm0, v11;
	v26 =	vmov v16  }
0x29e: {  	p0 =	slt.u32 s8, $0x7F8;
	v21 =	vadd.s32 v20, v21;
	v11 =	vsel vm4, $0x10, v4;
	vm7 =	vgt.f32 v12, v9;
	v27 =	vld [tilespmem:s7+$0x30];
	[tilespmem:v23+s2+$0x0] =	vst.idx.msk vm1, v17  }
0x29f: {  	v17 =	vadd.s32 v21, v11;
	v22 =	vsel vm7, $0x10, v4;
	vm5 =	vgt.f32 v15, v9;
	[tilespmem:v24+s2+$0x0] =	vst.idx.msk vm2, v14  }
0x2a0: {  	s7 =	sadd.s32 $0x80, s7;
	v14 =	vmovc v12;
	v29 =	vmovc v15;
	v28 =	vadd.s32 v17, v22;
	v16 =	vsel vm5, $0x10, v4;
	vm6 =	vgt.f32 v18, v9  }
0x2a1: {  	v32 =	vmovc v18;
	v30 =	vld [tilespmem:s7+$0xFFFFFFC0];
	v31 =	vadd.s32 v28, v16;
	v12 =	vsel vm6, $0x10, v4;
	vm0 =	vgt.f32 v19, v9;
	v11 =	vmovc v19  }
.Ltmp23:
0x2a2: {  	v16 =	vld [tilespmem:s7+$0xFFFFFFD0];
	[tilespmem:v20+s2+$0x0] =	vst.idx.msk vm3, v13;
	v22 =	vadd.s32 v31, v12;
	v13 =	vsel vm0, $0x10, v4;
	vm1 =	vgt.f32 v25, v9;
	(pc) =	sbr.rel @p0 .LBB2_38-.Ltmp23, $4  }
0x2a3: {  	v12 =	vld [tilespmem:s7+$0xFFFFFFE0];
	[tilespmem:v21+s2+$0x0] =	vst.idx.msk vm4, v26;
	v23 =	vadd.s32 v22, v13;
	v13 =	vsel vm1, $0x10, v4;
	vm2 =	vgt.f32 v27, v9  }
0x2a4: {  	v15 =	vld [tilespmem:s7+$0xFFFFFFF0];
	[tilespmem:v17+s2+$0x0] =	vst.idx.msk vm7, v14;
	v24 =	vadd.s32 v23, v13;
	v21 =	vsel vm2, $0x10, v4;
	v17 =	vmovc v25;
	v14 =	vmov v27  }
0x2a5: {  	v18 =	vld [tilespmem:s7+$0x0];
	[tilespmem:v28+s2+$0x0] =	vst.idx.msk vm5, v29;
	v20 =	vadd.s32 v24, v21  }
0x2a6: {  	vm3 =	vgt.f32 v30, v9;
	v19 =	vld [tilespmem:s7+$0x10];
	[tilespmem:v31+s2+$0x0] =	vst.idx.msk vm6, v32;
	v13 =	vmov v30  }
0x2a7: {  	v21 =	vsel vm3, $0x10, v4;
	vm4 =	vgt.f32 v16, v9;
	v26 =	vld [tilespmem:s7+$0x20]  }
0x2a8: {  	v28 =	vld [tilespmem:s7+$0x30];
	v27 =	vadd.s32 v20, v21;
	v21 =	vsel vm4, $0x10, v4;
	vm5 =	vgt.f32 v12, v9  }
0x2a9: {  	v29 =	vadd.s32 v27, v21;
	v21 =	vsel vm5, $0x10, v4;
	vm6 =	vgt.f32 v15, v9  }
0x2aa: {  	v30 =	vadd.s32 v29, v21;
	v21 =	vsel vm6, $0x10, v4;
	vm7 =	vgt.f32 v18, v9  }
0x2ab: {  	v31 =	vadd.s32 v30, v21;
	v21 =	vsel vm7, $0x10, v4;
	vm8 =	vgt.f32 v19, v9  }
0x2ac: {  	v32 =	vadd.s32 v31, v21;
	v21 =	vsel vm8, $0x10, v4;
	vm9 =	vgt.f32 v26, v9  }
0x2ad: {  	vm10 =	vgt.f32 v28, v9;
	v33 =	vadd.s32 v32, v21;
	v21 =	vsel vm9, $0x10, v4  }
0x2ae: {  	v34 =	vadd.s32 v33, v21;
	v21 =	vsel vm10, $0x10, v4  }
0x2af: {  	v21 =	vadd.s32 v34, v21  }
0x2b0: {  	v25 =	vadd.s32 v5, v21  }
0x2b1: {  	v35 =	vperm.xlane v25, v3;
	_ =	sdelay $0x1  }
0x2b2: {  	vm11 =	vgt.s32 v25, v35  }
0x2b3: {  	v36 =	vsel vm11, v25, v35  }
0x2b4: {  	v37 =	vperm.xlane v36, v6  }
0x2b5: {  	v35 =	vsel vm11, v35, v25  }
0x2b6: {  	v38 =	vperm.xlane v35, v6;
	vm15 =	vgt.s32 v36, v37  }
0x2b7: {  	[tilespmem:v22+s2+$0x0] =	vst.idx.msk vm0, v11;
	v11 =	vsel vm15, v36, v37  }
0x2b8: {  	[tilespmem:v23+s2+$0x0] =	vst.idx.msk vm1, v17;
	vm11 =	vlt.s32 v35, v38;
	v59 =	vperm.xlane v11, v7  }
0x2b9: {  	[tilespmem:v24+s2+$0x0] =	vst.idx.msk vm2, v14;
	v60 =	vsel vm11, v35, v38  }
0x2ba: {  	[tilespmem:v20+s2+$0x0] =	vst.idx.msk vm3, v13;
	v61 =	vperm.xlane v60, v7;
	vm12 =	vgt.s32 v11, v59  }
0x2bb: {  	[tilespmem:v27+s2+$0x0] =	vst.idx.msk vm4, v16;
	v11 =	vsel vm12, v11, v59  }
0x2bc: {  	[tilespmem:v29+s2+$0x0] =	vst.idx.msk vm5, v12;
	vm13 =	vlt.s32 v60, v61;
	v62 =	vperm.xlane v11, v8  }
0x2bd: {  	[tilespmem:v30+s2+$0x0] =	vst.idx.msk vm6, v15;
	v13 =	vsel vm13, v60, v61  }
0x2be: {  	[tilespmem:v31+s2+$0x0] =	vst.idx.msk vm7, v18;
	v14 =	vperm.xlane v13, v8;
	vm14 =	vgt.s32 v11, v62  }
0x2bf: {  	[tilespmem:v32+s2+$0x0] =	vst.idx.msk vm8, v19;
	v11 =	vsel vm14, v11, v62  }
0x2c0: {  	[tilespmem:v33+s2+$0x0] =	vst.idx.msk vm9, v26;
	vm15 =	vlt.s32 v13, v14;
	vm0 =	vgt.s32 v11, $0x100  }
0x2c1: {  	[tilespmem:v34+s2+$0x0] =	vst.idx.msk vm10, v28;
	v63 =	vsel vm15, v13, v14;
	v11 =	vnsel vm0, $0x100, v11  }
0x2c2: {  	_ =	strace $0x90000050;
	v13 =	vsub.s32 v11, v63;
	vm0 =	vne.s32 v11, v63  }
0x2c3: {  	(v2sf) =	vpush v13, $0x0;
	v12 =	vsel vm0, $0x1, v4  }
0x2c4: {  	(v2sf) =	vpush v12, $0x0;
	_ =	sdelay $0xd  }
0x2c5: {  	s7 =	spop (v2sf)  }
0x2c6: {  	s8 =	spop (v2sf)  }
0x2c7: {  	p0 =	sne.s32 s8, $0x0;
	s8 =	simm.s32 $0x1  }
0x2c8: {  	s9 =	sshra.s32 s7, $0x1F;
	s8 =	simm.s32 @!p0 $0x0  }
0x2c9: {  	s10 =	sand.u32 $0xF, s7;
	s8 =	sor.u32 s8, s9  }
0x2ca: {  	p1 =	sne.s32 s10, $0x0;
	p6 =	sne.s32 s8, $0x1  }
0x2cb: {  	s10 =	sshrl.u32 s9, $0x1C;
	p0 =	por !p1, !p6  }
0x2cc: {  	s7 =	sadd.s32 s10, s7;
	s8 =	simm.s32 $0x1;
	p0 =	por !p0, !p0  }
0x2cd: {  	s7 =	sshra.s32 s7, $0x4;
	s8 =	simm.s32 @!p0 $0x0  }
0x2ce: {  	s7 =	ssub.s32 s7, s8  }
0x2cf: {  	p0 =	slt.s32 s7, $0x1  }
.Ltmp24:
0x2d0: {  	_ = 	snop;
	(pc) =	sbr.rel @p0 .LBB2_43-.Ltmp24, $1  }
0x2d1: {  	_ =	sdelay $0x3  }
0x2d2: {  	p0 =	sne.s32 s7, $0x1  }
.Ltmp25:
0x2d3: {  	_ = 	snop;
	(pc) =	sbr.rel @!p0 .LBB2_42-.Ltmp25, $2  }
0x2d4: {  	_ =	sdelay $0x2  }
0x2d5: {  	s7 =	sadd.s32 $0xFFFFFFFF, s7;
	vm0 =	vlt.s32 v25, v11;
	v12 =	vmov v21  }
.LBB2_41:
0x2d6: {  	p0 =	sne.s32 s7, $0x1;
	s7 =	sadd.s32 $0xFFFFFFFF, s7;
	v13 =	vsel vm0, $0x10, v4  }
.Ltmp26:
0x2d7: {  	v12 =	vadd.s32 v12, v13;
	(pc) =	sbr.rel @p0 .LBB2_41-.Ltmp26, $3  }
0x2d8: {  	_ =	sdelay $0x1  }
0x2d9: {  	v13 =	vadd.s32 v5, v12  }
0x2da: {  	[tilespmem:v21+s2+$0x0] =	vst.idx.msk vm0, v9;
	vm0 =	vlt.s32 v13, v11;
	v21 =	vmov v12  }
.LBB2_42:
0x2db: {  	_ =	sdelay $0x4  }
0x2dc: {  	[tilespmem:v21+s2+$0x0] =	vst.idx.msk vm0, v9  }
.LBB2_43:
0x2dd: {  	(v2sf) =	vpush v11, $0x0;
	_ =	sdelay $0x1  }
0x2de: {  	v26 =	vld [tilespmem:$0x10000]  }
0x2df: {  	v25 =	vld [tilespmem:$0x10010]  }
0x2e0: {  	v24 =	vld [tilespmem:$0x10020]  }
0x2e1: {  	v23 =	vld [tilespmem:$0x10030]  }
0x2e2: {  	v22 =	vld [tilespmem:$0x10040]  }
0x2e3: {  	v21 =	vld [tilespmem:$0x10050]  }
0x2e4: {  	v20 =	vld [tilespmem:$0x10060]  }
0x2e5: {  	v19 =	vld [tilespmem:$0x10070]  }
0x2e6: {  	v18 =	vld [tilespmem:$0x10080]  }
0x2e7: {  	v17 =	vld [tilespmem:$0x10090]  }
0x2e8: {  	v16 =	vld [tilespmem:$0x100A0]  }
.Ltmp27:
0x2e9: {  	v15 =	vld [tilespmem:$0x100B0];
	(pc) =	sbr.rel .LBB2_44-.Ltmp27, $4  }
0x2ea: {  	v14 =	vld [tilespmem:$0x100C0]  }
0x2eb: {  	v13 =	vld [tilespmem:$0x100D0];
	s9 =	spop (v2sf)  }
0x2ec: {  	v12 =	vld [tilespmem:$0x100E0];
	s8 =	simm.s32 $0x0;
	s7 =	sshrl.u32 s9, $0x4  }
0x2ed: {  	v11 =	vld [tilespmem:$0x100F0];
	_ =	strace $0x80000051;
	p0 =	slt.u32 s9, $0x110;
	s7 =	sadd.s32 $0xFFFFFFF0, s7  }
.LBB2_47:
0x2ee: {  	v29 =	vmax.f32 v29, $0.0e+00  }
0x2ef: {  	v28 =	vadd.f32 v29, v28  }
.LBB2_48:
0x2f0: {  	_ = 	snop  }
0x2f1: {  	v29 =	vperm.xlane v28, v3;
	_ =	sdelay $0x1  }
0x2f2: {  	v28 =	vadd.f32 v29, v28;
	_ =	sdelay $0x1  }
0x2f3: {  	v29 =	vperm.xlane v28, v0;
	_ =	sdelay $0x1  }
0x2f4: {  	v28 =	vadd.f32 v29, v28;
	_ =	sdelay $0x1  }
0x2f5: {  	v29 =	vperm.xlane v28, v1;
	_ =	sdelay $0x1  }
0x2f6: {  	v28 =	vadd.f32 v29, v28  }
0x2f7: {  	s8 =	sadd.s32 $0x1, s8  }
0x2f8: {  	p1 =	sne.s32 s8, $0xF;
	v29 =	vperm.xlane v28, v2  }
.Ltmp28:
0x2f9: {  	_ = 	snop;
	(pc) =	sbr.rel @!p1 .LBB2_49-.Ltmp28, $3  }
0x2fa: {  	v28 =	vadd.f32 v29, v28;
	_ =	sdelay $0x1  }
0x2fb: {  	vm0 =	vge.f32 v28, $1.000000000e+00  }
0x2fc: {  	v9 =	vsel vm0, v27, v9;
	v10 =	vsel vm0, v10, v27  }
.LBB2_44:
0x2fd: {  	v27 =	vadd.f32 v10, v9;
	_ =	sdelay $0x1  }
0x2fe: {  	v27 =	vmul.f32 $5.000000000e-01, v27;
	_ =	sdelay $0x1  }
0x2ff: {  	v28 =	vsub.f32 v26, v27;
	_ =	sdelay $0x1  }
0x300: {  	v29 =	vsub.f32 v25, v27;
	v28 =	vmax.f32 v28, $0.0e+00  }
0x301: {  	v28 =	vadd.f32 $0.0e+00, v28  }
0x302: {  	v30 =	vsub.f32 v24, v27;
	v29 =	vmax.f32 v29, $0.0e+00  }
0x303: {  	v28 =	vadd.f32 v28, v29  }
0x304: {  	v29 =	vmax.f32 v30, $0.0e+00;
	v30 =	vsub.f32 v23, v27  }
0x305: {  	v28 =	vadd.f32 v28, v29  }
0x306: {  	v29 =	vmax.f32 v30, $0.0e+00;
	v30 =	vsub.f32 v22, v27  }
0x307: {  	v28 =	vadd.f32 v28, v29  }
0x308: {  	v29 =	vmax.f32 v30, $0.0e+00;
	v30 =	vsub.f32 v21, v27  }
0x309: {  	v28 =	vadd.f32 v28, v29  }
0x30a: {  	v29 =	vmax.f32 v30, $0.0e+00;
	v30 =	vsub.f32 v20, v27  }
0x30b: {  	v28 =	vadd.f32 v28, v29  }
0x30c: {  	v29 =	vmax.f32 v30, $0.0e+00;
	v30 =	vsub.f32 v19, v27  }
0x30d: {  	v28 =	vadd.f32 v28, v29  }
0x30e: {  	v29 =	vmax.f32 v30, $0.0e+00;
	v30 =	vsub.f32 v18, v27  }
0x30f: {  	v28 =	vadd.f32 v28, v29  }
0x310: {  	v29 =	vmax.f32 v30, $0.0e+00;
	v30 =	vsub.f32 v17, v27  }
0x311: {  	v28 =	vadd.f32 v28, v29  }
0x312: {  	v29 =	vmax.f32 v30, $0.0e+00;
	v30 =	vsub.f32 v16, v27  }
0x313: {  	v28 =	vadd.f32 v28, v29  }
0x314: {  	v29 =	vmax.f32 v30, $0.0e+00;
	v30 =	vsub.f32 v15, v27  }
0x315: {  	v28 =	vadd.f32 v28, v29  }
0x316: {  	v29 =	vmax.f32 v30, $0.0e+00;
	v30 =	vsub.f32 v14, v27  }
0x317: {  	v28 =	vadd.f32 v28, v29  }
0x318: {  	v29 =	vmax.f32 v30, $0.0e+00;
	v30 =	vsub.f32 v13, v27  }
0x319: {  	v28 =	vadd.f32 v28, v29  }
0x31a: {  	v29 =	vmax.f32 v30, $0.0e+00;
	v30 =	vsub.f32 v12, v27  }
.Ltmp29:
0x31b: {  	v28 =	vadd.f32 v28, v29;
	(pc) =	sbr.rel @p0 .LBB2_48-.Ltmp29, $4  }
0x31c: {  	v29 =	vmax.f32 v30, $0.0e+00;
	v30 =	vsub.f32 v11, v27  }
0x31d: {  	v28 =	vadd.f32 v28, v29  }
0x31e: {  	v29 =	vmax.f32 v30, $0.0e+00  }
0x31f: {  	s10 =	simm.s32 $0x10100;
	v28 =	vadd.f32 v28, v29  }
0x320: {  	v29 =	vld [tilespmem:s10+$0x0]  }
0x321: {  	p1 =	sne.s32 s7, $0x1  }
.Ltmp30:
0x322: {  	_ = 	snop;
	(pc) =	sbr.rel @!p1 .LBB2_47-.Ltmp30, $3  }
0x323: {  	_ =	sdelay $0x1  }
0x324: {  	v29 =	vsub.f32 v29, v27  }
0x325: {  	s9 =	sadd.s32 $0xFFFFFFFF, s7;
	s10 =	sadd.s32 $0x10, s10  }
.LBB2_46:
0x326: {  	v30 =	vld [tilespmem:s10+$0x0];
	p1 =	sne.s32 s9, $0x1;
	s9 =	sadd.s32 $0xFFFFFFFF, s9  }
.Ltmp31:
0x327: {  	v29 =	vmax.f32 v29, $0.0e+00;
	(pc) =	sbr.rel @p1 .LBB2_46-.Ltmp31, $2  }
0x328: {  	v28 =	vadd.f32 v29, v28;
	_ =	sdelay $0x2  }
0x329: {  	s10 =	sadd.s32 $0x10, s10;
	v29 =	vsub.f32 v30, v27  }
.Ltmp32:
0x32a: {  	_ = 	snop;
	(pc) =	sbr.rel .LBB2_47-.Ltmp32, $1  }
0x32b: {  	_ =	sdelay $0x3  }
.LBB2_49:
0x32c: {  	v10 =	vadd.f32 $0.0e+00, v26;
	vm0 =	vgt.f32 v26, v9  }
0x32d: {  	vm1 =	vgt.f32 v25, v9;
	v26 =	vsel vm0, $0x3F800000, v4  }
0x32e: {  	v25 =	vnsel vm1, $0x0, v25;
	v27 =	vsel vm1, $0x3F800000, v4;
	v10 =	vnsel vm0, $0x0, v10  }
0x32f: {  	vm14 =	vgt.f32 v24, v9;
	v36 =	vadd.f32 v27, v26;
	v10 =	vadd.f32 v25, v10  }
0x330: {  	v24 =	vnsel vm14, $0x0, v24;
	v37 =	vsel vm14, $0x3F800000, v4  }
0x331: {  	vm15 =	vgt.f32 v23, v9;
	v38 =	vadd.f32 v37, v36;
	v10 =	vadd.f32 v10, v24  }
0x332: {  	v23 =	vnsel vm15, $0x0, v23;
	v39 =	vsel vm15, $0x3F800000, v4  }
0x333: {  	vm4 =	vgt.f32 v22, v9;
	v40 =	vadd.f32 v39, v38;
	v10 =	vadd.f32 v10, v23  }
0x334: {  	v22 =	vnsel vm4, $0x0, v22;
	v41 =	vsel vm4, $0x3F800000, v4  }
0x335: {  	vm5 =	vgt.f32 v21, v9;
	v42 =	vadd.f32 v41, v40;
	v10 =	vadd.f32 v10, v22  }
0x336: {  	v21 =	vnsel vm5, $0x0, v21;
	v43 =	vsel vm5, $0x3F800000, v4  }
0x337: {  	vm6 =	vgt.f32 v20, v9;
	v44 =	vadd.f32 v43, v42;
	v10 =	vadd.f32 v10, v21  }
0x338: {  	v20 =	vnsel vm6, $0x0, v20;
	v45 =	vsel vm6, $0x3F800000, v4  }
0x339: {  	vm7 =	vgt.f32 v19, v9;
	v46 =	vadd.f32 v45, v44;
	v10 =	vadd.f32 v10, v20  }
0x33a: {  	v19 =	vnsel vm7, $0x0, v19;
	v47 =	vsel vm7, $0x3F800000, v4  }
0x33b: {  	vm8 =	vgt.f32 v18, v9;
	v48 =	vadd.f32 v47, v46;
	v10 =	vadd.f32 v10, v19  }
0x33c: {  	v18 =	vnsel vm8, $0x0, v18;
	v49 =	vsel vm8, $0x3F800000, v4  }
0x33d: {  	vm9 =	vgt.f32 v17, v9;
	v50 =	vadd.f32 v49, v48;
	v10 =	vadd.f32 v10, v18  }
0x33e: {  	v17 =	vnsel vm9, $0x0, v17;
	v51 =	vsel vm9, $0x3F800000, v4  }
0x33f: {  	vm10 =	vgt.f32 v16, v9;
	v52 =	vadd.f32 v51, v50;
	v10 =	vadd.f32 v10, v17  }
0x340: {  	v16 =	vnsel vm10, $0x0, v16;
	v53 =	vsel vm10, $0x3F800000, v4  }
0x341: {  	vm11 =	vgt.f32 v15, v9;
	v54 =	vadd.f32 v53, v52;
	v10 =	vadd.f32 v10, v16  }
0x342: {  	v15 =	vnsel vm11, $0x0, v15;
	v55 =	vsel vm11, $0x3F800000, v4  }
0x343: {  	vm12 =	vgt.f32 v14, v9;
	v56 =	vadd.f32 v55, v54;
	v10 =	vadd.f32 v10, v15  }
0x344: {  	v14 =	vnsel vm12, $0x0, v14;
	v57 =	vsel vm12, $0x3F800000, v4  }
0x345: {  	vm13 =	vgt.f32 v13, v9;
	v58 =	vadd.f32 v57, v56;
	v10 =	vadd.f32 v10, v14  }
0x346: {  	v13 =	vnsel vm13, $0x0, v13;
	v59 =	vsel vm13, $0x3F800000, v4  }
.Ltmp33:
0x347: {  	vm14 =	vgt.f32 v12, v9;
	v60 =	vadd.f32 v59, v58;
	v10 =	vadd.f32 v10, v13;
	(pc) =	sbr.rel @p0 .LBB2_53-.Ltmp33, $4  }
0x348: {  	v12 =	vnsel vm14, $0x0, v12;
	v61 =	vsel vm14, $0x3F800000, v4  }
0x349: {  	vm15 =	vgt.f32 v11, v9;
	v62 =	vadd.f32 v61, v60;
	v10 =	vadd.f32 v10, v12  }
0x34a: {  	v11 =	vnsel vm15, $0x0, v11;
	v63 =	vsel vm15, $0x3F800000, v4  }
0x34b: {  	_ =	strace $0x90000051;
	s8 =	simm.s32 $0x10100;
	v10 =	vadd.f32 v10, v11;
	v11 =	vadd.f32 v63, v62  }
0x34c: {  	v12 =	vld [tilespmem:s8+$0x0];
	p0 =	sne.s32 s7, $0x1  }
.Ltmp34:
0x34d: {  	_ = 	snop;
	(pc) =	sbr.rel @!p0 .LBB2_52-.Ltmp34, $2  }
0x34e: {  	_ =	sdelay $0x2  }
0x34f: {  	s7 =	sadd.s32 $0xFFFFFFFF, s7;
	s8 =	sadd.s32 $0x10, s8;
	vm0 =	vgt.f32 v12, v9  }
.LBB2_51:
0x350: {  	p0 =	sne.s32 s7, $0x1;
	s7 =	sadd.s32 $0xFFFFFFFF, s7;
	v13 =	vnsel vm0, $0x0, v12;
	v12 =	vld [tilespmem:s8+$0x0];
	v14 =	vsel vm0, $0x3F800000, v4  }
.Ltmp35:
0x351: {  	v10 =	vadd.f32 v13, v10;
	v11 =	vadd.f32 v14, v11;
	(pc) =	sbr.rel @p0 .LBB2_51-.Ltmp35, $2  }
0x352: {  	_ =	sdelay $0x2  }
0x353: {  	s8 =	sadd.s32 $0x10, s8;
	vm0 =	vgt.f32 v12, v9  }
.LBB2_52:
0x354: {  	v9 =	vnsel vm0, $0x0, v12;
	v63 =	vsel vm0, $0x3F800000, v4  }
0x355: {  	v10 =	vadd.f32 v9, v10;
	v11 =	vadd.f32 v63, v11  }
.LBB2_53:
0x356: {  	_ = 	snop  }
0x357: {  	v9 =	vperm.xlane v11, v3;
	_ =	sdelay $0x1  }
0x358: {  	v9 =	vadd.f32 v9, v11;
	_ =	sdelay $0x1  }
0x359: {  	v11 =	vperm.xlane v9, v6;
	_ =	sdelay $0x1  }
0x35a: {  	v9 =	vadd.f32 v11, v9;
	_ =	sdelay $0x1  }
0x35b: {  	v11 =	vperm.xlane v9, v7;
	_ =	sdelay $0x1  }
0x35c: {  	v9 =	vadd.f32 v11, v9;
	_ =	sdelay $0x1  }
0x35d: {  	v12 =	vperm.xlane v9, v8  }
0x35e: {  	v11 =	vperm.xlane v10, v3  }
0x35f: {  	v9 =	vadd.f32 v12, v9  }
0x360: {  	v10 =	vadd.f32 v11, v10  }
0x361: {  	(erf) = vrcp.f32 v9  }
0x362: {  	v11 =	vperm.xlane v10, v6;
	_ =	sdelay $0x1  }
0x363: {  	v9 =	vadd.f32 v11, v10;
	_ =	sdelay $0x1  }
0x364: {  	v10 =	vperm.xlane v9, v7;
	_ =	sdelay $0x1  }
0x365: {  	v9 =	vadd.f32 v10, v9;
	_ =	sdelay $0x1  }
0x366: {  	v10 =	vperm.xlane v9, v8;
	v11 =	vpop (erf)  }
0x367: {  	s7 =	simm.s32 $0x8080;
	_ =	strace $0x9000004F  }
0x368: {  	v9 =	vadd.f32 v10, v9;
	v10 =	vld [tilespmem:s7+$0x70]  }
0x369: {  	v12 =	vld [tilespmem:s7+$0xFFFFFF90]  }
0x36a: {  	v13 =	vld [tilespmem:s7+$0xFFFFFFA0]  }
0x36b: {  	v9 =	vadd.f32 $-1.000000000e+00, v9;
	v14 =	vld [tilespmem:s7+$0xFFFFFFC0]  }
0x36c: {  	v15 =	vld [tilespmem:s7+$0xFFFFFFD0]  }
0x36d: {  	v9 =	vmul.f32 v11, v9;
	v11 =	vld [tilespmem:s7+$0xFFFFFFB0]  }
0x36e: {  	v16 =	vld [tilespmem:s7+$0xFFFFFFE0]  }
0x36f: {  	v18 =	vld [tilespmem:s7+$0xFFFFFFF0];
	v10 =	vsub.f32 v10, v9  }
0x370: {  	v12 =	vsub.f32 v12, v9  }
0x371: {  	v13 =	vsub.f32 v13, v9;
	v10 =	vmax.f32 v10, $0.0e+00  }
0x372: {  	v17 =	vld [tilespmem:s7+$0x0];
	v11 =	vsub.f32 v11, v9;
	v12 =	vmax.f32 v12, $0.0e+00;
	[tilespmem:s7+$0x70] =	vst v10  }
0x373: {  	[tilespmem:s7+$0xFFFFFF90] =	vst v12;
	v10 =	vmax.f32 v13, $0.0e+00;
	v12 =	vsub.f32 v14, v9;
	v14 =	vld [tilespmem:s7+$0x10];
	v13 =	vsub.f32 v15, v9  }
0x374: {  	v19 =	vld [tilespmem:s7+$0x20];
	v15 =	vsub.f32 v16, v9;
	v16 =	vsub.f32 v18, v9;
	[tilespmem:s7+$0xFFFFFFA0] =	vst v10;
	v10 =	vmax.f32 v11, $0.0e+00  }
0x375: {  	v11 =	vld [tilespmem:s7+$0x30];
	[tilespmem:s7+$0xFFFFFFB0] =	vst v10;
	v10 =	vmax.f32 v12, $0.0e+00  }
0x376: {  	v12 =	vld [tilespmem:s7+$0x40];
	v16 =	vmax.f32 v16, $0.0e+00;
	[tilespmem:s7+$0xFFFFFFC0] =	vst v10  }
0x377: {  	v17 =	vsub.f32 v17, v9;
	v10 =	vmax.f32 v13, $0.0e+00;
	v13 =	vld [tilespmem:s7+$0x50];
	[tilespmem:s7+$0xFFFFFFF0] =	vst v16  }
0x378: {  	[tilespmem:s7+$0xFFFFFFD0] =	vst v10;
	v10 =	vmax.f32 v15, $0.0e+00;
	v15 =	vsub.f32 v14, v9;
	v14 =	vld [tilespmem:s7+$0x60]  }
0x379: {  	s8 =	simm.s32 $0x0;
	s9 =	simm.s32 $0x8180;
	v17 =	vmax.f32 v17, $0.0e+00;
	v16 =	vsub.f32 v19, v9;
	[tilespmem:s7+$0xFFFFFFE0] =	vst v10;
	v10 =	vld [tilespmem:s7+$0xFFFFFF80]  }
.LBB2_54:
0x37a: {  	v18 =	vld [tilespmem:s9+$0x70];
	s8 =	sadd.s32 $0x10, s8;
	[tilespmem:s7+$0x0] =	vst v17;
	v15 =	vmax.f32 v15, $0.0e+00;
	v11 =	vsub.f32 v11, v9  }
0x37b: {  	v17 =	vld [tilespmem:s9+$0xFFFFFF90];
	p0 =	slt.u32 s8, $0xF0;
	[tilespmem:s7+$0x10] =	vst v15;
	v15 =	vmax.f32 v16, $0.0e+00;
	v12 =	vsub.f32 v12, v9  }
0x37c: {  	v16 =	vld [tilespmem:s9+$0xFFFFFFA0];
	[tilespmem:s7+$0x20] =	vst v15;
	v11 =	vmax.f32 v11, $0.0e+00;
	v13 =	vsub.f32 v13, v9  }
0x37d: {  	v15 =	vld [tilespmem:s9+$0xFFFFFFB0];
	[tilespmem:s7+$0x30] =	vst v11;
	v11 =	vmax.f32 v12, $0.0e+00;
	v12 =	vsub.f32 v14, v9  }
0x37e: {  	v14 =	vld [tilespmem:s9+$0xFFFFFFC0];
	v10 =	vsub.f32 v10, v9;
	[tilespmem:s7+$0x40] =	vst v11;
	v11 =	vmax.f32 v13, $0.0e+00  }
0x37f: {  	v13 =	vld [tilespmem:s9+$0xFFFFFFD0];
	v18 =	vsub.f32 v18, v9;
	[tilespmem:s7+$0x50] =	vst v11;
	v11 =	vmax.f32 v12, $0.0e+00  }
0x380: {  	v12 =	vsub.f32 v17, v9;
	v17 =	vld [tilespmem:s9+$0xFFFFFFE0];
	v10 =	vmax.f32 v10, $0.0e+00;
	[tilespmem:s7+$0x60] =	vst v11  }
0x381: {  	v11 =	vsub.f32 v16, v9;
	v16 =	vld [tilespmem:s9+$0xFFFFFFF0];
	v18 =	vmax.f32 v18, $0.0e+00;
	[tilespmem:s7+$0xFFFFFF80] =	vst v10;
	s7 =	smov.u32 s9  }
0x382: {  	v10 =	vmax.f32 v12, $0.0e+00;
	v12 =	vsub.f32 v15, v9;
	v15 =	vld [tilespmem:s9+$0x0];
	[tilespmem:s9+$0x70] =	vst v18  }
0x383: {  	[tilespmem:s9+$0xFFFFFF90] =	vst v10;
	v10 =	vmax.f32 v11, $0.0e+00;
	v11 =	vsub.f32 v14, v9;
	v14 =	vld [tilespmem:s9+$0x10]  }
0x384: {  	[tilespmem:s9+$0xFFFFFFA0] =	vst v10;
	v10 =	vmax.f32 v12, $0.0e+00;
	v12 =	vsub.f32 v13, v9;
	v18 =	vld [tilespmem:s9+$0x20]  }
.Ltmp36:
0x385: {  	[tilespmem:s9+$0xFFFFFFB0] =	vst v10;
	v10 =	vmax.f32 v11, $0.0e+00;
	v13 =	vsub.f32 v17, v9;
	v11 =	vld [tilespmem:s9+$0x30];
	(pc) =	sbr.rel @p0 .LBB2_54-.Ltmp36, $4  }
0x386: {  	[tilespmem:s9+$0xFFFFFFC0] =	vst v10;
	v10 =	vmax.f32 v12, $0.0e+00;
	v16 =	vsub.f32 v16, v9;
	v12 =	vld [tilespmem:s9+$0x40]  }
0x387: {  	[tilespmem:s9+$0xFFFFFFD0] =	vst v10;
	v10 =	vmax.f32 v13, $0.0e+00;
	v17 =	vsub.f32 v15, v9;
	v13 =	vld [tilespmem:s9+$0x50]  }
0x388: {  	[tilespmem:s9+$0xFFFFFFE0] =	vst v10;
	v16 =	vmax.f32 v16, $0.0e+00;
	v15 =	vsub.f32 v14, v9;
	v14 =	vld [tilespmem:s9+$0x60]  }
0x389: {  	s9 =	sadd.s32 $0x100, s9;
	v10 =	vld [tilespmem:s7+$0xFFFFFF80];
	[tilespmem:s7+$0xFFFFFFF0] =	vst v16;
	v17 =	vmax.f32 v17, $0.0e+00;
	v16 =	vsub.f32 v18, v9  }
0x38a: {  	[tilespmem:s7+$0x0] =	vst v17;
	v15 =	vmax.f32 v15, $0.0e+00;
	v11 =	vsub.f32 v11, v9  }
0x38b: {  	[tilespmem:s7+$0x10] =	vst v15;
	v15 =	vmax.f32 v16, $0.0e+00;
	v12 =	vsub.f32 v12, v9  }
0x38c: {  	[tilespmem:s7+$0x20] =	vst v15;
	v11 =	vmax.f32 v11, $0.0e+00;
	v13 =	vsub.f32 v13, v9  }
0x38d: {  	[tilespmem:s7+$0x30] =	vst v11;
	v11 =	vmax.f32 v12, $0.0e+00;
	v12 =	vsub.f32 v14, v9  }
0x38e: {  	v10 =	vsub.f32 v10, v9;
	[tilespmem:s7+$0x40] =	vst v11;
	v11 =	vmax.f32 v13, $0.0e+00  }
0x38f: {  	[tilespmem:s7+$0x50] =	vst v11;
	v11 =	vmax.f32 v12, $0.0e+00  }
0x390: {  	v10 =	vmax.f32 v10, $0.0e+00;
	[tilespmem:s7+$0x60] =	vst v11  }
0x391: {  	[tilespmem:s7+$0xFFFFFF80] =	vst v10;
	s7 =	simm.s32 $0x90F0  }
0x392: {  	[hbm4b:s12+s29] =	stream.strided.scatter [tilespmem:s30], [sflag:$0x1], $0x1000, s18, s29, $0x38;
	[tilespmem:$0x18080] =	vst v63  }
0x393: {  	v10 =	vld [tilespmem:s7+$0x0]  }
0x394: {  	v11 =	vld [tilespmem:s7+$0xFFFFFF20]  }
0x395: {  	v12 =	vld [tilespmem:s7+$0xFFFFFF30]  }
0x396: {  	v13 =	vld [tilespmem:s7+$0xFFFFFF40]  }
0x397: {  	v14 =	vld [tilespmem:s7+$0xFFFFFF50]  }
0x398: {  	v15 =	vld [tilespmem:s7+$0xFFFFFF60]  }
0x399: {  	v16 =	vld [tilespmem:s7+$0xFFFFFF70];
	v10 =	vsub.f32 v10, v9  }
0x39a: {  	v18 =	vld [tilespmem:s7+$0xFFFFFF80];
	v11 =	vsub.f32 v11, v9  }
0x39b: {  	v12 =	vsub.f32 v12, v9;
	v10 =	vmax.f32 v10, $0.0e+00  }
0x39c: {  	v17 =	vld [tilespmem:s7+$0xFFFFFF90];
	v13 =	vsub.f32 v13, v9;
	v11 =	vmax.f32 v11, $0.0e+00;
	[tilespmem:s7+$0x0] =	vst v10  }
0x39d: {  	[tilespmem:s7+$0xFFFFFF20] =	vst v11;
	v10 =	vmax.f32 v12, $0.0e+00;
	v11 =	vsub.f32 v14, v9;
	v14 =	vld [tilespmem:s7+$0xFFFFFFA0]  }
0x39e: {  	v19 =	vld [tilespmem:s7+$0xFFFFFFB0];
	v12 =	vsub.f32 v15, v9;
	[tilespmem:s7+$0xFFFFFF30] =	vst v10;
	v10 =	vmax.f32 v13, $0.0e+00  }
0x39f: {  	v15 =	vsub.f32 v18, v9;
	v13 =	vsub.f32 v16, v9;
	[tilespmem:s7+$0xFFFFFF40] =	vst v10;
	v10 =	vmax.f32 v11, $0.0e+00;
	v11 =	vld [tilespmem:s7+$0xFFFFFFC0]  }
0x3a0: {  	[tilespmem:s7+$0xFFFFFF50] =	vst v10;
	v10 =	vmax.f32 v12, $0.0e+00;
	v12 =	vld [tilespmem:s7+$0xFFFFFFD0]  }
0x3a1: {  	v16 =	vsub.f32 v17, v9;
	v17 =	vmax.f32 v15, $0.0e+00;
	[tilespmem:s7+$0xFFFFFF60] =	vst v10;
	v10 =	vmax.f32 v13, $0.0e+00;
	v13 =	vld [tilespmem:s7+$0xFFFFFFE0]  }
0x3a2: {  	[tilespmem:s7+$0xFFFFFF80] =	vst v17;
	v15 =	vsub.f32 v14, v9;
	v14 =	vld [tilespmem:s7+$0xFFFFFFF0]  }
0x3a3: {  	s8 =	simm.s32 $0x100;
	s9 =	simm.s32 $0x91F0;
	v17 =	vmax.f32 v16, $0.0e+00;
	v16 =	vsub.f32 v19, v9;
	[tilespmem:s7+$0xFFFFFF70] =	vst v10;
	v10 =	vld [tilespmem:s7+$0xFFFFFF10]  }
.LBB2_56:
0x3a4: {  	v18 =	vld [tilespmem:s9+$0x0];
	s8 =	sadd.s32 $0x10, s8;
	[tilespmem:s7+$0xFFFFFF90] =	vst v17;
	v15 =	vmax.f32 v15, $0.0e+00;
	v11 =	vsub.f32 v11, v9  }
0x3a5: {  	v17 =	vld [tilespmem:s9+$0xFFFFFF20];
	p0 =	slt.u32 s8, $0x1F0;
	[tilespmem:s7+$0xFFFFFFA0] =	vst v15;
	v15 =	vmax.f32 v16, $0.0e+00;
	v12 =	vsub.f32 v12, v9  }
0x3a6: {  	v16 =	vld [tilespmem:s9+$0xFFFFFF30];
	[tilespmem:s7+$0xFFFFFFB0] =	vst v15;
	v11 =	vmax.f32 v11, $0.0e+00;
	v13 =	vsub.f32 v13, v9  }
0x3a7: {  	v15 =	vld [tilespmem:s9+$0xFFFFFF40];
	[tilespmem:s7+$0xFFFFFFC0] =	vst v11;
	v11 =	vmax.f32 v12, $0.0e+00;
	v12 =	vsub.f32 v14, v9  }
0x3a8: {  	v14 =	vld [tilespmem:s9+$0xFFFFFF50];
	v10 =	vsub.f32 v10, v9;
	[tilespmem:s7+$0xFFFFFFD0] =	vst v11;
	v11 =	vmax.f32 v13, $0.0e+00  }
0x3a9: {  	v13 =	vld [tilespmem:s9+$0xFFFFFF60];
	v18 =	vsub.f32 v18, v9;
	[tilespmem:s7+$0xFFFFFFE0] =	vst v11;
	v11 =	vmax.f32 v12, $0.0e+00  }
0x3aa: {  	v12 =	vsub.f32 v17, v9;
	v17 =	vld [tilespmem:s9+$0xFFFFFF70];
	v10 =	vmax.f32 v10, $0.0e+00;
	[tilespmem:s7+$0xFFFFFFF0] =	vst v11  }
0x3ab: {  	v11 =	vsub.f32 v16, v9;
	v16 =	vld [tilespmem:s9+$0xFFFFFF80];
	v18 =	vmax.f32 v18, $0.0e+00;
	[tilespmem:s7+$0xFFFFFF10] =	vst v10;
	s7 =	smov.u32 s9  }
0x3ac: {  	v10 =	vmax.f32 v12, $0.0e+00;
	v12 =	vsub.f32 v15, v9;
	v15 =	vld [tilespmem:s9+$0xFFFFFF90];
	[tilespmem:s9+$0x0] =	vst v18  }
0x3ad: {  	[tilespmem:s9+$0xFFFFFF20] =	vst v10;
	v10 =	vmax.f32 v11, $0.0e+00;
	v11 =	vsub.f32 v14, v9;
	v14 =	vld [tilespmem:s9+$0xFFFFFFA0]  }
0x3ae: {  	[tilespmem:s9+$0xFFFFFF30] =	vst v10;
	v10 =	vmax.f32 v12, $0.0e+00;
	v12 =	vsub.f32 v13, v9;
	v18 =	vld [tilespmem:s9+$0xFFFFFFB0]  }
.Ltmp37:
0x3af: {  	[tilespmem:s9+$0xFFFFFF40] =	vst v10;
	v10 =	vmax.f32 v11, $0.0e+00;
	v13 =	vsub.f32 v17, v9;
	v11 =	vld [tilespmem:s9+$0xFFFFFFC0];
	(pc) =	sbr.rel @p0 .LBB2_56-.Ltmp37, $4  }
0x3b0: {  	[tilespmem:s9+$0xFFFFFF50] =	vst v10;
	v10 =	vmax.f32 v12, $0.0e+00;
	v16 =	vsub.f32 v16, v9;
	v12 =	vld [tilespmem:s9+$0xFFFFFFD0]  }
0x3b1: {  	[tilespmem:s9+$0xFFFFFF60] =	vst v10;
	v10 =	vmax.f32 v13, $0.0e+00;
	v17 =	vsub.f32 v15, v9;
	v13 =	vld [tilespmem:s9+$0xFFFFFFE0]  }
0x3b2: {  	[tilespmem:s9+$0xFFFFFF70] =	vst v10;
	v16 =	vmax.f32 v16, $0.0e+00;
	v15 =	vsub.f32 v14, v9;
	v14 =	vld [tilespmem:s9+$0xFFFFFFF0]  }
0x3b3: {  	s9 =	sadd.s32 $0x100, s9;
	v10 =	vld [tilespmem:s7+$0xFFFFFF10];
	[tilespmem:s7+$0xFFFFFF80] =	vst v16;
	v17 =	vmax.f32 v17, $0.0e+00;
	v16 =	vsub.f32 v18, v9  }
0x3b4: {  	[tilespmem:s7+$0xFFFFFF90] =	vst v17;
	v15 =	vmax.f32 v15, $0.0e+00;
	v11 =	vsub.f32 v11, v9  }
0x3b5: {  	[tilespmem:s7+$0xFFFFFFA0] =	vst v15;
	v15 =	vmax.f32 v16, $0.0e+00;
	v12 =	vsub.f32 v12, v9  }
0x3b6: {  	[tilespmem:s7+$0xFFFFFFB0] =	vst v15;
	v11 =	vmax.f32 v11, $0.0e+00;
	v13 =	vsub.f32 v13, v9  }
0x3b7: {  	[tilespmem:s7+$0xFFFFFFC0] =	vst v11;
	v11 =	vmax.f32 v12, $0.0e+00;
	v12 =	vsub.f32 v14, v9  }
0x3b8: {  	v10 =	vsub.f32 v10, v9;
	[tilespmem:s7+$0xFFFFFFD0] =	vst v11;
	v11 =	vmax.f32 v13, $0.0e+00  }
0x3b9: {  	[tilespmem:s7+$0xFFFFFFE0] =	vst v11;
	v11 =	vmax.f32 v12, $0.0e+00  }
0x3ba: {  	v10 =	vmax.f32 v10, $0.0e+00;
	[tilespmem:s7+$0xFFFFFFF0] =	vst v11  }
0x3bb: {  	s10 =	simm.s32 $0x9000;
	[tilespmem:s7+$0xFFFFFF10] =	vst v10;
	s7 =	simm.s32 $0xA0F0  }
0x3bc: {  	[hbm4b:s13+s29] =	stream.strided.scatter [tilespmem:s10], [sflag:$0x2], $0x1000, s18, s29, $0x38;
	[tilespmem:$0x18080] =	vst v63  }
0x3bd: {  	v10 =	vld [tilespmem:s7+$0x0]  }
0x3be: {  	v11 =	vld [tilespmem:s7+$0xFFFFFF20]  }
0x3bf: {  	v12 =	vld [tilespmem:s7+$0xFFFFFF30]  }
0x3c0: {  	v13 =	vld [tilespmem:s7+$0xFFFFFF40]  }
0x3c1: {  	v14 =	vld [tilespmem:s7+$0xFFFFFF50]  }
0x3c2: {  	v15 =	vld [tilespmem:s7+$0xFFFFFF60]  }
0x3c3: {  	v16 =	vld [tilespmem:s7+$0xFFFFFF70];
	v10 =	vsub.f32 v10, v9  }
0x3c4: {  	v18 =	vld [tilespmem:s7+$0xFFFFFF80];
	v11 =	vsub.f32 v11, v9  }
0x3c5: {  	v12 =	vsub.f32 v12, v9;
	v10 =	vmax.f32 v10, $0.0e+00  }
0x3c6: {  	v17 =	vld [tilespmem:s7+$0xFFFFFF90];
	v13 =	vsub.f32 v13, v9;
	v11 =	vmax.f32 v11, $0.0e+00;
	[tilespmem:s7+$0x0] =	vst v10  }
0x3c7: {  	[tilespmem:s7+$0xFFFFFF20] =	vst v11;
	v10 =	vmax.f32 v12, $0.0e+00;
	v11 =	vsub.f32 v14, v9;
	v14 =	vld [tilespmem:s7+$0xFFFFFFA0]  }
0x3c8: {  	v19 =	vld [tilespmem:s7+$0xFFFFFFB0];
	v12 =	vsub.f32 v15, v9;
	[tilespmem:s7+$0xFFFFFF30] =	vst v10;
	v10 =	vmax.f32 v13, $0.0e+00  }
0x3c9: {  	v15 =	vsub.f32 v18, v9;
	v13 =	vsub.f32 v16, v9;
	[tilespmem:s7+$0xFFFFFF40] =	vst v10;
	v10 =	vmax.f32 v11, $0.0e+00;
	v11 =	vld [tilespmem:s7+$0xFFFFFFC0]  }
0x3ca: {  	[tilespmem:s7+$0xFFFFFF50] =	vst v10;
	v10 =	vmax.f32 v12, $0.0e+00;
	v12 =	vld [tilespmem:s7+$0xFFFFFFD0]  }
0x3cb: {  	v16 =	vsub.f32 v17, v9;
	v17 =	vmax.f32 v15, $0.0e+00;
	[tilespmem:s7+$0xFFFFFF60] =	vst v10;
	v10 =	vmax.f32 v13, $0.0e+00;
	v13 =	vld [tilespmem:s7+$0xFFFFFFE0]  }
0x3cc: {  	[tilespmem:s7+$0xFFFFFF80] =	vst v17;
	v15 =	vsub.f32 v14, v9;
	v14 =	vld [tilespmem:s7+$0xFFFFFFF0]  }
0x3cd: {  	s8 =	simm.s32 $0x200;
	s9 =	simm.s32 $0xA1F0;
	v17 =	vmax.f32 v16, $0.0e+00;
	v16 =	vsub.f32 v19, v9;
	[tilespmem:s7+$0xFFFFFF70] =	vst v10;
	v10 =	vld [tilespmem:s7+$0xFFFFFF10]  }
.LBB2_58:
0x3ce: {  	v18 =	vld [tilespmem:s9+$0x0];
	s8 =	sadd.s32 $0x10, s8;
	[tilespmem:s7+$0xFFFFFF90] =	vst v17;
	v15 =	vmax.f32 v15, $0.0e+00;
	v11 =	vsub.f32 v11, v9  }
0x3cf: {  	v17 =	vld [tilespmem:s9+$0xFFFFFF20];
	p0 =	slt.u32 s8, $0x2F0;
	[tilespmem:s7+$0xFFFFFFA0] =	vst v15;
	v15 =	vmax.f32 v16, $0.0e+00;
	v12 =	vsub.f32 v12, v9  }
0x3d0: {  	v16 =	vld [tilespmem:s9+$0xFFFFFF30];
	[tilespmem:s7+$0xFFFFFFB0] =	vst v15;
	v11 =	vmax.f32 v11, $0.0e+00;
	v13 =	vsub.f32 v13, v9  }
0x3d1: {  	v15 =	vld [tilespmem:s9+$0xFFFFFF40];
	[tilespmem:s7+$0xFFFFFFC0] =	vst v11;
	v11 =	vmax.f32 v12, $0.0e+00;
	v12 =	vsub.f32 v14, v9  }
0x3d2: {  	v14 =	vld [tilespmem:s9+$0xFFFFFF50];
	v10 =	vsub.f32 v10, v9;
	[tilespmem:s7+$0xFFFFFFD0] =	vst v11;
	v11 =	vmax.f32 v13, $0.0e+00  }
0x3d3: {  	v13 =	vld [tilespmem:s9+$0xFFFFFF60];
	v18 =	vsub.f32 v18, v9;
	[tilespmem:s7+$0xFFFFFFE0] =	vst v11;
	v11 =	vmax.f32 v12, $0.0e+00  }
0x3d4: {  	v12 =	vsub.f32 v17, v9;
	v17 =	vld [tilespmem:s9+$0xFFFFFF70];
	v10 =	vmax.f32 v10, $0.0e+00;
	[tilespmem:s7+$0xFFFFFFF0] =	vst v11  }
0x3d5: {  	v11 =	vsub.f32 v16, v9;
	v16 =	vld [tilespmem:s9+$0xFFFFFF80];
	v18 =	vmax.f32 v18, $0.0e+00;
	[tilespmem:s7+$0xFFFFFF10] =	vst v10;
	s7 =	smov.u32 s9  }
0x3d6: {  	v10 =	vmax.f32 v12, $0.0e+00;
	v12 =	vsub.f32 v15, v9;
	v15 =	vld [tilespmem:s9+$0xFFFFFF90];
	[tilespmem:s9+$0x0] =	vst v18  }
0x3d7: {  	[tilespmem:s9+$0xFFFFFF20] =	vst v10;
	v10 =	vmax.f32 v11, $0.0e+00;
	v11 =	vsub.f32 v14, v9;
	v14 =	vld [tilespmem:s9+$0xFFFFFFA0]  }
0x3d8: {  	[tilespmem:s9+$0xFFFFFF30] =	vst v10;
	v10 =	vmax.f32 v12, $0.0e+00;
	v12 =	vsub.f32 v13, v9;
	v18 =	vld [tilespmem:s9+$0xFFFFFFB0]  }
.Ltmp38:
0x3d9: {  	[tilespmem:s9+$0xFFFFFF40] =	vst v10;
	v10 =	vmax.f32 v11, $0.0e+00;
	v13 =	vsub.f32 v17, v9;
	v11 =	vld [tilespmem:s9+$0xFFFFFFC0];
	(pc) =	sbr.rel @p0 .LBB2_58-.Ltmp38, $4  }
0x3da: {  	[tilespmem:s9+$0xFFFFFF50] =	vst v10;
	v10 =	vmax.f32 v12, $0.0e+00;
	v16 =	vsub.f32 v16, v9;
	v12 =	vld [tilespmem:s9+$0xFFFFFFD0]  }
0x3db: {  	[tilespmem:s9+$0xFFFFFF60] =	vst v10;
	v10 =	vmax.f32 v13, $0.0e+00;
	v17 =	vsub.f32 v15, v9;
	v13 =	vld [tilespmem:s9+$0xFFFFFFE0]  }
0x3dc: {  	[tilespmem:s9+$0xFFFFFF70] =	vst v10;
	v16 =	vmax.f32 v16, $0.0e+00;
	v15 =	vsub.f32 v14, v9;
	v14 =	vld [tilespmem:s9+$0xFFFFFFF0]  }
0x3dd: {  	s9 =	sadd.s32 $0x100, s9;
	v10 =	vld [tilespmem:s7+$0xFFFFFF10];
	[tilespmem:s7+$0xFFFFFF80] =	vst v16;
	v17 =	vmax.f32 v17, $0.0e+00;
	v16 =	vsub.f32 v18, v9  }
0x3de: {  	[tilespmem:s7+$0xFFFFFF90] =	vst v17;
	v15 =	vmax.f32 v15, $0.0e+00;
	v11 =	vsub.f32 v11, v9  }
0x3df: {  	[tilespmem:s7+$0xFFFFFFA0] =	vst v15;
	v15 =	vmax.f32 v16, $0.0e+00;
	v12 =	vsub.f32 v12, v9  }
0x3e0: {  	[tilespmem:s7+$0xFFFFFFB0] =	vst v15;
	v11 =	vmax.f32 v11, $0.0e+00;
	v13 =	vsub.f32 v13, v9  }
0x3e1: {  	[tilespmem:s7+$0xFFFFFFC0] =	vst v11;
	v11 =	vmax.f32 v12, $0.0e+00;
	v12 =	vsub.f32 v14, v9  }
0x3e2: {  	v10 =	vsub.f32 v10, v9;
	[tilespmem:s7+$0xFFFFFFD0] =	vst v11;
	v11 =	vmax.f32 v13, $0.0e+00  }
0x3e3: {  	[tilespmem:s7+$0xFFFFFFE0] =	vst v11;
	v11 =	vmax.f32 v12, $0.0e+00  }
0x3e4: {  	v10 =	vmax.f32 v10, $0.0e+00;
	[tilespmem:s7+$0xFFFFFFF0] =	vst v11  }
0x3e5: {  	s10 =	simm.s32 $0xA000;
	[tilespmem:s7+$0xFFFFFF10] =	vst v10;
	s7 =	simm.s32 $0xB0F0  }
0x3e6: {  	[hbm4b:s14+s29] =	stream.strided.scatter [tilespmem:s10], [sflag:$0x3], $0x1000, s18, s29, $0x38;
	[tilespmem:$0x18080] =	vst v63  }
0x3e7: {  	v10 =	vld [tilespmem:s7+$0x0]  }
0x3e8: {  	v11 =	vld [tilespmem:s7+$0xFFFFFF20]  }
0x3e9: {  	v12 =	vld [tilespmem:s7+$0xFFFFFF30]  }
0x3ea: {  	v13 =	vld [tilespmem:s7+$0xFFFFFF40]  }
0x3eb: {  	v14 =	vld [tilespmem:s7+$0xFFFFFF50]  }
0x3ec: {  	v15 =	vld [tilespmem:s7+$0xFFFFFF60]  }
0x3ed: {  	v16 =	vld [tilespmem:s7+$0xFFFFFF70];
	v10 =	vsub.f32 v10, v9  }
0x3ee: {  	v18 =	vld [tilespmem:s7+$0xFFFFFF80];
	v11 =	vsub.f32 v11, v9  }
0x3ef: {  	v12 =	vsub.f32 v12, v9;
	v10 =	vmax.f32 v10, $0.0e+00  }
0x3f0: {  	v17 =	vld [tilespmem:s7+$0xFFFFFF90];
	v13 =	vsub.f32 v13, v9;
	v11 =	vmax.f32 v11, $0.0e+00;
	[tilespmem:s7+$0x0] =	vst v10  }
0x3f1: {  	[tilespmem:s7+$0xFFFFFF20] =	vst v11;
	v10 =	vmax.f32 v12, $0.0e+00;
	v11 =	vsub.f32 v14, v9;
	v14 =	vld [tilespmem:s7+$0xFFFFFFA0]  }
0x3f2: {  	v19 =	vld [tilespmem:s7+$0xFFFFFFB0];
	v12 =	vsub.f32 v15, v9;
	[tilespmem:s7+$0xFFFFFF30] =	vst v10;
	v10 =	vmax.f32 v13, $0.0e+00  }
0x3f3: {  	v15 =	vsub.f32 v18, v9;
	v13 =	vsub.f32 v16, v9;
	[tilespmem:s7+$0xFFFFFF40] =	vst v10;
	v10 =	vmax.f32 v11, $0.0e+00;
	v11 =	vld [tilespmem:s7+$0xFFFFFFC0]  }
0x3f4: {  	[tilespmem:s7+$0xFFFFFF50] =	vst v10;
	v10 =	vmax.f32 v12, $0.0e+00;
	v12 =	vld [tilespmem:s7+$0xFFFFFFD0]  }
0x3f5: {  	v16 =	vsub.f32 v17, v9;
	v17 =	vmax.f32 v15, $0.0e+00;
	[tilespmem:s7+$0xFFFFFF60] =	vst v10;
	v10 =	vmax.f32 v13, $0.0e+00;
	v13 =	vld [tilespmem:s7+$0xFFFFFFE0]  }
0x3f6: {  	[tilespmem:s7+$0xFFFFFF80] =	vst v17;
	v15 =	vsub.f32 v14, v9;
	v14 =	vld [tilespmem:s7+$0xFFFFFFF0]  }
0x3f7: {  	s8 =	simm.s32 $0x300;
	s9 =	simm.s32 $0xB1F0;
	v17 =	vmax.f32 v16, $0.0e+00;
	v16 =	vsub.f32 v19, v9;
	[tilespmem:s7+$0xFFFFFF70] =	vst v10;
	v10 =	vld [tilespmem:s7+$0xFFFFFF10]  }
.LBB2_60:
0x3f8: {  	v18 =	vld [tilespmem:s9+$0x0];
	s8 =	sadd.s32 $0x10, s8;
	[tilespmem:s7+$0xFFFFFF90] =	vst v17;
	v15 =	vmax.f32 v15, $0.0e+00;
	v11 =	vsub.f32 v11, v9  }
0x3f9: {  	v17 =	vld [tilespmem:s9+$0xFFFFFF20];
	p0 =	slt.u32 s8, $0x3F0;
	[tilespmem:s7+$0xFFFFFFA0] =	vst v15;
	v15 =	vmax.f32 v16, $0.0e+00;
	v12 =	vsub.f32 v12, v9  }
0x3fa: {  	v16 =	vld [tilespmem:s9+$0xFFFFFF30];
	[tilespmem:s7+$0xFFFFFFB0] =	vst v15;
	v11 =	vmax.f32 v11, $0.0e+00;
	v13 =	vsub.f32 v13, v9  }
0x3fb: {  	v15 =	vld [tilespmem:s9+$0xFFFFFF40];
	[tilespmem:s7+$0xFFFFFFC0] =	vst v11;
	v11 =	vmax.f32 v12, $0.0e+00;
	v12 =	vsub.f32 v14, v9  }
0x3fc: {  	v14 =	vld [tilespmem:s9+$0xFFFFFF50];
	v10 =	vsub.f32 v10, v9;
	[tilespmem:s7+$0xFFFFFFD0] =	vst v11;
	v11 =	vmax.f32 v13, $0.0e+00  }
0x3fd: {  	v13 =	vld [tilespmem:s9+$0xFFFFFF60];
	v18 =	vsub.f32 v18, v9;
	[tilespmem:s7+$0xFFFFFFE0] =	vst v11;
	v11 =	vmax.f32 v12, $0.0e+00  }
0x3fe: {  	v12 =	vsub.f32 v17, v9;
	v17 =	vld [tilespmem:s9+$0xFFFFFF70];
	v10 =	vmax.f32 v10, $0.0e+00;
	[tilespmem:s7+$0xFFFFFFF0] =	vst v11  }
0x3ff: {  	v11 =	vsub.f32 v16, v9;
	v16 =	vld [tilespmem:s9+$0xFFFFFF80];
	v18 =	vmax.f32 v18, $0.0e+00;
	[tilespmem:s7+$0xFFFFFF10] =	vst v10;
	s7 =	smov.u32 s9  }
0x400: {  	v10 =	vmax.f32 v12, $0.0e+00;
	v12 =	vsub.f32 v15, v9;
	v15 =	vld [tilespmem:s9+$0xFFFFFF90];
	[tilespmem:s9+$0x0] =	vst v18  }
0x401: {  	[tilespmem:s9+$0xFFFFFF20] =	vst v10;
	v10 =	vmax.f32 v11, $0.0e+00;
	v11 =	vsub.f32 v14, v9;
	v14 =	vld [tilespmem:s9+$0xFFFFFFA0]  }
0x402: {  	[tilespmem:s9+$0xFFFFFF30] =	vst v10;
	v10 =	vmax.f32 v12, $0.0e+00;
	v12 =	vsub.f32 v13, v9;
	v18 =	vld [tilespmem:s9+$0xFFFFFFB0]  }
.Ltmp39:
0x403: {  	[tilespmem:s9+$0xFFFFFF40] =	vst v10;
	v10 =	vmax.f32 v11, $0.0e+00;
	v13 =	vsub.f32 v17, v9;
	v11 =	vld [tilespmem:s9+$0xFFFFFFC0];
	(pc) =	sbr.rel @p0 .LBB2_60-.Ltmp39, $4  }
0x404: {  	[tilespmem:s9+$0xFFFFFF50] =	vst v10;
	v10 =	vmax.f32 v12, $0.0e+00;
	v16 =	vsub.f32 v16, v9;
	v12 =	vld [tilespmem:s9+$0xFFFFFFD0]  }
0x405: {  	[tilespmem:s9+$0xFFFFFF60] =	vst v10;
	v10 =	vmax.f32 v13, $0.0e+00;
	v17 =	vsub.f32 v15, v9;
	v13 =	vld [tilespmem:s9+$0xFFFFFFE0]  }
0x406: {  	[tilespmem:s9+$0xFFFFFF70] =	vst v10;
	v16 =	vmax.f32 v16, $0.0e+00;
	v15 =	vsub.f32 v14, v9;
	v14 =	vld [tilespmem:s9+$0xFFFFFFF0]  }
0x407: {  	s9 =	sadd.s32 $0x100, s9;
	v10 =	vld [tilespmem:s7+$0xFFFFFF10];
	[tilespmem:s7+$0xFFFFFF80] =	vst v16;
	v17 =	vmax.f32 v17, $0.0e+00;
	v16 =	vsub.f32 v18, v9  }
0x408: {  	[tilespmem:s7+$0xFFFFFF90] =	vst v17;
	v15 =	vmax.f32 v15, $0.0e+00;
	v11 =	vsub.f32 v11, v9  }
0x409: {  	[tilespmem:s7+$0xFFFFFFA0] =	vst v15;
	v15 =	vmax.f32 v16, $0.0e+00;
	v12 =	vsub.f32 v12, v9  }
0x40a: {  	[tilespmem:s7+$0xFFFFFFB0] =	vst v15;
	v11 =	vmax.f32 v11, $0.0e+00;
	v13 =	vsub.f32 v13, v9  }
0x40b: {  	[tilespmem:s7+$0xFFFFFFC0] =	vst v11;
	v11 =	vmax.f32 v12, $0.0e+00;
	v12 =	vsub.f32 v14, v9  }
0x40c: {  	v10 =	vsub.f32 v10, v9;
	[tilespmem:s7+$0xFFFFFFD0] =	vst v11;
	v11 =	vmax.f32 v13, $0.0e+00  }
0x40d: {  	[tilespmem:s7+$0xFFFFFFE0] =	vst v11;
	v11 =	vmax.f32 v12, $0.0e+00  }
0x40e: {  	v10 =	vmax.f32 v10, $0.0e+00;
	[tilespmem:s7+$0xFFFFFFF0] =	vst v11  }
0x40f: {  	s10 =	simm.s32 $0xB000;
	[tilespmem:s7+$0xFFFFFF10] =	vst v10;
	s7 =	simm.s32 $0xC0F0  }
0x410: {  	[hbm4b:s15+s29] =	stream.strided.scatter [tilespmem:s10], [sflag:$0x4], $0x1000, s18, s29, $0x38;
	[tilespmem:$0x18080] =	vst v63  }
0x411: {  	v10 =	vld [tilespmem:s7+$0x0]  }
0x412: {  	v11 =	vld [tilespmem:s7+$0xFFFFFF20]  }
0x413: {  	v12 =	vld [tilespmem:s7+$0xFFFFFF30]  }
0x414: {  	v13 =	vld [tilespmem:s7+$0xFFFFFF40]  }
0x415: {  	v14 =	vld [tilespmem:s7+$0xFFFFFF50]  }
0x416: {  	v15 =	vld [tilespmem:s7+$0xFFFFFF60]  }
0x417: {  	v16 =	vld [tilespmem:s7+$0xFFFFFF70];
	v10 =	vsub.f32 v10, v9  }
0x418: {  	v18 =	vld [tilespmem:s7+$0xFFFFFF80];
	v11 =	vsub.f32 v11, v9  }
0x419: {  	v12 =	vsub.f32 v12, v9;
	v10 =	vmax.f32 v10, $0.0e+00  }
0x41a: {  	v17 =	vld [tilespmem:s7+$0xFFFFFF90];
	v13 =	vsub.f32 v13, v9;
	v11 =	vmax.f32 v11, $0.0e+00;
	[tilespmem:s7+$0x0] =	vst v10  }
0x41b: {  	[tilespmem:s7+$0xFFFFFF20] =	vst v11;
	v10 =	vmax.f32 v12, $0.0e+00;
	v11 =	vsub.f32 v14, v9;
	v14 =	vld [tilespmem:s7+$0xFFFFFFA0]  }
0x41c: {  	v19 =	vld [tilespmem:s7+$0xFFFFFFB0];
	v12 =	vsub.f32 v15, v9;
	[tilespmem:s7+$0xFFFFFF30] =	vst v10;
	v10 =	vmax.f32 v13, $0.0e+00  }
0x41d: {  	v15 =	vsub.f32 v18, v9;
	v13 =	vsub.f32 v16, v9;
	[tilespmem:s7+$0xFFFFFF40] =	vst v10;
	v10 =	vmax.f32 v11, $0.0e+00;
	v11 =	vld [tilespmem:s7+$0xFFFFFFC0]  }
0x41e: {  	[tilespmem:s7+$0xFFFFFF50] =	vst v10;
	v10 =	vmax.f32 v12, $0.0e+00;
	v12 =	vld [tilespmem:s7+$0xFFFFFFD0]  }
0x41f: {  	v16 =	vsub.f32 v17, v9;
	v17 =	vmax.f32 v15, $0.0e+00;
	[tilespmem:s7+$0xFFFFFF60] =	vst v10;
	v10 =	vmax.f32 v13, $0.0e+00;
	v13 =	vld [tilespmem:s7+$0xFFFFFFE0]  }
0x420: {  	[tilespmem:s7+$0xFFFFFF80] =	vst v17;
	v15 =	vsub.f32 v14, v9;
	v14 =	vld [tilespmem:s7+$0xFFFFFFF0]  }
0x421: {  	s8 =	simm.s32 $0x400;
	s9 =	simm.s32 $0xC1F0;
	v17 =	vmax.f32 v16, $0.0e+00;
	v16 =	vsub.f32 v19, v9;
	[tilespmem:s7+$0xFFFFFF70] =	vst v10;
	v10 =	vld [tilespmem:s7+$0xFFFFFF10]  }
.LBB2_62:
0x422: {  	v18 =	vld [tilespmem:s9+$0x0];
	s8 =	sadd.s32 $0x10, s8;
	[tilespmem:s7+$0xFFFFFF90] =	vst v17;
	v15 =	vmax.f32 v15, $0.0e+00;
	v11 =	vsub.f32 v11, v9  }
0x423: {  	v17 =	vld [tilespmem:s9+$0xFFFFFF20];
	p0 =	slt.u32 s8, $0x4F0;
	[tilespmem:s7+$0xFFFFFFA0] =	vst v15;
	v15 =	vmax.f32 v16, $0.0e+00;
	v12 =	vsub.f32 v12, v9  }
0x424: {  	v16 =	vld [tilespmem:s9+$0xFFFFFF30];
	[tilespmem:s7+$0xFFFFFFB0] =	vst v15;
	v11 =	vmax.f32 v11, $0.0e+00;
	v13 =	vsub.f32 v13, v9  }
0x425: {  	v15 =	vld [tilespmem:s9+$0xFFFFFF40];
	[tilespmem:s7+$0xFFFFFFC0] =	vst v11;
	v11 =	vmax.f32 v12, $0.0e+00;
	v12 =	vsub.f32 v14, v9  }
0x426: {  	v14 =	vld [tilespmem:s9+$0xFFFFFF50];
	v10 =	vsub.f32 v10, v9;
	[tilespmem:s7+$0xFFFFFFD0] =	vst v11;
	v11 =	vmax.f32 v13, $0.0e+00  }
0x427: {  	v13 =	vld [tilespmem:s9+$0xFFFFFF60];
	v18 =	vsub.f32 v18, v9;
	[tilespmem:s7+$0xFFFFFFE0] =	vst v11;
	v11 =	vmax.f32 v12, $0.0e+00  }
0x428: {  	v12 =	vsub.f32 v17, v9;
	v17 =	vld [tilespmem:s9+$0xFFFFFF70];
	v10 =	vmax.f32 v10, $0.0e+00;
	[tilespmem:s7+$0xFFFFFFF0] =	vst v11  }
0x429: {  	v11 =	vsub.f32 v16, v9;
	v16 =	vld [tilespmem:s9+$0xFFFFFF80];
	v18 =	vmax.f32 v18, $0.0e+00;
	[tilespmem:s7+$0xFFFFFF10] =	vst v10;
	s7 =	smov.u32 s9  }
0x42a: {  	v10 =	vmax.f32 v12, $0.0e+00;
	v12 =	vsub.f32 v15, v9;
	v15 =	vld [tilespmem:s9+$0xFFFFFF90];
	[tilespmem:s9+$0x0] =	vst v18  }
0x42b: {  	[tilespmem:s9+$0xFFFFFF20] =	vst v10;
	v10 =	vmax.f32 v11, $0.0e+00;
	v11 =	vsub.f32 v14, v9;
	v14 =	vld [tilespmem:s9+$0xFFFFFFA0]  }
0x42c: {  	[tilespmem:s9+$0xFFFFFF30] =	vst v10;
	v10 =	vmax.f32 v12, $0.0e+00;
	v12 =	vsub.f32 v13, v9;
	v18 =	vld [tilespmem:s9+$0xFFFFFFB0]  }
.Ltmp40:
0x42d: {  	[tilespmem:s9+$0xFFFFFF40] =	vst v10;
	v10 =	vmax.f32 v11, $0.0e+00;
	v13 =	vsub.f32 v17, v9;
	v11 =	vld [tilespmem:s9+$0xFFFFFFC0];
	(pc) =	sbr.rel @p0 .LBB2_62-.Ltmp40, $4  }
0x42e: {  	[tilespmem:s9+$0xFFFFFF50] =	vst v10;
	v10 =	vmax.f32 v12, $0.0e+00;
	v16 =	vsub.f32 v16, v9;
	v12 =	vld [tilespmem:s9+$0xFFFFFFD0]  }
0x42f: {  	[tilespmem:s9+$0xFFFFFF60] =	vst v10;
	v10 =	vmax.f32 v13, $0.0e+00;
	v17 =	vsub.f32 v15, v9;
	v13 =	vld [tilespmem:s9+$0xFFFFFFE0]  }
0x430: {  	[tilespmem:s9+$0xFFFFFF70] =	vst v10;
	v16 =	vmax.f32 v16, $0.0e+00;
	v15 =	vsub.f32 v14, v9;
	v14 =	vld [tilespmem:s9+$0xFFFFFFF0]  }
0x431: {  	s9 =	sadd.s32 $0x100, s9;
	v10 =	vld [tilespmem:s7+$0xFFFFFF10];
	[tilespmem:s7+$0xFFFFFF80] =	vst v16;
	v17 =	vmax.f32 v17, $0.0e+00;
	v16 =	vsub.f32 v18, v9  }
0x432: {  	[tilespmem:s7+$0xFFFFFF90] =	vst v17;
	v15 =	vmax.f32 v15, $0.0e+00;
	v11 =	vsub.f32 v11, v9  }
0x433: {  	[tilespmem:s7+$0xFFFFFFA0] =	vst v15;
	v15 =	vmax.f32 v16, $0.0e+00;
	v12 =	vsub.f32 v12, v9  }
0x434: {  	[tilespmem:s7+$0xFFFFFFB0] =	vst v15;
	v11 =	vmax.f32 v11, $0.0e+00;
	v13 =	vsub.f32 v13, v9  }
0x435: {  	[tilespmem:s7+$0xFFFFFFC0] =	vst v11;
	v11 =	vmax.f32 v12, $0.0e+00;
	v12 =	vsub.f32 v14, v9  }
0x436: {  	v10 =	vsub.f32 v10, v9;
	[tilespmem:s7+$0xFFFFFFD0] =	vst v11;
	v11 =	vmax.f32 v13, $0.0e+00  }
0x437: {  	[tilespmem:s7+$0xFFFFFFE0] =	vst v11;
	v11 =	vmax.f32 v12, $0.0e+00  }
0x438: {  	v10 =	vmax.f32 v10, $0.0e+00;
	[tilespmem:s7+$0xFFFFFFF0] =	vst v11  }
0x439: {  	s10 =	simm.s32 $0xC000;
	[tilespmem:s7+$0xFFFFFF10] =	vst v10;
	s7 =	simm.s32 $0xD0F0  }
0x43a: {  	[hbm4b:s16+s29] =	stream.strided.scatter [tilespmem:s10], [sflag:$0x5], $0x1000, s18, s29, $0x38;
	[tilespmem:$0x18080] =	vst v63  }
0x43b: {  	v10 =	vld [tilespmem:s7+$0x0]  }
0x43c: {  	v11 =	vld [tilespmem:s7+$0xFFFFFF20]  }
0x43d: {  	v12 =	vld [tilespmem:s7+$0xFFFFFF30]  }
0x43e: {  	v13 =	vld [tilespmem:s7+$0xFFFFFF40]  }
0x43f: {  	v14 =	vld [tilespmem:s7+$0xFFFFFF50]  }
0x440: {  	v15 =	vld [tilespmem:s7+$0xFFFFFF60]  }
0x441: {  	v16 =	vld [tilespmem:s7+$0xFFFFFF70];
	v10 =	vsub.f32 v10, v9  }
0x442: {  	v18 =	vld [tilespmem:s7+$0xFFFFFF80];
	v11 =	vsub.f32 v11, v9  }
0x443: {  	v12 =	vsub.f32 v12, v9;
	v10 =	vmax.f32 v10, $0.0e+00  }
0x444: {  	v17 =	vld [tilespmem:s7+$0xFFFFFF90];
	v13 =	vsub.f32 v13, v9;
	v11 =	vmax.f32 v11, $0.0e+00;
	[tilespmem:s7+$0x0] =	vst v10  }
0x445: {  	[tilespmem:s7+$0xFFFFFF20] =	vst v11;
	v10 =	vmax.f32 v12, $0.0e+00;
	v11 =	vsub.f32 v14, v9;
	v14 =	vld [tilespmem:s7+$0xFFFFFFA0]  }
0x446: {  	v19 =	vld [tilespmem:s7+$0xFFFFFFB0];
	v12 =	vsub.f32 v15, v9;
	[tilespmem:s7+$0xFFFFFF30] =	vst v10;
	v10 =	vmax.f32 v13, $0.0e+00  }
0x447: {  	v15 =	vsub.f32 v18, v9;
	v13 =	vsub.f32 v16, v9;
	[tilespmem:s7+$0xFFFFFF40] =	vst v10;
	v10 =	vmax.f32 v11, $0.0e+00;
	v11 =	vld [tilespmem:s7+$0xFFFFFFC0]  }
0x448: {  	[tilespmem:s7+$0xFFFFFF50] =	vst v10;
	v10 =	vmax.f32 v12, $0.0e+00;
	v12 =	vld [tilespmem:s7+$0xFFFFFFD0]  }
0x449: {  	v16 =	vsub.f32 v17, v9;
	v17 =	vmax.f32 v15, $0.0e+00;
	[tilespmem:s7+$0xFFFFFF60] =	vst v10;
	v10 =	vmax.f32 v13, $0.0e+00;
	v13 =	vld [tilespmem:s7+$0xFFFFFFE0]  }
0x44a: {  	[tilespmem:s7+$0xFFFFFF80] =	vst v17;
	v15 =	vsub.f32 v14, v9;
	v14 =	vld [tilespmem:s7+$0xFFFFFFF0]  }
0x44b: {  	s8 =	simm.s32 $0x500;
	s9 =	simm.s32 $0xD1F0;
	v17 =	vmax.f32 v16, $0.0e+00;
	v16 =	vsub.f32 v19, v9;
	[tilespmem:s7+$0xFFFFFF70] =	vst v10;
	v10 =	vld [tilespmem:s7+$0xFFFFFF10]  }
.LBB2_64:
0x44c: {  	v18 =	vld [tilespmem:s9+$0x0];
	s8 =	sadd.s32 $0x10, s8;
	[tilespmem:s7+$0xFFFFFF90] =	vst v17;
	v15 =	vmax.f32 v15, $0.0e+00;
	v11 =	vsub.f32 v11, v9  }
0x44d: {  	v17 =	vld [tilespmem:s9+$0xFFFFFF20];
	p0 =	slt.u32 s8, $0x5F0;
	[tilespmem:s7+$0xFFFFFFA0] =	vst v15;
	v15 =	vmax.f32 v16, $0.0e+00;
	v12 =	vsub.f32 v12, v9  }
0x44e: {  	v16 =	vld [tilespmem:s9+$0xFFFFFF30];
	[tilespmem:s7+$0xFFFFFFB0] =	vst v15;
	v11 =	vmax.f32 v11, $0.0e+00;
	v13 =	vsub.f32 v13, v9  }
0x44f: {  	v15 =	vld [tilespmem:s9+$0xFFFFFF40];
	[tilespmem:s7+$0xFFFFFFC0] =	vst v11;
	v11 =	vmax.f32 v12, $0.0e+00;
	v12 =	vsub.f32 v14, v9  }
0x450: {  	v14 =	vld [tilespmem:s9+$0xFFFFFF50];
	v10 =	vsub.f32 v10, v9;
	[tilespmem:s7+$0xFFFFFFD0] =	vst v11;
	v11 =	vmax.f32 v13, $0.0e+00  }
0x451: {  	v13 =	vld [tilespmem:s9+$0xFFFFFF60];
	v18 =	vsub.f32 v18, v9;
	[tilespmem:s7+$0xFFFFFFE0] =	vst v11;
	v11 =	vmax.f32 v12, $0.0e+00  }
0x452: {  	v12 =	vsub.f32 v17, v9;
	v17 =	vld [tilespmem:s9+$0xFFFFFF70];
	v10 =	vmax.f32 v10, $0.0e+00;
	[tilespmem:s7+$0xFFFFFFF0] =	vst v11  }
0x453: {  	v11 =	vsub.f32 v16, v9;
	v16 =	vld [tilespmem:s9+$0xFFFFFF80];
	v18 =	vmax.f32 v18, $0.0e+00;
	[tilespmem:s7+$0xFFFFFF10] =	vst v10;
	s7 =	smov.u32 s9  }
0x454: {  	v10 =	vmax.f32 v12, $0.0e+00;
	v12 =	vsub.f32 v15, v9;
	v15 =	vld [tilespmem:s9+$0xFFFFFF90];
	[tilespmem:s9+$0x0] =	vst v18  }
0x455: {  	[tilespmem:s9+$0xFFFFFF20] =	vst v10;
	v10 =	vmax.f32 v11, $0.0e+00;
	v11 =	vsub.f32 v14, v9;
	v14 =	vld [tilespmem:s9+$0xFFFFFFA0]  }
0x456: {  	[tilespmem:s9+$0xFFFFFF30] =	vst v10;
	v10 =	vmax.f32 v12, $0.0e+00;
	v12 =	vsub.f32 v13, v9;
	v18 =	vld [tilespmem:s9+$0xFFFFFFB0]  }
.Ltmp41:
0x457: {  	[tilespmem:s9+$0xFFFFFF40] =	vst v10;
	v10 =	vmax.f32 v11, $0.0e+00;
	v13 =	vsub.f32 v17, v9;
	v11 =	vld [tilespmem:s9+$0xFFFFFFC0];
	(pc) =	sbr.rel @p0 .LBB2_64-.Ltmp41, $4  }
0x458: {  	[tilespmem:s9+$0xFFFFFF50] =	vst v10;
	v10 =	vmax.f32 v12, $0.0e+00;
	v16 =	vsub.f32 v16, v9;
	v12 =	vld [tilespmem:s9+$0xFFFFFFD0]  }
0x459: {  	[tilespmem:s9+$0xFFFFFF60] =	vst v10;
	v10 =	vmax.f32 v13, $0.0e+00;
	v17 =	vsub.f32 v15, v9;
	v13 =	vld [tilespmem:s9+$0xFFFFFFE0]  }
0x45a: {  	[tilespmem:s9+$0xFFFFFF70] =	vst v10;
	v16 =	vmax.f32 v16, $0.0e+00;
	v15 =	vsub.f32 v14, v9;
	v14 =	vld [tilespmem:s9+$0xFFFFFFF0]  }
0x45b: {  	s9 =	sadd.s32 $0x100, s9;
	v10 =	vld [tilespmem:s7+$0xFFFFFF10];
	[tilespmem:s7+$0xFFFFFF80] =	vst v16;
	v17 =	vmax.f32 v17, $0.0e+00;
	v16 =	vsub.f32 v18, v9  }
0x45c: {  	[tilespmem:s7+$0xFFFFFF90] =	vst v17;
	v15 =	vmax.f32 v15, $0.0e+00;
	v11 =	vsub.f32 v11, v9  }
0x45d: {  	[tilespmem:s7+$0xFFFFFFA0] =	vst v15;
	v15 =	vmax.f32 v16, $0.0e+00;
	v12 =	vsub.f32 v12, v9  }
0x45e: {  	[tilespmem:s7+$0xFFFFFFB0] =	vst v15;
	v11 =	vmax.f32 v11, $0.0e+00;
	v13 =	vsub.f32 v13, v9  }
0x45f: {  	[tilespmem:s7+$0xFFFFFFC0] =	vst v11;
	v11 =	vmax.f32 v12, $0.0e+00;
	v12 =	vsub.f32 v14, v9  }
0x460: {  	v10 =	vsub.f32 v10, v9;
	[tilespmem:s7+$0xFFFFFFD0] =	vst v11;
	v11 =	vmax.f32 v13, $0.0e+00  }
0x461: {  	[tilespmem:s7+$0xFFFFFFE0] =	vst v11;
	v11 =	vmax.f32 v12, $0.0e+00  }
0x462: {  	v10 =	vmax.f32 v10, $0.0e+00;
	[tilespmem:s7+$0xFFFFFFF0] =	vst v11  }
0x463: {  	s10 =	simm.s32 $0xD000;
	[tilespmem:s7+$0xFFFFFF10] =	vst v10;
	s7 =	simm.s32 $0xE0F0  }
0x464: {  	[hbm4b:s17+s29] =	stream.strided.scatter [tilespmem:s10], [sflag:$0x6], $0x1000, s18, s29, $0x38;
	[tilespmem:$0x18080] =	vst v63  }
0x465: {  	v10 =	vld [tilespmem:s7+$0x0]  }
0x466: {  	v11 =	vld [tilespmem:s7+$0xFFFFFF20]  }
0x467: {  	v12 =	vld [tilespmem:s7+$0xFFFFFF30]  }
0x468: {  	v13 =	vld [tilespmem:s7+$0xFFFFFF40]  }
0x469: {  	v14 =	vld [tilespmem:s7+$0xFFFFFF50]  }
0x46a: {  	v15 =	vld [tilespmem:s7+$0xFFFFFF60]  }
0x46b: {  	v16 =	vld [tilespmem:s7+$0xFFFFFF70];
	v10 =	vsub.f32 v10, v9  }
0x46c: {  	v18 =	vld [tilespmem:s7+$0xFFFFFF80];
	v11 =	vsub.f32 v11, v9  }
0x46d: {  	v12 =	vsub.f32 v12, v9;
	v10 =	vmax.f32 v10, $0.0e+00  }
0x46e: {  	v17 =	vld [tilespmem:s7+$0xFFFFFF90];
	v13 =	vsub.f32 v13, v9;
	v11 =	vmax.f32 v11, $0.0e+00;
	[tilespmem:s7+$0x0] =	vst v10  }
0x46f: {  	[tilespmem:s7+$0xFFFFFF20] =	vst v11;
	v10 =	vmax.f32 v12, $0.0e+00;
	v11 =	vsub.f32 v14, v9;
	v14 =	vld [tilespmem:s7+$0xFFFFFFA0]  }
0x470: {  	v19 =	vld [tilespmem:s7+$0xFFFFFFB0];
	v12 =	vsub.f32 v15, v9;
	[tilespmem:s7+$0xFFFFFF30] =	vst v10;
	v10 =	vmax.f32 v13, $0.0e+00  }
0x471: {  	v15 =	vsub.f32 v18, v9;
	v13 =	vsub.f32 v16, v9;
	[tilespmem:s7+$0xFFFFFF40] =	vst v10;
	v10 =	vmax.f32 v11, $0.0e+00;
	v11 =	vld [tilespmem:s7+$0xFFFFFFC0]  }
0x472: {  	[tilespmem:s7+$0xFFFFFF50] =	vst v10;
	v10 =	vmax.f32 v12, $0.0e+00;
	v12 =	vld [tilespmem:s7+$0xFFFFFFD0]  }
0x473: {  	v16 =	vsub.f32 v17, v9;
	v17 =	vmax.f32 v15, $0.0e+00;
	[tilespmem:s7+$0xFFFFFF60] =	vst v10;
	v10 =	vmax.f32 v13, $0.0e+00;
	v13 =	vld [tilespmem:s7+$0xFFFFFFE0]  }
0x474: {  	[tilespmem:s7+$0xFFFFFF80] =	vst v17;
	v15 =	vsub.f32 v14, v9;
	v14 =	vld [tilespmem:s7+$0xFFFFFFF0]  }
0x475: {  	s8 =	simm.s32 $0x600;
	s9 =	simm.s32 $0xE1F0;
	v17 =	vmax.f32 v16, $0.0e+00;
	v16 =	vsub.f32 v19, v9;
	[tilespmem:s7+$0xFFFFFF70] =	vst v10;
	v10 =	vld [tilespmem:s7+$0xFFFFFF10]  }
.LBB2_66:
0x476: {  	v18 =	vld [tilespmem:s9+$0x0];
	s8 =	sadd.s32 $0x10, s8;
	[tilespmem:s7+$0xFFFFFF90] =	vst v17;
	v15 =	vmax.f32 v15, $0.0e+00;
	v11 =	vsub.f32 v11, v9  }
0x477: {  	v17 =	vld [tilespmem:s9+$0xFFFFFF20];
	p0 =	slt.u32 s8, $0x6F0;
	[tilespmem:s7+$0xFFFFFFA0] =	vst v15;
	v15 =	vmax.f32 v16, $0.0e+00;
	v12 =	vsub.f32 v12, v9  }
0x478: {  	v16 =	vld [tilespmem:s9+$0xFFFFFF30];
	[tilespmem:s7+$0xFFFFFFB0] =	vst v15;
	v11 =	vmax.f32 v11, $0.0e+00;
	v13 =	vsub.f32 v13, v9  }
0x479: {  	v15 =	vld [tilespmem:s9+$0xFFFFFF40];
	[tilespmem:s7+$0xFFFFFFC0] =	vst v11;
	v11 =	vmax.f32 v12, $0.0e+00;
	v12 =	vsub.f32 v14, v9  }
0x47a: {  	v14 =	vld [tilespmem:s9+$0xFFFFFF50];
	v10 =	vsub.f32 v10, v9;
	[tilespmem:s7+$0xFFFFFFD0] =	vst v11;
	v11 =	vmax.f32 v13, $0.0e+00  }
0x47b: {  	v13 =	vld [tilespmem:s9+$0xFFFFFF60];
	v18 =	vsub.f32 v18, v9;
	[tilespmem:s7+$0xFFFFFFE0] =	vst v11;
	v11 =	vmax.f32 v12, $0.0e+00  }
0x47c: {  	v12 =	vsub.f32 v17, v9;
	v17 =	vld [tilespmem:s9+$0xFFFFFF70];
	v10 =	vmax.f32 v10, $0.0e+00;
	[tilespmem:s7+$0xFFFFFFF0] =	vst v11  }
0x47d: {  	v11 =	vsub.f32 v16, v9;
	v16 =	vld [tilespmem:s9+$0xFFFFFF80];
	v18 =	vmax.f32 v18, $0.0e+00;
	[tilespmem:s7+$0xFFFFFF10] =	vst v10;
	s7 =	smov.u32 s9  }
0x47e: {  	v10 =	vmax.f32 v12, $0.0e+00;
	v12 =	vsub.f32 v15, v9;
	v15 =	vld [tilespmem:s9+$0xFFFFFF90];
	[tilespmem:s9+$0x0] =	vst v18  }
0x47f: {  	[tilespmem:s9+$0xFFFFFF20] =	vst v10;
	v10 =	vmax.f32 v11, $0.0e+00;
	v11 =	vsub.f32 v14, v9;
	v14 =	vld [tilespmem:s9+$0xFFFFFFA0]  }
0x480: {  	[tilespmem:s9+$0xFFFFFF30] =	vst v10;
	v10 =	vmax.f32 v12, $0.0e+00;
	v12 =	vsub.f32 v13, v9;
	v18 =	vld [tilespmem:s9+$0xFFFFFFB0]  }
.Ltmp42:
0x481: {  	[tilespmem:s9+$0xFFFFFF40] =	vst v10;
	v10 =	vmax.f32 v11, $0.0e+00;
	v13 =	vsub.f32 v17, v9;
	v11 =	vld [tilespmem:s9+$0xFFFFFFC0];
	(pc) =	sbr.rel @p0 .LBB2_66-.Ltmp42, $4  }
0x482: {  	[tilespmem:s9+$0xFFFFFF50] =	vst v10;
	v10 =	vmax.f32 v12, $0.0e+00;
	v16 =	vsub.f32 v16, v9;
	v12 =	vld [tilespmem:s9+$0xFFFFFFD0]  }
0x483: {  	[tilespmem:s9+$0xFFFFFF60] =	vst v10;
	v10 =	vmax.f32 v13, $0.0e+00;
	v17 =	vsub.f32 v15, v9;
	v13 =	vld [tilespmem:s9+$0xFFFFFFE0]  }
0x484: {  	[tilespmem:s9+$0xFFFFFF70] =	vst v10;
	v16 =	vmax.f32 v16, $0.0e+00;
	v15 =	vsub.f32 v14, v9;
	v14 =	vld [tilespmem:s9+$0xFFFFFFF0]  }
0x485: {  	s9 =	sadd.s32 $0x100, s9;
	v10 =	vld [tilespmem:s7+$0xFFFFFF10];
	[tilespmem:s7+$0xFFFFFF80] =	vst v16;
	v17 =	vmax.f32 v17, $0.0e+00;
	v16 =	vsub.f32 v18, v9  }
0x486: {  	[tilespmem:s7+$0xFFFFFF90] =	vst v17;
	v15 =	vmax.f32 v15, $0.0e+00;
	v11 =	vsub.f32 v11, v9  }
0x487: {  	[tilespmem:s7+$0xFFFFFFA0] =	vst v15;
	v15 =	vmax.f32 v16, $0.0e+00;
	v12 =	vsub.f32 v12, v9  }
0x488: {  	[tilespmem:s7+$0xFFFFFFB0] =	vst v15;
	v11 =	vmax.f32 v11, $0.0e+00;
	v13 =	vsub.f32 v13, v9  }
0x489: {  	[tilespmem:s7+$0xFFFFFFC0] =	vst v11;
	v11 =	vmax.f32 v12, $0.0e+00;
	v12 =	vsub.f32 v14, v9  }
0x48a: {  	v10 =	vsub.f32 v10, v9;
	[tilespmem:s7+$0xFFFFFFD0] =	vst v11;
	v11 =	vmax.f32 v13, $0.0e+00  }
0x48b: {  	[tilespmem:s7+$0xFFFFFFE0] =	vst v11;
	v11 =	vmax.f32 v12, $0.0e+00  }
0x48c: {  	v10 =	vmax.f32 v10, $0.0e+00;
	[tilespmem:s7+$0xFFFFFFF0] =	vst v11  }
0x48d: {  	s10 =	simm.s32 $0xE000;
	[tilespmem:s7+$0xFFFFFF10] =	vst v10;
	s7 =	simm.s32 $0xF0F0  }
0x48e: {  	[hbm4b:s22+s29] =	stream.strided.scatter [tilespmem:s10], [sflag:$0x7], $0x1000, s18, s29, $0x38;
	[tilespmem:$0x18080] =	vst v63  }
0x48f: {  	v10 =	vld [tilespmem:s7+$0x0]  }
0x490: {  	v11 =	vld [tilespmem:s7+$0xFFFFFF20]  }
0x491: {  	v12 =	vld [tilespmem:s7+$0xFFFFFF30]  }
0x492: {  	v13 =	vld [tilespmem:s7+$0xFFFFFF40]  }
0x493: {  	v14 =	vld [tilespmem:s7+$0xFFFFFF50]  }
0x494: {  	v15 =	vld [tilespmem:s7+$0xFFFFFF60]  }
0x495: {  	v16 =	vld [tilespmem:s7+$0xFFFFFF70];
	v10 =	vsub.f32 v10, v9  }
0x496: {  	v18 =	vld [tilespmem:s7+$0xFFFFFF80];
	v11 =	vsub.f32 v11, v9  }
0x497: {  	v12 =	vsub.f32 v12, v9;
	v10 =	vmax.f32 v10, $0.0e+00  }
0x498: {  	v17 =	vld [tilespmem:s7+$0xFFFFFF90];
	v13 =	vsub.f32 v13, v9;
	v11 =	vmax.f32 v11, $0.0e+00;
	[tilespmem:s7+$0x0] =	vst v10  }
0x499: {  	[tilespmem:s7+$0xFFFFFF20] =	vst v11;
	v10 =	vmax.f32 v12, $0.0e+00;
	v11 =	vsub.f32 v14, v9;
	v14 =	vld [tilespmem:s7+$0xFFFFFFA0]  }
0x49a: {  	v19 =	vld [tilespmem:s7+$0xFFFFFFB0];
	v12 =	vsub.f32 v15, v9;
	[tilespmem:s7+$0xFFFFFF30] =	vst v10;
	v10 =	vmax.f32 v13, $0.0e+00  }
0x49b: {  	v15 =	vsub.f32 v18, v9;
	v13 =	vsub.f32 v16, v9;
	[tilespmem:s7+$0xFFFFFF40] =	vst v10;
	v10 =	vmax.f32 v11, $0.0e+00;
	v11 =	vld [tilespmem:s7+$0xFFFFFFC0]  }
0x49c: {  	[tilespmem:s7+$0xFFFFFF50] =	vst v10;
	v10 =	vmax.f32 v12, $0.0e+00;
	v12 =	vld [tilespmem:s7+$0xFFFFFFD0]  }
0x49d: {  	v16 =	vsub.f32 v17, v9;
	v17 =	vmax.f32 v15, $0.0e+00;
	[tilespmem:s7+$0xFFFFFF60] =	vst v10;
	v10 =	vmax.f32 v13, $0.0e+00;
	v13 =	vld [tilespmem:s7+$0xFFFFFFE0]  }
0x49e: {  	[tilespmem:s7+$0xFFFFFF80] =	vst v17;
	v15 =	vsub.f32 v14, v9;
	v14 =	vld [tilespmem:s7+$0xFFFFFFF0]  }
0x49f: {  	s8 =	simm.s32 $0x700;
	s9 =	simm.s32 $0xF1F0;
	v17 =	vmax.f32 v16, $0.0e+00;
	v16 =	vsub.f32 v19, v9;
	[tilespmem:s7+$0xFFFFFF70] =	vst v10;
	v10 =	vld [tilespmem:s7+$0xFFFFFF10]  }
.LBB2_68:
0x4a0: {  	v18 =	vld [tilespmem:s9+$0x0];
	s8 =	sadd.s32 $0x10, s8;
	[tilespmem:s7+$0xFFFFFF90] =	vst v17;
	v15 =	vmax.f32 v15, $0.0e+00;
	v11 =	vsub.f32 v11, v9  }
0x4a1: {  	v17 =	vld [tilespmem:s9+$0xFFFFFF20];
	p0 =	slt.u32 s8, $0x7F0;
	[tilespmem:s7+$0xFFFFFFA0] =	vst v15;
	v15 =	vmax.f32 v16, $0.0e+00;
	v12 =	vsub.f32 v12, v9  }
0x4a2: {  	v16 =	vld [tilespmem:s9+$0xFFFFFF30];
	[tilespmem:s7+$0xFFFFFFB0] =	vst v15;
	v11 =	vmax.f32 v11, $0.0e+00;
	v13 =	vsub.f32 v13, v9  }
0x4a3: {  	v15 =	vld [tilespmem:s9+$0xFFFFFF40];
	[tilespmem:s7+$0xFFFFFFC0] =	vst v11;
	v11 =	vmax.f32 v12, $0.0e+00;
	v12 =	vsub.f32 v14, v9  }
0x4a4: {  	v14 =	vld [tilespmem:s9+$0xFFFFFF50];
	v10 =	vsub.f32 v10, v9;
	[tilespmem:s7+$0xFFFFFFD0] =	vst v11;
	v11 =	vmax.f32 v13, $0.0e+00  }
0x4a5: {  	v13 =	vld [tilespmem:s9+$0xFFFFFF60];
	v18 =	vsub.f32 v18, v9;
	[tilespmem:s7+$0xFFFFFFE0] =	vst v11;
	v11 =	vmax.f32 v12, $0.0e+00  }
0x4a6: {  	v12 =	vsub.f32 v17, v9;
	v17 =	vld [tilespmem:s9+$0xFFFFFF70];
	v10 =	vmax.f32 v10, $0.0e+00;
	[tilespmem:s7+$0xFFFFFFF0] =	vst v11  }
0x4a7: {  	v11 =	vsub.f32 v16, v9;
	v16 =	vld [tilespmem:s9+$0xFFFFFF80];
	v18 =	vmax.f32 v18, $0.0e+00;
	[tilespmem:s7+$0xFFFFFF10] =	vst v10;
	s7 =	smov.u32 s9  }
0x4a8: {  	v10 =	vmax.f32 v12, $0.0e+00;
	v12 =	vsub.f32 v15, v9;
	v15 =	vld [tilespmem:s9+$0xFFFFFF90];
	[tilespmem:s9+$0x0] =	vst v18  }
0x4a9: {  	[tilespmem:s9+$0xFFFFFF20] =	vst v10;
	v10 =	vmax.f32 v11, $0.0e+00;
	v11 =	vsub.f32 v14, v9;
	v14 =	vld [tilespmem:s9+$0xFFFFFFA0]  }
0x4aa: {  	[tilespmem:s9+$0xFFFFFF30] =	vst v10;
	v10 =	vmax.f32 v12, $0.0e+00;
	v12 =	vsub.f32 v13, v9;
	v18 =	vld [tilespmem:s9+$0xFFFFFFB0]  }
.Ltmp43:
0x4ab: {  	[tilespmem:s9+$0xFFFFFF40] =	vst v10;
	v10 =	vmax.f32 v11, $0.0e+00;
	v13 =	vsub.f32 v17, v9;
	v11 =	vld [tilespmem:s9+$0xFFFFFFC0];
	(pc) =	sbr.rel @p0 .LBB2_68-.Ltmp43, $4  }
0x4ac: {  	[tilespmem:s9+$0xFFFFFF50] =	vst v10;
	v10 =	vmax.f32 v12, $0.0e+00;
	v16 =	vsub.f32 v16, v9;
	v12 =	vld [tilespmem:s9+$0xFFFFFFD0]  }
0x4ad: {  	[tilespmem:s9+$0xFFFFFF60] =	vst v10;
	v10 =	vmax.f32 v13, $0.0e+00;
	v17 =	vsub.f32 v15, v9;
	v13 =	vld [tilespmem:s9+$0xFFFFFFE0]  }
0x4ae: {  	[tilespmem:s9+$0xFFFFFF70] =	vst v10;
	v16 =	vmax.f32 v16, $0.0e+00;
	v15 =	vsub.f32 v14, v9;
	v14 =	vld [tilespmem:s9+$0xFFFFFFF0]  }
0x4af: {  	s9 =	sadd.s32 $0x100, s9;
	v10 =	vld [tilespmem:s7+$0xFFFFFF10];
	[tilespmem:s7+$0xFFFFFF80] =	vst v16;
	v17 =	vmax.f32 v17, $0.0e+00;
	v16 =	vsub.f32 v18, v9  }
0x4b0: {  	[tilespmem:s7+$0xFFFFFF90] =	vst v17;
	v15 =	vmax.f32 v15, $0.0e+00;
	v11 =	vsub.f32 v11, v9  }
0x4b1: {  	[tilespmem:s7+$0xFFFFFFA0] =	vst v15;
	v62 =	vmax.f32 v16, $0.0e+00;
	v12 =	vsub.f32 v12, v9  }
0x4b2: {  	[tilespmem:s7+$0xFFFFFFB0] =	vst v62;
	v11 =	vmax.f32 v11, $0.0e+00;
	v13 =	vsub.f32 v13, v9  }
0x4b3: {  	[tilespmem:s7+$0xFFFFFFC0] =	vst v11;
	v11 =	vmax.f32 v12, $0.0e+00;
	v63 =	vsub.f32 v14, v9  }
0x4b4: {  	v9 =	vsub.f32 v10, v9;
	[tilespmem:s7+$0xFFFFFFD0] =	vst v11;
	v10 =	vmax.f32 v13, $0.0e+00  }
0x4b5: {  	[tilespmem:s7+$0xFFFFFFE0] =	vst v10;
	v10 =	vmax.f32 v63, $0.0e+00  }
0x4b6: {  	v9 =	vmax.f32 v9, $0.0e+00;
	[tilespmem:s7+$0xFFFFFFF0] =	vst v10  }
0x4b7: {  	s10 =	simm.s32 $0xF000;
	[tilespmem:s7+$0xFFFFFF10] =	vst v9  }
0x4b8: {  	[hbm4b:s23+s29] =	stream.strided.scatter [tilespmem:s10], [sflag:$0x8], $0x1000, s18, s29, $0x38;
	[tilespmem:$0x18080] =	vst v63  }
0x4b9: {  	_ =	swait.ge [sflag:s5], $0x8000  }
0x4ba: {  	[sflag:s5] =	ssyncset.done $0x0  }
0x4bb: {  	[sflag:s5] =	ssyncadd.s32 $0xFFFF8000  }
0x4bc: {  	_ =	swait.ge [sflag:s31], $0x1000  }
0x4bd: {  	[sflag:s31] =	ssyncset.done $0x0  }
0x4be: {  	[sflag:s31] =	ssyncadd.s32 $0xFFFFF000  }
0x4bf: {  	_ =	swait.ge [sflag:s1], $0x1000  }
0x4c0: {  	[sflag:s1] =	ssyncset.done $0x0  }
0x4c1: {  	[sflag:s1] =	ssyncadd.s32 $0xFFFFF000  }
0x4c2: {  	_ =	swait.ge [sflag:s0], $0x1000  }
0x4c3: {  	[sflag:s0] =	ssyncset.done $0x0  }
0x4c4: {  	[sflag:s0] =	ssyncadd.s32 $0xFFFFF000  }
0x4c5: {  	_ =	swait.ge [sflag:s19], $0x1000  }
0x4c6: {  	[sflag:s19] =	ssyncset.done $0x0  }
0x4c7: {  	[sflag:s19] =	ssyncadd.s32 $0xFFFFF000  }
0x4c8: {  	_ =	swait.ge [sflag:s20], $0x1000  }
0x4c9: {  	[sflag:s20] =	ssyncset.done $0x0  }
0x4ca: {  	[sflag:s20] =	ssyncadd.s32 $0xFFFFF000  }
0x4cb: {  	_ =	swait.ge [sflag:s25], $0x1000  }
0x4cc: {  	[sflag:s25] =	ssyncset.done $0x0  }
0x4cd: {  	s6 =	sadd.s32 $0x1, s6;
	[sflag:s25] =	ssyncadd.s32 $0xFFFFF000  }
0x4ce: {  	p0 =	sne.s32 s6, s24;
	_ =	swait.ge [sflag:s26], $0x1000  }
.Ltmp44:
0x4cf: {  	[sflag:s26] =	ssyncset.done $0x0;
	(pc) =	sbr.rel @p0 .LBB2_1-.Ltmp44, $4  }
0x4d0: {  	[sflag:s26] =	ssyncadd.s32 $0xFFFFF000  }
0x4d1: {  	_ =	swait.ge [sflag:s28], $0x1000  }
0x4d2: {  	[sflag:s28] =	ssyncset.done $0x0  }
0x4d3: {  	[sflag:s28] =	ssyncadd.s32 $0xFFFFF000  }
0x4d4: {  	_ =	sfence.sel $0x180000  }
0x4d5: {  	[bflag:$0x0] =	sbarrier.arrive $0xFFFF  }
0x4d6: {  	_ =	strace $0x90000047  }
0x4d7: {  	s0 =	stileid.u32;
	[bflag:$0x2] =	sbarrier.arrive $0xFFFF  }
0x4d8: {  	p0 =	sne.s32 s0, $0x0;
	s0 =	rddreg [dreg:$0x2]  }
0x4d9: {  	s0 =	sadd.s32 @!p0 $0x100000, s0  }
0x4da: {  	[sflag:s0] =	ssyncadd.tile.s32 @!p0 $0x1;
	_ =	shalt  }
.Lfunc_end2:
_tile_overlayer_lowered:
.L_overlay_start_2:
0x4db: {  	(tag) =	ssettag $0x2  }
0x4dc: {  	s0 =	rddreg [dreg:$0x0];
	s2 =	stileid.u32  }
0x4dd: {  	s1 =	rddreg [dreg:$0x1];
	p0 =	sne.s32 s2, $0x0  }
0x4de: {  	s3 =	rddreg [dreg:$0x2];
	[bflag:$0x3] =	sbarrier.arrive $0xFFFF;
	s2 =	simm.s32 @!p0 $0x1C0B  }
0x4df: {  	[timem:s3], [sflag:s2] =	dma.local @!p0 [hbm:s0], s1  }
0x4e0: {  	s0 =	simm.s32 @!p0 $0xB  }
0x4e1: {  	_ =	swait.ge @!p0 [sflag:s0], s1  }
0x4e2: {  	s1 =	ssub.s32 @!p0 $0x0, s1;
	[sflag:s0] =	ssyncset.done @!p0 $0x0  }
0x4e3: {  	[sflag:s0] =	ssyncadd.s32 @!p0 s1  }
0x4e4: {  	[bflag:$0x3] =	sbarrier.arrive $0xFFFF  }
0x4e5: {  	_ =	shalt  }

</sc_bundles>
